<compile_context>
chip_gen: v7x
topology: tpu7x:2x2x1
jax: 0.10.2.dev20260603
libtpu: 0.0.44.dev20260713+nightly
codegen_flags: <defaults>
</compile_context>

<pallas_src>
import functools

import jax
import jax.numpy as jnp
from jax import lax
from jax.experimental import pallas as pl
from jax.experimental.pallas import tpu as pltpu
from jax.experimental.pallas import tpu_sc as plsc

VOCAB = 100000
D = 128
BATCH = 4096
SEQ = 200
B = BATCH * SEQ
CHUNK = 128
G = B // CHUNK

_info = plsc.get_sparse_core_info()
NC, NS, L = _info.num_cores, _info.num_subcores, _info.num_lanes
NW = NC * NS
GPW = G // NW
RPW = GPW * CHUNK

NBUF = 4
LOOK = NBUF - 1


def _body(table_hbm, idx_hbm, out_hbm, idx_all, rows_v, *sems):
    gsems, osems = sems[:NBUF], sems[NBUF:]
    wid = lax.axis_index("s") * NC + lax.axis_index("c")
    rbase = wid * RPW

    pltpu.sync_copy(idx_hbm.at[pl.ds(rbase, RPW)], idx_all)

    def fire_gather(g, b):
        isl = idx_all.at[pl.ds(g * CHUNK, CHUNK)]
        pltpu.async_copy(table_hbm.at[isl], rows_v.at[b], gsems[b])

    def wait_gather(b):
        pltpu.make_async_copy(
            table_hbm.at[pl.ds(0, CHUNK)], rows_v.at[b], gsems[b]).wait()

    def fire_out(g, b):
        osl = out_hbm.at[pl.ds(rbase + g * CHUNK, CHUNK)]
        pltpu.async_copy(rows_v.at[b], osl, osems[b])

    def wait_out(b):
        pltpu.make_async_copy(
            rows_v.at[b], out_hbm.at[pl.ds(0, CHUNK)], osems[b]).wait()

    def fix(g, b):
        def grp_body(i, _):
            iv = idx_all[pl.ds(g * CHUNK + i * L, L)]
            nzero = plsc.all_reduce_population_count(iv == 0)[0]

            @pl.when(nzero > 0)
            def _fix():
                z = jnp.zeros((L,), jnp.float32)
                for r in range(L):

                    @pl.when(iv[r] == 0)
                    def _zero_row(row=i * L + r):
                        for c in range(D // L):
                            rows_v[b, row, pl.ds(c * L, L)] = z

            return 0

        lax.fori_loop(0, CHUNK // L, grp_body, 0)

    for b in range(LOOK):
        fire_gather(jnp.int32(b), b)

    def lap(k, _):
        for b in range(NBUF):
            g = k * NBUF + b
            wait_gather(b)
            fix(g, b)
            fire_out(g, b)
            gn = g + LOOK
            b2 = (b + LOOK) % NBUF

            @pl.when(gn < GPW)
            def _issue(gn=gn, b2=b2):
                @pl.when(gn >= NBUF)
                def _drain():
                    wait_out(b2)

                fire_gather(gn, b2)

        return 0

    lax.fori_loop(0, GPW // NBUF, lap, 0)

    for b in range(NBUF):
        wait_out(b)


@functools.partial(
    pl.kernel,
    out_type=jax.ShapeDtypeStruct((B, D), jnp.float32),
    mesh=plsc.VectorSubcoreMesh(core_axis_name="c", subcore_axis_name="s"),
    compiler_params=pltpu.CompilerParams(needs_layout_passes=False),
    scratch_types=(
        [pltpu.VMEM((RPW,), jnp.int32),
         pltpu.VMEM((NBUF, CHUNK, D), jnp.float32)]
        + [pltpu.SemaphoreType.DMA] * (2 * NBUF)
    ),
)
def _emb_lookup(table_hbm, idx_hbm, out_hbm, idx_all, rows_v, *sems):
    _body(table_hbm, idx_hbm, out_hbm, idx_all, rows_v, *sems)


def kernel(inputs, embedding_weights):
    idx = inputs.astype(jnp.int32).reshape(B)
    out = _emb_lookup(embedding_weights, idx)
    return out.reshape(BATCH, SEQ, D)

# --- scband reference (transcript-rebuilt; emitter-appended) ---
"""Pipeline reference for scband-embedding-layer-19361712571101 (READ-ONLY COPY).

The authoritative reference and input builder live on the scoring server;
editing this copy changes nothing except your own understanding.
"""

import jax, jax.numpy as jnp
import numpy as np

VOCAB_SIZE = 100000
EMBED_DIM = 128

def setup_inputs(seed: int = 0) -> dict:
    key = jax.random.key(seed)
    k1, k2 = jax.random.split(key)
    inputs = jax.random.randint(k1, (4096, 200), 0, VOCAB_SIZE, dtype=jnp.int64 if jax.config.jax_enable_x64 else jnp.int32)
    embedding_weights = jax.random.normal(k2, (VOCAB_SIZE, EMBED_DIM), dtype=jnp.float32) * 0.01
    return {"inputs": inputs, "embedding_weights": embedding_weights}

def reference(inputs, embedding_weights):
    # mode='embedding', scale=False (defaults)
    mask = jnp.not_equal(inputs, 0).astype(jnp.float32)
    idx = inputs.astype(jnp.int32)
    embeddings = jnp.take(embedding_weights, idx, axis=0)
    embeddings = embeddings * jnp.expand_dims(mask, -1)
    return embeddings

if __name__ == "__main__":
    import jax
    _d = setup_inputs()
    print(jax.jit(kernel)(*tuple(_d.values())))

</pallas_src>

<mosaic_0001>
#map = affine_map<(d0, d1) -> (0, 0)>
#map1 = affine_map<(d0, d1) -> (0)>
module attributes {stable_mosaic.version = 14 : i64} {
  func.func @_emb_lookup(%arg0: i32, %arg1: i32, %arg2: memref<100000x128xf32, #tpu.memory_space<hbm>>, %arg3: memref<819200xi32, #tpu.memory_space<hbm>>, %arg4: memref<819200x128xf32, #tpu.memory_space<hbm>>, %arg5: memref<25600xi32, #tpu.memory_space<vmem>>, %arg6: memref<4x128x128xf32, #tpu.memory_space<vmem>>, %arg7: memref<!tpu.dma_semaphore, #tpu.memory_space<semaphore_mem>>, %arg8: memref<!tpu.dma_semaphore, #tpu.memory_space<semaphore_mem>>, %arg9: memref<!tpu.dma_semaphore, #tpu.memory_space<semaphore_mem>>, %arg10: memref<!tpu.dma_semaphore, #tpu.memory_space<semaphore_mem>>, %arg11: memref<!tpu.dma_semaphore, #tpu.memory_space<semaphore_mem>>, %arg12: memref<!tpu.dma_semaphore, #tpu.memory_space<semaphore_mem>>, %arg13: memref<!tpu.dma_semaphore, #tpu.memory_space<semaphore_mem>>, %arg14: memref<!tpu.dma_semaphore, #tpu.memory_space<semaphore_mem>>) attributes {dimension_semantics = [#tpu.dimension_semantics<core_parallel>, #tpu.dimension_semantics<subcore_parallel>], iteration_bounds = array<i64: 2, 16>, scalar_prefetch = 0 : i64, scratch_operands = 10 : i64, tpu.core_type = #tpu.core_type<sc_vector_subcore>, window_params = [{transform_indices = #map}, {transform_indices = #map1}, {transform_indices = #map}]} {
    %mul3A = arith.constant 2 : i32
    %mul3A_0 = arith.muli %arg1, %mul3A : i32
    %add3A = arith.addi %mul3A_0, %arg0 : i32
    %mul3A_1 = arith.constant 25600 : i32
    %mul3A_2 = arith.muli %add3A, %mul3A_1 : i32
    "tpu.region"() ({
      %run_scoped3A = tpu.sem_alloc : memref<!tpu.dma_semaphore, #tpu.memory_space<semaphore_mem>>
      %dma_start3A_103 = tpu.memref_slice %arg3[%mul3A_2] : memref<819200xi32, #tpu.memory_space<hbm>> -> memref<25600xi32, #tpu.memory_space<hbm>>
      %dma_start3A_104 = tpu.memref_slice %arg3[%mul3A_2] : memref<819200xi32, #tpu.memory_space<hbm>> -> memref<25600xi32, #tpu.memory_space<hbm>>
      tpu.enqueue_dma source(%dma_start3A_104 : memref<25600xi32, #tpu.memory_space<hbm>>) target(%arg5 : memref<25600xi32, #tpu.memory_space<vmem>>) target_semaphore(%run_scoped3A : memref<!tpu.dma_semaphore, #tpu.memory_space<semaphore_mem>>)
      %dma_wait3A_105 = tpu.memref_slice %arg3[%mul3A_2] : memref<819200xi32, #tpu.memory_space<hbm>> -> memref<25600xi32, #tpu.memory_space<hbm>>
      %dma_wait3A_106 = tpu.memref_slice %arg3[%mul3A_2] : memref<819200xi32, #tpu.memory_space<hbm>> -> memref<25600xi32, #tpu.memory_space<hbm>>
      tpu.wait_dma2 semaphore(%run_scoped3A : memref<!tpu.dma_semaphore, #tpu.memory_space<semaphore_mem>>) src(%dma_wait3A_106 : memref<25600xi32, #tpu.memory_space<hbm>>) dst(%arg5 : memref<25600xi32, #tpu.memory_space<vmem>>)
      tpu.yield
    }) : () -> ()
    %mul3A_3 = arith.constant 0 : i32
    %mul3A_4 = arith.constant 128 : i32
    %mul3A_5 = arith.muli %mul3A_3, %mul3A_4 : i32
    %dma_start3A = arith.constant 0 : i32
    %dma_start3A_6 = arith.constant 0 : i32
    %dma_start3A_7 = arith.constant 0 : i32
    %dma_start3A_8 = tpu.memref_slice %arg6[%dma_start3A, %dma_start3A_6, %dma_start3A_7] : memref<4x128x128xf32, #tpu.memory_space<vmem>> -> memref<1x128x128xf32, #tpu.memory_space<vmem>>
    %dma_start3A_9 = tpu.memref_squeeze %dma_start3A_8 : memref<1x128x128xf32, #tpu.memory_space<vmem>> -> memref<128x128xf32, #tpu.memory_space<vmem>>
    %dma_start3A_10 = tpu.memref_slice %arg5[%mul3A_5] : memref<25600xi32, #tpu.memory_space<vmem>> -> memref<128xi32, #tpu.memory_space<vmem>>
    %dma_start3A_11 = arith.constant 0 : i32
    %dma_start3A_12 = arith.constant 0 : i32
    %dma_start3A_13 = tpu.memref_slice %arg2[%dma_start3A_11, %dma_start3A_12] : memref<100000x128xf32, #tpu.memory_space<hbm>> -> memref<100000x128xf32, #tpu.memory_space<hbm>>
    tpu.enqueue_indirect_dma source(%dma_start3A_13 : memref<100000x128xf32, #tpu.memory_space<hbm>>) target(%dma_start3A_9 : memref<128x128xf32, #tpu.memory_space<vmem>>) offsets(%dma_start3A_10 : memref<128xi32, #tpu.memory_space<vmem>>) semaphore(%arg7 : memref<!tpu.dma_semaphore, #tpu.memory_space<semaphore_mem>>)
    %mul3A_14 = arith.constant 1 : i32
    %mul3A_15 = arith.constant 128 : i32
    %mul3A_16 = arith.muli %mul3A_14, %mul3A_15 : i32
    %dma_start3A_17 = arith.constant 1 : i32
    %dma_start3A_18 = arith.constant 0 : i32
    %dma_start3A_19 = arith.constant 0 : i32
    %dma_start3A_20 = tpu.memref_slice %arg6[%dma_start3A_17, %dma_start3A_18, %dma_start3A_19] : memref<4x128x128xf32, #tpu.memory_space<vmem>> -> memref<1x128x128xf32, #tpu.memory_space<vmem>>
    %dma_start3A_21 = tpu.memref_squeeze %dma_start3A_20 : memref<1x128x128xf32, #tpu.memory_space<vmem>> -> memref<128x128xf32, #tpu.memory_space<vmem>>
    %dma_start3A_22 = tpu.memref_slice %arg5[%mul3A_16] : memref<25600xi32, #tpu.memory_space<vmem>> -> memref<128xi32, #tpu.memory_space<vmem>>
    %dma_start3A_23 = arith.constant 0 : i32
    %dma_start3A_24 = arith.constant 0 : i32
    %dma_start3A_25 = tpu.memref_slice %arg2[%dma_start3A_23, %dma_start3A_24] : memref<100000x128xf32, #tpu.memory_space<hbm>> -> memref<100000x128xf32, #tpu.memory_space<hbm>>
    tpu.enqueue_indirect_dma source(%dma_start3A_25 : memref<100000x128xf32, #tpu.memory_space<hbm>>) target(%dma_start3A_21 : memref<128x128xf32, #tpu.memory_space<vmem>>) offsets(%dma_start3A_22 : memref<128xi32, #tpu.memory_space<vmem>>) semaphore(%arg8 : memref<!tpu.dma_semaphore, #tpu.memory_space<semaphore_mem>>)
    %mul3A_26 = arith.constant 2 : i32
    %mul3A_27 = arith.constant 128 : i32
    %mul3A_28 = arith.muli %mul3A_26, %mul3A_27 : i32
    %dma_start3A_29 = arith.constant 2 : i32
    %dma_start3A_30 = arith.constant 0 : i32
    %dma_start3A_31 = arith.constant 0 : i32
    %dma_start3A_32 = tpu.memref_slice %arg6[%dma_start3A_29, %dma_start3A_30, %dma_start3A_31] : memref<4x128x128xf32, #tpu.memory_space<vmem>> -> memref<1x128x128xf32, #tpu.memory_space<vmem>>
    %dma_start3A_33 = tpu.memref_squeeze %dma_start3A_32 : memref<1x128x128xf32, #tpu.memory_space<vmem>> -> memref<128x128xf32, #tpu.memory_space<vmem>>
    %dma_start3A_34 = tpu.memref_slice %arg5[%mul3A_28] : memref<25600xi32, #tpu.memory_space<vmem>> -> memref<128xi32, #tpu.memory_space<vmem>>
    %dma_start3A_35 = arith.constant 0 : i32
    %dma_start3A_36 = arith.constant 0 : i32
    %dma_start3A_37 = tpu.memref_slice %arg2[%dma_start3A_35, %dma_start3A_36] : memref<100000x128xf32, #tpu.memory_space<hbm>> -> memref<100000x128xf32, #tpu.memory_space<hbm>>
    tpu.enqueue_indirect_dma source(%dma_start3A_37 : memref<100000x128xf32, #tpu.memory_space<hbm>>) target(%dma_start3A_33 : memref<128x128xf32, #tpu.memory_space<vmem>>) offsets(%dma_start3A_34 : memref<128xi32, #tpu.memory_space<vmem>>) semaphore(%arg9 : memref<!tpu.dma_semaphore, #tpu.memory_space<semaphore_mem>>)
    %scan3A = arith.constant 0 : i32
    %scan3A_38 = arith.constant 0 : i32
    %scan3A_39 = arith.constant 50 : i32
    %scan3A_40 = arith.addi %scan3A_38, %scan3A_39 : i32
    %scan3A_41 = arith.constant 1 : i32
    %scan3A_42 = scf.for %scan3A_103 = %scan3A_38 to %scan3A_40 step %scan3A_41 iter_args(%scan3A_104 = %scan3A) -> (i32)  : i32 {
      %mul3A_105 = arith.constant 4 : i32
      %mul3A_106 = arith.muli %scan3A_103, %mul3A_105 : i32
      %add3A_107 = arith.constant 0 : i32
      %add3A_108 = arith.addi %mul3A_106, %add3A_107 : i32
      %dma_wait3A_109 = arith.constant 0 : i32
      %dma_wait3A_110 = arith.constant 0 : i32
      %dma_wait3A_111 = arith.constant 0 : i32
      %dma_wait3A_112 = tpu.memref_slice %arg6[%dma_wait3A_109, %dma_wait3A_110, %dma_wait3A_111] : memref<4x128x128xf32, #tpu.memory_space<vmem>> -> memref<1x128x128xf32, #tpu.memory_space<vmem>>
      %dma_wait3A_113 = tpu.memref_squeeze %dma_wait3A_112 : memref<1x128x128xf32, #tpu.memory_space<vmem>> -> memref<128x128xf32, #tpu.memory_space<vmem>>
      %dma_wait3A_114 = arith.constant 0 : i32
      %dma_wait3A_115 = arith.constant 0 : i32
      %dma_wait3A_116 = tpu.memref_slice %arg2[%dma_wait3A_114, %dma_wait3A_115] : memref<100000x128xf32, #tpu.memory_space<hbm>> -> memref<128x128xf32, #tpu.memory_space<hbm>>
      %dma_wait3A_117 = arith.constant 0 : i32
      %dma_wait3A_118 = arith.constant 0 : i32
      %dma_wait3A_119 = tpu.memref_slice %arg6[%dma_wait3A_109, %dma_wait3A_117, %dma_wait3A_118] : memref<4x128x128xf32, #tpu.memory_space<vmem>> -> memref<1x128x128xf32, #tpu.memory_space<vmem>>
      %dma_wait3A_120 = tpu.memref_squeeze %dma_wait3A_119 : memref<1x128x128xf32, #tpu.memory_space<vmem>> -> memref<128x128xf32, #tpu.memory_space<vmem>>
      %dma_wait3A_121 = arith.constant 0 : i32
      %dma_wait3A_122 = arith.constant 0 : i32
      %dma_wait3A_123 = tpu.memref_slice %arg2[%dma_wait3A_121, %dma_wait3A_122] : memref<100000x128xf32, #tpu.memory_space<hbm>> -> memref<128x128xf32, #tpu.memory_space<hbm>>
      tpu.wait_dma2 semaphore(%arg7 : memref<!tpu.dma_semaphore, #tpu.memory_space<semaphore_mem>>) src(%dma_wait3A_123 : memref<128x128xf32, #tpu.memory_space<hbm>>) dst(%dma_wait3A_120 : memref<128x128xf32, #tpu.memory_space<vmem>>)
      %scan3A_124 = arith.constant 0 : i32
      %scan3A_125 = arith.constant 0 : i32
      %scan3A_126 = arith.constant 8 : i32
      %scan3A_127 = arith.addi %scan3A_125, %scan3A_126 : i32
      %scan3A_128 = arith.constant 1 : i32
      %scan3A_129 = scf.for %scan3A_299 = %scan3A_125 to %scan3A_127 step %scan3A_128 iter_args(%scan3A_300 = %scan3A_124) -> (i32)  : i32 {
        %mul3A_301 = arith.constant 128 : i32
        %mul3A_302 = arith.muli %add3A_108, %mul3A_301 : i32
        %mul3A_303 = arith.constant 16 : i32
        %mul3A_304 = arith.muli %scan3A_299, %mul3A_303 : i32
        %add3A_305 = arith.addi %mul3A_302, %mul3A_304 : i32
        %get3A = arith.index_cast %add3A_305 : i32 to index
        %get3A_306 = tpu.vector_load %arg5[%get3A] {strides = array<i32>} : memref<25600xi32, #tpu.memory_space<vmem>>, vector<16xi32>,
        %eq3A = arith.constant 0 : i32
        %eq3A_307 = vector.broadcast %eq3A : i32 to vector<16xi32>
        %eq3A_308 = arith.cmpi eq, %get3A_306, %eq3A_307 : vector<16xi32>
        %all_reduce_population_count3A = tpu.all_reduce %eq3A_308 {dim = 0 : i64, kind = #tpu.reduction_kind<sum>} : vector<16xi1> -> vector<16xi32>
        %slice3A = vector.extract_strided_slice %all_reduce_population_count3A {offsets = [0], sizes = [1], strides = [1]} : vector<16xi32> to vector<1xi32>
        %squeeze3A = vector.extract %slice3A[0] : i32 from vector<1xi32>
        %gt3A = arith.constant 0 : i32
        %gt3A_309 = arith.cmpi sgt, %squeeze3A, %gt3A : i32
        %convert_element_type3A_310 = arith.extui %gt3A_309 : i1 to i32
        %cond3A_311 = arith.constant 0 : i32
        %cond3A_312 = arith.cmpi ne, %convert_element_type3A_310, %cond3A_311 : i32
        scf.if %cond3A_312 {
          %broadcast_in_dim3A = arith.constant 0.000000e+00 : f32
          %broadcast_in_dim3A_314 = vector.broadcast %broadcast_in_dim3A : f32 to vector<16xf32>
          %slice3A_315 = vector.extract_strided_slice %get3A_306 {offsets = [0], sizes = [1], strides = [1]} : vector<16xi32> to vector<1xi32>
          %squeeze3A_316 = vector.extract %slice3A_315[0] : i32 from vector<1xi32>
          %eq3A_317 = arith.constant 0 : i32
          %eq3A_318 = arith.cmpi eq, %squeeze3A_316, %eq3A_317 : i32
          %mul3A_319 = arith.constant 16 : i32
          %mul3A_320 = arith.muli %scan3A_299, %mul3A_319 : i32
          %add3A_321 = arith.constant 0 : i32
          %add3A_322 = arith.addi %mul3A_320, %add3A_321 : i32
          %convert_element_type3A_323 = arith.extui %eq3A_318 : i1 to i32
          %cond3A_324 = arith.constant 0 : i32
          %cond3A_325 = arith.cmpi ne, %convert_element_type3A_323, %cond3A_324 : i32
          scf.if %cond3A_325 {
            %swap3A = arith.constant 0 : i32
            %swap3A_491 = arith.index_cast %swap3A : i32 to index
            %swap3A_492 = arith.index_cast %add3A_322 : i32 to index
            %swap3A_493 = arith.constant 0 : index
            %swap3A_494 = tpu.vector_load %arg6[%swap3A_491, %swap3A_492, %swap3A_493] {strides = array<i32>} : memref<4x128x128xf32, #tpu.memory_space<vmem>>, vector<16xf32>,
            tpu.vector_store %arg6[%swap3A_491, %swap3A_492, %swap3A_493], %broadcast_in_dim3A_314 {strides = array<i32>} : memref<4x128x128xf32, #tpu.memory_space<vmem>>, vector<16xf32>,
            %swap3A_495 = arith.constant 0 : i32
            %swap3A_496 = arith.index_cast %swap3A_495 : i32 to index
            %swap3A_497 = arith.index_cast %add3A_322 : i32 to index
            %swap3A_498 = arith.constant 16 : index
            %swap3A_499 = tpu.vector_load %arg6[%swap3A_496, %swap3A_497, %swap3A_498] {strides = array<i32>} : memref<4x128x128xf32, #tpu.memory_space<vmem>>, vector<16xf32>,
            tpu.vector_store %arg6[%swap3A_496, %swap3A_497, %swap3A_498], %broadcast_in_dim3A_314 {strides = array<i32>} : memref<4x128x128xf32, #tpu.memory_space<vmem>>, vector<16xf32>,
            %swap3A_500 = arith.constant 0 : i32
            %swap3A_501 = arith.index_cast %swap3A_500 : i32 to index
            %swap3A_502 = arith.index_cast %add3A_322 : i32 to index
            %swap3A_503 = arith.constant 32 : index
            %swap3A_504 = tpu.vector_load %arg6[%swap3A_501, %swap3A_502, %swap3A_503] {strides = array<i32>} : memref<4x128x128xf32, #tpu.memory_space<vmem>>, vector<16xf32>,
            tpu.vector_store %arg6[%swap3A_501, %swap3A_502, %swap3A_503], %broadcast_in_dim3A_314 {strides = array<i32>} : memref<4x128x128xf32, #tpu.memory_space<vmem>>, vector<16xf32>,
            %swap3A_505 = arith.constant 0 : i32
            %swap3A_506 = arith.index_cast %swap3A_505 : i32 to index
            %swap3A_507 = arith.index_cast %add3A_322 : i32 to index
            %swap3A_508 = arith.constant 48 : index
            %swap3A_509 = tpu.vector_load %arg6[%swap3A_506, %swap3A_507, %swap3A_508] {strides = array<i32>} : memref<4x128x128xf32, #tpu.memory_space<vmem>>, vector<16xf32>,
            tpu.vector_store %arg6[%swap3A_506, %swap3A_507, %swap3A_508], %broadcast_in_dim3A_314 {strides = array<i32>} : memref<4x128x128xf32, #tpu.memory_space<vmem>>, vector<16xf32>,
            %swap3A_510 = arith.constant 0 : i32
            %swap3A_511 = arith.index_cast %swap3A_510 : i32 to index
            %swap3A_512 = arith.index_cast %add3A_322 : i32 to index
            %swap3A_513 = arith.constant 64 : index
            %swap3A_514 = tpu.vector_load %arg6[%swap3A_511, %swap3A_512, %swap3A_513] {strides = array<i32>} : memref<4x128x128xf32, #tpu.memory_space<vmem>>, vector<16xf32>,
            tpu.vector_store %arg6[%swap3A_511, %swap3A_512, %swap3A_513], %broadcast_in_dim3A_314 {strides = array<i32>} : memref<4x128x128xf32, #tpu.memory_space<vmem>>, vector<16xf32>,
            %swap3A_515 = arith.constant 0 : i32
            %swap3A_516 = arith.index_cast %swap3A_515 : i32 to index
            %swap3A_517 = arith.index_cast %add3A_322 : i32 to index
            %swap3A_518 = arith.constant 80 : index
            %swap3A_519 = tpu.vector_load %arg6[%swap3A_516, %swap3A_517, %swap3A_518] {strides = array<i32>} : memref<4x128x128xf32, #tpu.memory_space<vmem>>, vector<16xf32>,
            tpu.vector_store %arg6[%swap3A_516, %swap3A_517, %swap3A_518], %broadcast_in_dim3A_314 {strides = array<i32>} : memref<4x128x128xf32, #tpu.memory_space<vmem>>, vector<16xf32>,
            %swap3A_520 = arith.constant 0 : i32
            %swap3A_521 = arith.index_cast %swap3A_520 : i32 to index
            %swap3A_522 = arith.index_cast %add3A_322 : i32 to index
            %swap3A_523 = arith.constant 96 : index
            %swap3A_524 = tpu.vector_load %arg6[%swap3A_521, %swap3A_522, %swap3A_523] {strides = array<i32>} : memref<4x128x128xf32, #tpu.memory_space<vmem>>, vector<16xf32>,
            tpu.vector_store %arg6[%swap3A_521, %swap3A_522, %swap3A_523], %broadcast_in_dim3A_314 {strides = array<i32>} : memref<4x128x128xf32, #tpu.memory_space<vmem>>, vector<16xf32>,
            %swap3A_525 = arith.constant 0 : i32
            %swap3A_526 = arith.index_cast %swap3A_525 : i32 to index
            %swap3A_527 = arith.index_cast %add3A_322 : i32 to index
            %swap3A_528 = arith.constant 112 : index
            %swap3A_529 = tpu.vector_load %arg6[%swap3A_526, %swap3A_527, %swap3A_528] {strides = array<i32>} : memref<4x128x128xf32, #tpu.memory_space<vmem>>, vector<16xf32>,
            tpu.vector_store %arg6[%swap3A_526, %swap3A_527, %swap3A_528], %broadcast_in_dim3A_314 {strides = array<i32>} : memref<4x128x128xf32, #tpu.memory_space<vmem>>, vector<16xf32>,
          } else {
          }
          %slice3A_326 = vector.extract_strided_slice %get3A_306 {offsets = [1], sizes = [1], strides = [1]} : vector<16xi32> to vector<1xi32>
          %squeeze3A_327 = vector.extract %slice3A_326[0] : i32 from vector<1xi32>
          %eq3A_328 = arith.constant 0 : i32
          %eq3A_329 = arith.cmpi eq, %squeeze3A_327, %eq3A_328 : i32
          %mul3A_330 = arith.constant 16 : i32
          %mul3A_331 = arith.muli %scan3A_299, %mul3A_330 : i32
          %add3A_332 = arith.constant 1 : i32
          %add3A_333 = arith.addi %mul3A_331, %add3A_332 : i32
          %convert_element_type3A_334 = arith.extui %eq3A_329 : i1 to i32
          %cond3A_335 = arith.constant 0 : i32
          %cond3A_336 = arith.cmpi ne, %convert_element_type3A_334, %cond3A_335 : i32
          scf.if %cond3A_336 {
            %swap3A = arith.constant 0 : i32
            %swap3A_491 = arith.index_cast %swap3A : i32 to index
            %swap3A_492 = arith.index_cast %add3A_333 : i32 to index
            %swap3A_493 = arith.constant 0 : index
            %swap3A_494 = tpu.vector_load %arg6[%swap3A_491, %swap3A_492, %swap3A_493] {strides = array<i32>} : memref<4x128x128xf32, #tpu.memory_space<vmem>>, vector<16xf32>,
            tpu.vector_store %arg6[%swap3A_491, %swap3A_492, %swap3A_493], %broadcast_in_dim3A_314 {strides = array<i32>} : memref<4x128x128xf32, #tpu.memory_space<vmem>>, vector<16xf32>,
            %swap3A_495 = arith.constant 0 : i32
            %swap3A_496 = arith.index_cast %swap3A_495 : i32 to index
            %swap3A_497 = arith.index_cast %add3A_333 : i32 to index
            %swap3A_498 = arith.constant 16 : index
            %swap3A_499 = tpu.vector_load %arg6[%swap3A_496, %swap3A_497, %swap3A_498] {strides = array<i32>} : memref<4x128x128xf32, #tpu.memory_space<vmem>>, vector<16xf32>,
            tpu.vector_store %arg6[%swap3A_496, %swap3A_497, %swap3A_498], %broadcast_in_dim3A_314 {strides = array<i32>} : memref<4x128x128xf32, #tpu.memory_space<vmem>>, vector<16xf32>,
            %swap3A_500 = arith.constant 0 : i32
            %swap3A_501 = arith.index_cast %swap3A_500 : i32 to index
            %swap3A_502 = arith.index_cast %add3A_333 : i32 to index
            %swap3A_503 = arith.constant 32 : index
            %swap3A_504 = tpu.vector_load %arg6[%swap3A_501, %swap3A_502, %swap3A_503] {strides = array<i32>} : memref<4x128x128xf32, #tpu.memory_space<vmem>>, vector<16xf32>,
            tpu.vector_store %arg6[%swap3A_501, %swap3A_502, %swap3A_503], %broadcast_in_dim3A_314 {strides = array<i32>} : memref<4x128x128xf32, #tpu.memory_space<vmem>>, vector<16xf32>,
            %swap3A_505 = arith.constant 0 : i32
            %swap3A_506 = arith.index_cast %swap3A_505 : i32 to index
            %swap3A_507 = arith.index_cast %add3A_333 : i32 to index
            %swap3A_508 = arith.constant 48 : index
            %swap3A_509 = tpu.vector_load %arg6[%swap3A_506, %swap3A_507, %swap3A_508] {strides = array<i32>} : memref<4x128x128xf32, #tpu.memory_space<vmem>>, vector<16xf32>,
            tpu.vector_store %arg6[%swap3A_506, %swap3A_507, %swap3A_508], %broadcast_in_dim3A_314 {strides = array<i32>} : memref<4x128x128xf32, #tpu.memory_space<vmem>>, vector<16xf32>,
            %swap3A_510 = arith.constant 0 : i32
            %swap3A_511 = arith.index_cast %swap3A_510 : i32 to index
            %swap3A_512 = arith.index_cast %add3A_333 : i32 to index
            %swap3A_513 = arith.constant 64 : index
            %swap3A_514 = tpu.vector_load %arg6[%swap3A_511, %swap3A_512, %swap3A_513] {strides = array<i32>} : memref<4x128x128xf32, #tpu.memory_space<vmem>>, vector<16xf32>,
            tpu.vector_store %arg6[%swap3A_511, %swap3A_512, %swap3A_513], %broadcast_in_dim3A_314 {strides = array<i32>} : memref<4x128x128xf32, #tpu.memory_space<vmem>>, vector<16xf32>,
            %swap3A_515 = arith.constant 0 : i32
            %swap3A_516 = arith.index_cast %swap3A_515 : i32 to index
            %swap3A_517 = arith.index_cast %add3A_333 : i32 to index
            %swap3A_518 = arith.constant 80 : index
            %swap3A_519 = tpu.vector_load %arg6[%swap3A_516, %swap3A_517, %swap3A_518] {strides = array<i32>} : memref<4x128x128xf32, #tpu.memory_space<vmem>>, vector<16xf32>,
            tpu.vector_store %arg6[%swap3A_516, %swap3A_517, %swap3A_518], %broadcast_in_dim3A_314 {strides = array<i32>} : memref<4x128x128xf32, #tpu.memory_space<vmem>>, vector<16xf32>,
            %swap3A_520 = arith.constant 0 : i32
            %swap3A_521 = arith.index_cast %swap3A_520 : i32 to index
            %swap3A_522 = arith.index_cast %add3A_333 : i32 to index
            %swap3A_523 = arith.constant 96 : index
            %swap3A_524 = tpu.vector_load %arg6[%swap3A_521, %swap3A_522, %swap3A_523] {strides = array<i32>} : memref<4x128x128xf32, #tpu.memory_space<vmem>>, vector<16xf32>,
            tpu.vector_store %arg6[%swap3A_521, %swap3A_522, %swap3A_523], %broadcast_in_dim3A_314 {strides = array<i32>} : memref<4x128x128xf32, #tpu.memory_space<vmem>>, vector<16xf32>,
            %swap3A_525 = arith.constant 0 : i32
            %swap3A_526 = arith.index_cast %swap3A_525 : i32 to index
            %swap3A_527 = arith.index_cast %add3A_333 : i32 to index
            %swap3A_528 = arith.constant 112 : index
            %swap3A_529 = tpu.vector_load %arg6[%swap3A_526, %swap3A_527, %swap3A_528] {strides = array<i32>} : memref<4x128x128xf32, #tpu.memory_space<vmem>>, vector<16xf32>,
            tpu.vector_store %arg6[%swap3A_526, %swap3A_527, %swap3A_528], %broadcast_in_dim3A_314 {strides = array<i32>} : memref<4x128x128xf32, #tpu.memory_space<vmem>>, vector<16xf32>,
          } else {
          }
          %slice3A_337 = vector.extract_strided_slice %get3A_306 {offsets = [2], sizes = [1], strides = [1]} : vector<16xi32> to vector<1xi32>
          %squeeze3A_338 = vector.extract %slice3A_337[0] : i32 from vector<1xi32>
          %eq3A_339 = arith.constant 0 : i32
          %eq3A_340 = arith.cmpi eq, %squeeze3A_338, %eq3A_339 : i32
          %mul3A_341 = arith.constant 16 : i32
          %mul3A_342 = arith.muli %scan3A_299, %mul3A_341 : i32
          %add3A_343 = arith.constant 2 : i32
          %add3A_344 = arith.addi %mul3A_342, %add3A_343 : i32
          %convert_element_type3A_345 = arith.extui %eq3A_340 : i1 to i32
          %cond3A_346 = arith.constant 0 : i32
          %cond3A_347 = arith.cmpi ne, %convert_element_type3A_345, %cond3A_346 : i32
          scf.if %cond3A_347 {
            %swap3A = arith.constant 0 : i32
            %swap3A_491 = arith.index_cast %swap3A : i32 to index
            %swap3A_492 = arith.index_cast %add3A_344 : i32 to index
            %swap3A_493 = arith.constant 0 : index
            %swap3A_494 = tpu.vector_load %arg6[%swap3A_491, %swap3A_492, %swap3A_493] {strides = array<i32>} : memref<4x128x128xf32, #tpu.memory_space<vmem>>, vector<16xf32>,
            tpu.vector_store %arg6[%swap3A_491, %swap3A_492, %swap3A_493], %broadcast_in_dim3A_314 {strides = array<i32>} : memref<4x128x128xf32, #tpu.memory_space<vmem>>, vector<16xf32>,
            %swap3A_495 = arith.constant 0 : i32
            %swap3A_496 = arith.index_cast %swap3A_495 : i32 to index
            %swap3A_497 = arith.index_cast %add3A_344 : i32 to index
            %swap3A_498 = arith.constant 16 : index
            %swap3A_499 = tpu.vector_load %arg6[%swap3A_496, %swap3A_497, %swap3A_498] {strides = array<i32>} : memref<4x128x128xf32, #tpu.memory_space<vmem>>, vector<16xf32>,
            tpu.vector_store %arg6[%swap3A_496, %swap3A_497, %swap3A_498], %broadcast_in_dim3A_314 {strides = array<i32>} : memref<4x128x128xf32, #tpu.memory_space<vmem>>, vector<16xf32>,
            %swap3A_500 = arith.constant 0 : i32
            %swap3A_501 = arith.index_cast %swap3A_500 : i32 to index
            %swap3A_502 = arith.index_cast %add3A_344 : i32 to index
            %swap3A_503 = arith.constant 32 : index
            %swap3A_504 = tpu.vector_load %arg6[%swap3A_501, %swap3A_502, %swap3A_503] {strides = array<i32>} : memref<4x128x128xf32, #tpu.memory_space<vmem>>, vector<16xf32>,
            tpu.vector_store %arg6[%swap3A_501, %swap3A_502, %swap3A_503], %broadcast_in_dim3A_314 {strides = array<i32>} : memref<4x128x128xf32, #tpu.memory_space<vmem>>, vector<16xf32>,
            %swap3A_505 = arith.constant 0 : i32
            %swap3A_506 = arith.index_cast %swap3A_505 : i32 to index
            %swap3A_507 = arith.index_cast %add3A_344 : i32 to index
            %swap3A_508 = arith.constant 48 : index
            %swap3A_509 = tpu.vector_load %arg6[%swap3A_506, %swap3A_507, %swap3A_508] {strides = array<i32>} : memref<4x128x128xf32, #tpu.memory_space<vmem>>, vector<16xf32>,
            tpu.vector_store %arg6[%swap3A_506, %swap3A_507, %swap3A_508], %broadcast_in_dim3A_314 {strides = array<i32>} : memref<4x128x128xf32, #tpu.memory_space<vmem>>, vector<16xf32>,
            %swap3A_510 = arith.constant 0 : i32
            %swap3A_511 = arith.index_cast %swap3A_510 : i32 to index
            %swap3A_512 = arith.index_cast %add3A_344 : i32 to index
            %swap3A_513 = arith.constant 64 : index
            %swap3A_514 = tpu.vector_load %arg6[%swap3A_511, %swap3A_512, %swap3A_513] {strides = array<i32>} : memref<4x128x128xf32, #tpu.memory_space<vmem>>, vector<16xf32>,
            tpu.vector_store %arg6[%swap3A_511, %swap3A_512, %swap3A_513], %broadcast_in_dim3A_314 {strides = array<i32>} : memref<4x128x128xf32, #tpu.memory_space<vmem>>, vector<16xf32>,
            %swap3A_515 = arith.constant 0 : i32
            %swap3A_516 = arith.index_cast %swap3A_515 : i32 to index
            %swap3A_517 = arith.index_cast %add3A_344 : i32 to index
            %swap3A_518 = arith.constant 80 : index
            %swap3A_519 = tpu.vector_load %arg6[%swap3A_516, %swap3A_517, %swap3A_518] {strides = array<i32>} : memref<4x128x128xf32, #tpu.memory_space<vmem>>, vector<16xf32>,
            tpu.vector_store %arg6[%swap3A_516, %swap3A_517, %swap3A_518], %broadcast_in_dim3A_314 {strides = array<i32>} : memref<4x128x128xf32, #tpu.memory_space<vmem>>, vector<16xf32>,
            %swap3A_520 = arith.constant 0 : i32
            %swap3A_521 = arith.index_cast %swap3A_520 : i32 to index
            %swap3A_522 = arith.index_cast %add3A_344 : i32 to index
            %swap3A_523 = arith.constant 96 : index
            %swap3A_524 = tpu.vector_load %arg6[%swap3A_521, %swap3A_522, %swap3A_523] {strides = array<i32>} : memref<4x128x128xf32, #tpu.memory_space<vmem>>, vector<16xf32>,
            tpu.vector_store %arg6[%swap3A_521, %swap3A_522, %swap3A_523], %broadcast_in_dim3A_314 {strides = array<i32>} : memref<4x128x128xf32, #tpu.memory_space<vmem>>, vector<16xf32>,
            %swap3A_525 = arith.constant 0 : i32
            %swap3A_526 = arith.index_cast %swap3A_525 : i32 to index
            %swap3A_527 = arith.index_cast %add3A_344 : i32 to index
            %swap3A_528 = arith.constant 112 : index
            %swap3A_529 = tpu.vector_load %arg6[%swap3A_526, %swap3A_527, %swap3A_528] {strides = array<i32>} : memref<4x128x128xf32, #tpu.memory_space<vmem>>, vector<16xf32>,
            tpu.vector_store %arg6[%swap3A_526, %swap3A_527, %swap3A_528], %broadcast_in_dim3A_314 {strides = array<i32>} : memref<4x128x128xf32, #tpu.memory_space<vmem>>, vector<16xf32>,
          } else {
          }
          %slice3A_348 = vector.extract_strided_slice %get3A_306 {offsets = [3], sizes = [1], strides = [1]} : vector<16xi32> to vector<1xi32>
          %squeeze3A_349 = vector.extract %slice3A_348[0] : i32 from vector<1xi32>
          %eq3A_350 = arith.constant 0 : i32
          %eq3A_351 = arith.cmpi eq, %squeeze3A_349, %eq3A_350 : i32
          %mul3A_352 = arith.constant 16 : i32
          %mul3A_353 = arith.muli %scan3A_299, %mul3A_352 : i32
          %add3A_354 = arith.constant 3 : i32
          %add3A_355 = arith.addi %mul3A_353, %add3A_354 : i32
          %convert_element_type3A_356 = arith.extui %eq3A_351 : i1 to i32
          %cond3A_357 = arith.constant 0 : i32
          %cond3A_358 = arith.cmpi ne, %convert_element_type3A_356, %cond3A_357 : i32
          scf.if %cond3A_358 {
            %swap3A = arith.constant 0 : i32
            %swap3A_491 = arith.index_cast %swap3A : i32 to index
            %swap3A_492 = arith.index_cast %add3A_355 : i32 to index
            %swap3A_493 = arith.constant 0 : index
            %swap3A_494 = tpu.vector_load %arg6[%swap3A_491, %swap3A_492, %swap3A_493] {strides = array<i32>} : memref<4x128x128xf32, #tpu.memory_space<vmem>>, vector<16xf32>,
            tpu.vector_store %arg6[%swap3A_491, %swap3A_492, %swap3A_493], %broadcast_in_dim3A_314 {strides = array<i32>} : memref<4x128x128xf32, #tpu.memory_space<vmem>>, vector<16xf32>,
            %swap3A_495 = arith.constant 0 : i32
            %swap3A_496 = arith.index_cast %swap3A_495 : i32 to index
            %swap3A_497 = arith.index_cast %add3A_355 : i32 to index
            %swap3A_498 = arith.constant 16 : index
            %swap3A_499 = tpu.vector_load %arg6[%swap3A_496, %swap3A_497, %swap3A_498] {strides = array<i32>} : memref<4x128x128xf32, #tpu.memory_space<vmem>>, vector<16xf32>,
            tpu.vector_store %arg6[%swap3A_496, %swap3A_497, %swap3A_498], %broadcast_in_dim3A_314 {strides = array<i32>} : memref<4x128x128xf32, #tpu.memory_space<vmem>>, vector<16xf32>,
            %swap3A_500 = arith.constant 0 : i32
            %swap3A_501 = arith.index_cast %swap3A_500 : i32 to index
            %swap3A_502 = arith.index_cast %add3A_355 : i32 to index
            %swap3A_503 = arith.constant 32 : index
            %swap3A_504 = tpu.vector_load %arg6[%swap3A_501, %swap3A_502, %swap3A_503] {strides = array<i32>} : memref<4x128x128xf32, #tpu.memory_space<vmem>>, vector<16xf32>,
            tpu.vector_store %arg6[%swap3A_501, %swap3A_502, %swap3A_503], %broadcast_in_dim3A_314 {strides = array<i32>} : memref<4x128x128xf32, #tpu.memory_space<vmem>>, vector<16xf32>,
            %swap3A_505 = arith.constant 0 : i32
            %swap3A_506 = arith.index_cast %swap3A_505 : i32 to index
            %swap3A_507 = arith.index_cast %add3A_355 : i32 to index
            %swap3A_508 = arith.constant 48 : index
            %swap3A_509 = tpu.vector_load %arg6[%swap3A_506, %swap3A_507, %swap3A_508] {strides = array<i32>} : memref<4x128x128xf32, #tpu.memory_space<vmem>>, vector<16xf32>,
            tpu.vector_store %arg6[%swap3A_506, %swap3A_507, %swap3A_508], %broadcast_in_dim3A_314 {strides = array<i32>} : memref<4x128x128xf32, #tpu.memory_space<vmem>>, vector<16xf32>,
            %swap3A_510 = arith.constant 0 : i32
            %swap3A_511 = arith.index_cast %swap3A_510 : i32 to index
            %swap3A_512 = arith.index_cast %add3A_355 : i32 to index
            %swap3A_513 = arith.constant 64 : index
            %swap3A_514 = tpu.vector_load %arg6[%swap3A_511, %swap3A_512, %swap3A_513] {strides = array<i32>} : memref<4x128x128xf32, #tpu.memory_space<vmem>>, vector<16xf32>,
            tpu.vector_store %arg6[%swap3A_511, %swap3A_512, %swap3A_513], %broadcast_in_dim3A_314 {strides = array<i32>} : memref<4x128x128xf32, #tpu.memory_space<vmem>>, vector<16xf32>,
            %swap3A_515 = arith.constant 0 : i32
            %swap3A_516 = arith.index_cast %swap3A_515 : i32 to index
            %swap3A_517 = arith.index_cast %add3A_355 : i32 to index
            %swap3A_518 = arith.constant 80 : index
            %swap3A_519 = tpu.vector_load %arg6[%swap3A_516, %swap3A_517, %swap3A_518] {strides = array<i32>} : memref<4x128x128xf32, #tpu.memory_space<vmem>>, vector<16xf32>,
            tpu.vector_store %arg6[%swap3A_516, %swap3A_517, %swap3A_518], %broadcast_in_dim3A_314 {strides = array<i32>} : memref<4x128x128xf32, #tpu.memory_space<vmem>>, vector<16xf32>,
            %swap3A_520 = arith.constant 0 : i32
            %swap3A_521 = arith.index_cast %swap3A_520 : i32 to index
            %swap3A_522 = arith.index_cast %add3A_355 : i32 to index
            %swap3A_523 = arith.constant 96 : index
            %swap3A_524 = tpu.vector_load %arg6[%swap3A_521, %swap3A_522, %swap3A_523] {strides = array<i32>} : memref<4x128x128xf32, #tpu.memory_space<vmem>>, vector<16xf32>,
            tpu.vector_store %arg6[%swap3A_521, %swap3A_522, %swap3A_523], %broadcast_in_dim3A_314 {strides = array<i32>} : memref<4x128x128xf32, #tpu.memory_space<vmem>>, vector<16xf32>,
            %swap3A_525 = arith.constant 0 : i32
            %swap3A_526 = arith.index_cast %swap3A_525 : i32 to index
            %swap3A_527 = arith.index_cast %add3A_355 : i32 to index
            %swap3A_528 = arith.constant 112 : index
            %swap3A_529 = tpu.vector_load %arg6[%swap3A_526, %swap3A_527, %swap3A_528] {strides = array<i32>} : memref<4x128x128xf32, #tpu.memory_space<vmem>>, vector<16xf32>,
            tpu.vector_store %arg6[%swap3A_526, %swap3A_527, %swap3A_528], %broadcast_in_dim3A_314 {strides = array<i32>} : memref<4x128x128xf32, #tpu.memory_space<vmem>>, vector<16xf32>,
          } else {
          }
          %slice3A_359 = vector.extract_strided_slice %get3A_306 {offsets = [4], sizes = [1], strides = [1]} : vector<16xi32> to vector<1xi32>
          %squeeze3A_360 = vector.extract %slice3A_359[0] : i32 from vector<1xi32>
          %eq3A_361 = arith.constant 0 : i32
          %eq3A_362 = arith.cmpi eq, %squeeze3A_360, %eq3A_361 : i32
          %mul3A_363 = arith.constant 16 : i32
          %mul3A_364 = arith.muli %scan3A_299, %mul3A_363 : i32
          %add3A_365 = arith.constant 4 : i32
          %add3A_366 = arith.addi %mul3A_364, %add3A_365 : i32
          %convert_element_type3A_367 = arith.extui %eq3A_362 : i1 to i32
          %cond3A_368 = arith.constant 0 : i32
          %cond3A_369 = arith.cmpi ne, %convert_element_type3A_367, %cond3A_368 : i32
          scf.if %cond3A_369 {
            %swap3A = arith.constant 0 : i32
            %swap3A_491 = arith.index_cast %swap3A : i32 to index
            %swap3A_492 = arith.index_cast %add3A_366 : i32 to index
            %swap3A_493 = arith.constant 0 : index
            %swap3A_494 = tpu.vector_load %arg6[%swap3A_491, %swap3A_492, %swap3A_493] {strides = array<i32>} : memref<4x128x128xf32, #tpu.memory_space<vmem>>, vector<16xf32>,
            tpu.vector_store %arg6[%swap3A_491, %swap3A_492, %swap3A_493], %broadcast_in_dim3A_314 {strides = array<i32>} : memref<4x128x128xf32, #tpu.memory_space<vmem>>, vector<16xf32>,
            %swap3A_495 = arith.constant 0 : i32
            %swap3A_496 = arith.index_cast %swap3A_495 : i32 to index
            %swap3A_497 = arith.index_cast %add3A_366 : i32 to index
            %swap3A_498 = arith.constant 16 : index
            %swap3A_499 = tpu.vector_load %arg6[%swap3A_496, %swap3A_497, %swap3A_498] {strides = array<i32>} : memref<4x128x128xf32, #tpu.memory_space<vmem>>, vector<16xf32>,
            tpu.vector_store %arg6[%swap3A_496, %swap3A_497, %swap3A_498], %broadcast_in_dim3A_314 {strides = array<i32>} : memref<4x128x128xf32, #tpu.memory_space<vmem>>, vector<16xf32>,
            %swap3A_500 = arith.constant 0 : i32
            %swap3A_501 = arith.index_cast %swap3A_500 : i32 to index
            %swap3A_502 = arith.index_cast %add3A_366 : i32 to index
            %swap3A_503 = arith.constant 32 : index
            %swap3A_504 = tpu.vector_load %arg6[%swap3A_501, %swap3A_502, %swap3A_503] {strides = array<i32>} : memref<4x128x128xf32, #tpu.memory_space<vmem>>, vector<16xf32>,
            tpu.vector_store %arg6[%swap3A_501, %swap3A_502, %swap3A_503], %broadcast_in_dim3A_314 {strides = array<i32>} : memref<4x128x128xf32, #tpu.memory_space<vmem>>, vector<16xf32>,
            %swap3A_505 = arith.constant 0 : i32
            %swap3A_506 = arith.index_cast %swap3A_505 : i32 to index
            %swap3A_507 = arith.index_cast %add3A_366 : i32 to index
            %swap3A_508 = arith.constant 48 : index
            %swap3A_509 = tpu.vector_load %arg6[%swap3A_506, %swap3A_507, %swap3A_508] {strides = array<i32>} : memref<4x128x128xf32, #tpu.memory_space<vmem>>, vector<16xf32>,
            tpu.vector_store %arg6[%swap3A_506, %swap3A_507, %swap3A_508], %broadcast_in_dim3A_314 {strides = array<i32>} : memref<4x128x128xf32, #tpu.memory_space<vmem>>, vector<16xf32>,
            %swap3A_510 = arith.constant 0 : i32
            %swap3A_511 = arith.index_cast %swap3A_510 : i32 to index
            %swap3A_512 = arith.index_cast %add3A_366 : i32 to index
            %swap3A_513 = arith.constant 64 : index
            %swap3A_514 = tpu.vector_load %arg6[%swap3A_511, %swap3A_512, %swap3A_513] {strides = array<i32>} : memref<4x128x128xf32, #tpu.memory_space<vmem>>, vector<16xf32>,
            tpu.vector_store %arg6[%swap3A_511, %swap3A_512, %swap3A_513], %broadcast_in_dim3A_314 {strides = array<i32>} : memref<4x128x128xf32, #tpu.memory_space<vmem>>, vector<16xf32>,
            %swap3A_515 = arith.constant 0 : i32
            %swap3A_516 = arith.index_cast %swap3A_515 : i32 to index
            %swap3A_517 = arith.index_cast %add3A_366 : i32 to index
            %swap3A_518 = arith.constant 80 : index
            %swap3A_519 = tpu.vector_load %arg6[%swap3A_516, %swap3A_517, %swap3A_518] {strides = array<i32>} : memref<4x128x128xf32, #tpu.memory_space<vmem>>, vector<16xf32>,
            tpu.vector_store %arg6[%swap3A_516, %swap3A_517, %swap3A_518], %broadcast_in_dim3A_314 {strides = array<i32>} : memref<4x128x128xf32, #tpu.memory_space<vmem>>, vector<16xf32>,
            %swap3A_520 = arith.constant 0 : i32
            %swap3A_521 = arith.index_cast %swap3A_520 : i32 to index
            %swap3A_522 = arith.index_cast %add3A_366 : i32 to index
            %swap3A_523 = arith.constant 96 : index
            %swap3A_524 = tpu.vector_load %arg6[%swap3A_521, %swap3A_522, %swap3A_523] {strides = array<i32>} : memref<4x128x128xf32, #tpu.memory_space<vmem>>, vector<16xf32>,
            tpu.vector_store %arg6[%swap3A_521, %swap3A_522, %swap3A_523], %broadcast_in_dim3A_314 {strides = array<i32>} : memref<4x128x128xf32, #tpu.memory_space<vmem>>, vector<16xf32>,
            %swap3A_525 = arith.constant 0 : i32
            %swap3A_526 = arith.index_cast %swap3A_525 : i32 to index
            %swap3A_527 = arith.index_cast %add3A_366 : i32 to index
            %swap3A_528 = arith.constant 112 : index
            %swap3A_529 = tpu.vector_load %arg6[%swap3A_526, %swap3A_527, %swap3A_528] {strides = array<i32>} : memref<4x128x128xf32, #tpu.memory_space<vmem>>, vector<16xf32>,
            tpu.vector_store %arg6[%swap3A_526, %swap3A_527, %swap3A_528], %broadcast_in_dim3A_314 {strides = array<i32>} : memref<4x128x128xf32, #tpu.memory_space<vmem>>, vector<16xf32>,
          } else {
          }
          %slice3A_370 = vector.extract_strided_slice %get3A_306 {offsets = [5], sizes = [1], strides = [1]} : vector<16xi32> to vector<1xi32>
          %squeeze3A_371 = vector.extract %slice3A_370[0] : i32 from vector<1xi32>
          %eq3A_372 = arith.constant 0 : i32
          %eq3A_373 = arith.cmpi eq, %squeeze3A_371, %eq3A_372 : i32
          %mul3A_374 = arith.constant 16 : i32
          %mul3A_375 = arith.muli %scan3A_299, %mul3A_374 : i32
          %add3A_376 = arith.constant 5 : i32
          %add3A_377 = arith.addi %mul3A_375, %add3A_376 : i32
          %convert_element_type3A_378 = arith.extui %eq3A_373 : i1 to i32
          %cond3A_379 = arith.constant 0 : i32
          %cond3A_380 = arith.cmpi ne, %convert_element_type3A_378, %cond3A_379 : i32
          scf.if %cond3A_380 {
            %swap3A = arith.constant 0 : i32
            %swap3A_491 = arith.index_cast %swap3A : i32 to index
            %swap3A_492 = arith.index_cast %add3A_377 : i32 to index
            %swap3A_493 = arith.constant 0 : index
            %swap3A_494 = tpu.vector_load %arg6[%swap3A_491, %swap3A_492, %swap3A_493] {strides = array<i32>} : memref<4x128x128xf32, #tpu.memory_space<vmem>>, vector<16xf32>,
            tpu.vector_store %arg6[%swap3A_491, %swap3A_492, %swap3A_493], %broadcast_in_dim3A_314 {strides = array<i32>} : memref<4x128x128xf32, #tpu.memory_space<vmem>>, vector<16xf32>,
            %swap3A_495 = arith.constant 0 : i32
            %swap3A_496 = arith.index_cast %swap3A_495 : i32 to index
            %swap3A_497 = arith.index_cast %add3A_377 : i32 to index
            %swap3A_498 = arith.constant 16 : index
            %swap3A_499 = tpu.vector_load %arg6[%swap3A_496, %swap3A_497, %swap3A_498] {strides = array<i32>} : memref<4x128x128xf32, #tpu.memory_space<vmem>>, vector<16xf32>,
            tpu.vector_store %arg6[%swap3A_496, %swap3A_497, %swap3A_498], %broadcast_in_dim3A_314 {strides = array<i32>} : memref<4x128x128xf32, #tpu.memory_space<vmem>>, vector<16xf32>,
            %swap3A_500 = arith.constant 0 : i32
            %swap3A_501 = arith.index_cast %swap3A_500 : i32 to index
            %swap3A_502 = arith.index_cast %add3A_377 : i32 to index
            %swap3A_503 = arith.constant 32 : index
            %swap3A_504 = tpu.vector_load %arg6[%swap3A_501, %swap3A_502, %swap3A_503] {strides = array<i32>} : memref<4x128x128xf32, #tpu.memory_space<vmem>>, vector<16xf32>,
            tpu.vector_store %arg6[%swap3A_501, %swap3A_502, %swap3A_503], %broadcast_in_dim3A_314 {strides = array<i32>} : memref<4x128x128xf32, #tpu.memory_space<vmem>>, vector<16xf32>,
            %swap3A_505 = arith.constant 0 : i32
            %swap3A_506 = arith.index_cast %swap3A_505 : i32 to index
            %swap3A_507 = arith.index_cast %add3A_377 : i32 to index
            %swap3A_508 = arith.constant 48 : index
            %swap3A_509 = tpu.vector_load %arg6[%swap3A_506, %swap3A_507, %swap3A_508] {strides = array<i32>} : memref<4x128x128xf32, #tpu.memory_space<vmem>>, vector<16xf32>,
            tpu.vector_store %arg6[%swap3A_506, %swap3A_507, %swap3A_508], %broadcast_in_dim3A_314 {strides = array<i32>} : memref<4x128x128xf32, #tpu.memory_space<vmem>>, vector<16xf32>,
            %swap3A_510 = arith.constant 0 : i32
            %swap3A_511 = arith.index_cast %swap3A_510 : i32 to index
            %swap3A_512 = arith.index_cast %add3A_377 : i32 to index
            %swap3A_513 = arith.constant 64 : index
            %swap3A_514 = tpu.vector_load %arg6[%swap3A_511, %swap3A_512, %swap3A_513] {strides = array<i32>} : memref<4x128x128xf32, #tpu.memory_space<vmem>>, vector<16xf32>,
            tpu.vector_store %arg6[%swap3A_511, %swap3A_512, %swap3A_513], %broadcast_in_dim3A_314 {strides = array<i32>} : memref<4x128x128xf32, #tpu.memory_space<vmem>>, vector<16xf32>,
            %swap3A_515 = arith.constant 0 : i32
            %swap3A_516 = arith.index_cast %swap3A_515 : i32 to index
            %swap3A_517 = arith.index_cast %add3A_377 : i32 to index
            %swap3A_518 = arith.constant 80 : index
            %swap3A_519 = tpu.vector_load %arg6[%swap3A_516, %swap3A_517, %swap3A_518] {strides = array<i32>} : memref<4x128x128xf32, #tpu.memory_space<vmem>>, vector<16xf32>,
            tpu.vector_store %arg6[%swap3A_516, %swap3A_517, %swap3A_518], %broadcast_in_dim3A_314 {strides = array<i32>} : memref<4x128x128xf32, #tpu.memory_space<vmem>>, vector<16xf32>,
            %swap3A_520 = arith.constant 0 : i32
            %swap3A_521 = arith.index_cast %swap3A_520 : i32 to index
            %swap3A_522 = arith.index_cast %add3A_377 : i32 to index
            %swap3A_523 = arith.constant 96 : index
            %swap3A_524 = tpu.vector_load %arg6[%swap3A_521, %swap3A_522, %swap3A_523] {strides = array<i32>} : memref<4x128x128xf32, #tpu.memory_space<vmem>>, vector<16xf32>,
            tpu.vector_store %arg6[%swap3A_521, %swap3A_522, %swap3A_523], %broadcast_in_dim3A_314 {strides = array<i32>} : memref<4x128x128xf32, #tpu.memory_space<vmem>>, vector<16xf32>,
            %swap3A_525 = arith.constant 0 : i32
            %swap3A_526 = arith.index_cast %swap3A_525 : i32 to index
            %swap3A_527 = arith.index_cast %add3A_377 : i32 to index
            %swap3A_528 = arith.constant 112 : index
            %swap3A_529 = tpu.vector_load %arg6[%swap3A_526, %swap3A_527, %swap3A_528] {strides = array<i32>} : memref<4x128x128xf32, #tpu.memory_space<vmem>>, vector<16xf32>,
            tpu.vector_store %arg6[%swap3A_526, %swap3A_527, %swap3A_528], %broadcast_in_dim3A_314 {strides = array<i32>} : memref<4x128x128xf32, #tpu.memory_space<vmem>>, vector<16xf32>,
          } else {
          }
          %slice3A_381 = vector.extract_strided_slice %get3A_306 {offsets = [6], sizes = [1], strides = [1]} : vector<16xi32> to vector<1xi32>
          %squeeze3A_382 = vector.extract %slice3A_381[0] : i32 from vector<1xi32>
          %eq3A_383 = arith.constant 0 : i32
          %eq3A_384 = arith.cmpi eq, %squeeze3A_382, %eq3A_383 : i32
          %mul3A_385 = arith.constant 16 : i32
          %mul3A_386 = arith.muli %scan3A_299, %mul3A_385 : i32
          %add3A_387 = arith.constant 6 : i32
          %add3A_388 = arith.addi %mul3A_386, %add3A_387 : i32
          %convert_element_type3A_389 = arith.extui %eq3A_384 : i1 to i32
          %cond3A_390 = arith.constant 0 : i32
          %cond3A_391 = arith.cmpi ne, %convert_element_type3A_389, %cond3A_390 : i32
          scf.if %cond3A_391 {
            %swap3A = arith.constant 0 : i32
            %swap3A_491 = arith.index_cast %swap3A : i32 to index
            %swap3A_492 = arith.index_cast %add3A_388 : i32 to index
            %swap3A_493 = arith.constant 0 : index
            %swap3A_494 = tpu.vector_load %arg6[%swap3A_491, %swap3A_492, %swap3A_493] {strides = array<i32>} : memref<4x128x128xf32, #tpu.memory_space<vmem>>, vector<16xf32>,
            tpu.vector_store %arg6[%swap3A_491, %swap3A_492, %swap3A_493], %broadcast_in_dim3A_314 {strides = array<i32>} : memref<4x128x128xf32, #tpu.memory_space<vmem>>, vector<16xf32>,
            %swap3A_495 = arith.constant 0 : i32
            %swap3A_496 = arith.index_cast %swap3A_495 : i32 to index
            %swap3A_497 = arith.index_cast %add3A_388 : i32 to index
            %swap3A_498 = arith.constant 16 : index
            %swap3A_499 = tpu.vector_load %arg6[%swap3A_496, %swap3A_497, %swap3A_498] {strides = array<i32>} : memref<4x128x128xf32, #tpu.memory_space<vmem>>, vector<16xf32>,
            tpu.vector_store %arg6[%swap3A_496, %swap3A_497, %swap3A_498], %broadcast_in_dim3A_314 {strides = array<i32>} : memref<4x128x128xf32, #tpu.memory_space<vmem>>, vector<16xf32>,
            %swap3A_500 = arith.constant 0 : i32
            %swap3A_501 = arith.index_cast %swap3A_500 : i32 to index
            %swap3A_502 = arith.index_cast %add3A_388 : i32 to index
            %swap3A_503 = arith.constant 32 : index
            %swap3A_504 = tpu.vector_load %arg6[%swap3A_501, %swap3A_502, %swap3A_503] {strides = array<i32>} : memref<4x128x128xf32, #tpu.memory_space<vmem>>, vector<16xf32>,
            tpu.vector_store %arg6[%swap3A_501, %swap3A_502, %swap3A_503], %broadcast_in_dim3A_314 {strides = array<i32>} : memref<4x128x128xf32, #tpu.memory_space<vmem>>, vector<16xf32>,
            %swap3A_505 = arith.constant 0 : i32
            %swap3A_506 = arith.index_cast %swap3A_505 : i32 to index
            %swap3A_507 = arith.index_cast %add3A_388 : i32 to index
            %swap3A_508 = arith.constant 48 : index
            %swap3A_509 = tpu.vector_load %arg6[%swap3A_506, %swap3A_507, %swap3A_508] {strides = array<i32>} : memref<4x128x128xf32, #tpu.memory_space<vmem>>, vector<16xf32>,
            tpu.vector_store %arg6[%swap3A_506, %swap3A_507, %swap3A_508], %broadcast_in_dim3A_314 {strides = array<i32>} : memref<4x128x128xf32, #tpu.memory_space<vmem>>, vector<16xf32>,
            %swap3A_510 = arith.constant 0 : i32
            %swap3A_511 = arith.index_cast %swap3A_510 : i32 to index
            %swap3A_512 = arith.index_cast %add3A_388 : i32 to index
            %swap3A_513 = arith.constant 64 : index
            %swap3A_514 = tpu.vector_load %arg6[%swap3A_511, %swap3A_512, %swap3A_513] {strides = array<i32>} : memref<4x128x128xf32, #tpu.memory_space<vmem>>, vector<16xf32>,
            tpu.vector_store %arg6[%swap3A_511, %swap3A_512, %swap3A_513], %broadcast_in_dim3A_314 {strides = array<i32>} : memref<4x128x128xf32, #tpu.memory_space<vmem>>, vector<16xf32>,
            %swap3A_515 = arith.constant 0 : i32
            %swap3A_516 = arith.index_cast %swap3A_515 : i32 to index
            %swap3A_517 = arith.index_cast %add3A_388 : i32 to index
            %swap3A_518 = arith.constant 80 : index
            %swap3A_519 = tpu.vector_load %arg6[%swap3A_516, %swap3A_517, %swap3A_518] {strides = array<i32>} : memref<4x128x128xf32, #tpu.memory_space<vmem>>, vector<16xf32>,
            tpu.vector_store %arg6[%swap3A_516, %swap3A_517, %swap3A_518], %broadcast_in_dim3A_314 {strides = array<i32>} : memref<4x128x128xf32, #tpu.memory_space<vmem>>, vector<16xf32>,
            %swap3A_520 = arith.constant 0 : i32
            %swap3A_521 = arith.index_cast %swap3A_520 : i32 to index
            %swap3A_522 = arith.index_cast %add3A_388 : i32 to index
            %swap3A_523 = arith.constant 96 : index
            %swap3A_524 = tpu.vector_load %arg6[%swap3A_521, %swap3A_522, %swap3A_523] {strides = array<i32>} : memref<4x128x128xf32, #tpu.memory_space<vmem>>, vector<16xf32>,
            tpu.vector_store %arg6[%swap3A_521, %swap3A_522, %swap3A_523], %broadcast_in_dim3A_314 {strides = array<i32>} : memref<4x128x128xf32, #tpu.memory_space<vmem>>, vector<16xf32>,
            %swap3A_525 = arith.constant 0 : i32
            %swap3A_526 = arith.index_cast %swap3A_525 : i32 to index
            %swap3A_527 = arith.index_cast %add3A_388 : i32 to index
            %swap3A_528 = arith.constant 112 : index
            %swap3A_529 = tpu.vector_load %arg6[%swap3A_526, %swap3A_527, %swap3A_528] {strides = array<i32>} : memref<4x128x128xf32, #tpu.memory_space<vmem>>, vector<16xf32>,
            tpu.vector_store %arg6[%swap3A_526, %swap3A_527, %swap3A_528], %broadcast_in_dim3A_314 {strides = array<i32>} : memref<4x128x128xf32, #tpu.memory_space<vmem>>, vector<16xf32>,
          } else {
          }
          %slice3A_392 = vector.extract_strided_slice %get3A_306 {offsets = [7], sizes = [1], strides = [1]} : vector<16xi32> to vector<1xi32>
          %squeeze3A_393 = vector.extract %slice3A_392[0] : i32 from vector<1xi32>
          %eq3A_394 = arith.constant 0 : i32
          %eq3A_395 = arith.cmpi eq, %squeeze3A_393, %eq3A_394 : i32
          %mul3A_396 = arith.constant 16 : i32
          %mul3A_397 = arith.muli %scan3A_299, %mul3A_396 : i32
          %add3A_398 = arith.constant 7 : i32
          %add3A_399 = arith.addi %mul3A_397, %add3A_398 : i32
          %convert_element_type3A_400 = arith.extui %eq3A_395 : i1 to i32
          %cond3A_401 = arith.constant 0 : i32
          %cond3A_402 = arith.cmpi ne, %convert_element_type3A_400, %cond3A_401 : i32
          scf.if %cond3A_402 {
            %swap3A = arith.constant 0 : i32
            %swap3A_491 = arith.index_cast %swap3A : i32 to index
            %swap3A_492 = arith.index_cast %add3A_399 : i32 to index
            %swap3A_493 = arith.constant 0 : index
            %swap3A_494 = tpu.vector_load %arg6[%swap3A_491, %swap3A_492, %swap3A_493] {strides = array<i32>} : memref<4x128x128xf32, #tpu.memory_space<vmem>>, vector<16xf32>,
            tpu.vector_store %arg6[%swap3A_491, %swap3A_492, %swap3A_493], %broadcast_in_dim3A_314 {strides = array<i32>} : memref<4x128x128xf32, #tpu.memory_space<vmem>>, vector<16xf32>,
            %swap3A_495 = arith.constant 0 : i32
            %swap3A_496 = arith.index_cast %swap3A_495 : i32 to index
            %swap3A_497 = arith.index_cast %add3A_399 : i32 to index
            %swap3A_498 = arith.constant 16 : index
            %swap3A_499 = tpu.vector_load %arg6[%swap3A_496, %swap3A_497, %swap3A_498] {strides = array<i32>} : memref<4x128x128xf32, #tpu.memory_space<vmem>>, vector<16xf32>,
            tpu.vector_store %arg6[%swap3A_496, %swap3A_497, %swap3A_498], %broadcast_in_dim3A_314 {strides = array<i32>} : memref<4x128x128xf32, #tpu.memory_space<vmem>>, vector<16xf32>,
            %swap3A_500 = arith.constant 0 : i32
            %swap3A_501 = arith.index_cast %swap3A_500 : i32 to index
            %swap3A_502 = arith.index_cast %add3A_399 : i32 to index
            %swap3A_503 = arith.constant 32 : index
            %swap3A_504 = tpu.vector_load %arg6[%swap3A_501, %swap3A_502, %swap3A_503] {strides = array<i32>} : memref<4x128x128xf32, #tpu.memory_space<vmem>>, vector<16xf32>,
            tpu.vector_store %arg6[%swap3A_501, %swap3A_502, %swap3A_503], %broadcast_in_dim3A_314 {strides = array<i32>} : memref<4x128x128xf32, #tpu.memory_space<vmem>>, vector<16xf32>,
            %swap3A_505 = arith.constant 0 : i32
            %swap3A_506 = arith.index_cast %swap3A_505 : i32 to index
            %swap3A_507 = arith.index_cast %add3A_399 : i32 to index
            %swap3A_508 = arith.constant 48 : index
            %swap3A_509 = tpu.vector_load %arg6[%swap3A_506, %swap3A_507, %swap3A_508] {strides = array<i32>} : memref<4x128x128xf32, #tpu.memory_space<vmem>>, vector<16xf32>,
            tpu.vector_store %arg6[%swap3A_506, %swap3A_507, %swap3A_508], %broadcast_in_dim3A_314 {strides = array<i32>} : memref<4x128x128xf32, #tpu.memory_space<vmem>>, vector<16xf32>,
            %swap3A_510 = arith.constant 0 : i32
            %swap3A_511 = arith.index_cast %swap3A_510 : i32 to index
            %swap3A_512 = arith.index_cast %add3A_399 : i32 to index
            %swap3A_513 = arith.constant 64 : index
            %swap3A_514 = tpu.vector_load %arg6[%swap3A_511, %swap3A_512, %swap3A_513] {strides = array<i32>} : memref<4x128x128xf32, #tpu.memory_space<vmem>>, vector<16xf32>,
            tpu.vector_store %arg6[%swap3A_511, %swap3A_512, %swap3A_513], %broadcast_in_dim3A_314 {strides = array<i32>} : memref<4x128x128xf32, #tpu.memory_space<vmem>>, vector<16xf32>,
            %swap3A_515 = arith.constant 0 : i32
            %swap3A_516 = arith.index_cast %swap3A_515 : i32 to index
            %swap3A_517 = arith.index_cast %add3A_399 : i32 to index
            %swap3A_518 = arith.constant 80 : index
            %swap3A_519 = tpu.vector_load %arg6[%swap3A_516, %swap3A_517, %swap3A_518] {strides = array<i32>} : memref<4x128x128xf32, #tpu.memory_space<vmem>>, vector<16xf32>,
            tpu.vector_store %arg6[%swap3A_516, %swap3A_517, %swap3A_518], %broadcast_in_dim3A_314 {strides = array<i32>} : memref<4x128x128xf32, #tpu.memory_space<vmem>>, vector<16xf32>,
            %swap3A_520 = arith.constant 0 : i32
            %swap3A_521 = arith.index_cast %swap3A_520 : i32 to index
            %swap3A_522 = arith.index_cast %add3A_399 : i32 to index
            %swap3A_523 = arith.constant 96 : index
            %swap3A_524 = tpu.vector_load %arg6[%swap3A_521, %swap3A_522, %swap3A_523] {strides = array<i32>} : memref<4x128x128xf32, #tpu.memory_space<vmem>>, vector<16xf32>,
            tpu.vector_store %arg6[%swap3A_521, %swap3A_522, %swap3A_523], %broadcast_in_dim3A_314 {strides = array<i32>} : memref<4x128x128xf32, #tpu.memory_space<vmem>>, vector<16xf32>,
            %swap3A_525 = arith.constant 0 : i32
            %swap3A_526 = arith.index_cast %swap3A_525 : i32 to index
            %swap3A_527 = arith.index_cast %add3A_399 : i32 to index
            %swap3A_528 = arith.constant 112 : index
            %swap3A_529 = tpu.vector_load %arg6[%swap3A_526, %swap3A_527, %swap3A_528] {strides = array<i32>} : memref<4x128x128xf32, #tpu.memory_space<vmem>>, vector<16xf32>,
            tpu.vector_store %arg6[%swap3A_526, %swap3A_527, %swap3A_528], %broadcast_in_dim3A_314 {strides = array<i32>} : memref<4x128x128xf32, #tpu.memory_space<vmem>>, vector<16xf32>,
          } else {
          }
          %slice3A_403 = vector.extract_strided_slice %get3A_306 {offsets = [8], sizes = [1], strides = [1]} : vector<16xi32> to vector<1xi32>
          %squeeze3A_404 = vector.extract %slice3A_403[0] : i32 from vector<1xi32>
          %eq3A_405 = arith.constant 0 : i32
          %eq3A_406 = arith.cmpi eq, %squeeze3A_404, %eq3A_405 : i32
          %mul3A_407 = arith.constant 16 : i32
          %mul3A_408 = arith.muli %scan3A_299, %mul3A_407 : i32
          %add3A_409 = arith.constant 8 : i32
          %add3A_410 = arith.addi %mul3A_408, %add3A_409 : i32
          %convert_element_type3A_411 = arith.extui %eq3A_406 : i1 to i32
          %cond3A_412 = arith.constant 0 : i32
          %cond3A_413 = arith.cmpi ne, %convert_element_type3A_411, %cond3A_412 : i32
          scf.if %cond3A_413 {
            %swap3A = arith.constant 0 : i32
            %swap3A_491 = arith.index_cast %swap3A : i32 to index
            %swap3A_492 = arith.index_cast %add3A_410 : i32 to index
            %swap3A_493 = arith.constant 0 : index
            %swap3A_494 = tpu.vector_load %arg6[%swap3A_491, %swap3A_492, %swap3A_493] {strides = array<i32>} : memref<4x128x128xf32, #tpu.memory_space<vmem>>, vector<16xf32>,
            tpu.vector_store %arg6[%swap3A_491, %swap3A_492, %swap3A_493], %broadcast_in_dim3A_314 {strides = array<i32>} : memref<4x128x128xf32, #tpu.memory_space<vmem>>, vector<16xf32>,
            %swap3A_495 = arith.constant 0 : i32
            %swap3A_496 = arith.index_cast %swap3A_495 : i32 to index
            %swap3A_497 = arith.index_cast %add3A_410 : i32 to index
            %swap3A_498 = arith.constant 16 : index
            %swap3A_499 = tpu.vector_load %arg6[%swap3A_496, %swap3A_497, %swap3A_498] {strides = array<i32>} : memref<4x128x128xf32, #tpu.memory_space<vmem>>, vector<16xf32>,
            tpu.vector_store %arg6[%swap3A_496, %swap3A_497, %swap3A_498], %broadcast_in_dim3A_314 {strides = array<i32>} : memref<4x128x128xf32, #tpu.memory_space<vmem>>, vector<16xf32>,
            %swap3A_500 = arith.constant 0 : i32
            %swap3A_501 = arith.index_cast %swap3A_500 : i32 to index
            %swap3A_502 = arith.index_cast %add3A_410 : i32 to index
            %swap3A_503 = arith.constant 32 : index
            %swap3A_504 = tpu.vector_load %arg6[%swap3A_501, %swap3A_502, %swap3A_503] {strides = array<i32>} : memref<4x128x128xf32, #tpu.memory_space<vmem>>, vector<16xf32>,
            tpu.vector_store %arg6[%swap3A_501, %swap3A_502, %swap3A_503], %broadcast_in_dim3A_314 {strides = array<i32>} : memref<4x128x128xf32, #tpu.memory_space<vmem>>, vector<16xf32>,
            %swap3A_505 = arith.constant 0 : i32
            %swap3A_506 = arith.index_cast %swap3A_505 : i32 to index
            %swap3A_507 = arith.index_cast %add3A_410 : i32 to index
            %swap3A_508 = arith.constant 48 : index
            %swap3A_509 = tpu.vector_load %arg6[%swap3A_506, %swap3A_507, %swap3A_508] {strides = array<i32>} : memref<4x128x128xf32, #tpu.memory_space<vmem>>, vector<16xf32>,
            tpu.vector_store %arg6[%swap3A_506, %swap3A_507, %swap3A_508], %broadcast_in_dim3A_314 {strides = array<i32>} : memref<4x128x128xf32, #tpu.memory_space<vmem>>, vector<16xf32>,
            %swap3A_510 = arith.constant 0 : i32
            %swap3A_511 = arith.index_cast %swap3A_510 : i32 to index
            %swap3A_512 = arith.index_cast %add3A_410 : i32 to index
            %swap3A_513 = arith.constant 64 : index
            %swap3A_514 = tpu.vector_load %arg6[%swap3A_511, %swap3A_512, %swap3A_513] {strides = array<i32>} : memref<4x128x128xf32, #tpu.memory_space<vmem>>, vector<16xf32>,
            tpu.vector_store %arg6[%swap3A_511, %swap3A_512, %swap3A_513], %broadcast_in_dim3A_314 {strides = array<i32>} : memref<4x128x128xf32, #tpu.memory_space<vmem>>, vector<16xf32>,
            %swap3A_515 = arith.constant 0 : i32
            %swap3A_516 = arith.index_cast %swap3A_515 : i32 to index
            %swap3A_517 = arith.index_cast %add3A_410 : i32 to index
            %swap3A_518 = arith.constant 80 : index
            %swap3A_519 = tpu.vector_load %arg6[%swap3A_516, %swap3A_517, %swap3A_518] {strides = array<i32>} : memref<4x128x128xf32, #tpu.memory_space<vmem>>, vector<16xf32>,
            tpu.vector_store %arg6[%swap3A_516, %swap3A_517, %swap3A_518], %broadcast_in_dim3A_314 {strides = array<i32>} : memref<4x128x128xf32, #tpu.memory_space<vmem>>, vector<16xf32>,
            %swap3A_520 = arith.constant 0 : i32
            %swap3A_521 = arith.index_cast %swap3A_520 : i32 to index
            %swap3A_522 = arith.index_cast %add3A_410 : i32 to index
            %swap3A_523 = arith.constant 96 : index
            %swap3A_524 = tpu.vector_load %arg6[%swap3A_521, %swap3A_522, %swap3A_523] {strides = array<i32>} : memref<4x128x128xf32, #tpu.memory_space<vmem>>, vector<16xf32>,
            tpu.vector_store %arg6[%swap3A_521, %swap3A_522, %swap3A_523], %broadcast_in_dim3A_314 {strides = array<i32>} : memref<4x128x128xf32, #tpu.memory_space<vmem>>, vector<16xf32>,
            %swap3A_525 = arith.constant 0 : i32
            %swap3A_526 = arith.index_cast %swap3A_525 : i32 to index
            %swap3A_527 = arith.index_cast %add3A_410 : i32 to index
            %swap3A_528 = arith.constant 112 : index
            %swap3A_529 = tpu.vector_load %arg6[%swap3A_526, %swap3A_527, %swap3A_528] {strides = array<i32>} : memref<4x128x128xf32, #tpu.memory_space<vmem>>, vector<16xf32>,
            tpu.vector_store %arg6[%swap3A_526, %swap3A_527, %swap3A_528], %broadcast_in_dim3A_314 {strides = array<i32>} : memref<4x128x128xf32, #tpu.memory_space<vmem>>, vector<16xf32>,
          } else {
          }
          %slice3A_414 = vector.extract_strided_slice %get3A_306 {offsets = [9], sizes = [1], strides = [1]} : vector<16xi32> to vector<1xi32>
          %squeeze3A_415 = vector.extract %slice3A_414[0] : i32 from vector<1xi32>
          %eq3A_416 = arith.constant 0 : i32
          %eq3A_417 = arith.cmpi eq, %squeeze3A_415, %eq3A_416 : i32
          %mul3A_418 = arith.constant 16 : i32
          %mul3A_419 = arith.muli %scan3A_299, %mul3A_418 : i32
          %add3A_420 = arith.constant 9 : i32
          %add3A_421 = arith.addi %mul3A_419, %add3A_420 : i32
          %convert_element_type3A_422 = arith.extui %eq3A_417 : i1 to i32
          %cond3A_423 = arith.constant 0 : i32
          %cond3A_424 = arith.cmpi ne, %convert_element_type3A_422, %cond3A_423 : i32
          scf.if %cond3A_424 {
            %swap3A = arith.constant 0 : i32
            %swap3A_491 = arith.index_cast %swap3A : i32 to index
            %swap3A_492 = arith.index_cast %add3A_421 : i32 to index
            %swap3A_493 = arith.constant 0 : index
            %swap3A_494 = tpu.vector_load %arg6[%swap3A_491, %swap3A_492, %swap3A_493] {strides = array<i32>} : memref<4x128x128xf32, #tpu.memory_space<vmem>>, vector<16xf32>,
            tpu.vector_store %arg6[%swap3A_491, %swap3A_492, %swap3A_493], %broadcast_in_dim3A_314 {strides = array<i32>} : memref<4x128x128xf32, #tpu.memory_space<vmem>>, vector<16xf32>,
            %swap3A_495 = arith.constant 0 : i32
            %swap3A_496 = arith.index_cast %swap3A_495 : i32 to index
            %swap3A_497 = arith.index_cast %add3A_421 : i32 to index
            %swap3A_498 = arith.constant 16 : index
            %swap3A_499 = tpu.vector_load %arg6[%swap3A_496, %swap3A_497, %swap3A_498] {strides = array<i32>} : memref<4x128x128xf32, #tpu.memory_space<vmem>>, vector<16xf32>,
            tpu.vector_store %arg6[%swap3A_496, %swap3A_497, %swap3A_498], %broadcast_in_dim3A_314 {strides = array<i32>} : memref<4x128x128xf32, #tpu.memory_space<vmem>>, vector<16xf32>,
            %swap3A_500 = arith.constant 0 : i32
            %swap3A_501 = arith.index_cast %swap3A_500 : i32 to index
            %swap3A_502 = arith.index_cast %add3A_421 : i32 to index
            %swap3A_503 = arith.constant 32 : index
            %swap3A_504 = tpu.vector_load %arg6[%swap3A_501, %swap3A_502, %swap3A_503] {strides = array<i32>} : memref<4x128x128xf32, #tpu.memory_space<vmem>>, vector<16xf32>,
            tpu.vector_store %arg6[%swap3A_501, %swap3A_502, %swap3A_503], %broadcast_in_dim3A_314 {strides = array<i32>} : memref<4x128x128xf32, #tpu.memory_space<vmem>>, vector<16xf32>,
            %swap3A_505 = arith.constant 0 : i32
            %swap3A_506 = arith.index_cast %swap3A_505 : i32 to index
            %swap3A_507 = arith.index_cast %add3A_421 : i32 to index
            %swap3A_508 = arith.constant 48 : index
            %swap3A_509 = tpu.vector_load %arg6[%swap3A_506, %swap3A_507, %swap3A_508] {strides = array<i32>} : memref<4x128x128xf32, #tpu.memory_space<vmem>>, vector<16xf32>,
            tpu.vector_store %arg6[%swap3A_506, %swap3A_507, %swap3A_508], %broadcast_in_dim3A_314 {strides = array<i32>} : memref<4x128x128xf32, #tpu.memory_space<vmem>>, vector<16xf32>,
            %swap3A_510 = arith.constant 0 : i32
            %swap3A_511 = arith.index_cast %swap3A_510 : i32 to index
            %swap3A_512 = arith.index_cast %add3A_421 : i32 to index
            %swap3A_513 = arith.constant 64 : index
            %swap3A_514 = tpu.vector_load %arg6[%swap3A_511, %swap3A_512, %swap3A_513] {strides = array<i32>} : memref<4x128x128xf32, #tpu.memory_space<vmem>>, vector<16xf32>,
            tpu.vector_store %arg6[%swap3A_511, %swap3A_512, %swap3A_513], %broadcast_in_dim3A_314 {strides = array<i32>} : memref<4x128x128xf32, #tpu.memory_space<vmem>>, vector<16xf32>,
            %swap3A_515 = arith.constant 0 : i32
            %swap3A_516 = arith.index_cast %swap3A_515 : i32 to index
            %swap3A_517 = arith.index_cast %add3A_421 : i32 to index
            %swap3A_518 = arith.constant 80 : index
            %swap3A_519 = tpu.vector_load %arg6[%swap3A_516, %swap3A_517, %swap3A_518] {strides = array<i32>} : memref<4x128x128xf32, #tpu.memory_space<vmem>>, vector<16xf32>,
            tpu.vector_store %arg6[%swap3A_516, %swap3A_517, %swap3A_518], %broadcast_in_dim3A_314 {strides = array<i32>} : memref<4x128x128xf32, #tpu.memory_space<vmem>>, vector<16xf32>,
            %swap3A_520 = arith.constant 0 : i32
            %swap3A_521 = arith.index_cast %swap3A_520 : i32 to index
            %swap3A_522 = arith.index_cast %add3A_421 : i32 to index
            %swap3A_523 = arith.constant 96 : index
            %swap3A_524 = tpu.vector_load %arg6[%swap3A_521, %swap3A_522, %swap3A_523] {strides = array<i32>} : memref<4x128x128xf32, #tpu.memory_space<vmem>>, vector<16xf32>,
            tpu.vector_store %arg6[%swap3A_521, %swap3A_522, %swap3A_523], %broadcast_in_dim3A_314 {strides = array<i32>} : memref<4x128x128xf32, #tpu.memory_space<vmem>>, vector<16xf32>,
            %swap3A_525 = arith.constant 0 : i32
            %swap3A_526 = arith.index_cast %swap3A_525 : i32 to index
            %swap3A_527 = arith.index_cast %add3A_421 : i32 to index
            %swap3A_528 = arith.constant 112 : index
            %swap3A_529 = tpu.vector_load %arg6[%swap3A_526, %swap3A_527, %swap3A_528] {strides = array<i32>} : memref<4x128x128xf32, #tpu.memory_space<vmem>>, vector<16xf32>,
            tpu.vector_store %arg6[%swap3A_526, %swap3A_527, %swap3A_528], %broadcast_in_dim3A_314 {strides = array<i32>} : memref<4x128x128xf32, #tpu.memory_space<vmem>>, vector<16xf32>,
          } else {
          }
          %slice3A_425 = vector.extract_strided_slice %get3A_306 {offsets = [10], sizes = [1], strides = [1]} : vector<16xi32> to vector<1xi32>
          %squeeze3A_426 = vector.extract %slice3A_425[0] : i32 from vector<1xi32>
          %eq3A_427 = arith.constant 0 : i32
          %eq3A_428 = arith.cmpi eq, %squeeze3A_426, %eq3A_427 : i32
          %mul3A_429 = arith.constant 16 : i32
          %mul3A_430 = arith.muli %scan3A_299, %mul3A_429 : i32
          %add3A_431 = arith.constant 10 : i32
          %add3A_432 = arith.addi %mul3A_430, %add3A_431 : i32
          %convert_element_type3A_433 = arith.extui %eq3A_428 : i1 to i32
          %cond3A_434 = arith.constant 0 : i32
          %cond3A_435 = arith.cmpi ne, %convert_element_type3A_433, %cond3A_434 : i32
          scf.if %cond3A_435 {
            %swap3A = arith.constant 0 : i32
            %swap3A_491 = arith.index_cast %swap3A : i32 to index
            %swap3A_492 = arith.index_cast %add3A_432 : i32 to index
            %swap3A_493 = arith.constant 0 : index
            %swap3A_494 = tpu.vector_load %arg6[%swap3A_491, %swap3A_492, %swap3A_493] {strides = array<i32>} : memref<4x128x128xf32, #tpu.memory_space<vmem>>, vector<16xf32>,
            tpu.vector_store %arg6[%swap3A_491, %swap3A_492, %swap3A_493], %broadcast_in_dim3A_314 {strides = array<i32>} : memref<4x128x128xf32, #tpu.memory_space<vmem>>, vector<16xf32>,
            %swap3A_495 = arith.constant 0 : i32
            %swap3A_496 = arith.index_cast %swap3A_495 : i32 to index
            %swap3A_497 = arith.index_cast %add3A_432 : i32 to index
            %swap3A_498 = arith.constant 16 : index
            %swap3A_499 = tpu.vector_load %arg6[%swap3A_496, %swap3A_497, %swap3A_498] {strides = array<i32>} : memref<4x128x128xf32, #tpu.memory_space<vmem>>, vector<16xf32>,
            tpu.vector_store %arg6[%swap3A_496, %swap3A_497, %swap3A_498], %broadcast_in_dim3A_314 {strides = array<i32>} : memref<4x128x128xf32, #tpu.memory_space<vmem>>, vector<16xf32>,
            %swap3A_500 = arith.constant 0 : i32
            %swap3A_501 = arith.index_cast %swap3A_500 : i32 to index
            %swap3A_502 = arith.index_cast %add3A_432 : i32 to index
            %swap3A_503 = arith.constant 32 : index
            %swap3A_504 = tpu.vector_load %arg6[%swap3A_501, %swap3A_502, %swap3A_503] {strides = array<i32>} : memref<4x128x128xf32, #tpu.memory_space<vmem>>, vector<16xf32>,
            tpu.vector_store %arg6[%swap3A_501, %swap3A_502, %swap3A_503], %broadcast_in_dim3A_314 {strides = array<i32>} : memref<4x128x128xf32, #tpu.memory_space<vmem>>, vector<16xf32>,
            %swap3A_505 = arith.constant 0 : i32
            %swap3A_506 = arith.index_cast %swap3A_505 : i32 to index
            %swap3A_507 = arith.index_cast %add3A_432 : i32 to index
            %swap3A_508 = arith.constant 48 : index
            %swap3A_509 = tpu.vector_load %arg6[%swap3A_506, %swap3A_507, %swap3A_508] {strides = array<i32>} : memref<4x128x128xf32, #tpu.memory_space<vmem>>, vector<16xf32>,
            tpu.vector_store %arg6[%swap3A_506, %swap3A_507, %swap3A_508], %broadcast_in_dim3A_314 {strides = array<i32>} : memref<4x128x128xf32, #tpu.memory_space<vmem>>, vector<16xf32>,
            %swap3A_510 = arith.constant 0 : i32
            %swap3A_511 = arith.index_cast %swap3A_510 : i32 to index
            %swap3A_512 = arith.index_cast %add3A_432 : i32 to index
            %swap3A_513 = arith.constant 64 : index
            %swap3A_514 = tpu.vector_load %arg6[%swap3A_511, %swap3A_512, %swap3A_513] {strides = array<i32>} : memref<4x128x128xf32, #tpu.memory_space<vmem>>, vector<16xf32>,
            tpu.vector_store %arg6[%swap3A_511, %swap3A_512, %swap3A_513], %broadcast_in_dim3A_314 {strides = array<i32>} : memref<4x128x128xf32, #tpu.memory_space<vmem>>, vector<16xf32>,
            %swap3A_515 = arith.constant 0 : i32
            %swap3A_516 = arith.index_cast %swap3A_515 : i32 to index
            %swap3A_517 = arith.index_cast %add3A_432 : i32 to index
            %swap3A_518 = arith.constant 80 : index
            %swap3A_519 = tpu.vector_load %arg6[%swap3A_516, %swap3A_517, %swap3A_518] {strides = array<i32>} : memref<4x128x128xf32, #tpu.memory_space<vmem>>, vector<16xf32>,
            tpu.vector_store %arg6[%swap3A_516, %swap3A_517, %swap3A_518], %broadcast_in_dim3A_314 {strides = array<i32>} : memref<4x128x128xf32, #tpu.memory_space<vmem>>, vector<16xf32>,
            %swap3A_520 = arith.constant 0 : i32
            %swap3A_521 = arith.index_cast %swap3A_520 : i32 to index
            %swap3A_522 = arith.index_cast %add3A_432 : i32 to index
            %swap3A_523 = arith.constant 96 : index
            %swap3A_524 = tpu.vector_load %arg6[%swap3A_521, %swap3A_522, %swap3A_523] {strides = array<i32>} : memref<4x128x128xf32, #tpu.memory_space<vmem>>, vector<16xf32>,
            tpu.vector_store %arg6[%swap3A_521, %swap3A_522, %swap3A_523], %broadcast_in_dim3A_314 {strides = array<i32>} : memref<4x128x128xf32, #tpu.memory_space<vmem>>, vector<16xf32>,
            %swap3A_525 = arith.constant 0 : i32
            %swap3A_526 = arith.index_cast %swap3A_525 : i32 to index
            %swap3A_527 = arith.index_cast %add3A_432 : i32 to index
            %swap3A_528 = arith.constant 112 : index
            %swap3A_529 = tpu.vector_load %arg6[%swap3A_526, %swap3A_527, %swap3A_528] {strides = array<i32>} : memref<4x128x128xf32, #tpu.memory_space<vmem>>, vector<16xf32>,
            tpu.vector_store %arg6[%swap3A_526, %swap3A_527, %swap3A_528], %broadcast_in_dim3A_314 {strides = array<i32>} : memref<4x128x128xf32, #tpu.memory_space<vmem>>, vector<16xf32>,
          } else {
          }
          %slice3A_436 = vector.extract_strided_slice %get3A_306 {offsets = [11], sizes = [1], strides = [1]} : vector<16xi32> to vector<1xi32>
          %squeeze3A_437 = vector.extract %slice3A_436[0] : i32 from vector<1xi32>
          %eq3A_438 = arith.constant 0 : i32
          %eq3A_439 = arith.cmpi eq, %squeeze3A_437, %eq3A_438 : i32
          %mul3A_440 = arith.constant 16 : i32
          %mul3A_441 = arith.muli %scan3A_299, %mul3A_440 : i32
          %add3A_442 = arith.constant 11 : i32
          %add3A_443 = arith.addi %mul3A_441, %add3A_442 : i32
          %convert_element_type3A_444 = arith.extui %eq3A_439 : i1 to i32
          %cond3A_445 = arith.constant 0 : i32
          %cond3A_446 = arith.cmpi ne, %convert_element_type3A_444, %cond3A_445 : i32
          scf.if %cond3A_446 {
            %swap3A = arith.constant 0 : i32
            %swap3A_491 = arith.index_cast %swap3A : i32 to index
            %swap3A_492 = arith.index_cast %add3A_443 : i32 to index
            %swap3A_493 = arith.constant 0 : index
            %swap3A_494 = tpu.vector_load %arg6[%swap3A_491, %swap3A_492, %swap3A_493] {strides = array<i32>} : memref<4x128x128xf32, #tpu.memory_space<vmem>>, vector<16xf32>,
            tpu.vector_store %arg6[%swap3A_491, %swap3A_492, %swap3A_493], %broadcast_in_dim3A_314 {strides = array<i32>} : memref<4x128x128xf32, #tpu.memory_space<vmem>>, vector<16xf32>,
            %swap3A_495 = arith.constant 0 : i32
            %swap3A_496 = arith.index_cast %swap3A_495 : i32 to index
            %swap3A_497 = arith.index_cast %add3A_443 : i32 to index
            %swap3A_498 = arith.constant 16 : index
            %swap3A_499 = tpu.vector_load %arg6[%swap3A_496, %swap3A_497, %swap3A_498] {strides = array<i32>} : memref<4x128x128xf32, #tpu.memory_space<vmem>>, vector<16xf32>,
            tpu.vector_store %arg6[%swap3A_496, %swap3A_497, %swap3A_498], %broadcast_in_dim3A_314 {strides = array<i32>} : memref<4x128x128xf32, #tpu.memory_space<vmem>>, vector<16xf32>,
            %swap3A_500 = arith.constant 0 : i32
            %swap3A_501 = arith.index_cast %swap3A_500 : i32 to index
            %swap3A_502 = arith.index_cast %add3A_443 : i32 to index
            %swap3A_503 = arith.constant 32 : index
            %swap3A_504 = tpu.vector_load %arg6[%swap3A_501, %swap3A_502, %swap3A_503] {strides = array<i32>} : memref<4x128x128xf32, #tpu.memory_space<vmem>>, vector<16xf32>,
            tpu.vector_store %arg6[%swap3A_501, %swap3A_502, %swap3A_503], %broadcast_in_dim3A_314 {strides = array<i32>} : memref<4x128x128xf32, #tpu.memory_space<vmem>>, vector<16xf32>,
            %swap3A_505 = arith.constant 0 : i32
            %swap3A_506 = arith.index_cast %swap3A_505 : i32 to index
            %swap3A_507 = arith.index_cast %add3A_443 : i32 to index
            %swap3A_508 = arith.constant 48 : index
            %swap3A_509 = tpu.vector_load %arg6[%swap3A_506, %swap3A_507, %swap3A_508] {strides = array<i32>} : memref<4x128x128xf32, #tpu.memory_space<vmem>>, vector<16xf32>,
            tpu.vector_store %arg6[%swap3A_506, %swap3A_507, %swap3A_508], %broadcast_in_dim3A_314 {strides = array<i32>} : memref<4x128x128xf32, #tpu.memory_space<vmem>>, vector<16xf32>,
            %swap3A_510 = arith.constant 0 : i32
            %swap3A_511 = arith.index_cast %swap3A_510 : i32 to index
            %swap3A_512 = arith.index_cast %add3A_443 : i32 to index
            %swap3A_513 = arith.constant 64 : index
            %swap3A_514 = tpu.vector_load %arg6[%swap3A_511, %swap3A_512, %swap3A_513] {strides = array<i32>} : memref<4x128x128xf32, #tpu.memory_space<vmem>>, vector<16xf32>,
            tpu.vector_store %arg6[%swap3A_511, %swap3A_512, %swap3A_513], %broadcast_in_dim3A_314 {strides = array<i32>} : memref<4x128x128xf32, #tpu.memory_space<vmem>>, vector<16xf32>,
            %swap3A_515 = arith.constant 0 : i32
            %swap3A_516 = arith.index_cast %swap3A_515 : i32 to index
            %swap3A_517 = arith.index_cast %add3A_443 : i32 to index
            %swap3A_518 = arith.constant 80 : index
            %swap3A_519 = tpu.vector_load %arg6[%swap3A_516, %swap3A_517, %swap3A_518] {strides = array<i32>} : memref<4x128x128xf32, #tpu.memory_space<vmem>>, vector<16xf32>,
            tpu.vector_store %arg6[%swap3A_516, %swap3A_517, %swap3A_518], %broadcast_in_dim3A_314 {strides = array<i32>} : memref<4x128x128xf32, #tpu.memory_space<vmem>>, vector<16xf32>,
            %swap3A_520 = arith.constant 0 : i32
            %swap3A_521 = arith.index_cast %swap3A_520 : i32 to index
            %swap3A_522 = arith.index_cast %add3A_443 : i32 to index
            %swap3A_523 = arith.constant 96 : index
            %swap3A_524 = tpu.vector_load %arg6[%swap3A_521, %swap3A_522, %swap3A_523] {strides = array<i32>} : memref<4x128x128xf32, #tpu.memory_space<vmem>>, vector<16xf32>,
            tpu.vector_store %arg6[%swap3A_521, %swap3A_522, %swap3A_523], %broadcast_in_dim3A_314 {strides = array<i32>} : memref<4x128x128xf32, #tpu.memory_space<vmem>>, vector<16xf32>,
            %swap3A_525 = arith.constant 0 : i32
            %swap3A_526 = arith.index_cast %swap3A_525 : i32 to index
            %swap3A_527 = arith.index_cast %add3A_443 : i32 to index
            %swap3A_528 = arith.constant 112 : index
            %swap3A_529 = tpu.vector_load %arg6[%swap3A_526, %swap3A_527, %swap3A_528] {strides = array<i32>} : memref<4x128x128xf32, #tpu.memory_space<vmem>>, vector<16xf32>,
            tpu.vector_store %arg6[%swap3A_526, %swap3A_527, %swap3A_528], %broadcast_in_dim3A_314 {strides = array<i32>} : memref<4x128x128xf32, #tpu.memory_space<vmem>>, vector<16xf32>,
          } else {
          }
          %slice3A_447 = vector.extract_strided_slice %get3A_306 {offsets = [12], sizes = [1], strides = [1]} : vector<16xi32> to vector<1xi32>
          %squeeze3A_448 = vector.extract %slice3A_447[0] : i32 from vector<1xi32>
          %eq3A_449 = arith.constant 0 : i32
          %eq3A_450 = arith.cmpi eq, %squeeze3A_448, %eq3A_449 : i32
          %mul3A_451 = arith.constant 16 : i32
          %mul3A_452 = arith.muli %scan3A_299, %mul3A_451 : i32
          %add3A_453 = arith.constant 12 : i32
          %add3A_454 = arith.addi %mul3A_452, %add3A_453 : i32
          %convert_element_type3A_455 = arith.extui %eq3A_450 : i1 to i32
          %cond3A_456 = arith.constant 0 : i32
          %cond3A_457 = arith.cmpi ne, %convert_element_type3A_455, %cond3A_456 : i32
          scf.if %cond3A_457 {
            %swap3A = arith.constant 0 : i32
            %swap3A_491 = arith.index_cast %swap3A : i32 to index
            %swap3A_492 = arith.index_cast %add3A_454 : i32 to index
            %swap3A_493 = arith.constant 0 : index
            %swap3A_494 = tpu.vector_load %arg6[%swap3A_491, %swap3A_492, %swap3A_493] {strides = array<i32>} : memref<4x128x128xf32, #tpu.memory_space<vmem>>, vector<16xf32>,
            tpu.vector_store %arg6[%swap3A_491, %swap3A_492, %swap3A_493], %broadcast_in_dim3A_314 {strides = array<i32>} : memref<4x128x128xf32, #tpu.memory_space<vmem>>, vector<16xf32>,
            %swap3A_495 = arith.constant 0 : i32
            %swap3A_496 = arith.index_cast %swap3A_495 : i32 to index
            %swap3A_497 = arith.index_cast %add3A_454 : i32 to index
            %swap3A_498 = arith.constant 16 : index
            %swap3A_499 = tpu.vector_load %arg6[%swap3A_496, %swap3A_497, %swap3A_498] {strides = array<i32>} : memref<4x128x128xf32, #tpu.memory_space<vmem>>, vector<16xf32>,
            tpu.vector_store %arg6[%swap3A_496, %swap3A_497, %swap3A_498], %broadcast_in_dim3A_314 {strides = array<i32>} : memref<4x128x128xf32, #tpu.memory_space<vmem>>, vector<16xf32>,
            %swap3A_500 = arith.constant 0 : i32
            %swap3A_501 = arith.index_cast %swap3A_500 : i32 to index
            %swap3A_502 = arith.index_cast %add3A_454 : i32 to index
            %swap3A_503 = arith.constant 32 : index
            %swap3A_504 = tpu.vector_load %arg6[%swap3A_501, %swap3A_502, %swap3A_503] {strides = array<i32>} : memref<4x128x128xf32, #tpu.memory_space<vmem>>, vector<16xf32>,
            tpu.vector_store %arg6[%swap3A_501, %swap3A_502, %swap3A_503], %broadcast_in_dim3A_314 {strides = array<i32>} : memref<4x128x128xf32, #tpu.memory_space<vmem>>, vector<16xf32>,
            %swap3A_505 = arith.constant 0 : i32
            %swap3A_506 = arith.index_cast %swap3A_505 : i32 to index
            %swap3A_507 = arith.index_cast %add3A_454 : i32 to index
            %swap3A_508 = arith.constant 48 : index
            %swap3A_509 = tpu.vector_load %arg6[%swap3A_506, %swap3A_507, %swap3A_508] {strides = array<i32>} : memref<4x128x128xf32, #tpu.memory_space<vmem>>, vector<16xf32>,
            tpu.vector_store %arg6[%swap3A_506, %swap3A_507, %swap3A_508], %broadcast_in_dim3A_314 {strides = array<i32>} : memref<4x128x128xf32, #tpu.memory_space<vmem>>, vector<16xf32>,
            %swap3A_510 = arith.constant 0 : i32
            %swap3A_511 = arith.index_cast %swap3A_510 : i32 to index
            %swap3A_512 = arith.index_cast %add3A_454 : i32 to index
            %swap3A_513 = arith.constant 64 : index
            %swap3A_514 = tpu.vector_load %arg6[%swap3A_511, %swap3A_512, %swap3A_513] {strides = array<i32>} : memref<4x128x128xf32, #tpu.memory_space<vmem>>, vector<16xf32>,
            tpu.vector_store %arg6[%swap3A_511, %swap3A_512, %swap3A_513], %broadcast_in_dim3A_314 {strides = array<i32>} : memref<4x128x128xf32, #tpu.memory_space<vmem>>, vector<16xf32>,
            %swap3A_515 = arith.constant 0 : i32
            %swap3A_516 = arith.index_cast %swap3A_515 : i32 to index
            %swap3A_517 = arith.index_cast %add3A_454 : i32 to index
            %swap3A_518 = arith.constant 80 : index
            %swap3A_519 = tpu.vector_load %arg6[%swap3A_516, %swap3A_517, %swap3A_518] {strides = array<i32>} : memref<4x128x128xf32, #tpu.memory_space<vmem>>, vector<16xf32>,
            tpu.vector_store %arg6[%swap3A_516, %swap3A_517, %swap3A_518], %broadcast_in_dim3A_314 {strides = array<i32>} : memref<4x128x128xf32, #tpu.memory_space<vmem>>, vector<16xf32>,
            %swap3A_520 = arith.constant 0 : i32
            %swap3A_521 = arith.index_cast %swap3A_520 : i32 to index
            %swap3A_522 = arith.index_cast %add3A_454 : i32 to index
            %swap3A_523 = arith.constant 96 : index
            %swap3A_524 = tpu.vector_load %arg6[%swap3A_521, %swap3A_522, %swap3A_523] {strides = array<i32>} : memref<4x128x128xf32, #tpu.memory_space<vmem>>, vector<16xf32>,
            tpu.vector_store %arg6[%swap3A_521, %swap3A_522, %swap3A_523], %broadcast_in_dim3A_314 {strides = array<i32>} : memref<4x128x128xf32, #tpu.memory_space<vmem>>, vector<16xf32>,
            %swap3A_525 = arith.constant 0 : i32
            %swap3A_526 = arith.index_cast %swap3A_525 : i32 to index
            %swap3A_527 = arith.index_cast %add3A_454 : i32 to index
            %swap3A_528 = arith.constant 112 : index
            %swap3A_529 = tpu.vector_load %arg6[%swap3A_526, %swap3A_527, %swap3A_528] {strides = array<i32>} : memref<4x128x128xf32, #tpu.memory_space<vmem>>, vector<16xf32>,
            tpu.vector_store %arg6[%swap3A_526, %swap3A_527, %swap3A_528], %broadcast_in_dim3A_314 {strides = array<i32>} : memref<4x128x128xf32, #tpu.memory_space<vmem>>, vector<16xf32>,
          } else {
          }
          %slice3A_458 = vector.extract_strided_slice %get3A_306 {offsets = [13], sizes = [1], strides = [1]} : vector<16xi32> to vector<1xi32>
          %squeeze3A_459 = vector.extract %slice3A_458[0] : i32 from vector<1xi32>
          %eq3A_460 = arith.constant 0 : i32
          %eq3A_461 = arith.cmpi eq, %squeeze3A_459, %eq3A_460 : i32
          %mul3A_462 = arith.constant 16 : i32
          %mul3A_463 = arith.muli %scan3A_299, %mul3A_462 : i32
          %add3A_464 = arith.constant 13 : i32
          %add3A_465 = arith.addi %mul3A_463, %add3A_464 : i32
          %convert_element_type3A_466 = arith.extui %eq3A_461 : i1 to i32
          %cond3A_467 = arith.constant 0 : i32
          %cond3A_468 = arith.cmpi ne, %convert_element_type3A_466, %cond3A_467 : i32
          scf.if %cond3A_468 {
            %swap3A = arith.constant 0 : i32
            %swap3A_491 = arith.index_cast %swap3A : i32 to index
            %swap3A_492 = arith.index_cast %add3A_465 : i32 to index
            %swap3A_493 = arith.constant 0 : index
            %swap3A_494 = tpu.vector_load %arg6[%swap3A_491, %swap3A_492, %swap3A_493] {strides = array<i32>} : memref<4x128x128xf32, #tpu.memory_space<vmem>>, vector<16xf32>,
            tpu.vector_store %arg6[%swap3A_491, %swap3A_492, %swap3A_493], %broadcast_in_dim3A_314 {strides = array<i32>} : memref<4x128x128xf32, #tpu.memory_space<vmem>>, vector<16xf32>,
            %swap3A_495 = arith.constant 0 : i32
            %swap3A_496 = arith.index_cast %swap3A_495 : i32 to index
            %swap3A_497 = arith.index_cast %add3A_465 : i32 to index
            %swap3A_498 = arith.constant 16 : index
            %swap3A_499 = tpu.vector_load %arg6[%swap3A_496, %swap3A_497, %swap3A_498] {strides = array<i32>} : memref<4x128x128xf32, #tpu.memory_space<vmem>>, vector<16xf32>,
            tpu.vector_store %arg6[%swap3A_496, %swap3A_497, %swap3A_498], %broadcast_in_dim3A_314 {strides = array<i32>} : memref<4x128x128xf32, #tpu.memory_space<vmem>>, vector<16xf32>,
            %swap3A_500 = arith.constant 0 : i32
            %swap3A_501 = arith.index_cast %swap3A_500 : i32 to index
            %swap3A_502 = arith.index_cast %add3A_465 : i32 to index
            %swap3A_503 = arith.constant 32 : index
            %swap3A_504 = tpu.vector_load %arg6[%swap3A_501, %swap3A_502, %swap3A_503] {strides = array<i32>} : memref<4x128x128xf32, #tpu.memory_space<vmem>>, vector<16xf32>,
            tpu.vector_store %arg6[%swap3A_501, %swap3A_502, %swap3A_503], %broadcast_in_dim3A_314 {strides = array<i32>} : memref<4x128x128xf32, #tpu.memory_space<vmem>>, vector<16xf32>,
            %swap3A_505 = arith.constant 0 : i32
            %swap3A_506 = arith.index_cast %swap3A_505 : i32 to index
            %swap3A_507 = arith.index_cast %add3A_465 : i32 to index
            %swap3A_508 = arith.constant 48 : index
            %swap3A_509 = tpu.vector_load %arg6[%swap3A_506, %swap3A_507, %swap3A_508] {strides = array<i32>} : memref<4x128x128xf32, #tpu.memory_space<vmem>>, vector<16xf32>,
            tpu.vector_store %arg6[%swap3A_506, %swap3A_507, %swap3A_508], %broadcast_in_dim3A_314 {strides = array<i32>} : memref<4x128x128xf32, #tpu.memory_space<vmem>>, vector<16xf32>,
            %swap3A_510 = arith.constant 0 : i32
            %swap3A_511 = arith.index_cast %swap3A_510 : i32 to index
            %swap3A_512 = arith.index_cast %add3A_465 : i32 to index
            %swap3A_513 = arith.constant 64 : index
            %swap3A_514 = tpu.vector_load %arg6[%swap3A_511, %swap3A_512, %swap3A_513] {strides = array<i32>} : memref<4x128x128xf32, #tpu.memory_space<vmem>>, vector<16xf32>,
            tpu.vector_store %arg6[%swap3A_511, %swap3A_512, %swap3A_513], %broadcast_in_dim3A_314 {strides = array<i32>} : memref<4x128x128xf32, #tpu.memory_space<vmem>>, vector<16xf32>,
            %swap3A_515 = arith.constant 0 : i32
            %swap3A_516 = arith.index_cast %swap3A_515 : i32 to index
            %swap3A_517 = arith.index_cast %add3A_465 : i32 to index
            %swap3A_518 = arith.constant 80 : index
            %swap3A_519 = tpu.vector_load %arg6[%swap3A_516, %swap3A_517, %swap3A_518] {strides = array<i32>} : memref<4x128x128xf32, #tpu.memory_space<vmem>>, vector<16xf32>,
            tpu.vector_store %arg6[%swap3A_516, %swap3A_517, %swap3A_518], %broadcast_in_dim3A_314 {strides = array<i32>} : memref<4x128x128xf32, #tpu.memory_space<vmem>>, vector<16xf32>,
            %swap3A_520 = arith.constant 0 : i32
            %swap3A_521 = arith.index_cast %swap3A_520 : i32 to index
            %swap3A_522 = arith.index_cast %add3A_465 : i32 to index
            %swap3A_523 = arith.constant 96 : index
            %swap3A_524 = tpu.vector_load %arg6[%swap3A_521, %swap3A_522, %swap3A_523] {strides = array<i32>} : memref<4x128x128xf32, #tpu.memory_space<vmem>>, vector<16xf32>,
            tpu.vector_store %arg6[%swap3A_521, %swap3A_522, %swap3A_523], %broadcast_in_dim3A_314 {strides = array<i32>} : memref<4x128x128xf32, #tpu.memory_space<vmem>>, vector<16xf32>,
            %swap3A_525 = arith.constant 0 : i32
            %swap3A_526 = arith.index_cast %swap3A_525 : i32 to index
            %swap3A_527 = arith.index_cast %add3A_465 : i32 to index
            %swap3A_528 = arith.constant 112 : index
            %swap3A_529 = tpu.vector_load %arg6[%swap3A_526, %swap3A_527, %swap3A_528] {strides = array<i32>} : memref<4x128x128xf32, #tpu.memory_space<vmem>>, vector<16xf32>,
            tpu.vector_store %arg6[%swap3A_526, %swap3A_527, %swap3A_528], %broadcast_in_dim3A_314 {strides = array<i32>} : memref<4x128x128xf32, #tpu.memory_space<vmem>>, vector<16xf32>,
          } else {
          }
          %slice3A_469 = vector.extract_strided_slice %get3A_306 {offsets = [14], sizes = [1], strides = [1]} : vector<16xi32> to vector<1xi32>
          %squeeze3A_470 = vector.extract %slice3A_469[0] : i32 from vector<1xi32>
          %eq3A_471 = arith.constant 0 : i32
          %eq3A_472 = arith.cmpi eq, %squeeze3A_470, %eq3A_471 : i32
          %mul3A_473 = arith.constant 16 : i32
          %mul3A_474 = arith.muli %scan3A_299, %mul3A_473 : i32
          %add3A_475 = arith.constant 14 : i32
          %add3A_476 = arith.addi %mul3A_474, %add3A_475 : i32
          %convert_element_type3A_477 = arith.extui %eq3A_472 : i1 to i32
          %cond3A_478 = arith.constant 0 : i32
          %cond3A_479 = arith.cmpi ne, %convert_element_type3A_477, %cond3A_478 : i32
          scf.if %cond3A_479 {
            %swap3A = arith.constant 0 : i32
            %swap3A_491 = arith.index_cast %swap3A : i32 to index
            %swap3A_492 = arith.index_cast %add3A_476 : i32 to index
            %swap3A_493 = arith.constant 0 : index
            %swap3A_494 = tpu.vector_load %arg6[%swap3A_491, %swap3A_492, %swap3A_493] {strides = array<i32>} : memref<4x128x128xf32, #tpu.memory_space<vmem>>, vector<16xf32>,
            tpu.vector_store %arg6[%swap3A_491, %swap3A_492, %swap3A_493], %broadcast_in_dim3A_314 {strides = array<i32>} : memref<4x128x128xf32, #tpu.memory_space<vmem>>, vector<16xf32>,
            %swap3A_495 = arith.constant 0 : i32
            %swap3A_496 = arith.index_cast %swap3A_495 : i32 to index
            %swap3A_497 = arith.index_cast %add3A_476 : i32 to index
            %swap3A_498 = arith.constant 16 : index
            %swap3A_499 = tpu.vector_load %arg6[%swap3A_496, %swap3A_497, %swap3A_498] {strides = array<i32>} : memref<4x128x128xf32, #tpu.memory_space<vmem>>, vector<16xf32>,
            tpu.vector_store %arg6[%swap3A_496, %swap3A_497, %swap3A_498], %broadcast_in_dim3A_314 {strides = array<i32>} : memref<4x128x128xf32, #tpu.memory_space<vmem>>, vector<16xf32>,
            %swap3A_500 = arith.constant 0 : i32
            %swap3A_501 = arith.index_cast %swap3A_500 : i32 to index
            %swap3A_502 = arith.index_cast %add3A_476 : i32 to index
            %swap3A_503 = arith.constant 32 : index
            %swap3A_504 = tpu.vector_load %arg6[%swap3A_501, %swap3A_502, %swap3A_503] {strides = array<i32>} : memref<4x128x128xf32, #tpu.memory_space<vmem>>, vector<16xf32>,
            tpu.vector_store %arg6[%swap3A_501, %swap3A_502, %swap3A_503], %broadcast_in_dim3A_314 {strides = array<i32>} : memref<4x128x128xf32, #tpu.memory_space<vmem>>, vector<16xf32>,
            %swap3A_505 = arith.constant 0 : i32
            %swap3A_506 = arith.index_cast %swap3A_505 : i32 to index
            %swap3A_507 = arith.index_cast %add3A_476 : i32 to index
            %swap3A_508 = arith.constant 48 : index
            %swap3A_509 = tpu.vector_load %arg6[%swap3A_506, %swap3A_507, %swap3A_508] {strides = array<i32>} : memref<4x128x128xf32, #tpu.memory_space<vmem>>, vector<16xf32>,
            tpu.vector_store %arg6[%swap3A_506, %swap3A_507, %swap3A_508], %broadcast_in_dim3A_314 {strides = array<i32>} : memref<4x128x128xf32, #tpu.memory_space<vmem>>, vector<16xf32>,
            %swap3A_510 = arith.constant 0 : i32
            %swap3A_511 = arith.index_cast %swap3A_510 : i32 to index
            %swap3A_512 = arith.index_cast %add3A_476 : i32 to index
            %swap3A_513 = arith.constant 64 : index
            %swap3A_514 = tpu.vector_load %arg6[%swap3A_511, %swap3A_512, %swap3A_513] {strides = array<i32>} : memref<4x128x128xf32, #tpu.memory_space<vmem>>, vector<16xf32>,
            tpu.vector_store %arg6[%swap3A_511, %swap3A_512, %swap3A_513], %broadcast_in_dim3A_314 {strides = array<i32>} : memref<4x128x128xf32, #tpu.memory_space<vmem>>, vector<16xf32>,
            %swap3A_515 = arith.constant 0 : i32
            %swap3A_516 = arith.index_cast %swap3A_515 : i32 to index
            %swap3A_517 = arith.index_cast %add3A_476 : i32 to index
            %swap3A_518 = arith.constant 80 : index
            %swap3A_519 = tpu.vector_load %arg6[%swap3A_516, %swap3A_517, %swap3A_518] {strides = array<i32>} : memref<4x128x128xf32, #tpu.memory_space<vmem>>, vector<16xf32>,
            tpu.vector_store %arg6[%swap3A_516, %swap3A_517, %swap3A_518], %broadcast_in_dim3A_314 {strides = array<i32>} : memref<4x128x128xf32, #tpu.memory_space<vmem>>, vector<16xf32>,
            %swap3A_520 = arith.constant 0 : i32
            %swap3A_521 = arith.index_cast %swap3A_520 : i32 to index
            %swap3A_522 = arith.index_cast %add3A_476 : i32 to index
            %swap3A_523 = arith.constant 96 : index
            %swap3A_524 = tpu.vector_load %arg6[%swap3A_521, %swap3A_522, %swap3A_523] {strides = array<i32>} : memref<4x128x128xf32, #tpu.memory_space<vmem>>, vector<16xf32>,
            tpu.vector_store %arg6[%swap3A_521, %swap3A_522, %swap3A_523], %broadcast_in_dim3A_314 {strides = array<i32>} : memref<4x128x128xf32, #tpu.memory_space<vmem>>, vector<16xf32>,
            %swap3A_525 = arith.constant 0 : i32
            %swap3A_526 = arith.index_cast %swap3A_525 : i32 to index
            %swap3A_527 = arith.index_cast %add3A_476 : i32 to index
            %swap3A_528 = arith.constant 112 : index
            %swap3A_529 = tpu.vector_load %arg6[%swap3A_526, %swap3A_527, %swap3A_528] {strides = array<i32>} : memref<4x128x128xf32, #tpu.memory_space<vmem>>, vector<16xf32>,
            tpu.vector_store %arg6[%swap3A_526, %swap3A_527, %swap3A_528], %broadcast_in_dim3A_314 {strides = array<i32>} : memref<4x128x128xf32, #tpu.memory_space<vmem>>, vector<16xf32>,
          } else {
          }
          %slice3A_480 = vector.extract_strided_slice %get3A_306 {offsets = [15], sizes = [1], strides = [1]} : vector<16xi32> to vector<1xi32>
          %squeeze3A_481 = vector.extract %slice3A_480[0] : i32 from vector<1xi32>
          %eq3A_482 = arith.constant 0 : i32
          %eq3A_483 = arith.cmpi eq, %squeeze3A_481, %eq3A_482 : i32
          %mul3A_484 = arith.constant 16 : i32
          %mul3A_485 = arith.muli %scan3A_299, %mul3A_484 : i32
          %add3A_486 = arith.constant 15 : i32
          %add3A_487 = arith.addi %mul3A_485, %add3A_486 : i32
          %convert_element_type3A_488 = arith.extui %eq3A_483 : i1 to i32
          %cond3A_489 = arith.constant 0 : i32
          %cond3A_490 = arith.cmpi ne, %convert_element_type3A_488, %cond3A_489 : i32
          scf.if %cond3A_490 {
            %swap3A = arith.constant 0 : i32
            %swap3A_491 = arith.index_cast %swap3A : i32 to index
            %swap3A_492 = arith.index_cast %add3A_487 : i32 to index
            %swap3A_493 = arith.constant 0 : index
            %swap3A_494 = tpu.vector_load %arg6[%swap3A_491, %swap3A_492, %swap3A_493] {strides = array<i32>} : memref<4x128x128xf32, #tpu.memory_space<vmem>>, vector<16xf32>,
            tpu.vector_store %arg6[%swap3A_491, %swap3A_492, %swap3A_493], %broadcast_in_dim3A_314 {strides = array<i32>} : memref<4x128x128xf32, #tpu.memory_space<vmem>>, vector<16xf32>,
            %swap3A_495 = arith.constant 0 : i32
            %swap3A_496 = arith.index_cast %swap3A_495 : i32 to index
            %swap3A_497 = arith.index_cast %add3A_487 : i32 to index
            %swap3A_498 = arith.constant 16 : index
            %swap3A_499 = tpu.vector_load %arg6[%swap3A_496, %swap3A_497, %swap3A_498] {strides = array<i32>} : memref<4x128x128xf32, #tpu.memory_space<vmem>>, vector<16xf32>,
            tpu.vector_store %arg6[%swap3A_496, %swap3A_497, %swap3A_498], %broadcast_in_dim3A_314 {strides = array<i32>} : memref<4x128x128xf32, #tpu.memory_space<vmem>>, vector<16xf32>,
            %swap3A_500 = arith.constant 0 : i32
            %swap3A_501 = arith.index_cast %swap3A_500 : i32 to index
            %swap3A_502 = arith.index_cast %add3A_487 : i32 to index
            %swap3A_503 = arith.constant 32 : index
            %swap3A_504 = tpu.vector_load %arg6[%swap3A_501, %swap3A_502, %swap3A_503] {strides = array<i32>} : memref<4x128x128xf32, #tpu.memory_space<vmem>>, vector<16xf32>,
            tpu.vector_store %arg6[%swap3A_501, %swap3A_502, %swap3A_503], %broadcast_in_dim3A_314 {strides = array<i32>} : memref<4x128x128xf32, #tpu.memory_space<vmem>>, vector<16xf32>,
            %swap3A_505 = arith.constant 0 : i32
            %swap3A_506 = arith.index_cast %swap3A_505 : i32 to index
            %swap3A_507 = arith.index_cast %add3A_487 : i32 to index
            %swap3A_508 = arith.constant 48 : index
            %swap3A_509 = tpu.vector_load %arg6[%swap3A_506, %swap3A_507, %swap3A_508] {strides = array<i32>} : memref<4x128x128xf32, #tpu.memory_space<vmem>>, vector<16xf32>,
            tpu.vector_store %arg6[%swap3A_506, %swap3A_507, %swap3A_508], %broadcast_in_dim3A_314 {strides = array<i32>} : memref<4x128x128xf32, #tpu.memory_space<vmem>>, vector<16xf32>,
            %swap3A_510 = arith.constant 0 : i32
            %swap3A_511 = arith.index_cast %swap3A_510 : i32 to index
            %swap3A_512 = arith.index_cast %add3A_487 : i32 to index
            %swap3A_513 = arith.constant 64 : index
            %swap3A_514 = tpu.vector_load %arg6[%swap3A_511, %swap3A_512, %swap3A_513] {strides = array<i32>} : memref<4x128x128xf32, #tpu.memory_space<vmem>>, vector<16xf32>,
            tpu.vector_store %arg6[%swap3A_511, %swap3A_512, %swap3A_513], %broadcast_in_dim3A_314 {strides = array<i32>} : memref<4x128x128xf32, #tpu.memory_space<vmem>>, vector<16xf32>,
            %swap3A_515 = arith.constant 0 : i32
            %swap3A_516 = arith.index_cast %swap3A_515 : i32 to index
            %swap3A_517 = arith.index_cast %add3A_487 : i32 to index
            %swap3A_518 = arith.constant 80 : index
            %swap3A_519 = tpu.vector_load %arg6[%swap3A_516, %swap3A_517, %swap3A_518] {strides = array<i32>} : memref<4x128x128xf32, #tpu.memory_space<vmem>>, vector<16xf32>,
            tpu.vector_store %arg6[%swap3A_516, %swap3A_517, %swap3A_518], %broadcast_in_dim3A_314 {strides = array<i32>} : memref<4x128x128xf32, #tpu.memory_space<vmem>>, vector<16xf32>,
            %swap3A_520 = arith.constant 0 : i32
            %swap3A_521 = arith.index_cast %swap3A_520 : i32 to index
            %swap3A_522 = arith.index_cast %add3A_487 : i32 to index
            %swap3A_523 = arith.constant 96 : index
            %swap3A_524 = tpu.vector_load %arg6[%swap3A_521, %swap3A_522, %swap3A_523] {strides = array<i32>} : memref<4x128x128xf32, #tpu.memory_space<vmem>>, vector<16xf32>,
            tpu.vector_store %arg6[%swap3A_521, %swap3A_522, %swap3A_523], %broadcast_in_dim3A_314 {strides = array<i32>} : memref<4x128x128xf32, #tpu.memory_space<vmem>>, vector<16xf32>,
            %swap3A_525 = arith.constant 0 : i32
            %swap3A_526 = arith.index_cast %swap3A_525 : i32 to index
            %swap3A_527 = arith.index_cast %add3A_487 : i32 to index
            %swap3A_528 = arith.constant 112 : index
            %swap3A_529 = tpu.vector_load %arg6[%swap3A_526, %swap3A_527, %swap3A_528] {strides = array<i32>} : memref<4x128x128xf32, #tpu.memory_space<vmem>>, vector<16xf32>,
            tpu.vector_store %arg6[%swap3A_526, %swap3A_527, %swap3A_528], %broadcast_in_dim3A_314 {strides = array<i32>} : memref<4x128x128xf32, #tpu.memory_space<vmem>>, vector<16xf32>,
          } else {
          }
        } else {
        }
        %scan3A_313 = arith.constant 0 : i32
        scf.yield %scan3A_313 : i32
      }
      %scan3A_130 = arith.constant 8 : i32
      %mul3A_131 = arith.constant 128 : i32
      %mul3A_132 = arith.muli %add3A_108, %mul3A_131 : i32
      %add3A_133 = arith.addi %mul3A_2, %mul3A_132 : i32
      %dma_start3A_134 = arith.constant 0 : i32
      %dma_start3A_135 = arith.constant 0 : i32
      %dma_start3A_136 = arith.constant 0 : i32
      %dma_start3A_137 = tpu.memref_slice %arg6[%dma_start3A_134, %dma_start3A_135, %dma_start3A_136] : memref<4x128x128xf32, #tpu.memory_space<vmem>> -> memref<1x128x128xf32, #tpu.memory_space<vmem>>
      %dma_start3A_138 = tpu.memref_squeeze %dma_start3A_137 : memref<1x128x128xf32, #tpu.memory_space<vmem>> -> memref<128x128xf32, #tpu.memory_space<vmem>>
      %dma_start3A_139 = arith.constant 0 : i32
      %dma_start3A_140 = tpu.memref_slice %arg4[%add3A_133, %dma_start3A_139] : memref<819200x128xf32, #tpu.memory_space<hbm>> -> memref<128x128xf32, #tpu.memory_space<hbm>>
      %dma_start3A_141 = arith.constant 0 : i32
      %dma_start3A_142 = tpu.memref_slice %arg4[%add3A_133, %dma_start3A_141] : memref<819200x128xf32, #tpu.memory_space<hbm>> -> memref<128x128xf32, #tpu.memory_space<hbm>>
      %dma_start3A_143 = arith.constant 0 : i32
      %dma_start3A_144 = arith.constant 0 : i32
      %dma_start3A_145 = tpu.memref_slice %arg6[%dma_start3A_134, %dma_start3A_143, %dma_start3A_144] : memref<4x128x128xf32, #tpu.memory_space<vmem>> -> memref<1x128x128xf32, #tpu.memory_space<vmem>>
      %dma_start3A_146 = tpu.memref_squeeze %dma_start3A_145 : memref<1x128x128xf32, #tpu.memory_space<vmem>> -> memref<128x128xf32, #tpu.memory_space<vmem>>
      tpu.enqueue_dma source(%dma_start3A_146 : memref<128x128xf32, #tpu.memory_space<vmem>>) target(%dma_start3A_142 : memref<128x128xf32, #tpu.memory_space<hbm>>) target_semaphore(%arg11 : memref<!tpu.dma_semaphore, #tpu.memory_space<semaphore_mem>>)
      %add3A_147 = arith.constant 3 : i32
      %add3A_148 = arith.addi %add3A_108, %add3A_147 : i32
      %lt3A = arith.constant 200 : i32
      %lt3A_149 = arith.cmpi slt, %add3A_148, %lt3A : i32
      %convert_element_type3A = arith.extui %lt3A_149 : i1 to i32
      %cond3A = arith.constant 0 : i32
      %cond3A_150 = arith.cmpi ne, %convert_element_type3A, %cond3A : i32
      scf.if %cond3A_150 {
        %ge3A = arith.constant 4 : i32
        %ge3A_299 = arith.cmpi sge, %add3A_148, %ge3A : i32
        %convert_element_type3A_300 = arith.extui %ge3A_299 : i1 to i32
        %cond3A_301 = arith.constant 0 : i32
        %cond3A_302 = arith.cmpi ne, %convert_element_type3A_300, %cond3A_301 : i32
        scf.if %cond3A_302 {
          %dma_wait3A_314 = arith.constant 3 : i32
          %dma_wait3A_315 = arith.constant 0 : i32
          %dma_wait3A_316 = arith.constant 0 : i32
          %dma_wait3A_317 = tpu.memref_slice %arg6[%dma_wait3A_314, %dma_wait3A_315, %dma_wait3A_316] : memref<4x128x128xf32, #tpu.memory_space<vmem>> -> memref<1x128x128xf32, #tpu.memory_space<vmem>>
          %dma_wait3A_318 = tpu.memref_squeeze %dma_wait3A_317 : memref<1x128x128xf32, #tpu.memory_space<vmem>> -> memref<128x128xf32, #tpu.memory_space<vmem>>
          %dma_wait3A_319 = arith.constant 0 : i32
          %dma_wait3A_320 = arith.constant 0 : i32
          %dma_wait3A_321 = tpu.memref_slice %arg4[%dma_wait3A_319, %dma_wait3A_320] : memref<819200x128xf32, #tpu.memory_space<hbm>> -> memref<128x128xf32, #tpu.memory_space<hbm>>
          %dma_wait3A_322 = arith.constant 0 : i32
          %dma_wait3A_323 = arith.constant 0 : i32
          %dma_wait3A_324 = tpu.memref_slice %arg4[%dma_wait3A_322, %dma_wait3A_323] : memref<819200x128xf32, #tpu.memory_space<hbm>> -> memref<128x128xf32, #tpu.memory_space<hbm>>
          %dma_wait3A_325 = arith.constant 0 : i32
          %dma_wait3A_326 = arith.constant 0 : i32
          %dma_wait3A_327 = tpu.memref_slice %arg6[%dma_wait3A_314, %dma_wait3A_325, %dma_wait3A_326] : memref<4x128x128xf32, #tpu.memory_space<vmem>> -> memref<1x128x128xf32, #tpu.memory_space<vmem>>
          %dma_wait3A_328 = tpu.memref_squeeze %dma_wait3A_327 : memref<1x128x128xf32, #tpu.memory_space<vmem>> -> memref<128x128xf32, #tpu.memory_space<vmem>>
          tpu.wait_dma2 semaphore(%arg14 : memref<!tpu.dma_semaphore, #tpu.memory_space<semaphore_mem>>) src(%dma_wait3A_328 : memref<128x128xf32, #tpu.memory_space<vmem>>) dst(%dma_wait3A_324 : memref<128x128xf32, #tpu.memory_space<hbm>>)
        } else {
        }
        %mul3A_303 = arith.constant 128 : i32
        %mul3A_304 = arith.muli %add3A_148, %mul3A_303 : i32
        %dma_start3A_305 = arith.constant 3 : i32
        %dma_start3A_306 = arith.constant 0 : i32
        %dma_start3A_307 = arith.constant 0 : i32
        %dma_start3A_308 = tpu.memref_slice %arg6[%dma_start3A_305, %dma_start3A_306, %dma_start3A_307] : memref<4x128x128xf32, #tpu.memory_space<vmem>> -> memref<1x128x128xf32, #tpu.memory_space<vmem>>
        %dma_start3A_309 = tpu.memref_squeeze %dma_start3A_308 : memref<1x128x128xf32, #tpu.memory_space<vmem>> -> memref<128x128xf32, #tpu.memory_space<vmem>>
        %dma_start3A_310 = tpu.memref_slice %arg5[%mul3A_304] : memref<25600xi32, #tpu.memory_space<vmem>> -> memref<128xi32, #tpu.memory_space<vmem>>
        %dma_start3A_311 = arith.constant 0 : i32
        %dma_start3A_312 = arith.constant 0 : i32
        %dma_start3A_313 = tpu.memref_slice %arg2[%dma_start3A_311, %dma_start3A_312] : memref<100000x128xf32, #tpu.memory_space<hbm>> -> memref<100000x128xf32, #tpu.memory_space<hbm>>
        tpu.enqueue_indirect_dma source(%dma_start3A_313 : memref<100000x128xf32, #tpu.memory_space<hbm>>) target(%dma_start3A_309 : memref<128x128xf32, #tpu.memory_space<vmem>>) offsets(%dma_start3A_310 : memref<128xi32, #tpu.memory_space<vmem>>) semaphore(%arg10 : memref<!tpu.dma_semaphore, #tpu.memory_space<semaphore_mem>>)
      } else {
      }
      %mul3A_151 = arith.constant 4 : i32
      %mul3A_152 = arith.muli %scan3A_103, %mul3A_151 : i32
      %add3A_153 = arith.constant 1 : i32
      %add3A_154 = arith.addi %mul3A_152, %add3A_153 : i32
      %dma_wait3A_155 = arith.constant 1 : i32
      %dma_wait3A_156 = arith.constant 0 : i32
      %dma_wait3A_157 = arith.constant 0 : i32
      %dma_wait3A_158 = tpu.memref_slice %arg6[%dma_wait3A_155, %dma_wait3A_156, %dma_wait3A_157] : memref<4x128x128xf32, #tpu.memory_space<vmem>> -> memref<1x128x128xf32, #tpu.memory_space<vmem>>
      %dma_wait3A_159 = tpu.memref_squeeze %dma_wait3A_158 : memref<1x128x128xf32, #tpu.memory_space<vmem>> -> memref<128x128xf32, #tpu.memory_space<vmem>>
      %dma_wait3A_160 = arith.constant 0 : i32
      %dma_wait3A_161 = arith.constant 0 : i32
      %dma_wait3A_162 = tpu.memref_slice %arg2[%dma_wait3A_160, %dma_wait3A_161] : memref<100000x128xf32, #tpu.memory_space<hbm>> -> memref<128x128xf32, #tpu.memory_space<hbm>>
      %dma_wait3A_163 = arith.constant 0 : i32
      %dma_wait3A_164 = arith.constant 0 : i32
      %dma_wait3A_165 = tpu.memref_slice %arg6[%dma_wait3A_155, %dma_wait3A_163, %dma_wait3A_164] : memref<4x128x128xf32, #tpu.memory_space<vmem>> -> memref<1x128x128xf32, #tpu.memory_space<vmem>>
      %dma_wait3A_166 = tpu.memref_squeeze %dma_wait3A_165 : memref<1x128x128xf32, #tpu.memory_space<vmem>> -> memref<128x128xf32, #tpu.memory_space<vmem>>
      %dma_wait3A_167 = arith.constant 0 : i32
      %dma_wait3A_168 = arith.constant 0 : i32
      %dma_wait3A_169 = tpu.memref_slice %arg2[%dma_wait3A_167, %dma_wait3A_168] : memref<100000x128xf32, #tpu.memory_space<hbm>> -> memref<128x128xf32, #tpu.memory_space<hbm>>
      tpu.wait_dma2 semaphore(%arg8 : memref<!tpu.dma_semaphore, #tpu.memory_space<semaphore_mem>>) src(%dma_wait3A_169 : memref<128x128xf32, #tpu.memory_space<hbm>>) dst(%dma_wait3A_166 : memref<128x128xf32, #tpu.memory_space<vmem>>)
      %scan3A_170 = arith.constant 0 : i32
      %scan3A_171 = arith.constant 0 : i32
      %scan3A_172 = arith.constant 8 : i32
      %scan3A_173 = arith.addi %scan3A_171, %scan3A_172 : i32
      %scan3A_174 = arith.constant 1 : i32
      %scan3A_175 = scf.for %scan3A_299 = %scan3A_171 to %scan3A_173 step %scan3A_174 iter_args(%scan3A_300 = %scan3A_170) -> (i32)  : i32 {
        %mul3A_301 = arith.constant 128 : i32
        %mul3A_302 = arith.muli %add3A_154, %mul3A_301 : i32
        %mul3A_303 = arith.constant 16 : i32
        %mul3A_304 = arith.muli %scan3A_299, %mul3A_303 : i32
        %add3A_305 = arith.addi %mul3A_302, %mul3A_304 : i32
        %get3A = arith.index_cast %add3A_305 : i32 to index
        %get3A_306 = tpu.vector_load %arg5[%get3A] {strides = array<i32>} : memref<25600xi32, #tpu.memory_space<vmem>>, vector<16xi32>,
        %eq3A = arith.constant 0 : i32
        %eq3A_307 = vector.broadcast %eq3A : i32 to vector<16xi32>
        %eq3A_308 = arith.cmpi eq, %get3A_306, %eq3A_307 : vector<16xi32>
        %all_reduce_population_count3A = tpu.all_reduce %eq3A_308 {dim = 0 : i64, kind = #tpu.reduction_kind<sum>} : vector<16xi1> -> vector<16xi32>
        %slice3A = vector.extract_strided_slice %all_reduce_population_count3A {offsets = [0], sizes = [1], strides = [1]} : vector<16xi32> to vector<1xi32>
        %squeeze3A = vector.extract %slice3A[0] : i32 from vector<1xi32>
        %gt3A = arith.constant 0 : i32
        %gt3A_309 = arith.cmpi sgt, %squeeze3A, %gt3A : i32
        %convert_element_type3A_310 = arith.extui %gt3A_309 : i1 to i32
        %cond3A_311 = arith.constant 0 : i32
        %cond3A_312 = arith.cmpi ne, %convert_element_type3A_310, %cond3A_311 : i32
        scf.if %cond3A_312 {
          %broadcast_in_dim3A = arith.constant 0.000000e+00 : f32
          %broadcast_in_dim3A_314 = vector.broadcast %broadcast_in_dim3A : f32 to vector<16xf32>
          %slice3A_315 = vector.extract_strided_slice %get3A_306 {offsets = [0], sizes = [1], strides = [1]} : vector<16xi32> to vector<1xi32>
          %squeeze3A_316 = vector.extract %slice3A_315[0] : i32 from vector<1xi32>
          %eq3A_317 = arith.constant 0 : i32
          %eq3A_318 = arith.cmpi eq, %squeeze3A_316, %eq3A_317 : i32
          %mul3A_319 = arith.constant 16 : i32
          %mul3A_320 = arith.muli %scan3A_299, %mul3A_319 : i32
          %add3A_321 = arith.constant 0 : i32
          %add3A_322 = arith.addi %mul3A_320, %add3A_321 : i32
          %convert_element_type3A_323 = arith.extui %eq3A_318 : i1 to i32
          %cond3A_324 = arith.constant 0 : i32
          %cond3A_325 = arith.cmpi ne, %convert_element_type3A_323, %cond3A_324 : i32
          scf.if %cond3A_325 {
            %swap3A = arith.constant 1 : i32
            %swap3A_491 = arith.index_cast %swap3A : i32 to index
            %swap3A_492 = arith.index_cast %add3A_322 : i32 to index
            %swap3A_493 = arith.constant 0 : index
            %swap3A_494 = tpu.vector_load %arg6[%swap3A_491, %swap3A_492, %swap3A_493] {strides = array<i32>} : memref<4x128x128xf32, #tpu.memory_space<vmem>>, vector<16xf32>,
            tpu.vector_store %arg6[%swap3A_491, %swap3A_492, %swap3A_493], %broadcast_in_dim3A_314 {strides = array<i32>} : memref<4x128x128xf32, #tpu.memory_space<vmem>>, vector<16xf32>,
            %swap3A_495 = arith.constant 1 : i32
            %swap3A_496 = arith.index_cast %swap3A_495 : i32 to index
            %swap3A_497 = arith.index_cast %add3A_322 : i32 to index
            %swap3A_498 = arith.constant 16 : index
            %swap3A_499 = tpu.vector_load %arg6[%swap3A_496, %swap3A_497, %swap3A_498] {strides = array<i32>} : memref<4x128x128xf32, #tpu.memory_space<vmem>>, vector<16xf32>,
            tpu.vector_store %arg6[%swap3A_496, %swap3A_497, %swap3A_498], %broadcast_in_dim3A_314 {strides = array<i32>} : memref<4x128x128xf32, #tpu.memory_space<vmem>>, vector<16xf32>,
            %swap3A_500 = arith.constant 1 : i32
            %swap3A_501 = arith.index_cast %swap3A_500 : i32 to index
            %swap3A_502 = arith.index_cast %add3A_322 : i32 to index
            %swap3A_503 = arith.constant 32 : index
            %swap3A_504 = tpu.vector_load %arg6[%swap3A_501, %swap3A_502, %swap3A_503] {strides = array<i32>} : memref<4x128x128xf32, #tpu.memory_space<vmem>>, vector<16xf32>,
            tpu.vector_store %arg6[%swap3A_501, %swap3A_502, %swap3A_503], %broadcast_in_dim3A_314 {strides = array<i32>} : memref<4x128x128xf32, #tpu.memory_space<vmem>>, vector<16xf32>,
            %swap3A_505 = arith.constant 1 : i32
            %swap3A_506 = arith.index_cast %swap3A_505 : i32 to index
            %swap3A_507 = arith.index_cast %add3A_322 : i32 to index
            %swap3A_508 = arith.constant 48 : index
            %swap3A_509 = tpu.vector_load %arg6[%swap3A_506, %swap3A_507, %swap3A_508] {strides = array<i32>} : memref<4x128x128xf32, #tpu.memory_space<vmem>>, vector<16xf32>,
            tpu.vector_store %arg6[%swap3A_506, %swap3A_507, %swap3A_508], %broadcast_in_dim3A_314 {strides = array<i32>} : memref<4x128x128xf32, #tpu.memory_space<vmem>>, vector<16xf32>,
            %swap3A_510 = arith.constant 1 : i32
            %swap3A_511 = arith.index_cast %swap3A_510 : i32 to index
            %swap3A_512 = arith.index_cast %add3A_322 : i32 to index
            %swap3A_513 = arith.constant 64 : index
            %swap3A_514 = tpu.vector_load %arg6[%swap3A_511, %swap3A_512, %swap3A_513] {strides = array<i32>} : memref<4x128x128xf32, #tpu.memory_space<vmem>>, vector<16xf32>,
            tpu.vector_store %arg6[%swap3A_511, %swap3A_512, %swap3A_513], %broadcast_in_dim3A_314 {strides = array<i32>} : memref<4x128x128xf32, #tpu.memory_space<vmem>>, vector<16xf32>,
            %swap3A_515 = arith.constant 1 : i32
            %swap3A_516 = arith.index_cast %swap3A_515 : i32 to index
            %swap3A_517 = arith.index_cast %add3A_322 : i32 to index
            %swap3A_518 = arith.constant 80 : index
            %swap3A_519 = tpu.vector_load %arg6[%swap3A_516, %swap3A_517, %swap3A_518] {strides = array<i32>} : memref<4x128x128xf32, #tpu.memory_space<vmem>>, vector<16xf32>,
            tpu.vector_store %arg6[%swap3A_516, %swap3A_517, %swap3A_518], %broadcast_in_dim3A_314 {strides = array<i32>} : memref<4x128x128xf32, #tpu.memory_space<vmem>>, vector<16xf32>,
            %swap3A_520 = arith.constant 1 : i32
            %swap3A_521 = arith.index_cast %swap3A_520 : i32 to index
            %swap3A_522 = arith.index_cast %add3A_322 : i32 to index
            %swap3A_523 = arith.constant 96 : index
            %swap3A_524 = tpu.vector_load %arg6[%swap3A_521, %swap3A_522, %swap3A_523] {strides = array<i32>} : memref<4x128x128xf32, #tpu.memory_space<vmem>>, vector<16xf32>,
            tpu.vector_store %arg6[%swap3A_521, %swap3A_522, %swap3A_523], %broadcast_in_dim3A_314 {strides = array<i32>} : memref<4x128x128xf32, #tpu.memory_space<vmem>>, vector<16xf32>,
            %swap3A_525 = arith.constant 1 : i32
            %swap3A_526 = arith.index_cast %swap3A_525 : i32 to index
            %swap3A_527 = arith.index_cast %add3A_322 : i32 to index
            %swap3A_528 = arith.constant 112 : index
            %swap3A_529 = tpu.vector_load %arg6[%swap3A_526, %swap3A_527, %swap3A_528] {strides = array<i32>} : memref<4x128x128xf32, #tpu.memory_space<vmem>>, vector<16xf32>,
            tpu.vector_store %arg6[%swap3A_526, %swap3A_527, %swap3A_528], %broadcast_in_dim3A_314 {strides = array<i32>} : memref<4x128x128xf32, #tpu.memory_space<vmem>>, vector<16xf32>,
          } else {
          }
          %slice3A_326 = vector.extract_strided_slice %get3A_306 {offsets = [1], sizes = [1], strides = [1]} : vector<16xi32> to vector<1xi32>
          %squeeze3A_327 = vector.extract %slice3A_326[0] : i32 from vector<1xi32>
          %eq3A_328 = arith.constant 0 : i32
          %eq3A_329 = arith.cmpi eq, %squeeze3A_327, %eq3A_328 : i32
          %mul3A_330 = arith.constant 16 : i32
          %mul3A_331 = arith.muli %scan3A_299, %mul3A_330 : i32
          %add3A_332 = arith.constant 1 : i32
          %add3A_333 = arith.addi %mul3A_331, %add3A_332 : i32
          %convert_element_type3A_334 = arith.extui %eq3A_329 : i1 to i32
          %cond3A_335 = arith.constant 0 : i32
          %cond3A_336 = arith.cmpi ne, %convert_element_type3A_334, %cond3A_335 : i32
          scf.if %cond3A_336 {
            %swap3A = arith.constant 1 : i32
            %swap3A_491 = arith.index_cast %swap3A : i32 to index
            %swap3A_492 = arith.index_cast %add3A_333 : i32 to index
            %swap3A_493 = arith.constant 0 : index
            %swap3A_494 = tpu.vector_load %arg6[%swap3A_491, %swap3A_492, %swap3A_493] {strides = array<i32>} : memref<4x128x128xf32, #tpu.memory_space<vmem>>, vector<16xf32>,
            tpu.vector_store %arg6[%swap3A_491, %swap3A_492, %swap3A_493], %broadcast_in_dim3A_314 {strides = array<i32>} : memref<4x128x128xf32, #tpu.memory_space<vmem>>, vector<16xf32>,
            %swap3A_495 = arith.constant 1 : i32
            %swap3A_496 = arith.index_cast %swap3A_495 : i32 to index
            %swap3A_497 = arith.index_cast %add3A_333 : i32 to index
            %swap3A_498 = arith.constant 16 : index
            %swap3A_499 = tpu.vector_load %arg6[%swap3A_496, %swap3A_497, %swap3A_498] {strides = array<i32>} : memref<4x128x128xf32, #tpu.memory_space<vmem>>, vector<16xf32>,
            tpu.vector_store %arg6[%swap3A_496, %swap3A_497, %swap3A_498], %broadcast_in_dim3A_314 {strides = array<i32>} : memref<4x128x128xf32, #tpu.memory_space<vmem>>, vector<16xf32>,
            %swap3A_500 = arith.constant 1 : i32
            %swap3A_501 = arith.index_cast %swap3A_500 : i32 to index
            %swap3A_502 = arith.index_cast %add3A_333 : i32 to index
            %swap3A_503 = arith.constant 32 : index
            %swap3A_504 = tpu.vector_load %arg6[%swap3A_501, %swap3A_502, %swap3A_503] {strides = array<i32>} : memref<4x128x128xf32, #tpu.memory_space<vmem>>, vector<16xf32>,
            tpu.vector_store %arg6[%swap3A_501, %swap3A_502, %swap3A_503], %broadcast_in_dim3A_314 {strides = array<i32>} : memref<4x128x128xf32, #tpu.memory_space<vmem>>, vector<16xf32>,
            %swap3A_505 = arith.constant 1 : i32
            %swap3A_506 = arith.index_cast %swap3A_505 : i32 to index
            %swap3A_507 = arith.index_cast %add3A_333 : i32 to index
            %swap3A_508 = arith.constant 48 : index
            %swap3A_509 = tpu.vector_load %arg6[%swap3A_506, %swap3A_507, %swap3A_508] {strides = array<i32>} : memref<4x128x128xf32, #tpu.memory_space<vmem>>, vector<16xf32>,
            tpu.vector_store %arg6[%swap3A_506, %swap3A_507, %swap3A_508], %broadcast_in_dim3A_314 {strides = array<i32>} : memref<4x128x128xf32, #tpu.memory_space<vmem>>, vector<16xf32>,
            %swap3A_510 = arith.constant 1 : i32
            %swap3A_511 = arith.index_cast %swap3A_510 : i32 to index
            %swap3A_512 = arith.index_cast %add3A_333 : i32 to index
            %swap3A_513 = arith.constant 64 : index
            %swap3A_514 = tpu.vector_load %arg6[%swap3A_511, %swap3A_512, %swap3A_513] {strides = array<i32>} : memref<4x128x128xf32, #tpu.memory_space<vmem>>, vector<16xf32>,
            tpu.vector_store %arg6[%swap3A_511, %swap3A_512, %swap3A_513], %broadcast_in_dim3A_314 {strides = array<i32>} : memref<4x128x128xf32, #tpu.memory_space<vmem>>, vector<16xf32>,
            %swap3A_515 = arith.constant 1 : i32
            %swap3A_516 = arith.index_cast %swap3A_515 : i32 to index
            %swap3A_517 = arith.index_cast %add3A_333 : i32 to index
            %swap3A_518 = arith.constant 80 : index
            %swap3A_519 = tpu.vector_load %arg6[%swap3A_516, %swap3A_517, %swap3A_518] {strides = array<i32>} : memref<4x128x128xf32, #tpu.memory_space<vmem>>, vector<16xf32>,
            tpu.vector_store %arg6[%swap3A_516, %swap3A_517, %swap3A_518], %broadcast_in_dim3A_314 {strides = array<i32>} : memref<4x128x128xf32, #tpu.memory_space<vmem>>, vector<16xf32>,
            %swap3A_520 = arith.constant 1 : i32
            %swap3A_521 = arith.index_cast %swap3A_520 : i32 to index
            %swap3A_522 = arith.index_cast %add3A_333 : i32 to index
            %swap3A_523 = arith.constant 96 : index
            %swap3A_524 = tpu.vector_load %arg6[%swap3A_521, %swap3A_522, %swap3A_523] {strides = array<i32>} : memref<4x128x128xf32, #tpu.memory_space<vmem>>, vector<16xf32>,
            tpu.vector_store %arg6[%swap3A_521, %swap3A_522, %swap3A_523], %broadcast_in_dim3A_314 {strides = array<i32>} : memref<4x128x128xf32, #tpu.memory_space<vmem>>, vector<16xf32>,
            %swap3A_525 = arith.constant 1 : i32
            %swap3A_526 = arith.index_cast %swap3A_525 : i32 to index
            %swap3A_527 = arith.index_cast %add3A_333 : i32 to index
            %swap3A_528 = arith.constant 112 : index
            %swap3A_529 = tpu.vector_load %arg6[%swap3A_526, %swap3A_527, %swap3A_528] {strides = array<i32>} : memref<4x128x128xf32, #tpu.memory_space<vmem>>, vector<16xf32>,
            tpu.vector_store %arg6[%swap3A_526, %swap3A_527, %swap3A_528], %broadcast_in_dim3A_314 {strides = array<i32>} : memref<4x128x128xf32, #tpu.memory_space<vmem>>, vector<16xf32>,
          } else {
          }
          %slice3A_337 = vector.extract_strided_slice %get3A_306 {offsets = [2], sizes = [1], strides = [1]} : vector<16xi32> to vector<1xi32>
          %squeeze3A_338 = vector.extract %slice3A_337[0] : i32 from vector<1xi32>
          %eq3A_339 = arith.constant 0 : i32
          %eq3A_340 = arith.cmpi eq, %squeeze3A_338, %eq3A_339 : i32
          %mul3A_341 = arith.constant 16 : i32
          %mul3A_342 = arith.muli %scan3A_299, %mul3A_341 : i32
          %add3A_343 = arith.constant 2 : i32
          %add3A_344 = arith.addi %mul3A_342, %add3A_343 : i32
          %convert_element_type3A_345 = arith.extui %eq3A_340 : i1 to i32
          %cond3A_346 = arith.constant 0 : i32
          %cond3A_347 = arith.cmpi ne, %convert_element_type3A_345, %cond3A_346 : i32
          scf.if %cond3A_347 {
            %swap3A = arith.constant 1 : i32
            %swap3A_491 = arith.index_cast %swap3A : i32 to index
            %swap3A_492 = arith.index_cast %add3A_344 : i32 to index
            %swap3A_493 = arith.constant 0 : index
            %swap3A_494 = tpu.vector_load %arg6[%swap3A_491, %swap3A_492, %swap3A_493] {strides = array<i32>} : memref<4x128x128xf32, #tpu.memory_space<vmem>>, vector<16xf32>,
            tpu.vector_store %arg6[%swap3A_491, %swap3A_492, %swap3A_493], %broadcast_in_dim3A_314 {strides = array<i32>} : memref<4x128x128xf32, #tpu.memory_space<vmem>>, vector<16xf32>,
            %swap3A_495 = arith.constant 1 : i32
            %swap3A_496 = arith.index_cast %swap3A_495 : i32 to index
            %swap3A_497 = arith.index_cast %add3A_344 : i32 to index
            %swap3A_498 = arith.constant 16 : index
            %swap3A_499 = tpu.vector_load %arg6[%swap3A_496, %swap3A_497, %swap3A_498] {strides = array<i32>} : memref<4x128x128xf32, #tpu.memory_space<vmem>>, vector<16xf32>,
            tpu.vector_store %arg6[%swap3A_496, %swap3A_497, %swap3A_498], %broadcast_in_dim3A_314 {strides = array<i32>} : memref<4x128x128xf32, #tpu.memory_space<vmem>>, vector<16xf32>,
            %swap3A_500 = arith.constant 1 : i32
            %swap3A_501 = arith.index_cast %swap3A_500 : i32 to index
            %swap3A_502 = arith.index_cast %add3A_344 : i32 to index
            %swap3A_503 = arith.constant 32 : index
            %swap3A_504 = tpu.vector_load %arg6[%swap3A_501, %swap3A_502, %swap3A_503] {strides = array<i32>} : memref<4x128x128xf32, #tpu.memory_space<vmem>>, vector<16xf32>,
            tpu.vector_store %arg6[%swap3A_501, %swap3A_502, %swap3A_503], %broadcast_in_dim3A_314 {strides = array<i32>} : memref<4x128x128xf32, #tpu.memory_space<vmem>>, vector<16xf32>,
            %swap3A_505 = arith.constant 1 : i32
            %swap3A_506 = arith.index_cast %swap3A_505 : i32 to index
            %swap3A_507 = arith.index_cast %add3A_344 : i32 to index
            %swap3A_508 = arith.constant 48 : index
            %swap3A_509 = tpu.vector_load %arg6[%swap3A_506, %swap3A_507, %swap3A_508] {strides = array<i32>} : memref<4x128x128xf32, #tpu.memory_space<vmem>>, vector<16xf32>,
            tpu.vector_store %arg6[%swap3A_506, %swap3A_507, %swap3A_508], %broadcast_in_dim3A_314 {strides = array<i32>} : memref<4x128x128xf32, #tpu.memory_space<vmem>>, vector<16xf32>,
            %swap3A_510 = arith.constant 1 : i32
            %swap3A_511 = arith.index_cast %swap3A_510 : i32 to index
            %swap3A_512 = arith.index_cast %add3A_344 : i32 to index
            %swap3A_513 = arith.constant 64 : index
            %swap3A_514 = tpu.vector_load %arg6[%swap3A_511, %swap3A_512, %swap3A_513] {strides = array<i32>} : memref<4x128x128xf32, #tpu.memory_space<vmem>>, vector<16xf32>,
            tpu.vector_store %arg6[%swap3A_511, %swap3A_512, %swap3A_513], %broadcast_in_dim3A_314 {strides = array<i32>} : memref<4x128x128xf32, #tpu.memory_space<vmem>>, vector<16xf32>,
            %swap3A_515 = arith.constant 1 : i32
            %swap3A_516 = arith.index_cast %swap3A_515 : i32 to index
            %swap3A_517 = arith.index_cast %add3A_344 : i32 to index
            %swap3A_518 = arith.constant 80 : index
            %swap3A_519 = tpu.vector_load %arg6[%swap3A_516, %swap3A_517, %swap3A_518] {strides = array<i32>} : memref<4x128x128xf32, #tpu.memory_space<vmem>>, vector<16xf32>,
            tpu.vector_store %arg6[%swap3A_516, %swap3A_517, %swap3A_518], %broadcast_in_dim3A_314 {strides = array<i32>} : memref<4x128x128xf32, #tpu.memory_space<vmem>>, vector<16xf32>,
            %swap3A_520 = arith.constant 1 : i32
            %swap3A_521 = arith.index_cast %swap3A_520 : i32 to index
            %swap3A_522 = arith.index_cast %add3A_344 : i32 to index
            %swap3A_523 = arith.constant 96 : index
            %swap3A_524 = tpu.vector_load %arg6[%swap3A_521, %swap3A_522, %swap3A_523] {strides = array<i32>} : memref<4x128x128xf32, #tpu.memory_space<vmem>>, vector<16xf32>,
            tpu.vector_store %arg6[%swap3A_521, %swap3A_522, %swap3A_523], %broadcast_in_dim3A_314 {strides = array<i32>} : memref<4x128x128xf32, #tpu.memory_space<vmem>>, vector<16xf32>,
            %swap3A_525 = arith.constant 1 : i32
            %swap3A_526 = arith.index_cast %swap3A_525 : i32 to index
            %swap3A_527 = arith.index_cast %add3A_344 : i32 to index
            %swap3A_528 = arith.constant 112 : index
            %swap3A_529 = tpu.vector_load %arg6[%swap3A_526, %swap3A_527, %swap3A_528] {strides = array<i32>} : memref<4x128x128xf32, #tpu.memory_space<vmem>>, vector<16xf32>,
            tpu.vector_store %arg6[%swap3A_526, %swap3A_527, %swap3A_528], %broadcast_in_dim3A_314 {strides = array<i32>} : memref<4x128x128xf32, #tpu.memory_space<vmem>>, vector<16xf32>,
          } else {
          }
          %slice3A_348 = vector.extract_strided_slice %get3A_306 {offsets = [3], sizes = [1], strides = [1]} : vector<16xi32> to vector<1xi32>
          %squeeze3A_349 = vector.extract %slice3A_348[0] : i32 from vector<1xi32>
          %eq3A_350 = arith.constant 0 : i32
          %eq3A_351 = arith.cmpi eq, %squeeze3A_349, %eq3A_350 : i32
          %mul3A_352 = arith.constant 16 : i32
          %mul3A_353 = arith.muli %scan3A_299, %mul3A_352 : i32
          %add3A_354 = arith.constant 3 : i32
          %add3A_355 = arith.addi %mul3A_353, %add3A_354 : i32
          %convert_element_type3A_356 = arith.extui %eq3A_351 : i1 to i32
          %cond3A_357 = arith.constant 0 : i32
          %cond3A_358 = arith.cmpi ne, %convert_element_type3A_356, %cond3A_357 : i32
          scf.if %cond3A_358 {
            %swap3A = arith.constant 1 : i32
            %swap3A_491 = arith.index_cast %swap3A : i32 to index
            %swap3A_492 = arith.index_cast %add3A_355 : i32 to index
            %swap3A_493 = arith.constant 0 : index
            %swap3A_494 = tpu.vector_load %arg6[%swap3A_491, %swap3A_492, %swap3A_493] {strides = array<i32>} : memref<4x128x128xf32, #tpu.memory_space<vmem>>, vector<16xf32>,
            tpu.vector_store %arg6[%swap3A_491, %swap3A_492, %swap3A_493], %broadcast_in_dim3A_314 {strides = array<i32>} : memref<4x128x128xf32, #tpu.memory_space<vmem>>, vector<16xf32>,
            %swap3A_495 = arith.constant 1 : i32
            %swap3A_496 = arith.index_cast %swap3A_495 : i32 to index
            %swap3A_497 = arith.index_cast %add3A_355 : i32 to index
            %swap3A_498 = arith.constant 16 : index
            %swap3A_499 = tpu.vector_load %arg6[%swap3A_496, %swap3A_497, %swap3A_498] {strides = array<i32>} : memref<4x128x128xf32, #tpu.memory_space<vmem>>, vector<16xf32>,
            tpu.vector_store %arg6[%swap3A_496, %swap3A_497, %swap3A_498], %broadcast_in_dim3A_314 {strides = array<i32>} : memref<4x128x128xf32, #tpu.memory_space<vmem>>, vector<16xf32>,
            %swap3A_500 = arith.constant 1 : i32
            %swap3A_501 = arith.index_cast %swap3A_500 : i32 to index
            %swap3A_502 = arith.index_cast %add3A_355 : i32 to index
            %swap3A_503 = arith.constant 32 : index
            %swap3A_504 = tpu.vector_load %arg6[%swap3A_501, %swap3A_502, %swap3A_503] {strides = array<i32>} : memref<4x128x128xf32, #tpu.memory_space<vmem>>, vector<16xf32>,
            tpu.vector_store %arg6[%swap3A_501, %swap3A_502, %swap3A_503], %broadcast_in_dim3A_314 {strides = array<i32>} : memref<4x128x128xf32, #tpu.memory_space<vmem>>, vector<16xf32>,
            %swap3A_505 = arith.constant 1 : i32
            %swap3A_506 = arith.index_cast %swap3A_505 : i32 to index
            %swap3A_507 = arith.index_cast %add3A_355 : i32 to index
            %swap3A_508 = arith.constant 48 : index
            %swap3A_509 = tpu.vector_load %arg6[%swap3A_506, %swap3A_507, %swap3A_508] {strides = array<i32>} : memref<4x128x128xf32, #tpu.memory_space<vmem>>, vector<16xf32>,
            tpu.vector_store %arg6[%swap3A_506, %swap3A_507, %swap3A_508], %broadcast_in_dim3A_314 {strides = array<i32>} : memref<4x128x128xf32, #tpu.memory_space<vmem>>, vector<16xf32>,
            %swap3A_510 = arith.constant 1 : i32
            %swap3A_511 = arith.index_cast %swap3A_510 : i32 to index
            %swap3A_512 = arith.index_cast %add3A_355 : i32 to index
            %swap3A_513 = arith.constant 64 : index
            %swap3A_514 = tpu.vector_load %arg6[%swap3A_511, %swap3A_512, %swap3A_513] {strides = array<i32>} : memref<4x128x128xf32, #tpu.memory_space<vmem>>, vector<16xf32>,
            tpu.vector_store %arg6[%swap3A_511, %swap3A_512, %swap3A_513], %broadcast_in_dim3A_314 {strides = array<i32>} : memref<4x128x128xf32, #tpu.memory_space<vmem>>, vector<16xf32>,
            %swap3A_515 = arith.constant 1 : i32
            %swap3A_516 = arith.index_cast %swap3A_515 : i32 to index
            %swap3A_517 = arith.index_cast %add3A_355 : i32 to index
            %swap3A_518 = arith.constant 80 : index
            %swap3A_519 = tpu.vector_load %arg6[%swap3A_516, %swap3A_517, %swap3A_518] {strides = array<i32>} : memref<4x128x128xf32, #tpu.memory_space<vmem>>, vector<16xf32>,
            tpu.vector_store %arg6[%swap3A_516, %swap3A_517, %swap3A_518], %broadcast_in_dim3A_314 {strides = array<i32>} : memref<4x128x128xf32, #tpu.memory_space<vmem>>, vector<16xf32>,
            %swap3A_520 = arith.constant 1 : i32
            %swap3A_521 = arith.index_cast %swap3A_520 : i32 to index
            %swap3A_522 = arith.index_cast %add3A_355 : i32 to index
            %swap3A_523 = arith.constant 96 : index
            %swap3A_524 = tpu.vector_load %arg6[%swap3A_521, %swap3A_522, %swap3A_523] {strides = array<i32>} : memref<4x128x128xf32, #tpu.memory_space<vmem>>, vector<16xf32>,
            tpu.vector_store %arg6[%swap3A_521, %swap3A_522, %swap3A_523], %broadcast_in_dim3A_314 {strides = array<i32>} : memref<4x128x128xf32, #tpu.memory_space<vmem>>, vector<16xf32>,
            %swap3A_525 = arith.constant 1 : i32
            %swap3A_526 = arith.index_cast %swap3A_525 : i32 to index
            %swap3A_527 = arith.index_cast %add3A_355 : i32 to index
            %swap3A_528 = arith.constant 112 : index
            %swap3A_529 = tpu.vector_load %arg6[%swap3A_526, %swap3A_527, %swap3A_528] {strides = array<i32>} : memref<4x128x128xf32, #tpu.memory_space<vmem>>, vector<16xf32>,
            tpu.vector_store %arg6[%swap3A_526, %swap3A_527, %swap3A_528], %broadcast_in_dim3A_314 {strides = array<i32>} : memref<4x128x128xf32, #tpu.memory_space<vmem>>, vector<16xf32>,
          } else {
          }
          %slice3A_359 = vector.extract_strided_slice %get3A_306 {offsets = [4], sizes = [1], strides = [1]} : vector<16xi32> to vector<1xi32>
          %squeeze3A_360 = vector.extract %slice3A_359[0] : i32 from vector<1xi32>
          %eq3A_361 = arith.constant 0 : i32
          %eq3A_362 = arith.cmpi eq, %squeeze3A_360, %eq3A_361 : i32
          %mul3A_363 = arith.constant 16 : i32
          %mul3A_364 = arith.muli %scan3A_299, %mul3A_363 : i32
          %add3A_365 = arith.constant 4 : i32
          %add3A_366 = arith.addi %mul3A_364, %add3A_365 : i32
          %convert_element_type3A_367 = arith.extui %eq3A_362 : i1 to i32
          %cond3A_368 = arith.constant 0 : i32
          %cond3A_369 = arith.cmpi ne, %convert_element_type3A_367, %cond3A_368 : i32
          scf.if %cond3A_369 {
            %swap3A = arith.constant 1 : i32
            %swap3A_491 = arith.index_cast %swap3A : i32 to index
            %swap3A_492 = arith.index_cast %add3A_366 : i32 to index
            %swap3A_493 = arith.constant 0 : index
            %swap3A_494 = tpu.vector_load %arg6[%swap3A_491, %swap3A_492, %swap3A_493] {strides = array<i32>} : memref<4x128x128xf32, #tpu.memory_space<vmem>>, vector<16xf32>,
            tpu.vector_store %arg6[%swap3A_491, %swap3A_492, %swap3A_493], %broadcast_in_dim3A_314 {strides = array<i32>} : memref<4x128x128xf32, #tpu.memory_space<vmem>>, vector<16xf32>,
            %swap3A_495 = arith.constant 1 : i32
            %swap3A_496 = arith.index_cast %swap3A_495 : i32 to index
            %swap3A_497 = arith.index_cast %add3A_366 : i32 to index
            %swap3A_498 = arith.constant 16 : index
            %swap3A_499 = tpu.vector_load %arg6[%swap3A_496, %swap3A_497, %swap3A_498] {strides = array<i32>} : memref<4x128x128xf32, #tpu.memory_space<vmem>>, vector<16xf32>,
            tpu.vector_store %arg6[%swap3A_496, %swap3A_497, %swap3A_498], %broadcast_in_dim3A_314 {strides = array<i32>} : memref<4x128x128xf32, #tpu.memory_space<vmem>>, vector<16xf32>,
            %swap3A_500 = arith.constant 1 : i32
            %swap3A_501 = arith.index_cast %swap3A_500 : i32 to index
            %swap3A_502 = arith.index_cast %add3A_366 : i32 to index
            %swap3A_503 = arith.constant 32 : index
            %swap3A_504 = tpu.vector_load %arg6[%swap3A_501, %swap3A_502, %swap3A_503] {strides = array<i32>} : memref<4x128x128xf32, #tpu.memory_space<vmem>>, vector<16xf32>,
            tpu.vector_store %arg6[%swap3A_501, %swap3A_502, %swap3A_503], %broadcast_in_dim3A_314 {strides = array<i32>} : memref<4x128x128xf32, #tpu.memory_space<vmem>>, vector<16xf32>,
            %swap3A_505 = arith.constant 1 : i32
            %swap3A_506 = arith.index_cast %swap3A_505 : i32 to index
            %swap3A_507 = arith.index_cast %add3A_366 : i32 to index
            %swap3A_508 = arith.constant 48 : index
            %swap3A_509 = tpu.vector_load %arg6[%swap3A_506, %swap3A_507, %swap3A_508] {strides = array<i32>} : memref<4x128x128xf32, #tpu.memory_space<vmem>>, vector<16xf32>,
            tpu.vector_store %arg6[%swap3A_506, %swap3A_507, %swap3A_508], %broadcast_in_dim3A_314 {strides = array<i32>} : memref<4x128x128xf32, #tpu.memory_space<vmem>>, vector<16xf32>,
            %swap3A_510 = arith.constant 1 : i32
            %swap3A_511 = arith.index_cast %swap3A_510 : i32 to index
            %swap3A_512 = arith.index_cast %add3A_366 : i32 to index
            %swap3A_513 = arith.constant 64 : index
            %swap3A_514 = tpu.vector_load %arg6[%swap3A_511, %swap3A_512, %swap3A_513] {strides = array<i32>} : memref<4x128x128xf32, #tpu.memory_space<vmem>>, vector<16xf32>,
            tpu.vector_store %arg6[%swap3A_511, %swap3A_512, %swap3A_513], %broadcast_in_dim3A_314 {strides = array<i32>} : memref<4x128x128xf32, #tpu.memory_space<vmem>>, vector<16xf32>,
            %swap3A_515 = arith.constant 1 : i32
            %swap3A_516 = arith.index_cast %swap3A_515 : i32 to index
            %swap3A_517 = arith.index_cast %add3A_366 : i32 to index
            %swap3A_518 = arith.constant 80 : index
            %swap3A_519 = tpu.vector_load %arg6[%swap3A_516, %swap3A_517, %swap3A_518] {strides = array<i32>} : memref<4x128x128xf32, #tpu.memory_space<vmem>>, vector<16xf32>,
            tpu.vector_store %arg6[%swap3A_516, %swap3A_517, %swap3A_518], %broadcast_in_dim3A_314 {strides = array<i32>} : memref<4x128x128xf32, #tpu.memory_space<vmem>>, vector<16xf32>,
            %swap3A_520 = arith.constant 1 : i32
            %swap3A_521 = arith.index_cast %swap3A_520 : i32 to index
            %swap3A_522 = arith.index_cast %add3A_366 : i32 to index
            %swap3A_523 = arith.constant 96 : index
            %swap3A_524 = tpu.vector_load %arg6[%swap3A_521, %swap3A_522, %swap3A_523] {strides = array<i32>} : memref<4x128x128xf32, #tpu.memory_space<vmem>>, vector<16xf32>,
            tpu.vector_store %arg6[%swap3A_521, %swap3A_522, %swap3A_523], %broadcast_in_dim3A_314 {strides = array<i32>} : memref<4x128x128xf32, #tpu.memory_space<vmem>>, vector<16xf32>,
            %swap3A_525 = arith.constant 1 : i32
            %swap3A_526 = arith.index_cast %swap3A_525 : i32 to index
            %swap3A_527 = arith.index_cast %add3A_366 : i32 to index
            %swap3A_528 = arith.constant 112 : index
            %swap3A_529 = tpu.vector_load %arg6[%swap3A_526, %swap3A_527, %swap3A_528] {strides = array<i32>} : memref<4x128x128xf32, #tpu.memory_space<vmem>>, vector<16xf32>,
            tpu.vector_store %arg6[%swap3A_526, %swap3A_527, %swap3A_528], %broadcast_in_dim3A_314 {strides = array<i32>} : memref<4x128x128xf32, #tpu.memory_space<vmem>>, vector<16xf32>,
          } else {
          }
          %slice3A_370 = vector.extract_strided_slice %get3A_306 {offsets = [5], sizes = [1], strides = [1]} : vector<16xi32> to vector<1xi32>
          %squeeze3A_371 = vector.extract %slice3A_370[0] : i32 from vector<1xi32>
          %eq3A_372 = arith.constant 0 : i32
          %eq3A_373 = arith.cmpi eq, %squeeze3A_371, %eq3A_372 : i32
          %mul3A_374 = arith.constant 16 : i32
          %mul3A_375 = arith.muli %scan3A_299, %mul3A_374 : i32
          %add3A_376 = arith.constant 5 : i32
          %add3A_377 = arith.addi %mul3A_375, %add3A_376 : i32
          %convert_element_type3A_378 = arith.extui %eq3A_373 : i1 to i32
          %cond3A_379 = arith.constant 0 : i32
          %cond3A_380 = arith.cmpi ne, %convert_element_type3A_378, %cond3A_379 : i32
          scf.if %cond3A_380 {
            %swap3A = arith.constant 1 : i32
            %swap3A_491 = arith.index_cast %swap3A : i32 to index
            %swap3A_492 = arith.index_cast %add3A_377 : i32 to index
            %swap3A_493 = arith.constant 0 : index
            %swap3A_494 = tpu.vector_load %arg6[%swap3A_491, %swap3A_492, %swap3A_493] {strides = array<i32>} : memref<4x128x128xf32, #tpu.memory_space<vmem>>, vector<16xf32>,
            tpu.vector_store %arg6[%swap3A_491, %swap3A_492, %swap3A_493], %broadcast_in_dim3A_314 {strides = array<i32>} : memref<4x128x128xf32, #tpu.memory_space<vmem>>, vector<16xf32>,
            %swap3A_495 = arith.constant 1 : i32
            %swap3A_496 = arith.index_cast %swap3A_495 : i32 to index
            %swap3A_497 = arith.index_cast %add3A_377 : i32 to index
            %swap3A_498 = arith.constant 16 : index
            %swap3A_499 = tpu.vector_load %arg6[%swap3A_496, %swap3A_497, %swap3A_498] {strides = array<i32>} : memref<4x128x128xf32, #tpu.memory_space<vmem>>, vector<16xf32>,
            tpu.vector_store %arg6[%swap3A_496, %swap3A_497, %swap3A_498], %broadcast_in_dim3A_314 {strides = array<i32>} : memref<4x128x128xf32, #tpu.memory_space<vmem>>, vector<16xf32>,
            %swap3A_500 = arith.constant 1 : i32
            %swap3A_501 = arith.index_cast %swap3A_500 : i32 to index
            %swap3A_502 = arith.index_cast %add3A_377 : i32 to index
            %swap3A_503 = arith.constant 32 : index
            %swap3A_504 = tpu.vector_load %arg6[%swap3A_501, %swap3A_502, %swap3A_503] {strides = array<i32>} : memref<4x128x128xf32, #tpu.memory_space<vmem>>, vector<16xf32>,
            tpu.vector_store %arg6[%swap3A_501, %swap3A_502, %swap3A_503], %broadcast_in_dim3A_314 {strides = array<i32>} : memref<4x128x128xf32, #tpu.memory_space<vmem>>, vector<16xf32>,
            %swap3A_505 = arith.constant 1 : i32
            %swap3A_506 = arith.index_cast %swap3A_505 : i32 to index
            %swap3A_507 = arith.index_cast %add3A_377 : i32 to index
            %swap3A_508 = arith.constant 48 : index
            %swap3A_509 = tpu.vector_load %arg6[%swap3A_506, %swap3A_507, %swap3A_508] {strides = array<i32>} : memref<4x128x128xf32, #tpu.memory_space<vmem>>, vector<16xf32>,
            tpu.vector_store %arg6[%swap3A_506, %swap3A_507, %swap3A_508], %broadcast_in_dim3A_314 {strides = array<i32>} : memref<4x128x128xf32, #tpu.memory_space<vmem>>, vector<16xf32>,
            %swap3A_510 = arith.constant 1 : i32
            %swap3A_511 = arith.index_cast %swap3A_510 : i32 to index
            %swap3A_512 = arith.index_cast %add3A_377 : i32 to index
            %swap3A_513 = arith.constant 64 : index
            %swap3A_514 = tpu.vector_load %arg6[%swap3A_511, %swap3A_512, %swap3A_513] {strides = array<i32>} : memref<4x128x128xf32, #tpu.memory_space<vmem>>, vector<16xf32>,
            tpu.vector_store %arg6[%swap3A_511, %swap3A_512, %swap3A_513], %broadcast_in_dim3A_314 {strides = array<i32>} : memref<4x128x128xf32, #tpu.memory_space<vmem>>, vector<16xf32>,
            %swap3A_515 = arith.constant 1 : i32
            %swap3A_516 = arith.index_cast %swap3A_515 : i32 to index
            %swap3A_517 = arith.index_cast %add3A_377 : i32 to index
            %swap3A_518 = arith.constant 80 : index
            %swap3A_519 = tpu.vector_load %arg6[%swap3A_516, %swap3A_517, %swap3A_518] {strides = array<i32>} : memref<4x128x128xf32, #tpu.memory_space<vmem>>, vector<16xf32>,
            tpu.vector_store %arg6[%swap3A_516, %swap3A_517, %swap3A_518], %broadcast_in_dim3A_314 {strides = array<i32>} : memref<4x128x128xf32, #tpu.memory_space<vmem>>, vector<16xf32>,
            %swap3A_520 = arith.constant 1 : i32
            %swap3A_521 = arith.index_cast %swap3A_520 : i32 to index
            %swap3A_522 = arith.index_cast %add3A_377 : i32 to index
            %swap3A_523 = arith.constant 96 : index
            %swap3A_524 = tpu.vector_load %arg6[%swap3A_521, %swap3A_522, %swap3A_523] {strides = array<i32>} : memref<4x128x128xf32, #tpu.memory_space<vmem>>, vector<16xf32>,
            tpu.vector_store %arg6[%swap3A_521, %swap3A_522, %swap3A_523], %broadcast_in_dim3A_314 {strides = array<i32>} : memref<4x128x128xf32, #tpu.memory_space<vmem>>, vector<16xf32>,
            %swap3A_525 = arith.constant 1 : i32
            %swap3A_526 = arith.index_cast %swap3A_525 : i32 to index
            %swap3A_527 = arith.index_cast %add3A_377 : i32 to index
            %swap3A_528 = arith.constant 112 : index
            %swap3A_529 = tpu.vector_load %arg6[%swap3A_526, %swap3A_527, %swap3A_528] {strides = array<i32>} : memref<4x128x128xf32, #tpu.memory_space<vmem>>, vector<16xf32>,
            tpu.vector_store %arg6[%swap3A_526, %swap3A_527, %swap3A_528], %broadcast_in_dim3A_314 {strides = array<i32>} : memref<4x128x128xf32, #tpu.memory_space<vmem>>, vector<16xf32>,
          } else {
          }
          %slice3A_381 = vector.extract_strided_slice %get3A_306 {offsets = [6], sizes = [1], strides = [1]} : vector<16xi32> to vector<1xi32>
          %squeeze3A_382 = vector.extract %slice3A_381[0] : i32 from vector<1xi32>
          %eq3A_383 = arith.constant 0 : i32
          %eq3A_384 = arith.cmpi eq, %squeeze3A_382, %eq3A_383 : i32
          %mul3A_385 = arith.constant 16 : i32
          %mul3A_386 = arith.muli %scan3A_299, %mul3A_385 : i32
          %add3A_387 = arith.constant 6 : i32
          %add3A_388 = arith.addi %mul3A_386, %add3A_387 : i32
          %convert_element_type3A_389 = arith.extui %eq3A_384 : i1 to i32
          %cond3A_390 = arith.constant 0 : i32
          %cond3A_391 = arith.cmpi ne, %convert_element_type3A_389, %cond3A_390 : i32
          scf.if %cond3A_391 {
            %swap3A = arith.constant 1 : i32
            %swap3A_491 = arith.index_cast %swap3A : i32 to index
            %swap3A_492 = arith.index_cast %add3A_388 : i32 to index
            %swap3A_493 = arith.constant 0 : index
            %swap3A_494 = tpu.vector_load %arg6[%swap3A_491, %swap3A_492, %swap3A_493] {strides = array<i32>} : memref<4x128x128xf32, #tpu.memory_space<vmem>>, vector<16xf32>,
            tpu.vector_store %arg6[%swap3A_491, %swap3A_492, %swap3A_493], %broadcast_in_dim3A_314 {strides = array<i32>} : memref<4x128x128xf32, #tpu.memory_space<vmem>>, vector<16xf32>,
            %swap3A_495 = arith.constant 1 : i32
            %swap3A_496 = arith.index_cast %swap3A_495 : i32 to index
            %swap3A_497 = arith.index_cast %add3A_388 : i32 to index
            %swap3A_498 = arith.constant 16 : index
            %swap3A_499 = tpu.vector_load %arg6[%swap3A_496, %swap3A_497, %swap3A_498] {strides = array<i32>} : memref<4x128x128xf32, #tpu.memory_space<vmem>>, vector<16xf32>,
            tpu.vector_store %arg6[%swap3A_496, %swap3A_497, %swap3A_498], %broadcast_in_dim3A_314 {strides = array<i32>} : memref<4x128x128xf32, #tpu.memory_space<vmem>>, vector<16xf32>,
            %swap3A_500 = arith.constant 1 : i32
            %swap3A_501 = arith.index_cast %swap3A_500 : i32 to index
            %swap3A_502 = arith.index_cast %add3A_388 : i32 to index
            %swap3A_503 = arith.constant 32 : index
            %swap3A_504 = tpu.vector_load %arg6[%swap3A_501, %swap3A_502, %swap3A_503] {strides = array<i32>} : memref<4x128x128xf32, #tpu.memory_space<vmem>>, vector<16xf32>,
            tpu.vector_store %arg6[%swap3A_501, %swap3A_502, %swap3A_503], %broadcast_in_dim3A_314 {strides = array<i32>} : memref<4x128x128xf32, #tpu.memory_space<vmem>>, vector<16xf32>,
            %swap3A_505 = arith.constant 1 : i32
            %swap3A_506 = arith.index_cast %swap3A_505 : i32 to index
            %swap3A_507 = arith.index_cast %add3A_388 : i32 to index
            %swap3A_508 = arith.constant 48 : index
            %swap3A_509 = tpu.vector_load %arg6[%swap3A_506, %swap3A_507, %swap3A_508] {strides = array<i32>} : memref<4x128x128xf32, #tpu.memory_space<vmem>>, vector<16xf32>,
            tpu.vector_store %arg6[%swap3A_506, %swap3A_507, %swap3A_508], %broadcast_in_dim3A_314 {strides = array<i32>} : memref<4x128x128xf32, #tpu.memory_space<vmem>>, vector<16xf32>,
            %swap3A_510 = arith.constant 1 : i32
            %swap3A_511 = arith.index_cast %swap3A_510 : i32 to index
            %swap3A_512 = arith.index_cast %add3A_388 : i32 to index
            %swap3A_513 = arith.constant 64 : index
            %swap3A_514 = tpu.vector_load %arg6[%swap3A_511, %swap3A_512, %swap3A_513] {strides = array<i32>} : memref<4x128x128xf32, #tpu.memory_space<vmem>>, vector<16xf32>,
            tpu.vector_store %arg6[%swap3A_511, %swap3A_512, %swap3A_513], %broadcast_in_dim3A_314 {strides = array<i32>} : memref<4x128x128xf32, #tpu.memory_space<vmem>>, vector<16xf32>,
            %swap3A_515 = arith.constant 1 : i32
            %swap3A_516 = arith.index_cast %swap3A_515 : i32 to index
            %swap3A_517 = arith.index_cast %add3A_388 : i32 to index
            %swap3A_518 = arith.constant 80 : index
            %swap3A_519 = tpu.vector_load %arg6[%swap3A_516, %swap3A_517, %swap3A_518] {strides = array<i32>} : memref<4x128x128xf32, #tpu.memory_space<vmem>>, vector<16xf32>,
            tpu.vector_store %arg6[%swap3A_516, %swap3A_517, %swap3A_518], %broadcast_in_dim3A_314 {strides = array<i32>} : memref<4x128x128xf32, #tpu.memory_space<vmem>>, vector<16xf32>,
            %swap3A_520 = arith.constant 1 : i32
            %swap3A_521 = arith.index_cast %swap3A_520 : i32 to index
            %swap3A_522 = arith.index_cast %add3A_388 : i32 to index
            %swap3A_523 = arith.constant 96 : index
            %swap3A_524 = tpu.vector_load %arg6[%swap3A_521, %swap3A_522, %swap3A_523] {strides = array<i32>} : memref<4x128x128xf32, #tpu.memory_space<vmem>>, vector<16xf32>,
            tpu.vector_store %arg6[%swap3A_521, %swap3A_522, %swap3A_523], %broadcast_in_dim3A_314 {strides = array<i32>} : memref<4x128x128xf32, #tpu.memory_space<vmem>>, vector<16xf32>,
            %swap3A_525 = arith.constant 1 : i32
            %swap3A_526 = arith.index_cast %swap3A_525 : i32 to index
            %swap3A_527 = arith.index_cast %add3A_388 : i32 to index
            %swap3A_528 = arith.constant 112 : index
            %swap3A_529 = tpu.vector_load %arg6[%swap3A_526, %swap3A_527, %swap3A_528] {strides = array<i32>} : memref<4x128x128xf32, #tpu.memory_space<vmem>>, vector<16xf32>,
            tpu.vector_store %arg6[%swap3A_526, %swap3A_527, %swap3A_528], %broadcast_in_dim3A_314 {strides = array<i32>} : memref<4x128x128xf32, #tpu.memory_space<vmem>>, vector<16xf32>,
          } else {
          }
          %slice3A_392 = vector.extract_strided_slice %get3A_306 {offsets = [7], sizes = [1], strides = [1]} : vector<16xi32> to vector<1xi32>
          %squeeze3A_393 = vector.extract %slice3A_392[0] : i32 from vector<1xi32>
          %eq3A_394 = arith.constant 0 : i32
          %eq3A_395 = arith.cmpi eq, %squeeze3A_393, %eq3A_394 : i32
          %mul3A_396 = arith.constant 16 : i32
          %mul3A_397 = arith.muli %scan3A_299, %mul3A_396 : i32
          %add3A_398 = arith.constant 7 : i32
          %add3A_399 = arith.addi %mul3A_397, %add3A_398 : i32
          %convert_element_type3A_400 = arith.extui %eq3A_395 : i1 to i32
          %cond3A_401 = arith.constant 0 : i32
          %cond3A_402 = arith.cmpi ne, %convert_element_type3A_400, %cond3A_401 : i32
          scf.if %cond3A_402 {
            %swap3A = arith.constant 1 : i32
            %swap3A_491 = arith.index_cast %swap3A : i32 to index
            %swap3A_492 = arith.index_cast %add3A_399 : i32 to index
            %swap3A_493 = arith.constant 0 : index
            %swap3A_494 = tpu.vector_load %arg6[%swap3A_491, %swap3A_492, %swap3A_493] {strides = array<i32>} : memref<4x128x128xf32, #tpu.memory_space<vmem>>, vector<16xf32>,
            tpu.vector_store %arg6[%swap3A_491, %swap3A_492, %swap3A_493], %broadcast_in_dim3A_314 {strides = array<i32>} : memref<4x128x128xf32, #tpu.memory_space<vmem>>, vector<16xf32>,
            %swap3A_495 = arith.constant 1 : i32
            %swap3A_496 = arith.index_cast %swap3A_495 : i32 to index
            %swap3A_497 = arith.index_cast %add3A_399 : i32 to index
            %swap3A_498 = arith.constant 16 : index
            %swap3A_499 = tpu.vector_load %arg6[%swap3A_496, %swap3A_497, %swap3A_498] {strides = array<i32>} : memref<4x128x128xf32, #tpu.memory_space<vmem>>, vector<16xf32>,
            tpu.vector_store %arg6[%swap3A_496, %swap3A_497, %swap3A_498], %broadcast_in_dim3A_314 {strides = array<i32>} : memref<4x128x128xf32, #tpu.memory_space<vmem>>, vector<16xf32>,
            %swap3A_500 = arith.constant 1 : i32
            %swap3A_501 = arith.index_cast %swap3A_500 : i32 to index
            %swap3A_502 = arith.index_cast %add3A_399 : i32 to index
            %swap3A_503 = arith.constant 32 : index
            %swap3A_504 = tpu.vector_load %arg6[%swap3A_501, %swap3A_502, %swap3A_503] {strides = array<i32>} : memref<4x128x128xf32, #tpu.memory_space<vmem>>, vector<16xf32>,
            tpu.vector_store %arg6[%swap3A_501, %swap3A_502, %swap3A_503], %broadcast_in_dim3A_314 {strides = array<i32>} : memref<4x128x128xf32, #tpu.memory_space<vmem>>, vector<16xf32>,
            %swap3A_505 = arith.constant 1 : i32
            %swap3A_506 = arith.index_cast %swap3A_505 : i32 to index
            %swap3A_507 = arith.index_cast %add3A_399 : i32 to index
            %swap3A_508 = arith.constant 48 : index
            %swap3A_509 = tpu.vector_load %arg6[%swap3A_506, %swap3A_507, %swap3A_508] {strides = array<i32>} : memref<4x128x128xf32, #tpu.memory_space<vmem>>, vector<16xf32>,
            tpu.vector_store %arg6[%swap3A_506, %swap3A_507, %swap3A_508], %broadcast_in_dim3A_314 {strides = array<i32>} : memref<4x128x128xf32, #tpu.memory_space<vmem>>, vector<16xf32>,
            %swap3A_510 = arith.constant 1 : i32
            %swap3A_511 = arith.index_cast %swap3A_510 : i32 to index
            %swap3A_512 = arith.index_cast %add3A_399 : i32 to index
            %swap3A_513 = arith.constant 64 : index
            %swap3A_514 = tpu.vector_load %arg6[%swap3A_511, %swap3A_512, %swap3A_513] {strides = array<i32>} : memref<4x128x128xf32, #tpu.memory_space<vmem>>, vector<16xf32>,
            tpu.vector_store %arg6[%swap3A_511, %swap3A_512, %swap3A_513], %broadcast_in_dim3A_314 {strides = array<i32>} : memref<4x128x128xf32, #tpu.memory_space<vmem>>, vector<16xf32>,
            %swap3A_515 = arith.constant 1 : i32
            %swap3A_516 = arith.index_cast %swap3A_515 : i32 to index
            %swap3A_517 = arith.index_cast %add3A_399 : i32 to index
            %swap3A_518 = arith.constant 80 : index
            %swap3A_519 = tpu.vector_load %arg6[%swap3A_516, %swap3A_517, %swap3A_518] {strides = array<i32>} : memref<4x128x128xf32, #tpu.memory_space<vmem>>, vector<16xf32>,
            tpu.vector_store %arg6[%swap3A_516, %swap3A_517, %swap3A_518], %broadcast_in_dim3A_314 {strides = array<i32>} : memref<4x128x128xf32, #tpu.memory_space<vmem>>, vector<16xf32>,
            %swap3A_520 = arith.constant 1 : i32
            %swap3A_521 = arith.index_cast %swap3A_520 : i32 to index
            %swap3A_522 = arith.index_cast %add3A_399 : i32 to index
            %swap3A_523 = arith.constant 96 : index
            %swap3A_524 = tpu.vector_load %arg6[%swap3A_521, %swap3A_522, %swap3A_523] {strides = array<i32>} : memref<4x128x128xf32, #tpu.memory_space<vmem>>, vector<16xf32>,
            tpu.vector_store %arg6[%swap3A_521, %swap3A_522, %swap3A_523], %broadcast_in_dim3A_314 {strides = array<i32>} : memref<4x128x128xf32, #tpu.memory_space<vmem>>, vector<16xf32>,
            %swap3A_525 = arith.constant 1 : i32
            %swap3A_526 = arith.index_cast %swap3A_525 : i32 to index
            %swap3A_527 = arith.index_cast %add3A_399 : i32 to index
            %swap3A_528 = arith.constant 112 : index
            %swap3A_529 = tpu.vector_load %arg6[%swap3A_526, %swap3A_527, %swap3A_528] {strides = array<i32>} : memref<4x128x128xf32, #tpu.memory_space<vmem>>, vector<16xf32>,
            tpu.vector_store %arg6[%swap3A_526, %swap3A_527, %swap3A_528], %broadcast_in_dim3A_314 {strides = array<i32>} : memref<4x128x128xf32, #tpu.memory_space<vmem>>, vector<16xf32>,
          } else {
          }
          %slice3A_403 = vector.extract_strided_slice %get3A_306 {offsets = [8], sizes = [1], strides = [1]} : vector<16xi32> to vector<1xi32>
          %squeeze3A_404 = vector.extract %slice3A_403[0] : i32 from vector<1xi32>
          %eq3A_405 = arith.constant 0 : i32
          %eq3A_406 = arith.cmpi eq, %squeeze3A_404, %eq3A_405 : i32
          %mul3A_407 = arith.constant 16 : i32
          %mul3A_408 = arith.muli %scan3A_299, %mul3A_407 : i32
          %add3A_409 = arith.constant 8 : i32
          %add3A_410 = arith.addi %mul3A_408, %add3A_409 : i32
          %convert_element_type3A_411 = arith.extui %eq3A_406 : i1 to i32
          %cond3A_412 = arith.constant 0 : i32
          %cond3A_413 = arith.cmpi ne, %convert_element_type3A_411, %cond3A_412 : i32
          scf.if %cond3A_413 {
            %swap3A = arith.constant 1 : i32
            %swap3A_491 = arith.index_cast %swap3A : i32 to index
            %swap3A_492 = arith.index_cast %add3A_410 : i32 to index
            %swap3A_493 = arith.constant 0 : index
            %swap3A_494 = tpu.vector_load %arg6[%swap3A_491, %swap3A_492, %swap3A_493] {strides = array<i32>} : memref<4x128x128xf32, #tpu.memory_space<vmem>>, vector<16xf32>,
            tpu.vector_store %arg6[%swap3A_491, %swap3A_492, %swap3A_493], %broadcast_in_dim3A_314 {strides = array<i32>} : memref<4x128x128xf32, #tpu.memory_space<vmem>>, vector<16xf32>,
            %swap3A_495 = arith.constant 1 : i32
            %swap3A_496 = arith.index_cast %swap3A_495 : i32 to index
            %swap3A_497 = arith.index_cast %add3A_410 : i32 to index
            %swap3A_498 = arith.constant 16 : index
            %swap3A_499 = tpu.vector_load %arg6[%swap3A_496, %swap3A_497, %swap3A_498] {strides = array<i32>} : memref<4x128x128xf32, #tpu.memory_space<vmem>>, vector<16xf32>,
            tpu.vector_store %arg6[%swap3A_496, %swap3A_497, %swap3A_498], %broadcast_in_dim3A_314 {strides = array<i32>} : memref<4x128x128xf32, #tpu.memory_space<vmem>>, vector<16xf32>,
            %swap3A_500 = arith.constant 1 : i32
            %swap3A_501 = arith.index_cast %swap3A_500 : i32 to index
            %swap3A_502 = arith.index_cast %add3A_410 : i32 to index
            %swap3A_503 = arith.constant 32 : index
            %swap3A_504 = tpu.vector_load %arg6[%swap3A_501, %swap3A_502, %swap3A_503] {strides = array<i32>} : memref<4x128x128xf32, #tpu.memory_space<vmem>>, vector<16xf32>,
            tpu.vector_store %arg6[%swap3A_501, %swap3A_502, %swap3A_503], %broadcast_in_dim3A_314 {strides = array<i32>} : memref<4x128x128xf32, #tpu.memory_space<vmem>>, vector<16xf32>,
            %swap3A_505 = arith.constant 1 : i32
            %swap3A_506 = arith.index_cast %swap3A_505 : i32 to index
            %swap3A_507 = arith.index_cast %add3A_410 : i32 to index
            %swap3A_508 = arith.constant 48 : index
            %swap3A_509 = tpu.vector_load %arg6[%swap3A_506, %swap3A_507, %swap3A_508] {strides = array<i32>} : memref<4x128x128xf32, #tpu.memory_space<vmem>>, vector<16xf32>,
            tpu.vector_store %arg6[%swap3A_506, %swap3A_507, %swap3A_508], %broadcast_in_dim3A_314 {strides = array<i32>} : memref<4x128x128xf32, #tpu.memory_space<vmem>>, vector<16xf32>,
            %swap3A_510 = arith.constant 1 : i32
            %swap3A_511 = arith.index_cast %swap3A_510 : i32 to index
            %swap3A_512 = arith.index_cast %add3A_410 : i32 to index
            %swap3A_513 = arith.constant 64 : index
            %swap3A_514 = tpu.vector_load %arg6[%swap3A_511, %swap3A_512, %swap3A_513] {strides = array<i32>} : memref<4x128x128xf32, #tpu.memory_space<vmem>>, vector<16xf32>,
            tpu.vector_store %arg6[%swap3A_511, %swap3A_512, %swap3A_513], %broadcast_in_dim3A_314 {strides = array<i32>} : memref<4x128x128xf32, #tpu.memory_space<vmem>>, vector<16xf32>,
            %swap3A_515 = arith.constant 1 : i32
            %swap3A_516 = arith.index_cast %swap3A_515 : i32 to index
            %swap3A_517 = arith.index_cast %add3A_410 : i32 to index
            %swap3A_518 = arith.constant 80 : index
            %swap3A_519 = tpu.vector_load %arg6[%swap3A_516, %swap3A_517, %swap3A_518] {strides = array<i32>} : memref<4x128x128xf32, #tpu.memory_space<vmem>>, vector<16xf32>,
            tpu.vector_store %arg6[%swap3A_516, %swap3A_517, %swap3A_518], %broadcast_in_dim3A_314 {strides = array<i32>} : memref<4x128x128xf32, #tpu.memory_space<vmem>>, vector<16xf32>,
            %swap3A_520 = arith.constant 1 : i32
            %swap3A_521 = arith.index_cast %swap3A_520 : i32 to index
            %swap3A_522 = arith.index_cast %add3A_410 : i32 to index
            %swap3A_523 = arith.constant 96 : index
            %swap3A_524 = tpu.vector_load %arg6[%swap3A_521, %swap3A_522, %swap3A_523] {strides = array<i32>} : memref<4x128x128xf32, #tpu.memory_space<vmem>>, vector<16xf32>,
            tpu.vector_store %arg6[%swap3A_521, %swap3A_522, %swap3A_523], %broadcast_in_dim3A_314 {strides = array<i32>} : memref<4x128x128xf32, #tpu.memory_space<vmem>>, vector<16xf32>,
            %swap3A_525 = arith.constant 1 : i32
            %swap3A_526 = arith.index_cast %swap3A_525 : i32 to index
            %swap3A_527 = arith.index_cast %add3A_410 : i32 to index
            %swap3A_528 = arith.constant 112 : index
            %swap3A_529 = tpu.vector_load %arg6[%swap3A_526, %swap3A_527, %swap3A_528] {strides = array<i32>} : memref<4x128x128xf32, #tpu.memory_space<vmem>>, vector<16xf32>,
            tpu.vector_store %arg6[%swap3A_526, %swap3A_527, %swap3A_528], %broadcast_in_dim3A_314 {strides = array<i32>} : memref<4x128x128xf32, #tpu.memory_space<vmem>>, vector<16xf32>,
          } else {
          }
          %slice3A_414 = vector.extract_strided_slice %get3A_306 {offsets = [9], sizes = [1], strides = [1]} : vector<16xi32> to vector<1xi32>
          %squeeze3A_415 = vector.extract %slice3A_414[0] : i32 from vector<1xi32>
          %eq3A_416 = arith.constant 0 : i32
          %eq3A_417 = arith.cmpi eq, %squeeze3A_415, %eq3A_416 : i32
          %mul3A_418 = arith.constant 16 : i32
          %mul3A_419 = arith.muli %scan3A_299, %mul3A_418 : i32
          %add3A_420 = arith.constant 9 : i32
          %add3A_421 = arith.addi %mul3A_419, %add3A_420 : i32
          %convert_element_type3A_422 = arith.extui %eq3A_417 : i1 to i32
          %cond3A_423 = arith.constant 0 : i32
          %cond3A_424 = arith.cmpi ne, %convert_element_type3A_422, %cond3A_423 : i32
          scf.if %cond3A_424 {
            %swap3A = arith.constant 1 : i32
            %swap3A_491 = arith.index_cast %swap3A : i32 to index
            %swap3A_492 = arith.index_cast %add3A_421 : i32 to index
            %swap3A_493 = arith.constant 0 : index
            %swap3A_494 = tpu.vector_load %arg6[%swap3A_491, %swap3A_492, %swap3A_493] {strides = array<i32>} : memref<4x128x128xf32, #tpu.memory_space<vmem>>, vector<16xf32>,
            tpu.vector_store %arg6[%swap3A_491, %swap3A_492, %swap3A_493], %broadcast_in_dim3A_314 {strides = array<i32>} : memref<4x128x128xf32, #tpu.memory_space<vmem>>, vector<16xf32>,
            %swap3A_495 = arith.constant 1 : i32
            %swap3A_496 = arith.index_cast %swap3A_495 : i32 to index
            %swap3A_497 = arith.index_cast %add3A_421 : i32 to index
            %swap3A_498 = arith.constant 16 : index
            %swap3A_499 = tpu.vector_load %arg6[%swap3A_496, %swap3A_497, %swap3A_498] {strides = array<i32>} : memref<4x128x128xf32, #tpu.memory_space<vmem>>, vector<16xf32>,
            tpu.vector_store %arg6[%swap3A_496, %swap3A_497, %swap3A_498], %broadcast_in_dim3A_314 {strides = array<i32>} : memref<4x128x128xf32, #tpu.memory_space<vmem>>, vector<16xf32>,
            %swap3A_500 = arith.constant 1 : i32
            %swap3A_501 = arith.index_cast %swap3A_500 : i32 to index
            %swap3A_502 = arith.index_cast %add3A_421 : i32 to index
            %swap3A_503 = arith.constant 32 : index
            %swap3A_504 = tpu.vector_load %arg6[%swap3A_501, %swap3A_502, %swap3A_503] {strides = array<i32>} : memref<4x128x128xf32, #tpu.memory_space<vmem>>, vector<16xf32>,
            tpu.vector_store %arg6[%swap3A_501, %swap3A_502, %swap3A_503], %broadcast_in_dim3A_314 {strides = array<i32>} : memref<4x128x128xf32, #tpu.memory_space<vmem>>, vector<16xf32>,
            %swap3A_505 = arith.constant 1 : i32
            %swap3A_506 = arith.index_cast %swap3A_505 : i32 to index
            %swap3A_507 = arith.index_cast %add3A_421 : i32 to index
            %swap3A_508 = arith.constant 48 : index
            %swap3A_509 = tpu.vector_load %arg6[%swap3A_506, %swap3A_507, %swap3A_508] {strides = array<i32>} : memref<4x128x128xf32, #tpu.memory_space<vmem>>, vector<16xf32>,
            tpu.vector_store %arg6[%swap3A_506, %swap3A_507, %swap3A_508], %broadcast_in_dim3A_314 {strides = array<i32>} : memref<4x128x128xf32, #tpu.memory_space<vmem>>, vector<16xf32>,
            %swap3A_510 = arith.constant 1 : i32
            %swap3A_511 = arith.index_cast %swap3A_510 : i32 to index
            %swap3A_512 = arith.index_cast %add3A_421 : i32 to index
            %swap3A_513 = arith.constant 64 : index
            %swap3A_514 = tpu.vector_load %arg6[%swap3A_511, %swap3A_512, %swap3A_513] {strides = array<i32>} : memref<4x128x128xf32, #tpu.memory_space<vmem>>, vector<16xf32>,
            tpu.vector_store %arg6[%swap3A_511, %swap3A_512, %swap3A_513], %broadcast_in_dim3A_314 {strides = array<i32>} : memref<4x128x128xf32, #tpu.memory_space<vmem>>, vector<16xf32>,
            %swap3A_515 = arith.constant 1 : i32
            %swap3A_516 = arith.index_cast %swap3A_515 : i32 to index
            %swap3A_517 = arith.index_cast %add3A_421 : i32 to index
            %swap3A_518 = arith.constant 80 : index
            %swap3A_519 = tpu.vector_load %arg6[%swap3A_516, %swap3A_517, %swap3A_518] {strides = array<i32>} : memref<4x128x128xf32, #tpu.memory_space<vmem>>, vector<16xf32>,
            tpu.vector_store %arg6[%swap3A_516, %swap3A_517, %swap3A_518], %broadcast_in_dim3A_314 {strides = array<i32>} : memref<4x128x128xf32, #tpu.memory_space<vmem>>, vector<16xf32>,
            %swap3A_520 = arith.constant 1 : i32
            %swap3A_521 = arith.index_cast %swap3A_520 : i32 to index
            %swap3A_522 = arith.index_cast %add3A_421 : i32 to index
            %swap3A_523 = arith.constant 96 : index
            %swap3A_524 = tpu.vector_load %arg6[%swap3A_521, %swap3A_522, %swap3A_523] {strides = array<i32>} : memref<4x128x128xf32, #tpu.memory_space<vmem>>, vector<16xf32>,
            tpu.vector_store %arg6[%swap3A_521, %swap3A_522, %swap3A_523], %broadcast_in_dim3A_314 {strides = array<i32>} : memref<4x128x128xf32, #tpu.memory_space<vmem>>, vector<16xf32>,
            %swap3A_525 = arith.constant 1 : i32
            %swap3A_526 = arith.index_cast %swap3A_525 : i32 to index
            %swap3A_527 = arith.index_cast %add3A_421 : i32 to index
            %swap3A_528 = arith.constant 112 : index
            %swap3A_529 = tpu.vector_load %arg6[%swap3A_526, %swap3A_527, %swap3A_528] {strides = array<i32>} : memref<4x128x128xf32, #tpu.memory_space<vmem>>, vector<16xf32>,
            tpu.vector_store %arg6[%swap3A_526, %swap3A_527, %swap3A_528], %broadcast_in_dim3A_314 {strides = array<i32>} : memref<4x128x128xf32, #tpu.memory_space<vmem>>, vector<16xf32>,
          } else {
          }
          %slice3A_425 = vector.extract_strided_slice %get3A_306 {offsets = [10], sizes = [1], strides = [1]} : vector<16xi32> to vector<1xi32>
          %squeeze3A_426 = vector.extract %slice3A_425[0] : i32 from vector<1xi32>
          %eq3A_427 = arith.constant 0 : i32
          %eq3A_428 = arith.cmpi eq, %squeeze3A_426, %eq3A_427 : i32
          %mul3A_429 = arith.constant 16 : i32
          %mul3A_430 = arith.muli %scan3A_299, %mul3A_429 : i32
          %add3A_431 = arith.constant 10 : i32
          %add3A_432 = arith.addi %mul3A_430, %add3A_431 : i32
          %convert_element_type3A_433 = arith.extui %eq3A_428 : i1 to i32
          %cond3A_434 = arith.constant 0 : i32
          %cond3A_435 = arith.cmpi ne, %convert_element_type3A_433, %cond3A_434 : i32
          scf.if %cond3A_435 {
            %swap3A = arith.constant 1 : i32
            %swap3A_491 = arith.index_cast %swap3A : i32 to index
            %swap3A_492 = arith.index_cast %add3A_432 : i32 to index
            %swap3A_493 = arith.constant 0 : index
            %swap3A_494 = tpu.vector_load %arg6[%swap3A_491, %swap3A_492, %swap3A_493] {strides = array<i32>} : memref<4x128x128xf32, #tpu.memory_space<vmem>>, vector<16xf32>,
            tpu.vector_store %arg6[%swap3A_491, %swap3A_492, %swap3A_493], %broadcast_in_dim3A_314 {strides = array<i32>} : memref<4x128x128xf32, #tpu.memory_space<vmem>>, vector<16xf32>,
            %swap3A_495 = arith.constant 1 : i32
            %swap3A_496 = arith.index_cast %swap3A_495 : i32 to index
            %swap3A_497 = arith.index_cast %add3A_432 : i32 to index
            %swap3A_498 = arith.constant 16 : index
            %swap3A_499 = tpu.vector_load %arg6[%swap3A_496, %swap3A_497, %swap3A_498] {strides = array<i32>} : memref<4x128x128xf32, #tpu.memory_space<vmem>>, vector<16xf32>,
            tpu.vector_store %arg6[%swap3A_496, %swap3A_497, %swap3A_498], %broadcast_in_dim3A_314 {strides = array<i32>} : memref<4x128x128xf32, #tpu.memory_space<vmem>>, vector<16xf32>,
            %swap3A_500 = arith.constant 1 : i32
            %swap3A_501 = arith.index_cast %swap3A_500 : i32 to index
            %swap3A_502 = arith.index_cast %add3A_432 : i32 to index
            %swap3A_503 = arith.constant 32 : index
            %swap3A_504 = tpu.vector_load %arg6[%swap3A_501, %swap3A_502, %swap3A_503] {strides = array<i32>} : memref<4x128x128xf32, #tpu.memory_space<vmem>>, vector<16xf32>,
            tpu.vector_store %arg6[%swap3A_501, %swap3A_502, %swap3A_503], %broadcast_in_dim3A_314 {strides = array<i32>} : memref<4x128x128xf32, #tpu.memory_space<vmem>>, vector<16xf32>,
            %swap3A_505 = arith.constant 1 : i32
            %swap3A_506 = arith.index_cast %swap3A_505 : i32 to index
            %swap3A_507 = arith.index_cast %add3A_432 : i32 to index
            %swap3A_508 = arith.constant 48 : index
            %swap3A_509 = tpu.vector_load %arg6[%swap3A_506, %swap3A_507, %swap3A_508] {strides = array<i32>} : memref<4x128x128xf32, #tpu.memory_space<vmem>>, vector<16xf32>,
            tpu.vector_store %arg6[%swap3A_506, %swap3A_507, %swap3A_508], %broadcast_in_dim3A_314 {strides = array<i32>} : memref<4x128x128xf32, #tpu.memory_space<vmem>>, vector<16xf32>,
            %swap3A_510 = arith.constant 1 : i32
            %swap3A_511 = arith.index_cast %swap3A_510 : i32 to index
            %swap3A_512 = arith.index_cast %add3A_432 : i32 to index
            %swap3A_513 = arith.constant 64 : index
            %swap3A_514 = tpu.vector_load %arg6[%swap3A_511, %swap3A_512, %swap3A_513] {strides = array<i32>} : memref<4x128x128xf32, #tpu.memory_space<vmem>>, vector<16xf32>,
            tpu.vector_store %arg6[%swap3A_511, %swap3A_512, %swap3A_513], %broadcast_in_dim3A_314 {strides = array<i32>} : memref<4x128x128xf32, #tpu.memory_space<vmem>>, vector<16xf32>,
            %swap3A_515 = arith.constant 1 : i32
            %swap3A_516 = arith.index_cast %swap3A_515 : i32 to index
            %swap3A_517 = arith.index_cast %add3A_432 : i32 to index
            %swap3A_518 = arith.constant 80 : index
            %swap3A_519 = tpu.vector_load %arg6[%swap3A_516, %swap3A_517, %swap3A_518] {strides = array<i32>} : memref<4x128x128xf32, #tpu.memory_space<vmem>>, vector<16xf32>,
            tpu.vector_store %arg6[%swap3A_516, %swap3A_517, %swap3A_518], %broadcast_in_dim3A_314 {strides = array<i32>} : memref<4x128x128xf32, #tpu.memory_space<vmem>>, vector<16xf32>,
            %swap3A_520 = arith.constant 1 : i32
            %swap3A_521 = arith.index_cast %swap3A_520 : i32 to index
            %swap3A_522 = arith.index_cast %add3A_432 : i32 to index
            %swap3A_523 = arith.constant 96 : index
            %swap3A_524 = tpu.vector_load %arg6[%swap3A_521, %swap3A_522, %swap3A_523] {strides = array<i32>} : memref<4x128x128xf32, #tpu.memory_space<vmem>>, vector<16xf32>,
            tpu.vector_store %arg6[%swap3A_521, %swap3A_522, %swap3A_523], %broadcast_in_dim3A_314 {strides = array<i32>} : memref<4x128x128xf32, #tpu.memory_space<vmem>>, vector<16xf32>,
            %swap3A_525 = arith.constant 1 : i32
            %swap3A_526 = arith.index_cast %swap3A_525 : i32 to index
            %swap3A_527 = arith.index_cast %add3A_432 : i32 to index
            %swap3A_528 = arith.constant 112 : index
            %swap3A_529 = tpu.vector_load %arg6[%swap3A_526, %swap3A_527, %swap3A_528] {strides = array<i32>} : memref<4x128x128xf32, #tpu.memory_space<vmem>>, vector<16xf32>,
            tpu.vector_store %arg6[%swap3A_526, %swap3A_527, %swap3A_528], %broadcast_in_dim3A_314 {strides = array<i32>} : memref<4x128x128xf32, #tpu.memory_space<vmem>>, vector<16xf32>,
          } else {
          }
          %slice3A_436 = vector.extract_strided_slice %get3A_306 {offsets = [11], sizes = [1], strides = [1]} : vector<16xi32> to vector<1xi32>
          %squeeze3A_437 = vector.extract %slice3A_436[0] : i32 from vector<1xi32>
          %eq3A_438 = arith.constant 0 : i32
          %eq3A_439 = arith.cmpi eq, %squeeze3A_437, %eq3A_438 : i32
          %mul3A_440 = arith.constant 16 : i32
          %mul3A_441 = arith.muli %scan3A_299, %mul3A_440 : i32
          %add3A_442 = arith.constant 11 : i32
          %add3A_443 = arith.addi %mul3A_441, %add3A_442 : i32
          %convert_element_type3A_444 = arith.extui %eq3A_439 : i1 to i32
          %cond3A_445 = arith.constant 0 : i32
          %cond3A_446 = arith.cmpi ne, %convert_element_type3A_444, %cond3A_445 : i32
          scf.if %cond3A_446 {
            %swap3A = arith.constant 1 : i32
            %swap3A_491 = arith.index_cast %swap3A : i32 to index
            %swap3A_492 = arith.index_cast %add3A_443 : i32 to index
            %swap3A_493 = arith.constant 0 : index
            %swap3A_494 = tpu.vector_load %arg6[%swap3A_491, %swap3A_492, %swap3A_493] {strides = array<i32>} : memref<4x128x128xf32, #tpu.memory_space<vmem>>, vector<16xf32>,
            tpu.vector_store %arg6[%swap3A_491, %swap3A_492, %swap3A_493], %broadcast_in_dim3A_314 {strides = array<i32>} : memref<4x128x128xf32, #tpu.memory_space<vmem>>, vector<16xf32>,
            %swap3A_495 = arith.constant 1 : i32
            %swap3A_496 = arith.index_cast %swap3A_495 : i32 to index
            %swap3A_497 = arith.index_cast %add3A_443 : i32 to index
            %swap3A_498 = arith.constant 16 : index
            %swap3A_499 = tpu.vector_load %arg6[%swap3A_496, %swap3A_497, %swap3A_498] {strides = array<i32>} : memref<4x128x128xf32, #tpu.memory_space<vmem>>, vector<16xf32>,
            tpu.vector_store %arg6[%swap3A_496, %swap3A_497, %swap3A_498], %broadcast_in_dim3A_314 {strides = array<i32>} : memref<4x128x128xf32, #tpu.memory_space<vmem>>, vector<16xf32>,
            %swap3A_500 = arith.constant 1 : i32
            %swap3A_501 = arith.index_cast %swap3A_500 : i32 to index
            %swap3A_502 = arith.index_cast %add3A_443 : i32 to index
            %swap3A_503 = arith.constant 32 : index
            %swap3A_504 = tpu.vector_load %arg6[%swap3A_501, %swap3A_502, %swap3A_503] {strides = array<i32>} : memref<4x128x128xf32, #tpu.memory_space<vmem>>, vector<16xf32>,
            tpu.vector_store %arg6[%swap3A_501, %swap3A_502, %swap3A_503], %broadcast_in_dim3A_314 {strides = array<i32>} : memref<4x128x128xf32, #tpu.memory_space<vmem>>, vector<16xf32>,
            %swap3A_505 = arith.constant 1 : i32
            %swap3A_506 = arith.index_cast %swap3A_505 : i32 to index
            %swap3A_507 = arith.index_cast %add3A_443 : i32 to index
            %swap3A_508 = arith.constant 48 : index
            %swap3A_509 = tpu.vector_load %arg6[%swap3A_506, %swap3A_507, %swap3A_508] {strides = array<i32>} : memref<4x128x128xf32, #tpu.memory_space<vmem>>, vector<16xf32>,
            tpu.vector_store %arg6[%swap3A_506, %swap3A_507, %swap3A_508], %broadcast_in_dim3A_314 {strides = array<i32>} : memref<4x128x128xf32, #tpu.memory_space<vmem>>, vector<16xf32>,
            %swap3A_510 = arith.constant 1 : i32
            %swap3A_511 = arith.index_cast %swap3A_510 : i32 to index
            %swap3A_512 = arith.index_cast %add3A_443 : i32 to index
            %swap3A_513 = arith.constant 64 : index
            %swap3A_514 = tpu.vector_load %arg6[%swap3A_511, %swap3A_512, %swap3A_513] {strides = array<i32>} : memref<4x128x128xf32, #tpu.memory_space<vmem>>, vector<16xf32>,
            tpu.vector_store %arg6[%swap3A_511, %swap3A_512, %swap3A_513], %broadcast_in_dim3A_314 {strides = array<i32>} : memref<4x128x128xf32, #tpu.memory_space<vmem>>, vector<16xf32>,
            %swap3A_515 = arith.constant 1 : i32
            %swap3A_516 = arith.index_cast %swap3A_515 : i32 to index
            %swap3A_517 = arith.index_cast %add3A_443 : i32 to index
            %swap3A_518 = arith.constant 80 : index
            %swap3A_519 = tpu.vector_load %arg6[%swap3A_516, %swap3A_517, %swap3A_518] {strides = array<i32>} : memref<4x128x128xf32, #tpu.memory_space<vmem>>, vector<16xf32>,
            tpu.vector_store %arg6[%swap3A_516, %swap3A_517, %swap3A_518], %broadcast_in_dim3A_314 {strides = array<i32>} : memref<4x128x128xf32, #tpu.memory_space<vmem>>, vector<16xf32>,
            %swap3A_520 = arith.constant 1 : i32
            %swap3A_521 = arith.index_cast %swap3A_520 : i32 to index
            %swap3A_522 = arith.index_cast %add3A_443 : i32 to index
            %swap3A_523 = arith.constant 96 : index
            %swap3A_524 = tpu.vector_load %arg6[%swap3A_521, %swap3A_522, %swap3A_523] {strides = array<i32>} : memref<4x128x128xf32, #tpu.memory_space<vmem>>, vector<16xf32>,
            tpu.vector_store %arg6[%swap3A_521, %swap3A_522, %swap3A_523], %broadcast_in_dim3A_314 {strides = array<i32>} : memref<4x128x128xf32, #tpu.memory_space<vmem>>, vector<16xf32>,
            %swap3A_525 = arith.constant 1 : i32
            %swap3A_526 = arith.index_cast %swap3A_525 : i32 to index
            %swap3A_527 = arith.index_cast %add3A_443 : i32 to index
            %swap3A_528 = arith.constant 112 : index
            %swap3A_529 = tpu.vector_load %arg6[%swap3A_526, %swap3A_527, %swap3A_528] {strides = array<i32>} : memref<4x128x128xf32, #tpu.memory_space<vmem>>, vector<16xf32>,
            tpu.vector_store %arg6[%swap3A_526, %swap3A_527, %swap3A_528], %broadcast_in_dim3A_314 {strides = array<i32>} : memref<4x128x128xf32, #tpu.memory_space<vmem>>, vector<16xf32>,
          } else {
          }
          %slice3A_447 = vector.extract_strided_slice %get3A_306 {offsets = [12], sizes = [1], strides = [1]} : vector<16xi32> to vector<1xi32>
          %squeeze3A_448 = vector.extract %slice3A_447[0] : i32 from vector<1xi32>
          %eq3A_449 = arith.constant 0 : i32
          %eq3A_450 = arith.cmpi eq, %squeeze3A_448, %eq3A_449 : i32
          %mul3A_451 = arith.constant 16 : i32
          %mul3A_452 = arith.muli %scan3A_299, %mul3A_451 : i32
          %add3A_453 = arith.constant 12 : i32
          %add3A_454 = arith.addi %mul3A_452, %add3A_453 : i32
          %convert_element_type3A_455 = arith.extui %eq3A_450 : i1 to i32
          %cond3A_456 = arith.constant 0 : i32
          %cond3A_457 = arith.cmpi ne, %convert_element_type3A_455, %cond3A_456 : i32
          scf.if %cond3A_457 {
            %swap3A = arith.constant 1 : i32
            %swap3A_491 = arith.index_cast %swap3A : i32 to index
            %swap3A_492 = arith.index_cast %add3A_454 : i32 to index
            %swap3A_493 = arith.constant 0 : index
            %swap3A_494 = tpu.vector_load %arg6[%swap3A_491, %swap3A_492, %swap3A_493] {strides = array<i32>} : memref<4x128x128xf32, #tpu.memory_space<vmem>>, vector<16xf32>,
            tpu.vector_store %arg6[%swap3A_491, %swap3A_492, %swap3A_493], %broadcast_in_dim3A_314 {strides = array<i32>} : memref<4x128x128xf32, #tpu.memory_space<vmem>>, vector<16xf32>,
            %swap3A_495 = arith.constant 1 : i32
            %swap3A_496 = arith.index_cast %swap3A_495 : i32 to index
            %swap3A_497 = arith.index_cast %add3A_454 : i32 to index
            %swap3A_498 = arith.constant 16 : index
            %swap3A_499 = tpu.vector_load %arg6[%swap3A_496, %swap3A_497, %swap3A_498] {strides = array<i32>} : memref<4x128x128xf32, #tpu.memory_space<vmem>>, vector<16xf32>,
            tpu.vector_store %arg6[%swap3A_496, %swap3A_497, %swap3A_498], %broadcast_in_dim3A_314 {strides = array<i32>} : memref<4x128x128xf32, #tpu.memory_space<vmem>>, vector<16xf32>,
            %swap3A_500 = arith.constant 1 : i32
            %swap3A_501 = arith.index_cast %swap3A_500 : i32 to index
            %swap3A_502 = arith.index_cast %add3A_454 : i32 to index
            %swap3A_503 = arith.constant 32 : index
            %swap3A_504 = tpu.vector_load %arg6[%swap3A_501, %swap3A_502, %swap3A_503] {strides = array<i32>} : memref<4x128x128xf32, #tpu.memory_space<vmem>>, vector<16xf32>,
            tpu.vector_store %arg6[%swap3A_501, %swap3A_502, %swap3A_503], %broadcast_in_dim3A_314 {strides = array<i32>} : memref<4x128x128xf32, #tpu.memory_space<vmem>>, vector<16xf32>,
            %swap3A_505 = arith.constant 1 : i32
            %swap3A_506 = arith.index_cast %swap3A_505 : i32 to index
            %swap3A_507 = arith.index_cast %add3A_454 : i32 to index
            %swap3A_508 = arith.constant 48 : index
            %swap3A_509 = tpu.vector_load %arg6[%swap3A_506, %swap3A_507, %swap3A_508] {strides = array<i32>} : memref<4x128x128xf32, #tpu.memory_space<vmem>>, vector<16xf32>,
            tpu.vector_store %arg6[%swap3A_506, %swap3A_507, %swap3A_508], %broadcast_in_dim3A_314 {strides = array<i32>} : memref<4x128x128xf32, #tpu.memory_space<vmem>>, vector<16xf32>,
            %swap3A_510 = arith.constant 1 : i32
            %swap3A_511 = arith.index_cast %swap3A_510 : i32 to index
            %swap3A_512 = arith.index_cast %add3A_454 : i32 to index
            %swap3A_513 = arith.constant 64 : index
            %swap3A_514 = tpu.vector_load %arg6[%swap3A_511, %swap3A_512, %swap3A_513] {strides = array<i32>} : memref<4x128x128xf32, #tpu.memory_space<vmem>>, vector<16xf32>,
            tpu.vector_store %arg6[%swap3A_511, %swap3A_512, %swap3A_513], %broadcast_in_dim3A_314 {strides = array<i32>} : memref<4x128x128xf32, #tpu.memory_space<vmem>>, vector<16xf32>,
            %swap3A_515 = arith.constant 1 : i32
            %swap3A_516 = arith.index_cast %swap3A_515 : i32 to index
            %swap3A_517 = arith.index_cast %add3A_454 : i32 to index
            %swap3A_518 = arith.constant 80 : index
            %swap3A_519 = tpu.vector_load %arg6[%swap3A_516, %swap3A_517, %swap3A_518] {strides = array<i32>} : memref<4x128x128xf32, #tpu.memory_space<vmem>>, vector<16xf32>,
            tpu.vector_store %arg6[%swap3A_516, %swap3A_517, %swap3A_518], %broadcast_in_dim3A_314 {strides = array<i32>} : memref<4x128x128xf32, #tpu.memory_space<vmem>>, vector<16xf32>,
            %swap3A_520 = arith.constant 1 : i32
            %swap3A_521 = arith.index_cast %swap3A_520 : i32 to index
            %swap3A_522 = arith.index_cast %add3A_454 : i32 to index
            %swap3A_523 = arith.constant 96 : index
            %swap3A_524 = tpu.vector_load %arg6[%swap3A_521, %swap3A_522, %swap3A_523] {strides = array<i32>} : memref<4x128x128xf32, #tpu.memory_space<vmem>>, vector<16xf32>,
            tpu.vector_store %arg6[%swap3A_521, %swap3A_522, %swap3A_523], %broadcast_in_dim3A_314 {strides = array<i32>} : memref<4x128x128xf32, #tpu.memory_space<vmem>>, vector<16xf32>,
            %swap3A_525 = arith.constant 1 : i32
            %swap3A_526 = arith.index_cast %swap3A_525 : i32 to index
            %swap3A_527 = arith.index_cast %add3A_454 : i32 to index
            %swap3A_528 = arith.constant 112 : index
            %swap3A_529 = tpu.vector_load %arg6[%swap3A_526, %swap3A_527, %swap3A_528] {strides = array<i32>} : memref<4x128x128xf32, #tpu.memory_space<vmem>>, vector<16xf32>,
            tpu.vector_store %arg6[%swap3A_526, %swap3A_527, %swap3A_528], %broadcast_in_dim3A_314 {strides = array<i32>} : memref<4x128x128xf32, #tpu.memory_space<vmem>>, vector<16xf32>,
          } else {
          }
          %slice3A_458 = vector.extract_strided_slice %get3A_306 {offsets = [13], sizes = [1], strides = [1]} : vector<16xi32> to vector<1xi32>
          %squeeze3A_459 = vector.extract %slice3A_458[0] : i32 from vector<1xi32>
          %eq3A_460 = arith.constant 0 : i32
          %eq3A_461 = arith.cmpi eq, %squeeze3A_459, %eq3A_460 : i32
          %mul3A_462 = arith.constant 16 : i32
          %mul3A_463 = arith.muli %scan3A_299, %mul3A_462 : i32
          %add3A_464 = arith.constant 13 : i32
          %add3A_465 = arith.addi %mul3A_463, %add3A_464 : i32
          %convert_element_type3A_466 = arith.extui %eq3A_461 : i1 to i32
          %cond3A_467 = arith.constant 0 : i32
          %cond3A_468 = arith.cmpi ne, %convert_element_type3A_466, %cond3A_467 : i32
          scf.if %cond3A_468 {
            %swap3A = arith.constant 1 : i32
            %swap3A_491 = arith.index_cast %swap3A : i32 to index
            %swap3A_492 = arith.index_cast %add3A_465 : i32 to index
            %swap3A_493 = arith.constant 0 : index
            %swap3A_494 = tpu.vector_load %arg6[%swap3A_491, %swap3A_492, %swap3A_493] {strides = array<i32>} : memref<4x128x128xf32, #tpu.memory_space<vmem>>, vector<16xf32>,
            tpu.vector_store %arg6[%swap3A_491, %swap3A_492, %swap3A_493], %broadcast_in_dim3A_314 {strides = array<i32>} : memref<4x128x128xf32, #tpu.memory_space<vmem>>, vector<16xf32>,
            %swap3A_495 = arith.constant 1 : i32
            %swap3A_496 = arith.index_cast %swap3A_495 : i32 to index
            %swap3A_497 = arith.index_cast %add3A_465 : i32 to index
            %swap3A_498 = arith.constant 16 : index
            %swap3A_499 = tpu.vector_load %arg6[%swap3A_496, %swap3A_497, %swap3A_498] {strides = array<i32>} : memref<4x128x128xf32, #tpu.memory_space<vmem>>, vector<16xf32>,
            tpu.vector_store %arg6[%swap3A_496, %swap3A_497, %swap3A_498], %broadcast_in_dim3A_314 {strides = array<i32>} : memref<4x128x128xf32, #tpu.memory_space<vmem>>, vector<16xf32>,
            %swap3A_500 = arith.constant 1 : i32
            %swap3A_501 = arith.index_cast %swap3A_500 : i32 to index
            %swap3A_502 = arith.index_cast %add3A_465 : i32 to index
            %swap3A_503 = arith.constant 32 : index
            %swap3A_504 = tpu.vector_load %arg6[%swap3A_501, %swap3A_502, %swap3A_503] {strides = array<i32>} : memref<4x128x128xf32, #tpu.memory_space<vmem>>, vector<16xf32>,
            tpu.vector_store %arg6[%swap3A_501, %swap3A_502, %swap3A_503], %broadcast_in_dim3A_314 {strides = array<i32>} : memref<4x128x128xf32, #tpu.memory_space<vmem>>, vector<16xf32>,
            %swap3A_505 = arith.constant 1 : i32
            %swap3A_506 = arith.index_cast %swap3A_505 : i32 to index
            %swap3A_507 = arith.index_cast %add3A_465 : i32 to index
            %swap3A_508 = arith.constant 48 : index
            %swap3A_509 = tpu.vector_load %arg6[%swap3A_506, %swap3A_507, %swap3A_508] {strides = array<i32>} : memref<4x128x128xf32, #tpu.memory_space<vmem>>, vector<16xf32>,
            tpu.vector_store %arg6[%swap3A_506, %swap3A_507, %swap3A_508], %broadcast_in_dim3A_314 {strides = array<i32>} : memref<4x128x128xf32, #tpu.memory_space<vmem>>, vector<16xf32>,
            %swap3A_510 = arith.constant 1 : i32
            %swap3A_511 = arith.index_cast %swap3A_510 : i32 to index
            %swap3A_512 = arith.index_cast %add3A_465 : i32 to index
            %swap3A_513 = arith.constant 64 : index
            %swap3A_514 = tpu.vector_load %arg6[%swap3A_511, %swap3A_512, %swap3A_513] {strides = array<i32>} : memref<4x128x128xf32, #tpu.memory_space<vmem>>, vector<16xf32>,
            tpu.vector_store %arg6[%swap3A_511, %swap3A_512, %swap3A_513], %broadcast_in_dim3A_314 {strides = array<i32>} : memref<4x128x128xf32, #tpu.memory_space<vmem>>, vector<16xf32>,
            %swap3A_515 = arith.constant 1 : i32
            %swap3A_516 = arith.index_cast %swap3A_515 : i32 to index
            %swap3A_517 = arith.index_cast %add3A_465 : i32 to index
            %swap3A_518 = arith.constant 80 : index
            %swap3A_519 = tpu.vector_load %arg6[%swap3A_516, %swap3A_517, %swap3A_518] {strides = array<i32>} : memref<4x128x128xf32, #tpu.memory_space<vmem>>, vector<16xf32>,
            tpu.vector_store %arg6[%swap3A_516, %swap3A_517, %swap3A_518], %broadcast_in_dim3A_314 {strides = array<i32>} : memref<4x128x128xf32, #tpu.memory_space<vmem>>, vector<16xf32>,
            %swap3A_520 = arith.constant 1 : i32
            %swap3A_521 = arith.index_cast %swap3A_520 : i32 to index
            %swap3A_522 = arith.index_cast %add3A_465 : i32 to index
            %swap3A_523 = arith.constant 96 : index
            %swap3A_524 = tpu.vector_load %arg6[%swap3A_521, %swap3A_522, %swap3A_523] {strides = array<i32>} : memref<4x128x128xf32, #tpu.memory_space<vmem>>, vector<16xf32>,
            tpu.vector_store %arg6[%swap3A_521, %swap3A_522, %swap3A_523], %broadcast_in_dim3A_314 {strides = array<i32>} : memref<4x128x128xf32, #tpu.memory_space<vmem>>, vector<16xf32>,
            %swap3A_525 = arith.constant 1 : i32
            %swap3A_526 = arith.index_cast %swap3A_525 : i32 to index
            %swap3A_527 = arith.index_cast %add3A_465 : i32 to index
            %swap3A_528 = arith.constant 112 : index
            %swap3A_529 = tpu.vector_load %arg6[%swap3A_526, %swap3A_527, %swap3A_528] {strides = array<i32>} : memref<4x128x128xf32, #tpu.memory_space<vmem>>, vector<16xf32>,
            tpu.vector_store %arg6[%swap3A_526, %swap3A_527, %swap3A_528], %broadcast_in_dim3A_314 {strides = array<i32>} : memref<4x128x128xf32, #tpu.memory_space<vmem>>, vector<16xf32>,
          } else {
          }
          %slice3A_469 = vector.extract_strided_slice %get3A_306 {offsets = [14], sizes = [1], strides = [1]} : vector<16xi32> to vector<1xi32>
          %squeeze3A_470 = vector.extract %slice3A_469[0] : i32 from vector<1xi32>
          %eq3A_471 = arith.constant 0 : i32
          %eq3A_472 = arith.cmpi eq, %squeeze3A_470, %eq3A_471 : i32
          %mul3A_473 = arith.constant 16 : i32
          %mul3A_474 = arith.muli %scan3A_299, %mul3A_473 : i32
          %add3A_475 = arith.constant 14 : i32
          %add3A_476 = arith.addi %mul3A_474, %add3A_475 : i32
          %convert_element_type3A_477 = arith.extui %eq3A_472 : i1 to i32
          %cond3A_478 = arith.constant 0 : i32
          %cond3A_479 = arith.cmpi ne, %convert_element_type3A_477, %cond3A_478 : i32
          scf.if %cond3A_479 {
            %swap3A = arith.constant 1 : i32
            %swap3A_491 = arith.index_cast %swap3A : i32 to index
            %swap3A_492 = arith.index_cast %add3A_476 : i32 to index
            %swap3A_493 = arith.constant 0 : index
            %swap3A_494 = tpu.vector_load %arg6[%swap3A_491, %swap3A_492, %swap3A_493] {strides = array<i32>} : memref<4x128x128xf32, #tpu.memory_space<vmem>>, vector<16xf32>,
            tpu.vector_store %arg6[%swap3A_491, %swap3A_492, %swap3A_493], %broadcast_in_dim3A_314 {strides = array<i32>} : memref<4x128x128xf32, #tpu.memory_space<vmem>>, vector<16xf32>,
            %swap3A_495 = arith.constant 1 : i32
            %swap3A_496 = arith.index_cast %swap3A_495 : i32 to index
            %swap3A_497 = arith.index_cast %add3A_476 : i32 to index
            %swap3A_498 = arith.constant 16 : index
            %swap3A_499 = tpu.vector_load %arg6[%swap3A_496, %swap3A_497, %swap3A_498] {strides = array<i32>} : memref<4x128x128xf32, #tpu.memory_space<vmem>>, vector<16xf32>,
            tpu.vector_store %arg6[%swap3A_496, %swap3A_497, %swap3A_498], %broadcast_in_dim3A_314 {strides = array<i32>} : memref<4x128x128xf32, #tpu.memory_space<vmem>>, vector<16xf32>,
            %swap3A_500 = arith.constant 1 : i32
            %swap3A_501 = arith.index_cast %swap3A_500 : i32 to index
            %swap3A_502 = arith.index_cast %add3A_476 : i32 to index
            %swap3A_503 = arith.constant 32 : index
            %swap3A_504 = tpu.vector_load %arg6[%swap3A_501, %swap3A_502, %swap3A_503] {strides = array<i32>} : memref<4x128x128xf32, #tpu.memory_space<vmem>>, vector<16xf32>,
            tpu.vector_store %arg6[%swap3A_501, %swap3A_502, %swap3A_503], %broadcast_in_dim3A_314 {strides = array<i32>} : memref<4x128x128xf32, #tpu.memory_space<vmem>>, vector<16xf32>,
            %swap3A_505 = arith.constant 1 : i32
            %swap3A_506 = arith.index_cast %swap3A_505 : i32 to index
            %swap3A_507 = arith.index_cast %add3A_476 : i32 to index
            %swap3A_508 = arith.constant 48 : index
            %swap3A_509 = tpu.vector_load %arg6[%swap3A_506, %swap3A_507, %swap3A_508] {strides = array<i32>} : memref<4x128x128xf32, #tpu.memory_space<vmem>>, vector<16xf32>,
            tpu.vector_store %arg6[%swap3A_506, %swap3A_507, %swap3A_508], %broadcast_in_dim3A_314 {strides = array<i32>} : memref<4x128x128xf32, #tpu.memory_space<vmem>>, vector<16xf32>,
            %swap3A_510 = arith.constant 1 : i32
            %swap3A_511 = arith.index_cast %swap3A_510 : i32 to index
            %swap3A_512 = arith.index_cast %add3A_476 : i32 to index
            %swap3A_513 = arith.constant 64 : index
            %swap3A_514 = tpu.vector_load %arg6[%swap3A_511, %swap3A_512, %swap3A_513] {strides = array<i32>} : memref<4x128x128xf32, #tpu.memory_space<vmem>>, vector<16xf32>,
            tpu.vector_store %arg6[%swap3A_511, %swap3A_512, %swap3A_513], %broadcast_in_dim3A_314 {strides = array<i32>} : memref<4x128x128xf32, #tpu.memory_space<vmem>>, vector<16xf32>,
            %swap3A_515 = arith.constant 1 : i32
            %swap3A_516 = arith.index_cast %swap3A_515 : i32 to index
            %swap3A_517 = arith.index_cast %add3A_476 : i32 to index
            %swap3A_518 = arith.constant 80 : index
            %swap3A_519 = tpu.vector_load %arg6[%swap3A_516, %swap3A_517, %swap3A_518] {strides = array<i32>} : memref<4x128x128xf32, #tpu.memory_space<vmem>>, vector<16xf32>,
            tpu.vector_store %arg6[%swap3A_516, %swap3A_517, %swap3A_518], %broadcast_in_dim3A_314 {strides = array<i32>} : memref<4x128x128xf32, #tpu.memory_space<vmem>>, vector<16xf32>,
            %swap3A_520 = arith.constant 1 : i32
            %swap3A_521 = arith.index_cast %swap3A_520 : i32 to index
            %swap3A_522 = arith.index_cast %add3A_476 : i32 to index
            %swap3A_523 = arith.constant 96 : index
            %swap3A_524 = tpu.vector_load %arg6[%swap3A_521, %swap3A_522, %swap3A_523] {strides = array<i32>} : memref<4x128x128xf32, #tpu.memory_space<vmem>>, vector<16xf32>,
            tpu.vector_store %arg6[%swap3A_521, %swap3A_522, %swap3A_523], %broadcast_in_dim3A_314 {strides = array<i32>} : memref<4x128x128xf32, #tpu.memory_space<vmem>>, vector<16xf32>,
            %swap3A_525 = arith.constant 1 : i32
            %swap3A_526 = arith.index_cast %swap3A_525 : i32 to index
            %swap3A_527 = arith.index_cast %add3A_476 : i32 to index
            %swap3A_528 = arith.constant 112 : index
            %swap3A_529 = tpu.vector_load %arg6[%swap3A_526, %swap3A_527, %swap3A_528] {strides = array<i32>} : memref<4x128x128xf32, #tpu.memory_space<vmem>>, vector<16xf32>,
            tpu.vector_store %arg6[%swap3A_526, %swap3A_527, %swap3A_528], %broadcast_in_dim3A_314 {strides = array<i32>} : memref<4x128x128xf32, #tpu.memory_space<vmem>>, vector<16xf32>,
          } else {
          }
          %slice3A_480 = vector.extract_strided_slice %get3A_306 {offsets = [15], sizes = [1], strides = [1]} : vector<16xi32> to vector<1xi32>
          %squeeze3A_481 = vector.extract %slice3A_480[0] : i32 from vector<1xi32>
          %eq3A_482 = arith.constant 0 : i32
          %eq3A_483 = arith.cmpi eq, %squeeze3A_481, %eq3A_482 : i32
          %mul3A_484 = arith.constant 16 : i32
          %mul3A_485 = arith.muli %scan3A_299, %mul3A_484 : i32
          %add3A_486 = arith.constant 15 : i32
          %add3A_487 = arith.addi %mul3A_485, %add3A_486 : i32
          %convert_element_type3A_488 = arith.extui %eq3A_483 : i1 to i32
          %cond3A_489 = arith.constant 0 : i32
          %cond3A_490 = arith.cmpi ne, %convert_element_type3A_488, %cond3A_489 : i32
          scf.if %cond3A_490 {
            %swap3A = arith.constant 1 : i32
            %swap3A_491 = arith.index_cast %swap3A : i32 to index
            %swap3A_492 = arith.index_cast %add3A_487 : i32 to index
            %swap3A_493 = arith.constant 0 : index
            %swap3A_494 = tpu.vector_load %arg6[%swap3A_491, %swap3A_492, %swap3A_493] {strides = array<i32>} : memref<4x128x128xf32, #tpu.memory_space<vmem>>, vector<16xf32>,
            tpu.vector_store %arg6[%swap3A_491, %swap3A_492, %swap3A_493], %broadcast_in_dim3A_314 {strides = array<i32>} : memref<4x128x128xf32, #tpu.memory_space<vmem>>, vector<16xf32>,
            %swap3A_495 = arith.constant 1 : i32
            %swap3A_496 = arith.index_cast %swap3A_495 : i32 to index
            %swap3A_497 = arith.index_cast %add3A_487 : i32 to index
            %swap3A_498 = arith.constant 16 : index
            %swap3A_499 = tpu.vector_load %arg6[%swap3A_496, %swap3A_497, %swap3A_498] {strides = array<i32>} : memref<4x128x128xf32, #tpu.memory_space<vmem>>, vector<16xf32>,
            tpu.vector_store %arg6[%swap3A_496, %swap3A_497, %swap3A_498], %broadcast_in_dim3A_314 {strides = array<i32>} : memref<4x128x128xf32, #tpu.memory_space<vmem>>, vector<16xf32>,
            %swap3A_500 = arith.constant 1 : i32
            %swap3A_501 = arith.index_cast %swap3A_500 : i32 to index
            %swap3A_502 = arith.index_cast %add3A_487 : i32 to index
            %swap3A_503 = arith.constant 32 : index
            %swap3A_504 = tpu.vector_load %arg6[%swap3A_501, %swap3A_502, %swap3A_503] {strides = array<i32>} : memref<4x128x128xf32, #tpu.memory_space<vmem>>, vector<16xf32>,
            tpu.vector_store %arg6[%swap3A_501, %swap3A_502, %swap3A_503], %broadcast_in_dim3A_314 {strides = array<i32>} : memref<4x128x128xf32, #tpu.memory_space<vmem>>, vector<16xf32>,
            %swap3A_505 = arith.constant 1 : i32
            %swap3A_506 = arith.index_cast %swap3A_505 : i32 to index
            %swap3A_507 = arith.index_cast %add3A_487 : i32 to index
            %swap3A_508 = arith.constant 48 : index
            %swap3A_509 = tpu.vector_load %arg6[%swap3A_506, %swap3A_507, %swap3A_508] {strides = array<i32>} : memref<4x128x128xf32, #tpu.memory_space<vmem>>, vector<16xf32>,
            tpu.vector_store %arg6[%swap3A_506, %swap3A_507, %swap3A_508], %broadcast_in_dim3A_314 {strides = array<i32>} : memref<4x128x128xf32, #tpu.memory_space<vmem>>, vector<16xf32>,
            %swap3A_510 = arith.constant 1 : i32
            %swap3A_511 = arith.index_cast %swap3A_510 : i32 to index
            %swap3A_512 = arith.index_cast %add3A_487 : i32 to index
            %swap3A_513 = arith.constant 64 : index
            %swap3A_514 = tpu.vector_load %arg6[%swap3A_511, %swap3A_512, %swap3A_513] {strides = array<i32>} : memref<4x128x128xf32, #tpu.memory_space<vmem>>, vector<16xf32>,
            tpu.vector_store %arg6[%swap3A_511, %swap3A_512, %swap3A_513], %broadcast_in_dim3A_314 {strides = array<i32>} : memref<4x128x128xf32, #tpu.memory_space<vmem>>, vector<16xf32>,
            %swap3A_515 = arith.constant 1 : i32
            %swap3A_516 = arith.index_cast %swap3A_515 : i32 to index
            %swap3A_517 = arith.index_cast %add3A_487 : i32 to index
            %swap3A_518 = arith.constant 80 : index
            %swap3A_519 = tpu.vector_load %arg6[%swap3A_516, %swap3A_517, %swap3A_518] {strides = array<i32>} : memref<4x128x128xf32, #tpu.memory_space<vmem>>, vector<16xf32>,
            tpu.vector_store %arg6[%swap3A_516, %swap3A_517, %swap3A_518], %broadcast_in_dim3A_314 {strides = array<i32>} : memref<4x128x128xf32, #tpu.memory_space<vmem>>, vector<16xf32>,
            %swap3A_520 = arith.constant 1 : i32
            %swap3A_521 = arith.index_cast %swap3A_520 : i32 to index
            %swap3A_522 = arith.index_cast %add3A_487 : i32 to index
            %swap3A_523 = arith.constant 96 : index
            %swap3A_524 = tpu.vector_load %arg6[%swap3A_521, %swap3A_522, %swap3A_523] {strides = array<i32>} : memref<4x128x128xf32, #tpu.memory_space<vmem>>, vector<16xf32>,
            tpu.vector_store %arg6[%swap3A_521, %swap3A_522, %swap3A_523], %broadcast_in_dim3A_314 {strides = array<i32>} : memref<4x128x128xf32, #tpu.memory_space<vmem>>, vector<16xf32>,
            %swap3A_525 = arith.constant 1 : i32
            %swap3A_526 = arith.index_cast %swap3A_525 : i32 to index
            %swap3A_527 = arith.index_cast %add3A_487 : i32 to index
            %swap3A_528 = arith.constant 112 : index
            %swap3A_529 = tpu.vector_load %arg6[%swap3A_526, %swap3A_527, %swap3A_528] {strides = array<i32>} : memref<4x128x128xf32, #tpu.memory_space<vmem>>, vector<16xf32>,
            tpu.vector_store %arg6[%swap3A_526, %swap3A_527, %swap3A_528], %broadcast_in_dim3A_314 {strides = array<i32>} : memref<4x128x128xf32, #tpu.memory_space<vmem>>, vector<16xf32>,
          } else {
          }
        } else {
        }
        %scan3A_313 = arith.constant 0 : i32
        scf.yield %scan3A_313 : i32
      }
      %scan3A_176 = arith.constant 8 : i32
      %mul3A_177 = arith.constant 128 : i32
      %mul3A_178 = arith.muli %add3A_154, %mul3A_177 : i32
      %add3A_179 = arith.addi %mul3A_2, %mul3A_178 : i32
      %dma_start3A_180 = arith.constant 1 : i32
      %dma_start3A_181 = arith.constant 0 : i32
      %dma_start3A_182 = arith.constant 0 : i32
      %dma_start3A_183 = tpu.memref_slice %arg6[%dma_start3A_180, %dma_start3A_181, %dma_start3A_182] : memref<4x128x128xf32, #tpu.memory_space<vmem>> -> memref<1x128x128xf32, #tpu.memory_space<vmem>>
      %dma_start3A_184 = tpu.memref_squeeze %dma_start3A_183 : memref<1x128x128xf32, #tpu.memory_space<vmem>> -> memref<128x128xf32, #tpu.memory_space<vmem>>
      %dma_start3A_185 = arith.constant 0 : i32
      %dma_start3A_186 = tpu.memref_slice %arg4[%add3A_179, %dma_start3A_185] : memref<819200x128xf32, #tpu.memory_space<hbm>> -> memref<128x128xf32, #tpu.memory_space<hbm>>
      %dma_start3A_187 = arith.constant 0 : i32
      %dma_start3A_188 = tpu.memref_slice %arg4[%add3A_179, %dma_start3A_187] : memref<819200x128xf32, #tpu.memory_space<hbm>> -> memref<128x128xf32, #tpu.memory_space<hbm>>
      %dma_start3A_189 = arith.constant 0 : i32
      %dma_start3A_190 = arith.constant 0 : i32
      %dma_start3A_191 = tpu.memref_slice %arg6[%dma_start3A_180, %dma_start3A_189, %dma_start3A_190] : memref<4x128x128xf32, #tpu.memory_space<vmem>> -> memref<1x128x128xf32, #tpu.memory_space<vmem>>
      %dma_start3A_192 = tpu.memref_squeeze %dma_start3A_191 : memref<1x128x128xf32, #tpu.memory_space<vmem>> -> memref<128x128xf32, #tpu.memory_space<vmem>>
      tpu.enqueue_dma source(%dma_start3A_192 : memref<128x128xf32, #tpu.memory_space<vmem>>) target(%dma_start3A_188 : memref<128x128xf32, #tpu.memory_space<hbm>>) target_semaphore(%arg12 : memref<!tpu.dma_semaphore, #tpu.memory_space<semaphore_mem>>)
      %add3A_193 = arith.constant 3 : i32
      %add3A_194 = arith.addi %add3A_154, %add3A_193 : i32
      %lt3A_195 = arith.constant 200 : i32
      %lt3A_196 = arith.cmpi slt, %add3A_194, %lt3A_195 : i32
      %convert_element_type3A_197 = arith.extui %lt3A_196 : i1 to i32
      %cond3A_198 = arith.constant 0 : i32
      %cond3A_199 = arith.cmpi ne, %convert_element_type3A_197, %cond3A_198 : i32
      scf.if %cond3A_199 {
        %ge3A = arith.constant 4 : i32
        %ge3A_299 = arith.cmpi sge, %add3A_194, %ge3A : i32
        %convert_element_type3A_300 = arith.extui %ge3A_299 : i1 to i32
        %cond3A_301 = arith.constant 0 : i32
        %cond3A_302 = arith.cmpi ne, %convert_element_type3A_300, %cond3A_301 : i32
        scf.if %cond3A_302 {
          %dma_wait3A_314 = arith.constant 0 : i32
          %dma_wait3A_315 = arith.constant 0 : i32
          %dma_wait3A_316 = arith.constant 0 : i32
          %dma_wait3A_317 = tpu.memref_slice %arg6[%dma_wait3A_314, %dma_wait3A_315, %dma_wait3A_316] : memref<4x128x128xf32, #tpu.memory_space<vmem>> -> memref<1x128x128xf32, #tpu.memory_space<vmem>>
          %dma_wait3A_318 = tpu.memref_squeeze %dma_wait3A_317 : memref<1x128x128xf32, #tpu.memory_space<vmem>> -> memref<128x128xf32, #tpu.memory_space<vmem>>
          %dma_wait3A_319 = arith.constant 0 : i32
          %dma_wait3A_320 = arith.constant 0 : i32
          %dma_wait3A_321 = tpu.memref_slice %arg4[%dma_wait3A_319, %dma_wait3A_320] : memref<819200x128xf32, #tpu.memory_space<hbm>> -> memref<128x128xf32, #tpu.memory_space<hbm>>
          %dma_wait3A_322 = arith.constant 0 : i32
          %dma_wait3A_323 = arith.constant 0 : i32
          %dma_wait3A_324 = tpu.memref_slice %arg4[%dma_wait3A_322, %dma_wait3A_323] : memref<819200x128xf32, #tpu.memory_space<hbm>> -> memref<128x128xf32, #tpu.memory_space<hbm>>
          %dma_wait3A_325 = arith.constant 0 : i32
          %dma_wait3A_326 = arith.constant 0 : i32
          %dma_wait3A_327 = tpu.memref_slice %arg6[%dma_wait3A_314, %dma_wait3A_325, %dma_wait3A_326] : memref<4x128x128xf32, #tpu.memory_space<vmem>> -> memref<1x128x128xf32, #tpu.memory_space<vmem>>
          %dma_wait3A_328 = tpu.memref_squeeze %dma_wait3A_327 : memref<1x128x128xf32, #tpu.memory_space<vmem>> -> memref<128x128xf32, #tpu.memory_space<vmem>>
          tpu.wait_dma2 semaphore(%arg11 : memref<!tpu.dma_semaphore, #tpu.memory_space<semaphore_mem>>) src(%dma_wait3A_328 : memref<128x128xf32, #tpu.memory_space<vmem>>) dst(%dma_wait3A_324 : memref<128x128xf32, #tpu.memory_space<hbm>>)
        } else {
        }
        %mul3A_303 = arith.constant 128 : i32
        %mul3A_304 = arith.muli %add3A_194, %mul3A_303 : i32
        %dma_start3A_305 = arith.constant 0 : i32
        %dma_start3A_306 = arith.constant 0 : i32
        %dma_start3A_307 = arith.constant 0 : i32
        %dma_start3A_308 = tpu.memref_slice %arg6[%dma_start3A_305, %dma_start3A_306, %dma_start3A_307] : memref<4x128x128xf32, #tpu.memory_space<vmem>> -> memref<1x128x128xf32, #tpu.memory_space<vmem>>
        %dma_start3A_309 = tpu.memref_squeeze %dma_start3A_308 : memref<1x128x128xf32, #tpu.memory_space<vmem>> -> memref<128x128xf32, #tpu.memory_space<vmem>>
        %dma_start3A_310 = tpu.memref_slice %arg5[%mul3A_304] : memref<25600xi32, #tpu.memory_space<vmem>> -> memref<128xi32, #tpu.memory_space<vmem>>
        %dma_start3A_311 = arith.constant 0 : i32
        %dma_start3A_312 = arith.constant 0 : i32
        %dma_start3A_313 = tpu.memref_slice %arg2[%dma_start3A_311, %dma_start3A_312] : memref<100000x128xf32, #tpu.memory_space<hbm>> -> memref<100000x128xf32, #tpu.memory_space<hbm>>
        tpu.enqueue_indirect_dma source(%dma_start3A_313 : memref<100000x128xf32, #tpu.memory_space<hbm>>) target(%dma_start3A_309 : memref<128x128xf32, #tpu.memory_space<vmem>>) offsets(%dma_start3A_310 : memref<128xi32, #tpu.memory_space<vmem>>) semaphore(%arg7 : memref<!tpu.dma_semaphore, #tpu.memory_space<semaphore_mem>>)
      } else {
      }
      %mul3A_200 = arith.constant 4 : i32
      %mul3A_201 = arith.muli %scan3A_103, %mul3A_200 : i32
      %add3A_202 = arith.constant 2 : i32
      %add3A_203 = arith.addi %mul3A_201, %add3A_202 : i32
      %dma_wait3A_204 = arith.constant 2 : i32
      %dma_wait3A_205 = arith.constant 0 : i32
      %dma_wait3A_206 = arith.constant 0 : i32
      %dma_wait3A_207 = tpu.memref_slice %arg6[%dma_wait3A_204, %dma_wait3A_205, %dma_wait3A_206] : memref<4x128x128xf32, #tpu.memory_space<vmem>> -> memref<1x128x128xf32, #tpu.memory_space<vmem>>
      %dma_wait3A_208 = tpu.memref_squeeze %dma_wait3A_207 : memref<1x128x128xf32, #tpu.memory_space<vmem>> -> memref<128x128xf32, #tpu.memory_space<vmem>>
      %dma_wait3A_209 = arith.constant 0 : i32
      %dma_wait3A_210 = arith.constant 0 : i32
      %dma_wait3A_211 = tpu.memref_slice %arg2[%dma_wait3A_209, %dma_wait3A_210] : memref<100000x128xf32, #tpu.memory_space<hbm>> -> memref<128x128xf32, #tpu.memory_space<hbm>>
      %dma_wait3A_212 = arith.constant 0 : i32
      %dma_wait3A_213 = arith.constant 0 : i32
      %dma_wait3A_214 = tpu.memref_slice %arg6[%dma_wait3A_204, %dma_wait3A_212, %dma_wait3A_213] : memref<4x128x128xf32, #tpu.memory_space<vmem>> -> memref<1x128x128xf32, #tpu.memory_space<vmem>>
      %dma_wait3A_215 = tpu.memref_squeeze %dma_wait3A_214 : memref<1x128x128xf32, #tpu.memory_space<vmem>> -> memref<128x128xf32, #tpu.memory_space<vmem>>
      %dma_wait3A_216 = arith.constant 0 : i32
      %dma_wait3A_217 = arith.constant 0 : i32
      %dma_wait3A_218 = tpu.memref_slice %arg2[%dma_wait3A_216, %dma_wait3A_217] : memref<100000x128xf32, #tpu.memory_space<hbm>> -> memref<128x128xf32, #tpu.memory_space<hbm>>
      tpu.wait_dma2 semaphore(%arg9 : memref<!tpu.dma_semaphore, #tpu.memory_space<semaphore_mem>>) src(%dma_wait3A_218 : memref<128x128xf32, #tpu.memory_space<hbm>>) dst(%dma_wait3A_215 : memref<128x128xf32, #tpu.memory_space<vmem>>)
      %scan3A_219 = arith.constant 0 : i32
      %scan3A_220 = arith.constant 0 : i32
      %scan3A_221 = arith.constant 8 : i32
      %scan3A_222 = arith.addi %scan3A_220, %scan3A_221 : i32
      %scan3A_223 = arith.constant 1 : i32
      %scan3A_224 = scf.for %scan3A_299 = %scan3A_220 to %scan3A_222 step %scan3A_223 iter_args(%scan3A_300 = %scan3A_219) -> (i32)  : i32 {
        %mul3A_301 = arith.constant 128 : i32
        %mul3A_302 = arith.muli %add3A_203, %mul3A_301 : i32
        %mul3A_303 = arith.constant 16 : i32
        %mul3A_304 = arith.muli %scan3A_299, %mul3A_303 : i32
        %add3A_305 = arith.addi %mul3A_302, %mul3A_304 : i32
        %get3A = arith.index_cast %add3A_305 : i32 to index
        %get3A_306 = tpu.vector_load %arg5[%get3A] {strides = array<i32>} : memref<25600xi32, #tpu.memory_space<vmem>>, vector<16xi32>,
        %eq3A = arith.constant 0 : i32
        %eq3A_307 = vector.broadcast %eq3A : i32 to vector<16xi32>
        %eq3A_308 = arith.cmpi eq, %get3A_306, %eq3A_307 : vector<16xi32>
        %all_reduce_population_count3A = tpu.all_reduce %eq3A_308 {dim = 0 : i64, kind = #tpu.reduction_kind<sum>} : vector<16xi1> -> vector<16xi32>
        %slice3A = vector.extract_strided_slice %all_reduce_population_count3A {offsets = [0], sizes = [1], strides = [1]} : vector<16xi32> to vector<1xi32>
        %squeeze3A = vector.extract %slice3A[0] : i32 from vector<1xi32>
        %gt3A = arith.constant 0 : i32
        %gt3A_309 = arith.cmpi sgt, %squeeze3A, %gt3A : i32
        %convert_element_type3A_310 = arith.extui %gt3A_309 : i1 to i32
        %cond3A_311 = arith.constant 0 : i32
        %cond3A_312 = arith.cmpi ne, %convert_element_type3A_310, %cond3A_311 : i32
        scf.if %cond3A_312 {
          %broadcast_in_dim3A = arith.constant 0.000000e+00 : f32
          %broadcast_in_dim3A_314 = vector.broadcast %broadcast_in_dim3A : f32 to vector<16xf32>
          %slice3A_315 = vector.extract_strided_slice %get3A_306 {offsets = [0], sizes = [1], strides = [1]} : vector<16xi32> to vector<1xi32>
          %squeeze3A_316 = vector.extract %slice3A_315[0] : i32 from vector<1xi32>
          %eq3A_317 = arith.constant 0 : i32
          %eq3A_318 = arith.cmpi eq, %squeeze3A_316, %eq3A_317 : i32
          %mul3A_319 = arith.constant 16 : i32
          %mul3A_320 = arith.muli %scan3A_299, %mul3A_319 : i32
          %add3A_321 = arith.constant 0 : i32
          %add3A_322 = arith.addi %mul3A_320, %add3A_321 : i32
          %convert_element_type3A_323 = arith.extui %eq3A_318 : i1 to i32
          %cond3A_324 = arith.constant 0 : i32
          %cond3A_325 = arith.cmpi ne, %convert_element_type3A_323, %cond3A_324 : i32
          scf.if %cond3A_325 {
            %swap3A = arith.constant 2 : i32
            %swap3A_491 = arith.index_cast %swap3A : i32 to index
            %swap3A_492 = arith.index_cast %add3A_322 : i32 to index
            %swap3A_493 = arith.constant 0 : index
            %swap3A_494 = tpu.vector_load %arg6[%swap3A_491, %swap3A_492, %swap3A_493] {strides = array<i32>} : memref<4x128x128xf32, #tpu.memory_space<vmem>>, vector<16xf32>,
            tpu.vector_store %arg6[%swap3A_491, %swap3A_492, %swap3A_493], %broadcast_in_dim3A_314 {strides = array<i32>} : memref<4x128x128xf32, #tpu.memory_space<vmem>>, vector<16xf32>,
            %swap3A_495 = arith.constant 2 : i32
            %swap3A_496 = arith.index_cast %swap3A_495 : i32 to index
            %swap3A_497 = arith.index_cast %add3A_322 : i32 to index
            %swap3A_498 = arith.constant 16 : index
            %swap3A_499 = tpu.vector_load %arg6[%swap3A_496, %swap3A_497, %swap3A_498] {strides = array<i32>} : memref<4x128x128xf32, #tpu.memory_space<vmem>>, vector<16xf32>,
            tpu.vector_store %arg6[%swap3A_496, %swap3A_497, %swap3A_498], %broadcast_in_dim3A_314 {strides = array<i32>} : memref<4x128x128xf32, #tpu.memory_space<vmem>>, vector<16xf32>,
            %swap3A_500 = arith.constant 2 : i32
            %swap3A_501 = arith.index_cast %swap3A_500 : i32 to index
            %swap3A_502 = arith.index_cast %add3A_322 : i32 to index
            %swap3A_503 = arith.constant 32 : index
            %swap3A_504 = tpu.vector_load %arg6[%swap3A_501, %swap3A_502, %swap3A_503] {strides = array<i32>} : memref<4x128x128xf32, #tpu.memory_space<vmem>>, vector<16xf32>,
            tpu.vector_store %arg6[%swap3A_501, %swap3A_502, %swap3A_503], %broadcast_in_dim3A_314 {strides = array<i32>} : memref<4x128x128xf32, #tpu.memory_space<vmem>>, vector<16xf32>,
            %swap3A_505 = arith.constant 2 : i32
            %swap3A_506 = arith.index_cast %swap3A_505 : i32 to index
            %swap3A_507 = arith.index_cast %add3A_322 : i32 to index
            %swap3A_508 = arith.constant 48 : index
            %swap3A_509 = tpu.vector_load %arg6[%swap3A_506, %swap3A_507, %swap3A_508] {strides = array<i32>} : memref<4x128x128xf32, #tpu.memory_space<vmem>>, vector<16xf32>,
            tpu.vector_store %arg6[%swap3A_506, %swap3A_507, %swap3A_508], %broadcast_in_dim3A_314 {strides = array<i32>} : memref<4x128x128xf32, #tpu.memory_space<vmem>>, vector<16xf32>,
            %swap3A_510 = arith.constant 2 : i32
            %swap3A_511 = arith.index_cast %swap3A_510 : i32 to index
            %swap3A_512 = arith.index_cast %add3A_322 : i32 to index
            %swap3A_513 = arith.constant 64 : index
            %swap3A_514 = tpu.vector_load %arg6[%swap3A_511, %swap3A_512, %swap3A_513] {strides = array<i32>} : memref<4x128x128xf32, #tpu.memory_space<vmem>>, vector<16xf32>,
            tpu.vector_store %arg6[%swap3A_511, %swap3A_512, %swap3A_513], %broadcast_in_dim3A_314 {strides = array<i32>} : memref<4x128x128xf32, #tpu.memory_space<vmem>>, vector<16xf32>,
            %swap3A_515 = arith.constant 2 : i32
            %swap3A_516 = arith.index_cast %swap3A_515 : i32 to index
            %swap3A_517 = arith.index_cast %add3A_322 : i32 to index
            %swap3A_518 = arith.constant 80 : index
            %swap3A_519 = tpu.vector_load %arg6[%swap3A_516, %swap3A_517, %swap3A_518] {strides = array<i32>} : memref<4x128x128xf32, #tpu.memory_space<vmem>>, vector<16xf32>,
            tpu.vector_store %arg6[%swap3A_516, %swap3A_517, %swap3A_518], %broadcast_in_dim3A_314 {strides = array<i32>} : memref<4x128x128xf32, #tpu.memory_space<vmem>>, vector<16xf32>,
            %swap3A_520 = arith.constant 2 : i32
            %swap3A_521 = arith.index_cast %swap3A_520 : i32 to index
            %swap3A_522 = arith.index_cast %add3A_322 : i32 to index
            %swap3A_523 = arith.constant 96 : index
            %swap3A_524 = tpu.vector_load %arg6[%swap3A_521, %swap3A_522, %swap3A_523] {strides = array<i32>} : memref<4x128x128xf32, #tpu.memory_space<vmem>>, vector<16xf32>,
            tpu.vector_store %arg6[%swap3A_521, %swap3A_522, %swap3A_523], %broadcast_in_dim3A_314 {strides = array<i32>} : memref<4x128x128xf32, #tpu.memory_space<vmem>>, vector<16xf32>,
            %swap3A_525 = arith.constant 2 : i32
            %swap3A_526 = arith.index_cast %swap3A_525 : i32 to index
            %swap3A_527 = arith.index_cast %add3A_322 : i32 to index
            %swap3A_528 = arith.constant 112 : index
            %swap3A_529 = tpu.vector_load %arg6[%swap3A_526, %swap3A_527, %swap3A_528] {strides = array<i32>} : memref<4x128x128xf32, #tpu.memory_space<vmem>>, vector<16xf32>,
            tpu.vector_store %arg6[%swap3A_526, %swap3A_527, %swap3A_528], %broadcast_in_dim3A_314 {strides = array<i32>} : memref<4x128x128xf32, #tpu.memory_space<vmem>>, vector<16xf32>,
          } else {
          }
          %slice3A_326 = vector.extract_strided_slice %get3A_306 {offsets = [1], sizes = [1], strides = [1]} : vector<16xi32> to vector<1xi32>
          %squeeze3A_327 = vector.extract %slice3A_326[0] : i32 from vector<1xi32>
          %eq3A_328 = arith.constant 0 : i32
          %eq3A_329 = arith.cmpi eq, %squeeze3A_327, %eq3A_328 : i32
          %mul3A_330 = arith.constant 16 : i32
          %mul3A_331 = arith.muli %scan3A_299, %mul3A_330 : i32
          %add3A_332 = arith.constant 1 : i32
          %add3A_333 = arith.addi %mul3A_331, %add3A_332 : i32
          %convert_element_type3A_334 = arith.extui %eq3A_329 : i1 to i32
          %cond3A_335 = arith.constant 0 : i32
          %cond3A_336 = arith.cmpi ne, %convert_element_type3A_334, %cond3A_335 : i32
          scf.if %cond3A_336 {
            %swap3A = arith.constant 2 : i32
            %swap3A_491 = arith.index_cast %swap3A : i32 to index
            %swap3A_492 = arith.index_cast %add3A_333 : i32 to index
            %swap3A_493 = arith.constant 0 : index
            %swap3A_494 = tpu.vector_load %arg6[%swap3A_491, %swap3A_492, %swap3A_493] {strides = array<i32>} : memref<4x128x128xf32, #tpu.memory_space<vmem>>, vector<16xf32>,
            tpu.vector_store %arg6[%swap3A_491, %swap3A_492, %swap3A_493], %broadcast_in_dim3A_314 {strides = array<i32>} : memref<4x128x128xf32, #tpu.memory_space<vmem>>, vector<16xf32>,
            %swap3A_495 = arith.constant 2 : i32
            %swap3A_496 = arith.index_cast %swap3A_495 : i32 to index
            %swap3A_497 = arith.index_cast %add3A_333 : i32 to index
            %swap3A_498 = arith.constant 16 : index
            %swap3A_499 = tpu.vector_load %arg6[%swap3A_496, %swap3A_497, %swap3A_498] {strides = array<i32>} : memref<4x128x128xf32, #tpu.memory_space<vmem>>, vector<16xf32>,
            tpu.vector_store %arg6[%swap3A_496, %swap3A_497, %swap3A_498], %broadcast_in_dim3A_314 {strides = array<i32>} : memref<4x128x128xf32, #tpu.memory_space<vmem>>, vector<16xf32>,
            %swap3A_500 = arith.constant 2 : i32
            %swap3A_501 = arith.index_cast %swap3A_500 : i32 to index
            %swap3A_502 = arith.index_cast %add3A_333 : i32 to index
            %swap3A_503 = arith.constant 32 : index
            %swap3A_504 = tpu.vector_load %arg6[%swap3A_501, %swap3A_502, %swap3A_503] {strides = array<i32>} : memref<4x128x128xf32, #tpu.memory_space<vmem>>, vector<16xf32>,
            tpu.vector_store %arg6[%swap3A_501, %swap3A_502, %swap3A_503], %broadcast_in_dim3A_314 {strides = array<i32>} : memref<4x128x128xf32, #tpu.memory_space<vmem>>, vector<16xf32>,
            %swap3A_505 = arith.constant 2 : i32
            %swap3A_506 = arith.index_cast %swap3A_505 : i32 to index
            %swap3A_507 = arith.index_cast %add3A_333 : i32 to index
            %swap3A_508 = arith.constant 48 : index
            %swap3A_509 = tpu.vector_load %arg6[%swap3A_506, %swap3A_507, %swap3A_508] {strides = array<i32>} : memref<4x128x128xf32, #tpu.memory_space<vmem>>, vector<16xf32>,
            tpu.vector_store %arg6[%swap3A_506, %swap3A_507, %swap3A_508], %broadcast_in_dim3A_314 {strides = array<i32>} : memref<4x128x128xf32, #tpu.memory_space<vmem>>, vector<16xf32>,
            %swap3A_510 = arith.constant 2 : i32
            %swap3A_511 = arith.index_cast %swap3A_510 : i32 to index
            %swap3A_512 = arith.index_cast %add3A_333 : i32 to index
            %swap3A_513 = arith.constant 64 : index
            %swap3A_514 = tpu.vector_load %arg6[%swap3A_511, %swap3A_512, %swap3A_513] {strides = array<i32>} : memref<4x128x128xf32, #tpu.memory_space<vmem>>, vector<16xf32>,
            tpu.vector_store %arg6[%swap3A_511, %swap3A_512, %swap3A_513], %broadcast_in_dim3A_314 {strides = array<i32>} : memref<4x128x128xf32, #tpu.memory_space<vmem>>, vector<16xf32>,
            %swap3A_515 = arith.constant 2 : i32
            %swap3A_516 = arith.index_cast %swap3A_515 : i32 to index
            %swap3A_517 = arith.index_cast %add3A_333 : i32 to index
            %swap3A_518 = arith.constant 80 : index
            %swap3A_519 = tpu.vector_load %arg6[%swap3A_516, %swap3A_517, %swap3A_518] {strides = array<i32>} : memref<4x128x128xf32, #tpu.memory_space<vmem>>, vector<16xf32>,
            tpu.vector_store %arg6[%swap3A_516, %swap3A_517, %swap3A_518], %broadcast_in_dim3A_314 {strides = array<i32>} : memref<4x128x128xf32, #tpu.memory_space<vmem>>, vector<16xf32>,
            %swap3A_520 = arith.constant 2 : i32
            %swap3A_521 = arith.index_cast %swap3A_520 : i32 to index
            %swap3A_522 = arith.index_cast %add3A_333 : i32 to index
            %swap3A_523 = arith.constant 96 : index
            %swap3A_524 = tpu.vector_load %arg6[%swap3A_521, %swap3A_522, %swap3A_523] {strides = array<i32>} : memref<4x128x128xf32, #tpu.memory_space<vmem>>, vector<16xf32>,
            tpu.vector_store %arg6[%swap3A_521, %swap3A_522, %swap3A_523], %broadcast_in_dim3A_314 {strides = array<i32>} : memref<4x128x128xf32, #tpu.memory_space<vmem>>, vector<16xf32>,
            %swap3A_525 = arith.constant 2 : i32
            %swap3A_526 = arith.index_cast %swap3A_525 : i32 to index
            %swap3A_527 = arith.index_cast %add3A_333 : i32 to index
            %swap3A_528 = arith.constant 112 : index
            %swap3A_529 = tpu.vector_load %arg6[%swap3A_526, %swap3A_527, %swap3A_528] {strides = array<i32>} : memref<4x128x128xf32, #tpu.memory_space<vmem>>, vector<16xf32>,
            tpu.vector_store %arg6[%swap3A_526, %swap3A_527, %swap3A_528], %broadcast_in_dim3A_314 {strides = array<i32>} : memref<4x128x128xf32, #tpu.memory_space<vmem>>, vector<16xf32>,
          } else {
          }
          %slice3A_337 = vector.extract_strided_slice %get3A_306 {offsets = [2], sizes = [1], strides = [1]} : vector<16xi32> to vector<1xi32>
          %squeeze3A_338 = vector.extract %slice3A_337[0] : i32 from vector<1xi32>
          %eq3A_339 = arith.constant 0 : i32
          %eq3A_340 = arith.cmpi eq, %squeeze3A_338, %eq3A_339 : i32
          %mul3A_341 = arith.constant 16 : i32
          %mul3A_342 = arith.muli %scan3A_299, %mul3A_341 : i32
          %add3A_343 = arith.constant 2 : i32
          %add3A_344 = arith.addi %mul3A_342, %add3A_343 : i32
          %convert_element_type3A_345 = arith.extui %eq3A_340 : i1 to i32
          %cond3A_346 = arith.constant 0 : i32
          %cond3A_347 = arith.cmpi ne, %convert_element_type3A_345, %cond3A_346 : i32
          scf.if %cond3A_347 {
            %swap3A = arith.constant 2 : i32
            %swap3A_491 = arith.index_cast %swap3A : i32 to index
            %swap3A_492 = arith.index_cast %add3A_344 : i32 to index
            %swap3A_493 = arith.constant 0 : index
            %swap3A_494 = tpu.vector_load %arg6[%swap3A_491, %swap3A_492, %swap3A_493] {strides = array<i32>} : memref<4x128x128xf32, #tpu.memory_space<vmem>>, vector<16xf32>,
            tpu.vector_store %arg6[%swap3A_491, %swap3A_492, %swap3A_493], %broadcast_in_dim3A_314 {strides = array<i32>} : memref<4x128x128xf32, #tpu.memory_space<vmem>>, vector<16xf32>,
            %swap3A_495 = arith.constant 2 : i32
            %swap3A_496 = arith.index_cast %swap3A_495 : i32 to index
            %swap3A_497 = arith.index_cast %add3A_344 : i32 to index
            %swap3A_498 = arith.constant 16 : index
            %swap3A_499 = tpu.vector_load %arg6[%swap3A_496, %swap3A_497, %swap3A_498] {strides = array<i32>} : memref<4x128x128xf32, #tpu.memory_space<vmem>>, vector<16xf32>,
            tpu.vector_store %arg6[%swap3A_496, %swap3A_497, %swap3A_498], %broadcast_in_dim3A_314 {strides = array<i32>} : memref<4x128x128xf32, #tpu.memory_space<vmem>>, vector<16xf32>,
            %swap3A_500 = arith.constant 2 : i32
            %swap3A_501 = arith.index_cast %swap3A_500 : i32 to index
            %swap3A_502 = arith.index_cast %add3A_344 : i32 to index
            %swap3A_503 = arith.constant 32 : index
            %swap3A_504 = tpu.vector_load %arg6[%swap3A_501, %swap3A_502, %swap3A_503] {strides = array<i32>} : memref<4x128x128xf32, #tpu.memory_space<vmem>>, vector<16xf32>,
            tpu.vector_store %arg6[%swap3A_501, %swap3A_502, %swap3A_503], %broadcast_in_dim3A_314 {strides = array<i32>} : memref<4x128x128xf32, #tpu.memory_space<vmem>>, vector<16xf32>,
            %swap3A_505 = arith.constant 2 : i32
            %swap3A_506 = arith.index_cast %swap3A_505 : i32 to index
            %swap3A_507 = arith.index_cast %add3A_344 : i32 to index
            %swap3A_508 = arith.constant 48 : index
            %swap3A_509 = tpu.vector_load %arg6[%swap3A_506, %swap3A_507, %swap3A_508] {strides = array<i32>} : memref<4x128x128xf32, #tpu.memory_space<vmem>>, vector<16xf32>,
            tpu.vector_store %arg6[%swap3A_506, %swap3A_507, %swap3A_508], %broadcast_in_dim3A_314 {strides = array<i32>} : memref<4x128x128xf32, #tpu.memory_space<vmem>>, vector<16xf32>,
            %swap3A_510 = arith.constant 2 : i32
            %swap3A_511 = arith.index_cast %swap3A_510 : i32 to index
            %swap3A_512 = arith.index_cast %add3A_344 : i32 to index
            %swap3A_513 = arith.constant 64 : index
            %swap3A_514 = tpu.vector_load %arg6[%swap3A_511, %swap3A_512, %swap3A_513] {strides = array<i32>} : memref<4x128x128xf32, #tpu.memory_space<vmem>>, vector<16xf32>,
            tpu.vector_store %arg6[%swap3A_511, %swap3A_512, %swap3A_513], %broadcast_in_dim3A_314 {strides = array<i32>} : memref<4x128x128xf32, #tpu.memory_space<vmem>>, vector<16xf32>,
            %swap3A_515 = arith.constant 2 : i32
            %swap3A_516 = arith.index_cast %swap3A_515 : i32 to index
            %swap3A_517 = arith.index_cast %add3A_344 : i32 to index
            %swap3A_518 = arith.constant 80 : index
            %swap3A_519 = tpu.vector_load %arg6[%swap3A_516, %swap3A_517, %swap3A_518] {strides = array<i32>} : memref<4x128x128xf32, #tpu.memory_space<vmem>>, vector<16xf32>,
            tpu.vector_store %arg6[%swap3A_516, %swap3A_517, %swap3A_518], %broadcast_in_dim3A_314 {strides = array<i32>} : memref<4x128x128xf32, #tpu.memory_space<vmem>>, vector<16xf32>,
            %swap3A_520 = arith.constant 2 : i32
            %swap3A_521 = arith.index_cast %swap3A_520 : i32 to index
            %swap3A_522 = arith.index_cast %add3A_344 : i32 to index
            %swap3A_523 = arith.constant 96 : index
            %swap3A_524 = tpu.vector_load %arg6[%swap3A_521, %swap3A_522, %swap3A_523] {strides = array<i32>} : memref<4x128x128xf32, #tpu.memory_space<vmem>>, vector<16xf32>,
            tpu.vector_store %arg6[%swap3A_521, %swap3A_522, %swap3A_523], %broadcast_in_dim3A_314 {strides = array<i32>} : memref<4x128x128xf32, #tpu.memory_space<vmem>>, vector<16xf32>,
            %swap3A_525 = arith.constant 2 : i32
            %swap3A_526 = arith.index_cast %swap3A_525 : i32 to index
            %swap3A_527 = arith.index_cast %add3A_344 : i32 to index
            %swap3A_528 = arith.constant 112 : index
            %swap3A_529 = tpu.vector_load %arg6[%swap3A_526, %swap3A_527, %swap3A_528] {strides = array<i32>} : memref<4x128x128xf32, #tpu.memory_space<vmem>>, vector<16xf32>,
            tpu.vector_store %arg6[%swap3A_526, %swap3A_527, %swap3A_528], %broadcast_in_dim3A_314 {strides = array<i32>} : memref<4x128x128xf32, #tpu.memory_space<vmem>>, vector<16xf32>,
          } else {
          }
          %slice3A_348 = vector.extract_strided_slice %get3A_306 {offsets = [3], sizes = [1], strides = [1]} : vector<16xi32> to vector<1xi32>
          %squeeze3A_349 = vector.extract %slice3A_348[0] : i32 from vector<1xi32>
          %eq3A_350 = arith.constant 0 : i32
          %eq3A_351 = arith.cmpi eq, %squeeze3A_349, %eq3A_350 : i32
          %mul3A_352 = arith.constant 16 : i32
          %mul3A_353 = arith.muli %scan3A_299, %mul3A_352 : i32
          %add3A_354 = arith.constant 3 : i32
          %add3A_355 = arith.addi %mul3A_353, %add3A_354 : i32
          %convert_element_type3A_356 = arith.extui %eq3A_351 : i1 to i32
          %cond3A_357 = arith.constant 0 : i32
          %cond3A_358 = arith.cmpi ne, %convert_element_type3A_356, %cond3A_357 : i32
          scf.if %cond3A_358 {
            %swap3A = arith.constant 2 : i32
            %swap3A_491 = arith.index_cast %swap3A : i32 to index
            %swap3A_492 = arith.index_cast %add3A_355 : i32 to index
            %swap3A_493 = arith.constant 0 : index
            %swap3A_494 = tpu.vector_load %arg6[%swap3A_491, %swap3A_492, %swap3A_493] {strides = array<i32>} : memref<4x128x128xf32, #tpu.memory_space<vmem>>, vector<16xf32>,
            tpu.vector_store %arg6[%swap3A_491, %swap3A_492, %swap3A_493], %broadcast_in_dim3A_314 {strides = array<i32>} : memref<4x128x128xf32, #tpu.memory_space<vmem>>, vector<16xf32>,
            %swap3A_495 = arith.constant 2 : i32
            %swap3A_496 = arith.index_cast %swap3A_495 : i32 to index
            %swap3A_497 = arith.index_cast %add3A_355 : i32 to index
            %swap3A_498 = arith.constant 16 : index
            %swap3A_499 = tpu.vector_load %arg6[%swap3A_496, %swap3A_497, %swap3A_498] {strides = array<i32>} : memref<4x128x128xf32, #tpu.memory_space<vmem>>, vector<16xf32>,
            tpu.vector_store %arg6[%swap3A_496, %swap3A_497, %swap3A_498], %broadcast_in_dim3A_314 {strides = array<i32>} : memref<4x128x128xf32, #tpu.memory_space<vmem>>, vector<16xf32>,
            %swap3A_500 = arith.constant 2 : i32
            %swap3A_501 = arith.index_cast %swap3A_500 : i32 to index
            %swap3A_502 = arith.index_cast %add3A_355 : i32 to index
            %swap3A_503 = arith.constant 32 : index
            %swap3A_504 = tpu.vector_load %arg6[%swap3A_501, %swap3A_502, %swap3A_503] {strides = array<i32>} : memref<4x128x128xf32, #tpu.memory_space<vmem>>, vector<16xf32>,
            tpu.vector_store %arg6[%swap3A_501, %swap3A_502, %swap3A_503], %broadcast_in_dim3A_314 {strides = array<i32>} : memref<4x128x128xf32, #tpu.memory_space<vmem>>, vector<16xf32>,
            %swap3A_505 = arith.constant 2 : i32
            %swap3A_506 = arith.index_cast %swap3A_505 : i32 to index
            %swap3A_507 = arith.index_cast %add3A_355 : i32 to index
            %swap3A_508 = arith.constant 48 : index
            %swap3A_509 = tpu.vector_load %arg6[%swap3A_506, %swap3A_507, %swap3A_508] {strides = array<i32>} : memref<4x128x128xf32, #tpu.memory_space<vmem>>, vector<16xf32>,
            tpu.vector_store %arg6[%swap3A_506, %swap3A_507, %swap3A_508], %broadcast_in_dim3A_314 {strides = array<i32>} : memref<4x128x128xf32, #tpu.memory_space<vmem>>, vector<16xf32>,
            %swap3A_510 = arith.constant 2 : i32
            %swap3A_511 = arith.index_cast %swap3A_510 : i32 to index
            %swap3A_512 = arith.index_cast %add3A_355 : i32 to index
            %swap3A_513 = arith.constant 64 : index
            %swap3A_514 = tpu.vector_load %arg6[%swap3A_511, %swap3A_512, %swap3A_513] {strides = array<i32>} : memref<4x128x128xf32, #tpu.memory_space<vmem>>, vector<16xf32>,
            tpu.vector_store %arg6[%swap3A_511, %swap3A_512, %swap3A_513], %broadcast_in_dim3A_314 {strides = array<i32>} : memref<4x128x128xf32, #tpu.memory_space<vmem>>, vector<16xf32>,
            %swap3A_515 = arith.constant 2 : i32
            %swap3A_516 = arith.index_cast %swap3A_515 : i32 to index
            %swap3A_517 = arith.index_cast %add3A_355 : i32 to index
            %swap3A_518 = arith.constant 80 : index
            %swap3A_519 = tpu.vector_load %arg6[%swap3A_516, %swap3A_517, %swap3A_518] {strides = array<i32>} : memref<4x128x128xf32, #tpu.memory_space<vmem>>, vector<16xf32>,
            tpu.vector_store %arg6[%swap3A_516, %swap3A_517, %swap3A_518], %broadcast_in_dim3A_314 {strides = array<i32>} : memref<4x128x128xf32, #tpu.memory_space<vmem>>, vector<16xf32>,
            %swap3A_520 = arith.constant 2 : i32
            %swap3A_521 = arith.index_cast %swap3A_520 : i32 to index
            %swap3A_522 = arith.index_cast %add3A_355 : i32 to index
            %swap3A_523 = arith.constant 96 : index
            %swap3A_524 = tpu.vector_load %arg6[%swap3A_521, %swap3A_522, %swap3A_523] {strides = array<i32>} : memref<4x128x128xf32, #tpu.memory_space<vmem>>, vector<16xf32>,
            tpu.vector_store %arg6[%swap3A_521, %swap3A_522, %swap3A_523], %broadcast_in_dim3A_314 {strides = array<i32>} : memref<4x128x128xf32, #tpu.memory_space<vmem>>, vector<16xf32>,
            %swap3A_525 = arith.constant 2 : i32
            %swap3A_526 = arith.index_cast %swap3A_525 : i32 to index
            %swap3A_527 = arith.index_cast %add3A_355 : i32 to index
            %swap3A_528 = arith.constant 112 : index
            %swap3A_529 = tpu.vector_load %arg6[%swap3A_526, %swap3A_527, %swap3A_528] {strides = array<i32>} : memref<4x128x128xf32, #tpu.memory_space<vmem>>, vector<16xf32>,
            tpu.vector_store %arg6[%swap3A_526, %swap3A_527, %swap3A_528], %broadcast_in_dim3A_314 {strides = array<i32>} : memref<4x128x128xf32, #tpu.memory_space<vmem>>, vector<16xf32>,
          } else {
          }
          %slice3A_359 = vector.extract_strided_slice %get3A_306 {offsets = [4], sizes = [1], strides = [1]} : vector<16xi32> to vector<1xi32>
          %squeeze3A_360 = vector.extract %slice3A_359[0] : i32 from vector<1xi32>
          %eq3A_361 = arith.constant 0 : i32
          %eq3A_362 = arith.cmpi eq, %squeeze3A_360, %eq3A_361 : i32
          %mul3A_363 = arith.constant 16 : i32
          %mul3A_364 = arith.muli %scan3A_299, %mul3A_363 : i32
          %add3A_365 = arith.constant 4 : i32
          %add3A_366 = arith.addi %mul3A_364, %add3A_365 : i32
          %convert_element_type3A_367 = arith.extui %eq3A_362 : i1 to i32
          %cond3A_368 = arith.constant 0 : i32
          %cond3A_369 = arith.cmpi ne, %convert_element_type3A_367, %cond3A_368 : i32
          scf.if %cond3A_369 {
            %swap3A = arith.constant 2 : i32
            %swap3A_491 = arith.index_cast %swap3A : i32 to index
            %swap3A_492 = arith.index_cast %add3A_366 : i32 to index
            %swap3A_493 = arith.constant 0 : index
            %swap3A_494 = tpu.vector_load %arg6[%swap3A_491, %swap3A_492, %swap3A_493] {strides = array<i32>} : memref<4x128x128xf32, #tpu.memory_space<vmem>>, vector<16xf32>,
            tpu.vector_store %arg6[%swap3A_491, %swap3A_492, %swap3A_493], %broadcast_in_dim3A_314 {strides = array<i32>} : memref<4x128x128xf32, #tpu.memory_space<vmem>>, vector<16xf32>,
            %swap3A_495 = arith.constant 2 : i32
            %swap3A_496 = arith.index_cast %swap3A_495 : i32 to index
            %swap3A_497 = arith.index_cast %add3A_366 : i32 to index
            %swap3A_498 = arith.constant 16 : index
            %swap3A_499 = tpu.vector_load %arg6[%swap3A_496, %swap3A_497, %swap3A_498] {strides = array<i32>} : memref<4x128x128xf32, #tpu.memory_space<vmem>>, vector<16xf32>,
            tpu.vector_store %arg6[%swap3A_496, %swap3A_497, %swap3A_498], %broadcast_in_dim3A_314 {strides = array<i32>} : memref<4x128x128xf32, #tpu.memory_space<vmem>>, vector<16xf32>,
            %swap3A_500 = arith.constant 2 : i32
            %swap3A_501 = arith.index_cast %swap3A_500 : i32 to index
            %swap3A_502 = arith.index_cast %add3A_366 : i32 to index
            %swap3A_503 = arith.constant 32 : index
            %swap3A_504 = tpu.vector_load %arg6[%swap3A_501, %swap3A_502, %swap3A_503] {strides = array<i32>} : memref<4x128x128xf32, #tpu.memory_space<vmem>>, vector<16xf32>,
            tpu.vector_store %arg6[%swap3A_501, %swap3A_502, %swap3A_503], %broadcast_in_dim3A_314 {strides = array<i32>} : memref<4x128x128xf32, #tpu.memory_space<vmem>>, vector<16xf32>,
            %swap3A_505 = arith.constant 2 : i32
            %swap3A_506 = arith.index_cast %swap3A_505 : i32 to index
            %swap3A_507 = arith.index_cast %add3A_366 : i32 to index
            %swap3A_508 = arith.constant 48 : index
            %swap3A_509 = tpu.vector_load %arg6[%swap3A_506, %swap3A_507, %swap3A_508] {strides = array<i32>} : memref<4x128x128xf32, #tpu.memory_space<vmem>>, vector<16xf32>,
            tpu.vector_store %arg6[%swap3A_506, %swap3A_507, %swap3A_508], %broadcast_in_dim3A_314 {strides = array<i32>} : memref<4x128x128xf32, #tpu.memory_space<vmem>>, vector<16xf32>,
            %swap3A_510 = arith.constant 2 : i32
            %swap3A_511 = arith.index_cast %swap3A_510 : i32 to index
            %swap3A_512 = arith.index_cast %add3A_366 : i32 to index
            %swap3A_513 = arith.constant 64 : index
            %swap3A_514 = tpu.vector_load %arg6[%swap3A_511, %swap3A_512, %swap3A_513] {strides = array<i32>} : memref<4x128x128xf32, #tpu.memory_space<vmem>>, vector<16xf32>,
            tpu.vector_store %arg6[%swap3A_511, %swap3A_512, %swap3A_513], %broadcast_in_dim3A_314 {strides = array<i32>} : memref<4x128x128xf32, #tpu.memory_space<vmem>>, vector<16xf32>,
            %swap3A_515 = arith.constant 2 : i32
            %swap3A_516 = arith.index_cast %swap3A_515 : i32 to index
            %swap3A_517 = arith.index_cast %add3A_366 : i32 to index
            %swap3A_518 = arith.constant 80 : index
            %swap3A_519 = tpu.vector_load %arg6[%swap3A_516, %swap3A_517, %swap3A_518] {strides = array<i32>} : memref<4x128x128xf32, #tpu.memory_space<vmem>>, vector<16xf32>,
            tpu.vector_store %arg6[%swap3A_516, %swap3A_517, %swap3A_518], %broadcast_in_dim3A_314 {strides = array<i32>} : memref<4x128x128xf32, #tpu.memory_space<vmem>>, vector<16xf32>,
            %swap3A_520 = arith.constant 2 : i32
            %swap3A_521 = arith.index_cast %swap3A_520 : i32 to index
            %swap3A_522 = arith.index_cast %add3A_366 : i32 to index
            %swap3A_523 = arith.constant 96 : index
            %swap3A_524 = tpu.vector_load %arg6[%swap3A_521, %swap3A_522, %swap3A_523] {strides = array<i32>} : memref<4x128x128xf32, #tpu.memory_space<vmem>>, vector<16xf32>,
            tpu.vector_store %arg6[%swap3A_521, %swap3A_522, %swap3A_523], %broadcast_in_dim3A_314 {strides = array<i32>} : memref<4x128x128xf32, #tpu.memory_space<vmem>>, vector<16xf32>,
            %swap3A_525 = arith.constant 2 : i32
            %swap3A_526 = arith.index_cast %swap3A_525 : i32 to index
            %swap3A_527 = arith.index_cast %add3A_366 : i32 to index
            %swap3A_528 = arith.constant 112 : index
            %swap3A_529 = tpu.vector_load %arg6[%swap3A_526, %swap3A_527, %swap3A_528] {strides = array<i32>} : memref<4x128x128xf32, #tpu.memory_space<vmem>>, vector<16xf32>,
            tpu.vector_store %arg6[%swap3A_526, %swap3A_527, %swap3A_528], %broadcast_in_dim3A_314 {strides = array<i32>} : memref<4x128x128xf32, #tpu.memory_space<vmem>>, vector<16xf32>,
          } else {
          }
          %slice3A_370 = vector.extract_strided_slice %get3A_306 {offsets = [5], sizes = [1], strides = [1]} : vector<16xi32> to vector<1xi32>
          %squeeze3A_371 = vector.extract %slice3A_370[0] : i32 from vector<1xi32>
          %eq3A_372 = arith.constant 0 : i32
          %eq3A_373 = arith.cmpi eq, %squeeze3A_371, %eq3A_372 : i32
          %mul3A_374 = arith.constant 16 : i32
          %mul3A_375 = arith.muli %scan3A_299, %mul3A_374 : i32
          %add3A_376 = arith.constant 5 : i32
          %add3A_377 = arith.addi %mul3A_375, %add3A_376 : i32
          %convert_element_type3A_378 = arith.extui %eq3A_373 : i1 to i32
          %cond3A_379 = arith.constant 0 : i32
          %cond3A_380 = arith.cmpi ne, %convert_element_type3A_378, %cond3A_379 : i32
          scf.if %cond3A_380 {
            %swap3A = arith.constant 2 : i32
            %swap3A_491 = arith.index_cast %swap3A : i32 to index
            %swap3A_492 = arith.index_cast %add3A_377 : i32 to index
            %swap3A_493 = arith.constant 0 : index
            %swap3A_494 = tpu.vector_load %arg6[%swap3A_491, %swap3A_492, %swap3A_493] {strides = array<i32>} : memref<4x128x128xf32, #tpu.memory_space<vmem>>, vector<16xf32>,
            tpu.vector_store %arg6[%swap3A_491, %swap3A_492, %swap3A_493], %broadcast_in_dim3A_314 {strides = array<i32>} : memref<4x128x128xf32, #tpu.memory_space<vmem>>, vector<16xf32>,
            %swap3A_495 = arith.constant 2 : i32
            %swap3A_496 = arith.index_cast %swap3A_495 : i32 to index
            %swap3A_497 = arith.index_cast %add3A_377 : i32 to index
            %swap3A_498 = arith.constant 16 : index
            %swap3A_499 = tpu.vector_load %arg6[%swap3A_496, %swap3A_497, %swap3A_498] {strides = array<i32>} : memref<4x128x128xf32, #tpu.memory_space<vmem>>, vector<16xf32>,
            tpu.vector_store %arg6[%swap3A_496, %swap3A_497, %swap3A_498], %broadcast_in_dim3A_314 {strides = array<i32>} : memref<4x128x128xf32, #tpu.memory_space<vmem>>, vector<16xf32>,
            %swap3A_500 = arith.constant 2 : i32
            %swap3A_501 = arith.index_cast %swap3A_500 : i32 to index
            %swap3A_502 = arith.index_cast %add3A_377 : i32 to index
            %swap3A_503 = arith.constant 32 : index
            %swap3A_504 = tpu.vector_load %arg6[%swap3A_501, %swap3A_502, %swap3A_503] {strides = array<i32>} : memref<4x128x128xf32, #tpu.memory_space<vmem>>, vector<16xf32>,
            tpu.vector_store %arg6[%swap3A_501, %swap3A_502, %swap3A_503], %broadcast_in_dim3A_314 {strides = array<i32>} : memref<4x128x128xf32, #tpu.memory_space<vmem>>, vector<16xf32>,
            %swap3A_505 = arith.constant 2 : i32
            %swap3A_506 = arith.index_cast %swap3A_505 : i32 to index
            %swap3A_507 = arith.index_cast %add3A_377 : i32 to index
            %swap3A_508 = arith.constant 48 : index
            %swap3A_509 = tpu.vector_load %arg6[%swap3A_506, %swap3A_507, %swap3A_508] {strides = array<i32>} : memref<4x128x128xf32, #tpu.memory_space<vmem>>, vector<16xf32>,
            tpu.vector_store %arg6[%swap3A_506, %swap3A_507, %swap3A_508], %broadcast_in_dim3A_314 {strides = array<i32>} : memref<4x128x128xf32, #tpu.memory_space<vmem>>, vector<16xf32>,
            %swap3A_510 = arith.constant 2 : i32
            %swap3A_511 = arith.index_cast %swap3A_510 : i32 to index
            %swap3A_512 = arith.index_cast %add3A_377 : i32 to index
            %swap3A_513 = arith.constant 64 : index
            %swap3A_514 = tpu.vector_load %arg6[%swap3A_511, %swap3A_512, %swap3A_513] {strides = array<i32>} : memref<4x128x128xf32, #tpu.memory_space<vmem>>, vector<16xf32>,
            tpu.vector_store %arg6[%swap3A_511, %swap3A_512, %swap3A_513], %broadcast_in_dim3A_314 {strides = array<i32>} : memref<4x128x128xf32, #tpu.memory_space<vmem>>, vector<16xf32>,
            %swap3A_515 = arith.constant 2 : i32
            %swap3A_516 = arith.index_cast %swap3A_515 : i32 to index
            %swap3A_517 = arith.index_cast %add3A_377 : i32 to index
            %swap3A_518 = arith.constant 80 : index
            %swap3A_519 = tpu.vector_load %arg6[%swap3A_516, %swap3A_517, %swap3A_518] {strides = array<i32>} : memref<4x128x128xf32, #tpu.memory_space<vmem>>, vector<16xf32>,
            tpu.vector_store %arg6[%swap3A_516, %swap3A_517, %swap3A_518], %broadcast_in_dim3A_314 {strides = array<i32>} : memref<4x128x128xf32, #tpu.memory_space<vmem>>, vector<16xf32>,
            %swap3A_520 = arith.constant 2 : i32
            %swap3A_521 = arith.index_cast %swap3A_520 : i32 to index
            %swap3A_522 = arith.index_cast %add3A_377 : i32 to index
            %swap3A_523 = arith.constant 96 : index
            %swap3A_524 = tpu.vector_load %arg6[%swap3A_521, %swap3A_522, %swap3A_523] {strides = array<i32>} : memref<4x128x128xf32, #tpu.memory_space<vmem>>, vector<16xf32>,
            tpu.vector_store %arg6[%swap3A_521, %swap3A_522, %swap3A_523], %broadcast_in_dim3A_314 {strides = array<i32>} : memref<4x128x128xf32, #tpu.memory_space<vmem>>, vector<16xf32>,
            %swap3A_525 = arith.constant 2 : i32
            %swap3A_526 = arith.index_cast %swap3A_525 : i32 to index
            %swap3A_527 = arith.index_cast %add3A_377 : i32 to index
            %swap3A_528 = arith.constant 112 : index
            %swap3A_529 = tpu.vector_load %arg6[%swap3A_526, %swap3A_527, %swap3A_528] {strides = array<i32>} : memref<4x128x128xf32, #tpu.memory_space<vmem>>, vector<16xf32>,
            tpu.vector_store %arg6[%swap3A_526, %swap3A_527, %swap3A_528], %broadcast_in_dim3A_314 {strides = array<i32>} : memref<4x128x128xf32, #tpu.memory_space<vmem>>, vector<16xf32>,
          } else {
          }
          %slice3A_381 = vector.extract_strided_slice %get3A_306 {offsets = [6], sizes = [1], strides = [1]} : vector<16xi32> to vector<1xi32>
          %squeeze3A_382 = vector.extract %slice3A_381[0] : i32 from vector<1xi32>
          %eq3A_383 = arith.constant 0 : i32
          %eq3A_384 = arith.cmpi eq, %squeeze3A_382, %eq3A_383 : i32
          %mul3A_385 = arith.constant 16 : i32
          %mul3A_386 = arith.muli %scan3A_299, %mul3A_385 : i32
          %add3A_387 = arith.constant 6 : i32
          %add3A_388 = arith.addi %mul3A_386, %add3A_387 : i32
          %convert_element_type3A_389 = arith.extui %eq3A_384 : i1 to i32
          %cond3A_390 = arith.constant 0 : i32
          %cond3A_391 = arith.cmpi ne, %convert_element_type3A_389, %cond3A_390 : i32
          scf.if %cond3A_391 {
            %swap3A = arith.constant 2 : i32
            %swap3A_491 = arith.index_cast %swap3A : i32 to index
            %swap3A_492 = arith.index_cast %add3A_388 : i32 to index
            %swap3A_493 = arith.constant 0 : index
            %swap3A_494 = tpu.vector_load %arg6[%swap3A_491, %swap3A_492, %swap3A_493] {strides = array<i32>} : memref<4x128x128xf32, #tpu.memory_space<vmem>>, vector<16xf32>,
            tpu.vector_store %arg6[%swap3A_491, %swap3A_492, %swap3A_493], %broadcast_in_dim3A_314 {strides = array<i32>} : memref<4x128x128xf32, #tpu.memory_space<vmem>>, vector<16xf32>,
            %swap3A_495 = arith.constant 2 : i32
            %swap3A_496 = arith.index_cast %swap3A_495 : i32 to index
            %swap3A_497 = arith.index_cast %add3A_388 : i32 to index
            %swap3A_498 = arith.constant 16 : index
            %swap3A_499 = tpu.vector_load %arg6[%swap3A_496, %swap3A_497, %swap3A_498] {strides = array<i32>} : memref<4x128x128xf32, #tpu.memory_space<vmem>>, vector<16xf32>,
            tpu.vector_store %arg6[%swap3A_496, %swap3A_497, %swap3A_498], %broadcast_in_dim3A_314 {strides = array<i32>} : memref<4x128x128xf32, #tpu.memory_space<vmem>>, vector<16xf32>,
            %swap3A_500 = arith.constant 2 : i32
            %swap3A_501 = arith.index_cast %swap3A_500 : i32 to index
            %swap3A_502 = arith.index_cast %add3A_388 : i32 to index
            %swap3A_503 = arith.constant 32 : index
            %swap3A_504 = tpu.vector_load %arg6[%swap3A_501, %swap3A_502, %swap3A_503] {strides = array<i32>} : memref<4x128x128xf32, #tpu.memory_space<vmem>>, vector<16xf32>,
            tpu.vector_store %arg6[%swap3A_501, %swap3A_502, %swap3A_503], %broadcast_in_dim3A_314 {strides = array<i32>} : memref<4x128x128xf32, #tpu.memory_space<vmem>>, vector<16xf32>,
            %swap3A_505 = arith.constant 2 : i32
            %swap3A_506 = arith.index_cast %swap3A_505 : i32 to index
            %swap3A_507 = arith.index_cast %add3A_388 : i32 to index
            %swap3A_508 = arith.constant 48 : index
            %swap3A_509 = tpu.vector_load %arg6[%swap3A_506, %swap3A_507, %swap3A_508] {strides = array<i32>} : memref<4x128x128xf32, #tpu.memory_space<vmem>>, vector<16xf32>,
            tpu.vector_store %arg6[%swap3A_506, %swap3A_507, %swap3A_508], %broadcast_in_dim3A_314 {strides = array<i32>} : memref<4x128x128xf32, #tpu.memory_space<vmem>>, vector<16xf32>,
            %swap3A_510 = arith.constant 2 : i32
            %swap3A_511 = arith.index_cast %swap3A_510 : i32 to index
            %swap3A_512 = arith.index_cast %add3A_388 : i32 to index
            %swap3A_513 = arith.constant 64 : index
            %swap3A_514 = tpu.vector_load %arg6[%swap3A_511, %swap3A_512, %swap3A_513] {strides = array<i32>} : memref<4x128x128xf32, #tpu.memory_space<vmem>>, vector<16xf32>,
            tpu.vector_store %arg6[%swap3A_511, %swap3A_512, %swap3A_513], %broadcast_in_dim3A_314 {strides = array<i32>} : memref<4x128x128xf32, #tpu.memory_space<vmem>>, vector<16xf32>,
            %swap3A_515 = arith.constant 2 : i32
            %swap3A_516 = arith.index_cast %swap3A_515 : i32 to index
            %swap3A_517 = arith.index_cast %add3A_388 : i32 to index
            %swap3A_518 = arith.constant 80 : index
            %swap3A_519 = tpu.vector_load %arg6[%swap3A_516, %swap3A_517, %swap3A_518] {strides = array<i32>} : memref<4x128x128xf32, #tpu.memory_space<vmem>>, vector<16xf32>,
            tpu.vector_store %arg6[%swap3A_516, %swap3A_517, %swap3A_518], %broadcast_in_dim3A_314 {strides = array<i32>} : memref<4x128x128xf32, #tpu.memory_space<vmem>>, vector<16xf32>,
            %swap3A_520 = arith.constant 2 : i32
            %swap3A_521 = arith.index_cast %swap3A_520 : i32 to index
            %swap3A_522 = arith.index_cast %add3A_388 : i32 to index
            %swap3A_523 = arith.constant 96 : index
            %swap3A_524 = tpu.vector_load %arg6[%swap3A_521, %swap3A_522, %swap3A_523] {strides = array<i32>} : memref<4x128x128xf32, #tpu.memory_space<vmem>>, vector<16xf32>,
            tpu.vector_store %arg6[%swap3A_521, %swap3A_522, %swap3A_523], %broadcast_in_dim3A_314 {strides = array<i32>} : memref<4x128x128xf32, #tpu.memory_space<vmem>>, vector<16xf32>,
            %swap3A_525 = arith.constant 2 : i32
            %swap3A_526 = arith.index_cast %swap3A_525 : i32 to index
            %swap3A_527 = arith.index_cast %add3A_388 : i32 to index
            %swap3A_528 = arith.constant 112 : index
            %swap3A_529 = tpu.vector_load %arg6[%swap3A_526, %swap3A_527, %swap3A_528] {strides = array<i32>} : memref<4x128x128xf32, #tpu.memory_space<vmem>>, vector<16xf32>,
            tpu.vector_store %arg6[%swap3A_526, %swap3A_527, %swap3A_528], %broadcast_in_dim3A_314 {strides = array<i32>} : memref<4x128x128xf32, #tpu.memory_space<vmem>>, vector<16xf32>,
          } else {
          }
          %slice3A_392 = vector.extract_strided_slice %get3A_306 {offsets = [7], sizes = [1], strides = [1]} : vector<16xi32> to vector<1xi32>
          %squeeze3A_393 = vector.extract %slice3A_392[0] : i32 from vector<1xi32>
          %eq3A_394 = arith.constant 0 : i32
          %eq3A_395 = arith.cmpi eq, %squeeze3A_393, %eq3A_394 : i32
          %mul3A_396 = arith.constant 16 : i32
          %mul3A_397 = arith.muli %scan3A_299, %mul3A_396 : i32
          %add3A_398 = arith.constant 7 : i32
          %add3A_399 = arith.addi %mul3A_397, %add3A_398 : i32
          %convert_element_type3A_400 = arith.extui %eq3A_395 : i1 to i32
          %cond3A_401 = arith.constant 0 : i32
          %cond3A_402 = arith.cmpi ne, %convert_element_type3A_400, %cond3A_401 : i32
          scf.if %cond3A_402 {
            %swap3A = arith.constant 2 : i32
            %swap3A_491 = arith.index_cast %swap3A : i32 to index
            %swap3A_492 = arith.index_cast %add3A_399 : i32 to index
            %swap3A_493 = arith.constant 0 : index
            %swap3A_494 = tpu.vector_load %arg6[%swap3A_491, %swap3A_492, %swap3A_493] {strides = array<i32>} : memref<4x128x128xf32, #tpu.memory_space<vmem>>, vector<16xf32>,
            tpu.vector_store %arg6[%swap3A_491, %swap3A_492, %swap3A_493], %broadcast_in_dim3A_314 {strides = array<i32>} : memref<4x128x128xf32, #tpu.memory_space<vmem>>, vector<16xf32>,
            %swap3A_495 = arith.constant 2 : i32
            %swap3A_496 = arith.index_cast %swap3A_495 : i32 to index
            %swap3A_497 = arith.index_cast %add3A_399 : i32 to index
            %swap3A_498 = arith.constant 16 : index
            %swap3A_499 = tpu.vector_load %arg6[%swap3A_496, %swap3A_497, %swap3A_498] {strides = array<i32>} : memref<4x128x128xf32, #tpu.memory_space<vmem>>, vector<16xf32>,
            tpu.vector_store %arg6[%swap3A_496, %swap3A_497, %swap3A_498], %broadcast_in_dim3A_314 {strides = array<i32>} : memref<4x128x128xf32, #tpu.memory_space<vmem>>, vector<16xf32>,
            %swap3A_500 = arith.constant 2 : i32
            %swap3A_501 = arith.index_cast %swap3A_500 : i32 to index
            %swap3A_502 = arith.index_cast %add3A_399 : i32 to index
            %swap3A_503 = arith.constant 32 : index
            %swap3A_504 = tpu.vector_load %arg6[%swap3A_501, %swap3A_502, %swap3A_503] {strides = array<i32>} : memref<4x128x128xf32, #tpu.memory_space<vmem>>, vector<16xf32>,
            tpu.vector_store %arg6[%swap3A_501, %swap3A_502, %swap3A_503], %broadcast_in_dim3A_314 {strides = array<i32>} : memref<4x128x128xf32, #tpu.memory_space<vmem>>, vector<16xf32>,
            %swap3A_505 = arith.constant 2 : i32
            %swap3A_506 = arith.index_cast %swap3A_505 : i32 to index
            %swap3A_507 = arith.index_cast %add3A_399 : i32 to index
            %swap3A_508 = arith.constant 48 : index
            %swap3A_509 = tpu.vector_load %arg6[%swap3A_506, %swap3A_507, %swap3A_508] {strides = array<i32>} : memref<4x128x128xf32, #tpu.memory_space<vmem>>, vector<16xf32>,
            tpu.vector_store %arg6[%swap3A_506, %swap3A_507, %swap3A_508], %broadcast_in_dim3A_314 {strides = array<i32>} : memref<4x128x128xf32, #tpu.memory_space<vmem>>, vector<16xf32>,
            %swap3A_510 = arith.constant 2 : i32
            %swap3A_511 = arith.index_cast %swap3A_510 : i32 to index
            %swap3A_512 = arith.index_cast %add3A_399 : i32 to index
            %swap3A_513 = arith.constant 64 : index
            %swap3A_514 = tpu.vector_load %arg6[%swap3A_511, %swap3A_512, %swap3A_513] {strides = array<i32>} : memref<4x128x128xf32, #tpu.memory_space<vmem>>, vector<16xf32>,
            tpu.vector_store %arg6[%swap3A_511, %swap3A_512, %swap3A_513], %broadcast_in_dim3A_314 {strides = array<i32>} : memref<4x128x128xf32, #tpu.memory_space<vmem>>, vector<16xf32>,
            %swap3A_515 = arith.constant 2 : i32
            %swap3A_516 = arith.index_cast %swap3A_515 : i32 to index
            %swap3A_517 = arith.index_cast %add3A_399 : i32 to index
            %swap3A_518 = arith.constant 80 : index
            %swap3A_519 = tpu.vector_load %arg6[%swap3A_516, %swap3A_517, %swap3A_518] {strides = array<i32>} : memref<4x128x128xf32, #tpu.memory_space<vmem>>, vector<16xf32>,
            tpu.vector_store %arg6[%swap3A_516, %swap3A_517, %swap3A_518], %broadcast_in_dim3A_314 {strides = array<i32>} : memref<4x128x128xf32, #tpu.memory_space<vmem>>, vector<16xf32>,
            %swap3A_520 = arith.constant 2 : i32
            %swap3A_521 = arith.index_cast %swap3A_520 : i32 to index
            %swap3A_522 = arith.index_cast %add3A_399 : i32 to index
            %swap3A_523 = arith.constant 96 : index
            %swap3A_524 = tpu.vector_load %arg6[%swap3A_521, %swap3A_522, %swap3A_523] {strides = array<i32>} : memref<4x128x128xf32, #tpu.memory_space<vmem>>, vector<16xf32>,
            tpu.vector_store %arg6[%swap3A_521, %swap3A_522, %swap3A_523], %broadcast_in_dim3A_314 {strides = array<i32>} : memref<4x128x128xf32, #tpu.memory_space<vmem>>, vector<16xf32>,
            %swap3A_525 = arith.constant 2 : i32
            %swap3A_526 = arith.index_cast %swap3A_525 : i32 to index
            %swap3A_527 = arith.index_cast %add3A_399 : i32 to index
            %swap3A_528 = arith.constant 112 : index
            %swap3A_529 = tpu.vector_load %arg6[%swap3A_526, %swap3A_527, %swap3A_528] {strides = array<i32>} : memref<4x128x128xf32, #tpu.memory_space<vmem>>, vector<16xf32>,
            tpu.vector_store %arg6[%swap3A_526, %swap3A_527, %swap3A_528], %broadcast_in_dim3A_314 {strides = array<i32>} : memref<4x128x128xf32, #tpu.memory_space<vmem>>, vector<16xf32>,
          } else {
          }
          %slice3A_403 = vector.extract_strided_slice %get3A_306 {offsets = [8], sizes = [1], strides = [1]} : vector<16xi32> to vector<1xi32>
          %squeeze3A_404 = vector.extract %slice3A_403[0] : i32 from vector<1xi32>
          %eq3A_405 = arith.constant 0 : i32
          %eq3A_406 = arith.cmpi eq, %squeeze3A_404, %eq3A_405 : i32
          %mul3A_407 = arith.constant 16 : i32
          %mul3A_408 = arith.muli %scan3A_299, %mul3A_407 : i32
          %add3A_409 = arith.constant 8 : i32
          %add3A_410 = arith.addi %mul3A_408, %add3A_409 : i32
          %convert_element_type3A_411 = arith.extui %eq3A_406 : i1 to i32
          %cond3A_412 = arith.constant 0 : i32
          %cond3A_413 = arith.cmpi ne, %convert_element_type3A_411, %cond3A_412 : i32
          scf.if %cond3A_413 {
            %swap3A = arith.constant 2 : i32
            %swap3A_491 = arith.index_cast %swap3A : i32 to index
            %swap3A_492 = arith.index_cast %add3A_410 : i32 to index
            %swap3A_493 = arith.constant 0 : index
            %swap3A_494 = tpu.vector_load %arg6[%swap3A_491, %swap3A_492, %swap3A_493] {strides = array<i32>} : memref<4x128x128xf32, #tpu.memory_space<vmem>>, vector<16xf32>,
            tpu.vector_store %arg6[%swap3A_491, %swap3A_492, %swap3A_493], %broadcast_in_dim3A_314 {strides = array<i32>} : memref<4x128x128xf32, #tpu.memory_space<vmem>>, vector<16xf32>,
            %swap3A_495 = arith.constant 2 : i32
            %swap3A_496 = arith.index_cast %swap3A_495 : i32 to index
            %swap3A_497 = arith.index_cast %add3A_410 : i32 to index
            %swap3A_498 = arith.constant 16 : index
            %swap3A_499 = tpu.vector_load %arg6[%swap3A_496, %swap3A_497, %swap3A_498] {strides = array<i32>} : memref<4x128x128xf32, #tpu.memory_space<vmem>>, vector<16xf32>,
            tpu.vector_store %arg6[%swap3A_496, %swap3A_497, %swap3A_498], %broadcast_in_dim3A_314 {strides = array<i32>} : memref<4x128x128xf32, #tpu.memory_space<vmem>>, vector<16xf32>,
            %swap3A_500 = arith.constant 2 : i32
            %swap3A_501 = arith.index_cast %swap3A_500 : i32 to index
            %swap3A_502 = arith.index_cast %add3A_410 : i32 to index
            %swap3A_503 = arith.constant 32 : index
            %swap3A_504 = tpu.vector_load %arg6[%swap3A_501, %swap3A_502, %swap3A_503] {strides = array<i32>} : memref<4x128x128xf32, #tpu.memory_space<vmem>>, vector<16xf32>,
            tpu.vector_store %arg6[%swap3A_501, %swap3A_502, %swap3A_503], %broadcast_in_dim3A_314 {strides = array<i32>} : memref<4x128x128xf32, #tpu.memory_space<vmem>>, vector<16xf32>,
            %swap3A_505 = arith.constant 2 : i32
            %swap3A_506 = arith.index_cast %swap3A_505 : i32 to index
            %swap3A_507 = arith.index_cast %add3A_410 : i32 to index
            %swap3A_508 = arith.constant 48 : index
            %swap3A_509 = tpu.vector_load %arg6[%swap3A_506, %swap3A_507, %swap3A_508] {strides = array<i32>} : memref<4x128x128xf32, #tpu.memory_space<vmem>>, vector<16xf32>,
            tpu.vector_store %arg6[%swap3A_506, %swap3A_507, %swap3A_508], %broadcast_in_dim3A_314 {strides = array<i32>} : memref<4x128x128xf32, #tpu.memory_space<vmem>>, vector<16xf32>,
            %swap3A_510 = arith.constant 2 : i32
            %swap3A_511 = arith.index_cast %swap3A_510 : i32 to index
            %swap3A_512 = arith.index_cast %add3A_410 : i32 to index
            %swap3A_513 = arith.constant 64 : index
            %swap3A_514 = tpu.vector_load %arg6[%swap3A_511, %swap3A_512, %swap3A_513] {strides = array<i32>} : memref<4x128x128xf32, #tpu.memory_space<vmem>>, vector<16xf32>,
            tpu.vector_store %arg6[%swap3A_511, %swap3A_512, %swap3A_513], %broadcast_in_dim3A_314 {strides = array<i32>} : memref<4x128x128xf32, #tpu.memory_space<vmem>>, vector<16xf32>,
            %swap3A_515 = arith.constant 2 : i32
            %swap3A_516 = arith.index_cast %swap3A_515 : i32 to index
            %swap3A_517 = arith.index_cast %add3A_410 : i32 to index
            %swap3A_518 = arith.constant 80 : index
            %swap3A_519 = tpu.vector_load %arg6[%swap3A_516, %swap3A_517, %swap3A_518] {strides = array<i32>} : memref<4x128x128xf32, #tpu.memory_space<vmem>>, vector<16xf32>,
            tpu.vector_store %arg6[%swap3A_516, %swap3A_517, %swap3A_518], %broadcast_in_dim3A_314 {strides = array<i32>} : memref<4x128x128xf32, #tpu.memory_space<vmem>>, vector<16xf32>,
            %swap3A_520 = arith.constant 2 : i32
            %swap3A_521 = arith.index_cast %swap3A_520 : i32 to index
            %swap3A_522 = arith.index_cast %add3A_410 : i32 to index
            %swap3A_523 = arith.constant 96 : index
            %swap3A_524 = tpu.vector_load %arg6[%swap3A_521, %swap3A_522, %swap3A_523] {strides = array<i32>} : memref<4x128x128xf32, #tpu.memory_space<vmem>>, vector<16xf32>,
            tpu.vector_store %arg6[%swap3A_521, %swap3A_522, %swap3A_523], %broadcast_in_dim3A_314 {strides = array<i32>} : memref<4x128x128xf32, #tpu.memory_space<vmem>>, vector<16xf32>,
            %swap3A_525 = arith.constant 2 : i32
            %swap3A_526 = arith.index_cast %swap3A_525 : i32 to index
            %swap3A_527 = arith.index_cast %add3A_410 : i32 to index
            %swap3A_528 = arith.constant 112 : index
            %swap3A_529 = tpu.vector_load %arg6[%swap3A_526, %swap3A_527, %swap3A_528] {strides = array<i32>} : memref<4x128x128xf32, #tpu.memory_space<vmem>>, vector<16xf32>,
            tpu.vector_store %arg6[%swap3A_526, %swap3A_527, %swap3A_528], %broadcast_in_dim3A_314 {strides = array<i32>} : memref<4x128x128xf32, #tpu.memory_space<vmem>>, vector<16xf32>,
          } else {
          }
          %slice3A_414 = vector.extract_strided_slice %get3A_306 {offsets = [9], sizes = [1], strides = [1]} : vector<16xi32> to vector<1xi32>
          %squeeze3A_415 = vector.extract %slice3A_414[0] : i32 from vector<1xi32>
          %eq3A_416 = arith.constant 0 : i32
          %eq3A_417 = arith.cmpi eq, %squeeze3A_415, %eq3A_416 : i32
          %mul3A_418 = arith.constant 16 : i32
          %mul3A_419 = arith.muli %scan3A_299, %mul3A_418 : i32
          %add3A_420 = arith.constant 9 : i32
          %add3A_421 = arith.addi %mul3A_419, %add3A_420 : i32
          %convert_element_type3A_422 = arith.extui %eq3A_417 : i1 to i32
          %cond3A_423 = arith.constant 0 : i32
          %cond3A_424 = arith.cmpi ne, %convert_element_type3A_422, %cond3A_423 : i32
          scf.if %cond3A_424 {
            %swap3A = arith.constant 2 : i32
            %swap3A_491 = arith.index_cast %swap3A : i32 to index
            %swap3A_492 = arith.index_cast %add3A_421 : i32 to index
            %swap3A_493 = arith.constant 0 : index
            %swap3A_494 = tpu.vector_load %arg6[%swap3A_491, %swap3A_492, %swap3A_493] {strides = array<i32>} : memref<4x128x128xf32, #tpu.memory_space<vmem>>, vector<16xf32>,
            tpu.vector_store %arg6[%swap3A_491, %swap3A_492, %swap3A_493], %broadcast_in_dim3A_314 {strides = array<i32>} : memref<4x128x128xf32, #tpu.memory_space<vmem>>, vector<16xf32>,
            %swap3A_495 = arith.constant 2 : i32
            %swap3A_496 = arith.index_cast %swap3A_495 : i32 to index
            %swap3A_497 = arith.index_cast %add3A_421 : i32 to index
            %swap3A_498 = arith.constant 16 : index
            %swap3A_499 = tpu.vector_load %arg6[%swap3A_496, %swap3A_497, %swap3A_498] {strides = array<i32>} : memref<4x128x128xf32, #tpu.memory_space<vmem>>, vector<16xf32>,
            tpu.vector_store %arg6[%swap3A_496, %swap3A_497, %swap3A_498], %broadcast_in_dim3A_314 {strides = array<i32>} : memref<4x128x128xf32, #tpu.memory_space<vmem>>, vector<16xf32>,
            %swap3A_500 = arith.constant 2 : i32
            %swap3A_501 = arith.index_cast %swap3A_500 : i32 to index
            %swap3A_502 = arith.index_cast %add3A_421 : i32 to index
            %swap3A_503 = arith.constant 32 : index
            %swap3A_504 = tpu.vector_load %arg6[%swap3A_501, %swap3A_502, %swap3A_503] {strides = array<i32>} : memref<4x128x128xf32, #tpu.memory_space<vmem>>, vector<16xf32>,
            tpu.vector_store %arg6[%swap3A_501, %swap3A_502, %swap3A_503], %broadcast_in_dim3A_314 {strides = array<i32>} : memref<4x128x128xf32, #tpu.memory_space<vmem>>, vector<16xf32>,
            %swap3A_505 = arith.constant 2 : i32
            %swap3A_506 = arith.index_cast %swap3A_505 : i32 to index
            %swap3A_507 = arith.index_cast %add3A_421 : i32 to index
            %swap3A_508 = arith.constant 48 : index
            %swap3A_509 = tpu.vector_load %arg6[%swap3A_506, %swap3A_507, %swap3A_508] {strides = array<i32>} : memref<4x128x128xf32, #tpu.memory_space<vmem>>, vector<16xf32>,
            tpu.vector_store %arg6[%swap3A_506, %swap3A_507, %swap3A_508], %broadcast_in_dim3A_314 {strides = array<i32>} : memref<4x128x128xf32, #tpu.memory_space<vmem>>, vector<16xf32>,
            %swap3A_510 = arith.constant 2 : i32
            %swap3A_511 = arith.index_cast %swap3A_510 : i32 to index
            %swap3A_512 = arith.index_cast %add3A_421 : i32 to index
            %swap3A_513 = arith.constant 64 : index
            %swap3A_514 = tpu.vector_load %arg6[%swap3A_511, %swap3A_512, %swap3A_513] {strides = array<i32>} : memref<4x128x128xf32, #tpu.memory_space<vmem>>, vector<16xf32>,
            tpu.vector_store %arg6[%swap3A_511, %swap3A_512, %swap3A_513], %broadcast_in_dim3A_314 {strides = array<i32>} : memref<4x128x128xf32, #tpu.memory_space<vmem>>, vector<16xf32>,
            %swap3A_515 = arith.constant 2 : i32
            %swap3A_516 = arith.index_cast %swap3A_515 : i32 to index
            %swap3A_517 = arith.index_cast %add3A_421 : i32 to index
            %swap3A_518 = arith.constant 80 : index
            %swap3A_519 = tpu.vector_load %arg6[%swap3A_516, %swap3A_517, %swap3A_518] {strides = array<i32>} : memref<4x128x128xf32, #tpu.memory_space<vmem>>, vector<16xf32>,
            tpu.vector_store %arg6[%swap3A_516, %swap3A_517, %swap3A_518], %broadcast_in_dim3A_314 {strides = array<i32>} : memref<4x128x128xf32, #tpu.memory_space<vmem>>, vector<16xf32>,
            %swap3A_520 = arith.constant 2 : i32
            %swap3A_521 = arith.index_cast %swap3A_520 : i32 to index
            %swap3A_522 = arith.index_cast %add3A_421 : i32 to index
            %swap3A_523 = arith.constant 96 : index
            %swap3A_524 = tpu.vector_load %arg6[%swap3A_521, %swap3A_522, %swap3A_523] {strides = array<i32>} : memref<4x128x128xf32, #tpu.memory_space<vmem>>, vector<16xf32>,
            tpu.vector_store %arg6[%swap3A_521, %swap3A_522, %swap3A_523], %broadcast_in_dim3A_314 {strides = array<i32>} : memref<4x128x128xf32, #tpu.memory_space<vmem>>, vector<16xf32>,
            %swap3A_525 = arith.constant 2 : i32
            %swap3A_526 = arith.index_cast %swap3A_525 : i32 to index
            %swap3A_527 = arith.index_cast %add3A_421 : i32 to index
            %swap3A_528 = arith.constant 112 : index
            %swap3A_529 = tpu.vector_load %arg6[%swap3A_526, %swap3A_527, %swap3A_528] {strides = array<i32>} : memref<4x128x128xf32, #tpu.memory_space<vmem>>, vector<16xf32>,
            tpu.vector_store %arg6[%swap3A_526, %swap3A_527, %swap3A_528], %broadcast_in_dim3A_314 {strides = array<i32>} : memref<4x128x128xf32, #tpu.memory_space<vmem>>, vector<16xf32>,
          } else {
          }
          %slice3A_425 = vector.extract_strided_slice %get3A_306 {offsets = [10], sizes = [1], strides = [1]} : vector<16xi32> to vector<1xi32>
          %squeeze3A_426 = vector.extract %slice3A_425[0] : i32 from vector<1xi32>
          %eq3A_427 = arith.constant 0 : i32
          %eq3A_428 = arith.cmpi eq, %squeeze3A_426, %eq3A_427 : i32
          %mul3A_429 = arith.constant 16 : i32
          %mul3A_430 = arith.muli %scan3A_299, %mul3A_429 : i32
          %add3A_431 = arith.constant 10 : i32
          %add3A_432 = arith.addi %mul3A_430, %add3A_431 : i32
          %convert_element_type3A_433 = arith.extui %eq3A_428 : i1 to i32
          %cond3A_434 = arith.constant 0 : i32
          %cond3A_435 = arith.cmpi ne, %convert_element_type3A_433, %cond3A_434 : i32
          scf.if %cond3A_435 {
            %swap3A = arith.constant 2 : i32
            %swap3A_491 = arith.index_cast %swap3A : i32 to index
            %swap3A_492 = arith.index_cast %add3A_432 : i32 to index
            %swap3A_493 = arith.constant 0 : index
            %swap3A_494 = tpu.vector_load %arg6[%swap3A_491, %swap3A_492, %swap3A_493] {strides = array<i32>} : memref<4x128x128xf32, #tpu.memory_space<vmem>>, vector<16xf32>,
            tpu.vector_store %arg6[%swap3A_491, %swap3A_492, %swap3A_493], %broadcast_in_dim3A_314 {strides = array<i32>} : memref<4x128x128xf32, #tpu.memory_space<vmem>>, vector<16xf32>,
            %swap3A_495 = arith.constant 2 : i32
            %swap3A_496 = arith.index_cast %swap3A_495 : i32 to index
            %swap3A_497 = arith.index_cast %add3A_432 : i32 to index
            %swap3A_498 = arith.constant 16 : index
            %swap3A_499 = tpu.vector_load %arg6[%swap3A_496, %swap3A_497, %swap3A_498] {strides = array<i32>} : memref<4x128x128xf32, #tpu.memory_space<vmem>>, vector<16xf32>,
            tpu.vector_store %arg6[%swap3A_496, %swap3A_497, %swap3A_498], %broadcast_in_dim3A_314 {strides = array<i32>} : memref<4x128x128xf32, #tpu.memory_space<vmem>>, vector<16xf32>,
            %swap3A_500 = arith.constant 2 : i32
            %swap3A_501 = arith.index_cast %swap3A_500 : i32 to index
            %swap3A_502 = arith.index_cast %add3A_432 : i32 to index
            %swap3A_503 = arith.constant 32 : index
            %swap3A_504 = tpu.vector_load %arg6[%swap3A_501, %swap3A_502, %swap3A_503] {strides = array<i32>} : memref<4x128x128xf32, #tpu.memory_space<vmem>>, vector<16xf32>,
            tpu.vector_store %arg6[%swap3A_501, %swap3A_502, %swap3A_503], %broadcast_in_dim3A_314 {strides = array<i32>} : memref<4x128x128xf32, #tpu.memory_space<vmem>>, vector<16xf32>,
            %swap3A_505 = arith.constant 2 : i32
            %swap3A_506 = arith.index_cast %swap3A_505 : i32 to index
            %swap3A_507 = arith.index_cast %add3A_432 : i32 to index
            %swap3A_508 = arith.constant 48 : index
            %swap3A_509 = tpu.vector_load %arg6[%swap3A_506, %swap3A_507, %swap3A_508] {strides = array<i32>} : memref<4x128x128xf32, #tpu.memory_space<vmem>>, vector<16xf32>,
            tpu.vector_store %arg6[%swap3A_506, %swap3A_507, %swap3A_508], %broadcast_in_dim3A_314 {strides = array<i32>} : memref<4x128x128xf32, #tpu.memory_space<vmem>>, vector<16xf32>,
            %swap3A_510 = arith.constant 2 : i32
            %swap3A_511 = arith.index_cast %swap3A_510 : i32 to index
            %swap3A_512 = arith.index_cast %add3A_432 : i32 to index
            %swap3A_513 = arith.constant 64 : index
            %swap3A_514 = tpu.vector_load %arg6[%swap3A_511, %swap3A_512, %swap3A_513] {strides = array<i32>} : memref<4x128x128xf32, #tpu.memory_space<vmem>>, vector<16xf32>,
            tpu.vector_store %arg6[%swap3A_511, %swap3A_512, %swap3A_513], %broadcast_in_dim3A_314 {strides = array<i32>} : memref<4x128x128xf32, #tpu.memory_space<vmem>>, vector<16xf32>,
            %swap3A_515 = arith.constant 2 : i32
            %swap3A_516 = arith.index_cast %swap3A_515 : i32 to index
            %swap3A_517 = arith.index_cast %add3A_432 : i32 to index
            %swap3A_518 = arith.constant 80 : index
            %swap3A_519 = tpu.vector_load %arg6[%swap3A_516, %swap3A_517, %swap3A_518] {strides = array<i32>} : memref<4x128x128xf32, #tpu.memory_space<vmem>>, vector<16xf32>,
            tpu.vector_store %arg6[%swap3A_516, %swap3A_517, %swap3A_518], %broadcast_in_dim3A_314 {strides = array<i32>} : memref<4x128x128xf32, #tpu.memory_space<vmem>>, vector<16xf32>,
            %swap3A_520 = arith.constant 2 : i32
            %swap3A_521 = arith.index_cast %swap3A_520 : i32 to index
            %swap3A_522 = arith.index_cast %add3A_432 : i32 to index
            %swap3A_523 = arith.constant 96 : index
            %swap3A_524 = tpu.vector_load %arg6[%swap3A_521, %swap3A_522, %swap3A_523] {strides = array<i32>} : memref<4x128x128xf32, #tpu.memory_space<vmem>>, vector<16xf32>,
            tpu.vector_store %arg6[%swap3A_521, %swap3A_522, %swap3A_523], %broadcast_in_dim3A_314 {strides = array<i32>} : memref<4x128x128xf32, #tpu.memory_space<vmem>>, vector<16xf32>,
            %swap3A_525 = arith.constant 2 : i32
            %swap3A_526 = arith.index_cast %swap3A_525 : i32 to index
            %swap3A_527 = arith.index_cast %add3A_432 : i32 to index
            %swap3A_528 = arith.constant 112 : index
            %swap3A_529 = tpu.vector_load %arg6[%swap3A_526, %swap3A_527, %swap3A_528] {strides = array<i32>} : memref<4x128x128xf32, #tpu.memory_space<vmem>>, vector<16xf32>,
            tpu.vector_store %arg6[%swap3A_526, %swap3A_527, %swap3A_528], %broadcast_in_dim3A_314 {strides = array<i32>} : memref<4x128x128xf32, #tpu.memory_space<vmem>>, vector<16xf32>,
          } else {
          }
          %slice3A_436 = vector.extract_strided_slice %get3A_306 {offsets = [11], sizes = [1], strides = [1]} : vector<16xi32> to vector<1xi32>
          %squeeze3A_437 = vector.extract %slice3A_436[0] : i32 from vector<1xi32>
          %eq3A_438 = arith.constant 0 : i32
          %eq3A_439 = arith.cmpi eq, %squeeze3A_437, %eq3A_438 : i32
          %mul3A_440 = arith.constant 16 : i32
          %mul3A_441 = arith.muli %scan3A_299, %mul3A_440 : i32
          %add3A_442 = arith.constant 11 : i32
          %add3A_443 = arith.addi %mul3A_441, %add3A_442 : i32
          %convert_element_type3A_444 = arith.extui %eq3A_439 : i1 to i32
          %cond3A_445 = arith.constant 0 : i32
          %cond3A_446 = arith.cmpi ne, %convert_element_type3A_444, %cond3A_445 : i32
          scf.if %cond3A_446 {
            %swap3A = arith.constant 2 : i32
            %swap3A_491 = arith.index_cast %swap3A : i32 to index
            %swap3A_492 = arith.index_cast %add3A_443 : i32 to index
            %swap3A_493 = arith.constant 0 : index
            %swap3A_494 = tpu.vector_load %arg6[%swap3A_491, %swap3A_492, %swap3A_493] {strides = array<i32>} : memref<4x128x128xf32, #tpu.memory_space<vmem>>, vector<16xf32>,
            tpu.vector_store %arg6[%swap3A_491, %swap3A_492, %swap3A_493], %broadcast_in_dim3A_314 {strides = array<i32>} : memref<4x128x128xf32, #tpu.memory_space<vmem>>, vector<16xf32>,
            %swap3A_495 = arith.constant 2 : i32
            %swap3A_496 = arith.index_cast %swap3A_495 : i32 to index
            %swap3A_497 = arith.index_cast %add3A_443 : i32 to index
            %swap3A_498 = arith.constant 16 : index
            %swap3A_499 = tpu.vector_load %arg6[%swap3A_496, %swap3A_497, %swap3A_498] {strides = array<i32>} : memref<4x128x128xf32, #tpu.memory_space<vmem>>, vector<16xf32>,
            tpu.vector_store %arg6[%swap3A_496, %swap3A_497, %swap3A_498], %broadcast_in_dim3A_314 {strides = array<i32>} : memref<4x128x128xf32, #tpu.memory_space<vmem>>, vector<16xf32>,
            %swap3A_500 = arith.constant 2 : i32
            %swap3A_501 = arith.index_cast %swap3A_500 : i32 to index
            %swap3A_502 = arith.index_cast %add3A_443 : i32 to index
            %swap3A_503 = arith.constant 32 : index
            %swap3A_504 = tpu.vector_load %arg6[%swap3A_501, %swap3A_502, %swap3A_503] {strides = array<i32>} : memref<4x128x128xf32, #tpu.memory_space<vmem>>, vector<16xf32>,
            tpu.vector_store %arg6[%swap3A_501, %swap3A_502, %swap3A_503], %broadcast_in_dim3A_314 {strides = array<i32>} : memref<4x128x128xf32, #tpu.memory_space<vmem>>, vector<16xf32>,
            %swap3A_505 = arith.constant 2 : i32
            %swap3A_506 = arith.index_cast %swap3A_505 : i32 to index
            %swap3A_507 = arith.index_cast %add3A_443 : i32 to index
            %swap3A_508 = arith.constant 48 : index
            %swap3A_509 = tpu.vector_load %arg6[%swap3A_506, %swap3A_507, %swap3A_508] {strides = array<i32>} : memref<4x128x128xf32, #tpu.memory_space<vmem>>, vector<16xf32>,
            tpu.vector_store %arg6[%swap3A_506, %swap3A_507, %swap3A_508], %broadcast_in_dim3A_314 {strides = array<i32>} : memref<4x128x128xf32, #tpu.memory_space<vmem>>, vector<16xf32>,
            %swap3A_510 = arith.constant 2 : i32
            %swap3A_511 = arith.index_cast %swap3A_510 : i32 to index
            %swap3A_512 = arith.index_cast %add3A_443 : i32 to index
            %swap3A_513 = arith.constant 64 : index
            %swap3A_514 = tpu.vector_load %arg6[%swap3A_511, %swap3A_512, %swap3A_513] {strides = array<i32>} : memref<4x128x128xf32, #tpu.memory_space<vmem>>, vector<16xf32>,
            tpu.vector_store %arg6[%swap3A_511, %swap3A_512, %swap3A_513], %broadcast_in_dim3A_314 {strides = array<i32>} : memref<4x128x128xf32, #tpu.memory_space<vmem>>, vector<16xf32>,
            %swap3A_515 = arith.constant 2 : i32
            %swap3A_516 = arith.index_cast %swap3A_515 : i32 to index
            %swap3A_517 = arith.index_cast %add3A_443 : i32 to index
            %swap3A_518 = arith.constant 80 : index
            %swap3A_519 = tpu.vector_load %arg6[%swap3A_516, %swap3A_517, %swap3A_518] {strides = array<i32>} : memref<4x128x128xf32, #tpu.memory_space<vmem>>, vector<16xf32>,
            tpu.vector_store %arg6[%swap3A_516, %swap3A_517, %swap3A_518], %broadcast_in_dim3A_314 {strides = array<i32>} : memref<4x128x128xf32, #tpu.memory_space<vmem>>, vector<16xf32>,
            %swap3A_520 = arith.constant 2 : i32
            %swap3A_521 = arith.index_cast %swap3A_520 : i32 to index
            %swap3A_522 = arith.index_cast %add3A_443 : i32 to index
            %swap3A_523 = arith.constant 96 : index
            %swap3A_524 = tpu.vector_load %arg6[%swap3A_521, %swap3A_522, %swap3A_523] {strides = array<i32>} : memref<4x128x128xf32, #tpu.memory_space<vmem>>, vector<16xf32>,
            tpu.vector_store %arg6[%swap3A_521, %swap3A_522, %swap3A_523], %broadcast_in_dim3A_314 {strides = array<i32>} : memref<4x128x128xf32, #tpu.memory_space<vmem>>, vector<16xf32>,
            %swap3A_525 = arith.constant 2 : i32
            %swap3A_526 = arith.index_cast %swap3A_525 : i32 to index
            %swap3A_527 = arith.index_cast %add3A_443 : i32 to index
            %swap3A_528 = arith.constant 112 : index
            %swap3A_529 = tpu.vector_load %arg6[%swap3A_526, %swap3A_527, %swap3A_528] {strides = array<i32>} : memref<4x128x128xf32, #tpu.memory_space<vmem>>, vector<16xf32>,
            tpu.vector_store %arg6[%swap3A_526, %swap3A_527, %swap3A_528], %broadcast_in_dim3A_314 {strides = array<i32>} : memref<4x128x128xf32, #tpu.memory_space<vmem>>, vector<16xf32>,
          } else {
          }
          %slice3A_447 = vector.extract_strided_slice %get3A_306 {offsets = [12], sizes = [1], strides = [1]} : vector<16xi32> to vector<1xi32>
          %squeeze3A_448 = vector.extract %slice3A_447[0] : i32 from vector<1xi32>
          %eq3A_449 = arith.constant 0 : i32
          %eq3A_450 = arith.cmpi eq, %squeeze3A_448, %eq3A_449 : i32
          %mul3A_451 = arith.constant 16 : i32
          %mul3A_452 = arith.muli %scan3A_299, %mul3A_451 : i32
          %add3A_453 = arith.constant 12 : i32
          %add3A_454 = arith.addi %mul3A_452, %add3A_453 : i32
          %convert_element_type3A_455 = arith.extui %eq3A_450 : i1 to i32
          %cond3A_456 = arith.constant 0 : i32
          %cond3A_457 = arith.cmpi ne, %convert_element_type3A_455, %cond3A_456 : i32
          scf.if %cond3A_457 {
            %swap3A = arith.constant 2 : i32
            %swap3A_491 = arith.index_cast %swap3A : i32 to index
            %swap3A_492 = arith.index_cast %add3A_454 : i32 to index
            %swap3A_493 = arith.constant 0 : index
            %swap3A_494 = tpu.vector_load %arg6[%swap3A_491, %swap3A_492, %swap3A_493] {strides = array<i32>} : memref<4x128x128xf32, #tpu.memory_space<vmem>>, vector<16xf32>,
            tpu.vector_store %arg6[%swap3A_491, %swap3A_492, %swap3A_493], %broadcast_in_dim3A_314 {strides = array<i32>} : memref<4x128x128xf32, #tpu.memory_space<vmem>>, vector<16xf32>,
            %swap3A_495 = arith.constant 2 : i32
            %swap3A_496 = arith.index_cast %swap3A_495 : i32 to index
            %swap3A_497 = arith.index_cast %add3A_454 : i32 to index
            %swap3A_498 = arith.constant 16 : index
            %swap3A_499 = tpu.vector_load %arg6[%swap3A_496, %swap3A_497, %swap3A_498] {strides = array<i32>} : memref<4x128x128xf32, #tpu.memory_space<vmem>>, vector<16xf32>,
            tpu.vector_store %arg6[%swap3A_496, %swap3A_497, %swap3A_498], %broadcast_in_dim3A_314 {strides = array<i32>} : memref<4x128x128xf32, #tpu.memory_space<vmem>>, vector<16xf32>,
            %swap3A_500 = arith.constant 2 : i32
            %swap3A_501 = arith.index_cast %swap3A_500 : i32 to index
            %swap3A_502 = arith.index_cast %add3A_454 : i32 to index
            %swap3A_503 = arith.constant 32 : index
            %swap3A_504 = tpu.vector_load %arg6[%swap3A_501, %swap3A_502, %swap3A_503] {strides = array<i32>} : memref<4x128x128xf32, #tpu.memory_space<vmem>>, vector<16xf32>,
            tpu.vector_store %arg6[%swap3A_501, %swap3A_502, %swap3A_503], %broadcast_in_dim3A_314 {strides = array<i32>} : memref<4x128x128xf32, #tpu.memory_space<vmem>>, vector<16xf32>,
            %swap3A_505 = arith.constant 2 : i32
            %swap3A_506 = arith.index_cast %swap3A_505 : i32 to index
            %swap3A_507 = arith.index_cast %add3A_454 : i32 to index
            %swap3A_508 = arith.constant 48 : index
            %swap3A_509 = tpu.vector_load %arg6[%swap3A_506, %swap3A_507, %swap3A_508] {strides = array<i32>} : memref<4x128x128xf32, #tpu.memory_space<vmem>>, vector<16xf32>,
            tpu.vector_store %arg6[%swap3A_506, %swap3A_507, %swap3A_508], %broadcast_in_dim3A_314 {strides = array<i32>} : memref<4x128x128xf32, #tpu.memory_space<vmem>>, vector<16xf32>,
            %swap3A_510 = arith.constant 2 : i32
            %swap3A_511 = arith.index_cast %swap3A_510 : i32 to index
            %swap3A_512 = arith.index_cast %add3A_454 : i32 to index
            %swap3A_513 = arith.constant 64 : index
            %swap3A_514 = tpu.vector_load %arg6[%swap3A_511, %swap3A_512, %swap3A_513] {strides = array<i32>} : memref<4x128x128xf32, #tpu.memory_space<vmem>>, vector<16xf32>,
            tpu.vector_store %arg6[%swap3A_511, %swap3A_512, %swap3A_513], %broadcast_in_dim3A_314 {strides = array<i32>} : memref<4x128x128xf32, #tpu.memory_space<vmem>>, vector<16xf32>,
            %swap3A_515 = arith.constant 2 : i32
            %swap3A_516 = arith.index_cast %swap3A_515 : i32 to index
            %swap3A_517 = arith.index_cast %add3A_454 : i32 to index
            %swap3A_518 = arith.constant 80 : index
            %swap3A_519 = tpu.vector_load %arg6[%swap3A_516, %swap3A_517, %swap3A_518] {strides = array<i32>} : memref<4x128x128xf32, #tpu.memory_space<vmem>>, vector<16xf32>,
            tpu.vector_store %arg6[%swap3A_516, %swap3A_517, %swap3A_518], %broadcast_in_dim3A_314 {strides = array<i32>} : memref<4x128x128xf32, #tpu.memory_space<vmem>>, vector<16xf32>,
            %swap3A_520 = arith.constant 2 : i32
            %swap3A_521 = arith.index_cast %swap3A_520 : i32 to index
            %swap3A_522 = arith.index_cast %add3A_454 : i32 to index
            %swap3A_523 = arith.constant 96 : index
            %swap3A_524 = tpu.vector_load %arg6[%swap3A_521, %swap3A_522, %swap3A_523] {strides = array<i32>} : memref<4x128x128xf32, #tpu.memory_space<vmem>>, vector<16xf32>,
            tpu.vector_store %arg6[%swap3A_521, %swap3A_522, %swap3A_523], %broadcast_in_dim3A_314 {strides = array<i32>} : memref<4x128x128xf32, #tpu.memory_space<vmem>>, vector<16xf32>,
            %swap3A_525 = arith.constant 2 : i32
            %swap3A_526 = arith.index_cast %swap3A_525 : i32 to index
            %swap3A_527 = arith.index_cast %add3A_454 : i32 to index
            %swap3A_528 = arith.constant 112 : index
            %swap3A_529 = tpu.vector_load %arg6[%swap3A_526, %swap3A_527, %swap3A_528] {strides = array<i32>} : memref<4x128x128xf32, #tpu.memory_space<vmem>>, vector<16xf32>,
            tpu.vector_store %arg6[%swap3A_526, %swap3A_527, %swap3A_528], %broadcast_in_dim3A_314 {strides = array<i32>} : memref<4x128x128xf32, #tpu.memory_space<vmem>>, vector<16xf32>,
          } else {
          }
          %slice3A_458 = vector.extract_strided_slice %get3A_306 {offsets = [13], sizes = [1], strides = [1]} : vector<16xi32> to vector<1xi32>
          %squeeze3A_459 = vector.extract %slice3A_458[0] : i32 from vector<1xi32>
          %eq3A_460 = arith.constant 0 : i32
          %eq3A_461 = arith.cmpi eq, %squeeze3A_459, %eq3A_460 : i32
          %mul3A_462 = arith.constant 16 : i32
          %mul3A_463 = arith.muli %scan3A_299, %mul3A_462 : i32
          %add3A_464 = arith.constant 13 : i32
          %add3A_465 = arith.addi %mul3A_463, %add3A_464 : i32
          %convert_element_type3A_466 = arith.extui %eq3A_461 : i1 to i32
          %cond3A_467 = arith.constant 0 : i32
          %cond3A_468 = arith.cmpi ne, %convert_element_type3A_466, %cond3A_467 : i32
          scf.if %cond3A_468 {
            %swap3A = arith.constant 2 : i32
            %swap3A_491 = arith.index_cast %swap3A : i32 to index
            %swap3A_492 = arith.index_cast %add3A_465 : i32 to index
            %swap3A_493 = arith.constant 0 : index
            %swap3A_494 = tpu.vector_load %arg6[%swap3A_491, %swap3A_492, %swap3A_493] {strides = array<i32>} : memref<4x128x128xf32, #tpu.memory_space<vmem>>, vector<16xf32>,
            tpu.vector_store %arg6[%swap3A_491, %swap3A_492, %swap3A_493], %broadcast_in_dim3A_314 {strides = array<i32>} : memref<4x128x128xf32, #tpu.memory_space<vmem>>, vector<16xf32>,
            %swap3A_495 = arith.constant 2 : i32
            %swap3A_496 = arith.index_cast %swap3A_495 : i32 to index
            %swap3A_497 = arith.index_cast %add3A_465 : i32 to index
            %swap3A_498 = arith.constant 16 : index
            %swap3A_499 = tpu.vector_load %arg6[%swap3A_496, %swap3A_497, %swap3A_498] {strides = array<i32>} : memref<4x128x128xf32, #tpu.memory_space<vmem>>, vector<16xf32>,
            tpu.vector_store %arg6[%swap3A_496, %swap3A_497, %swap3A_498], %broadcast_in_dim3A_314 {strides = array<i32>} : memref<4x128x128xf32, #tpu.memory_space<vmem>>, vector<16xf32>,
            %swap3A_500 = arith.constant 2 : i32
            %swap3A_501 = arith.index_cast %swap3A_500 : i32 to index
            %swap3A_502 = arith.index_cast %add3A_465 : i32 to index
            %swap3A_503 = arith.constant 32 : index
            %swap3A_504 = tpu.vector_load %arg6[%swap3A_501, %swap3A_502, %swap3A_503] {strides = array<i32>} : memref<4x128x128xf32, #tpu.memory_space<vmem>>, vector<16xf32>,
            tpu.vector_store %arg6[%swap3A_501, %swap3A_502, %swap3A_503], %broadcast_in_dim3A_314 {strides = array<i32>} : memref<4x128x128xf32, #tpu.memory_space<vmem>>, vector<16xf32>,
            %swap3A_505 = arith.constant 2 : i32
            %swap3A_506 = arith.index_cast %swap3A_505 : i32 to index
            %swap3A_507 = arith.index_cast %add3A_465 : i32 to index
            %swap3A_508 = arith.constant 48 : index
            %swap3A_509 = tpu.vector_load %arg6[%swap3A_506, %swap3A_507, %swap3A_508] {strides = array<i32>} : memref<4x128x128xf32, #tpu.memory_space<vmem>>, vector<16xf32>,
            tpu.vector_store %arg6[%swap3A_506, %swap3A_507, %swap3A_508], %broadcast_in_dim3A_314 {strides = array<i32>} : memref<4x128x128xf32, #tpu.memory_space<vmem>>, vector<16xf32>,
            %swap3A_510 = arith.constant 2 : i32
            %swap3A_511 = arith.index_cast %swap3A_510 : i32 to index
            %swap3A_512 = arith.index_cast %add3A_465 : i32 to index
            %swap3A_513 = arith.constant 64 : index
            %swap3A_514 = tpu.vector_load %arg6[%swap3A_511, %swap3A_512, %swap3A_513] {strides = array<i32>} : memref<4x128x128xf32, #tpu.memory_space<vmem>>, vector<16xf32>,
            tpu.vector_store %arg6[%swap3A_511, %swap3A_512, %swap3A_513], %broadcast_in_dim3A_314 {strides = array<i32>} : memref<4x128x128xf32, #tpu.memory_space<vmem>>, vector<16xf32>,
            %swap3A_515 = arith.constant 2 : i32
            %swap3A_516 = arith.index_cast %swap3A_515 : i32 to index
            %swap3A_517 = arith.index_cast %add3A_465 : i32 to index
            %swap3A_518 = arith.constant 80 : index
            %swap3A_519 = tpu.vector_load %arg6[%swap3A_516, %swap3A_517, %swap3A_518] {strides = array<i32>} : memref<4x128x128xf32, #tpu.memory_space<vmem>>, vector<16xf32>,
            tpu.vector_store %arg6[%swap3A_516, %swap3A_517, %swap3A_518], %broadcast_in_dim3A_314 {strides = array<i32>} : memref<4x128x128xf32, #tpu.memory_space<vmem>>, vector<16xf32>,
            %swap3A_520 = arith.constant 2 : i32
            %swap3A_521 = arith.index_cast %swap3A_520 : i32 to index
            %swap3A_522 = arith.index_cast %add3A_465 : i32 to index
            %swap3A_523 = arith.constant 96 : index
            %swap3A_524 = tpu.vector_load %arg6[%swap3A_521, %swap3A_522, %swap3A_523] {strides = array<i32>} : memref<4x128x128xf32, #tpu.memory_space<vmem>>, vector<16xf32>,
            tpu.vector_store %arg6[%swap3A_521, %swap3A_522, %swap3A_523], %broadcast_in_dim3A_314 {strides = array<i32>} : memref<4x128x128xf32, #tpu.memory_space<vmem>>, vector<16xf32>,
            %swap3A_525 = arith.constant 2 : i32
            %swap3A_526 = arith.index_cast %swap3A_525 : i32 to index
            %swap3A_527 = arith.index_cast %add3A_465 : i32 to index
            %swap3A_528 = arith.constant 112 : index
            %swap3A_529 = tpu.vector_load %arg6[%swap3A_526, %swap3A_527, %swap3A_528] {strides = array<i32>} : memref<4x128x128xf32, #tpu.memory_space<vmem>>, vector<16xf32>,
            tpu.vector_store %arg6[%swap3A_526, %swap3A_527, %swap3A_528], %broadcast_in_dim3A_314 {strides = array<i32>} : memref<4x128x128xf32, #tpu.memory_space<vmem>>, vector<16xf32>,
          } else {
          }
          %slice3A_469 = vector.extract_strided_slice %get3A_306 {offsets = [14], sizes = [1], strides = [1]} : vector<16xi32> to vector<1xi32>
          %squeeze3A_470 = vector.extract %slice3A_469[0] : i32 from vector<1xi32>
          %eq3A_471 = arith.constant 0 : i32
          %eq3A_472 = arith.cmpi eq, %squeeze3A_470, %eq3A_471 : i32
          %mul3A_473 = arith.constant 16 : i32
          %mul3A_474 = arith.muli %scan3A_299, %mul3A_473 : i32
          %add3A_475 = arith.constant 14 : i32
          %add3A_476 = arith.addi %mul3A_474, %add3A_475 : i32
          %convert_element_type3A_477 = arith.extui %eq3A_472 : i1 to i32
          %cond3A_478 = arith.constant 0 : i32
          %cond3A_479 = arith.cmpi ne, %convert_element_type3A_477, %cond3A_478 : i32
          scf.if %cond3A_479 {
            %swap3A = arith.constant 2 : i32
            %swap3A_491 = arith.index_cast %swap3A : i32 to index
            %swap3A_492 = arith.index_cast %add3A_476 : i32 to index
            %swap3A_493 = arith.constant 0 : index
            %swap3A_494 = tpu.vector_load %arg6[%swap3A_491, %swap3A_492, %swap3A_493] {strides = array<i32>} : memref<4x128x128xf32, #tpu.memory_space<vmem>>, vector<16xf32>,
            tpu.vector_store %arg6[%swap3A_491, %swap3A_492, %swap3A_493], %broadcast_in_dim3A_314 {strides = array<i32>} : memref<4x128x128xf32, #tpu.memory_space<vmem>>, vector<16xf32>,
            %swap3A_495 = arith.constant 2 : i32
            %swap3A_496 = arith.index_cast %swap3A_495 : i32 to index
            %swap3A_497 = arith.index_cast %add3A_476 : i32 to index
            %swap3A_498 = arith.constant 16 : index
            %swap3A_499 = tpu.vector_load %arg6[%swap3A_496, %swap3A_497, %swap3A_498] {strides = array<i32>} : memref<4x128x128xf32, #tpu.memory_space<vmem>>, vector<16xf32>,
            tpu.vector_store %arg6[%swap3A_496, %swap3A_497, %swap3A_498], %broadcast_in_dim3A_314 {strides = array<i32>} : memref<4x128x128xf32, #tpu.memory_space<vmem>>, vector<16xf32>,
            %swap3A_500 = arith.constant 2 : i32
            %swap3A_501 = arith.index_cast %swap3A_500 : i32 to index
            %swap3A_502 = arith.index_cast %add3A_476 : i32 to index
            %swap3A_503 = arith.constant 32 : index
            %swap3A_504 = tpu.vector_load %arg6[%swap3A_501, %swap3A_502, %swap3A_503] {strides = array<i32>} : memref<4x128x128xf32, #tpu.memory_space<vmem>>, vector<16xf32>,
            tpu.vector_store %arg6[%swap3A_501, %swap3A_502, %swap3A_503], %broadcast_in_dim3A_314 {strides = array<i32>} : memref<4x128x128xf32, #tpu.memory_space<vmem>>, vector<16xf32>,
            %swap3A_505 = arith.constant 2 : i32
            %swap3A_506 = arith.index_cast %swap3A_505 : i32 to index
            %swap3A_507 = arith.index_cast %add3A_476 : i32 to index
            %swap3A_508 = arith.constant 48 : index
            %swap3A_509 = tpu.vector_load %arg6[%swap3A_506, %swap3A_507, %swap3A_508] {strides = array<i32>} : memref<4x128x128xf32, #tpu.memory_space<vmem>>, vector<16xf32>,
            tpu.vector_store %arg6[%swap3A_506, %swap3A_507, %swap3A_508], %broadcast_in_dim3A_314 {strides = array<i32>} : memref<4x128x128xf32, #tpu.memory_space<vmem>>, vector<16xf32>,
            %swap3A_510 = arith.constant 2 : i32
            %swap3A_511 = arith.index_cast %swap3A_510 : i32 to index
            %swap3A_512 = arith.index_cast %add3A_476 : i32 to index
            %swap3A_513 = arith.constant 64 : index
            %swap3A_514 = tpu.vector_load %arg6[%swap3A_511, %swap3A_512, %swap3A_513] {strides = array<i32>} : memref<4x128x128xf32, #tpu.memory_space<vmem>>, vector<16xf32>,
            tpu.vector_store %arg6[%swap3A_511, %swap3A_512, %swap3A_513], %broadcast_in_dim3A_314 {strides = array<i32>} : memref<4x128x128xf32, #tpu.memory_space<vmem>>, vector<16xf32>,
            %swap3A_515 = arith.constant 2 : i32
            %swap3A_516 = arith.index_cast %swap3A_515 : i32 to index
            %swap3A_517 = arith.index_cast %add3A_476 : i32 to index
            %swap3A_518 = arith.constant 80 : index
            %swap3A_519 = tpu.vector_load %arg6[%swap3A_516, %swap3A_517, %swap3A_518] {strides = array<i32>} : memref<4x128x128xf32, #tpu.memory_space<vmem>>, vector<16xf32>,
            tpu.vector_store %arg6[%swap3A_516, %swap3A_517, %swap3A_518], %broadcast_in_dim3A_314 {strides = array<i32>} : memref<4x128x128xf32, #tpu.memory_space<vmem>>, vector<16xf32>,
            %swap3A_520 = arith.constant 2 : i32
            %swap3A_521 = arith.index_cast %swap3A_520 : i32 to index
            %swap3A_522 = arith.index_cast %add3A_476 : i32 to index
            %swap3A_523 = arith.constant 96 : index
            %swap3A_524 = tpu.vector_load %arg6[%swap3A_521, %swap3A_522, %swap3A_523] {strides = array<i32>} : memref<4x128x128xf32, #tpu.memory_space<vmem>>, vector<16xf32>,
            tpu.vector_store %arg6[%swap3A_521, %swap3A_522, %swap3A_523], %broadcast_in_dim3A_314 {strides = array<i32>} : memref<4x128x128xf32, #tpu.memory_space<vmem>>, vector<16xf32>,
            %swap3A_525 = arith.constant 2 : i32
            %swap3A_526 = arith.index_cast %swap3A_525 : i32 to index
            %swap3A_527 = arith.index_cast %add3A_476 : i32 to index
            %swap3A_528 = arith.constant 112 : index
            %swap3A_529 = tpu.vector_load %arg6[%swap3A_526, %swap3A_527, %swap3A_528] {strides = array<i32>} : memref<4x128x128xf32, #tpu.memory_space<vmem>>, vector<16xf32>,
            tpu.vector_store %arg6[%swap3A_526, %swap3A_527, %swap3A_528], %broadcast_in_dim3A_314 {strides = array<i32>} : memref<4x128x128xf32, #tpu.memory_space<vmem>>, vector<16xf32>,
          } else {
          }
          %slice3A_480 = vector.extract_strided_slice %get3A_306 {offsets = [15], sizes = [1], strides = [1]} : vector<16xi32> to vector<1xi32>
          %squeeze3A_481 = vector.extract %slice3A_480[0] : i32 from vector<1xi32>
          %eq3A_482 = arith.constant 0 : i32
          %eq3A_483 = arith.cmpi eq, %squeeze3A_481, %eq3A_482 : i32
          %mul3A_484 = arith.constant 16 : i32
          %mul3A_485 = arith.muli %scan3A_299, %mul3A_484 : i32
          %add3A_486 = arith.constant 15 : i32
          %add3A_487 = arith.addi %mul3A_485, %add3A_486 : i32
          %convert_element_type3A_488 = arith.extui %eq3A_483 : i1 to i32
          %cond3A_489 = arith.constant 0 : i32
          %cond3A_490 = arith.cmpi ne, %convert_element_type3A_488, %cond3A_489 : i32
          scf.if %cond3A_490 {
            %swap3A = arith.constant 2 : i32
            %swap3A_491 = arith.index_cast %swap3A : i32 to index
            %swap3A_492 = arith.index_cast %add3A_487 : i32 to index
            %swap3A_493 = arith.constant 0 : index
            %swap3A_494 = tpu.vector_load %arg6[%swap3A_491, %swap3A_492, %swap3A_493] {strides = array<i32>} : memref<4x128x128xf32, #tpu.memory_space<vmem>>, vector<16xf32>,
            tpu.vector_store %arg6[%swap3A_491, %swap3A_492, %swap3A_493], %broadcast_in_dim3A_314 {strides = array<i32>} : memref<4x128x128xf32, #tpu.memory_space<vmem>>, vector<16xf32>,
            %swap3A_495 = arith.constant 2 : i32
            %swap3A_496 = arith.index_cast %swap3A_495 : i32 to index
            %swap3A_497 = arith.index_cast %add3A_487 : i32 to index
            %swap3A_498 = arith.constant 16 : index
            %swap3A_499 = tpu.vector_load %arg6[%swap3A_496, %swap3A_497, %swap3A_498] {strides = array<i32>} : memref<4x128x128xf32, #tpu.memory_space<vmem>>, vector<16xf32>,
            tpu.vector_store %arg6[%swap3A_496, %swap3A_497, %swap3A_498], %broadcast_in_dim3A_314 {strides = array<i32>} : memref<4x128x128xf32, #tpu.memory_space<vmem>>, vector<16xf32>,
            %swap3A_500 = arith.constant 2 : i32
            %swap3A_501 = arith.index_cast %swap3A_500 : i32 to index
            %swap3A_502 = arith.index_cast %add3A_487 : i32 to index
            %swap3A_503 = arith.constant 32 : index
            %swap3A_504 = tpu.vector_load %arg6[%swap3A_501, %swap3A_502, %swap3A_503] {strides = array<i32>} : memref<4x128x128xf32, #tpu.memory_space<vmem>>, vector<16xf32>,
            tpu.vector_store %arg6[%swap3A_501, %swap3A_502, %swap3A_503], %broadcast_in_dim3A_314 {strides = array<i32>} : memref<4x128x128xf32, #tpu.memory_space<vmem>>, vector<16xf32>,
            %swap3A_505 = arith.constant 2 : i32
            %swap3A_506 = arith.index_cast %swap3A_505 : i32 to index
            %swap3A_507 = arith.index_cast %add3A_487 : i32 to index
            %swap3A_508 = arith.constant 48 : index
            %swap3A_509 = tpu.vector_load %arg6[%swap3A_506, %swap3A_507, %swap3A_508] {strides = array<i32>} : memref<4x128x128xf32, #tpu.memory_space<vmem>>, vector<16xf32>,
            tpu.vector_store %arg6[%swap3A_506, %swap3A_507, %swap3A_508], %broadcast_in_dim3A_314 {strides = array<i32>} : memref<4x128x128xf32, #tpu.memory_space<vmem>>, vector<16xf32>,
            %swap3A_510 = arith.constant 2 : i32
            %swap3A_511 = arith.index_cast %swap3A_510 : i32 to index
            %swap3A_512 = arith.index_cast %add3A_487 : i32 to index
            %swap3A_513 = arith.constant 64 : index
            %swap3A_514 = tpu.vector_load %arg6[%swap3A_511, %swap3A_512, %swap3A_513] {strides = array<i32>} : memref<4x128x128xf32, #tpu.memory_space<vmem>>, vector<16xf32>,
            tpu.vector_store %arg6[%swap3A_511, %swap3A_512, %swap3A_513], %broadcast_in_dim3A_314 {strides = array<i32>} : memref<4x128x128xf32, #tpu.memory_space<vmem>>, vector<16xf32>,
            %swap3A_515 = arith.constant 2 : i32
            %swap3A_516 = arith.index_cast %swap3A_515 : i32 to index
            %swap3A_517 = arith.index_cast %add3A_487 : i32 to index
            %swap3A_518 = arith.constant 80 : index
            %swap3A_519 = tpu.vector_load %arg6[%swap3A_516, %swap3A_517, %swap3A_518] {strides = array<i32>} : memref<4x128x128xf32, #tpu.memory_space<vmem>>, vector<16xf32>,
            tpu.vector_store %arg6[%swap3A_516, %swap3A_517, %swap3A_518], %broadcast_in_dim3A_314 {strides = array<i32>} : memref<4x128x128xf32, #tpu.memory_space<vmem>>, vector<16xf32>,
            %swap3A_520 = arith.constant 2 : i32
            %swap3A_521 = arith.index_cast %swap3A_520 : i32 to index
            %swap3A_522 = arith.index_cast %add3A_487 : i32 to index
            %swap3A_523 = arith.constant 96 : index
            %swap3A_524 = tpu.vector_load %arg6[%swap3A_521, %swap3A_522, %swap3A_523] {strides = array<i32>} : memref<4x128x128xf32, #tpu.memory_space<vmem>>, vector<16xf32>,
            tpu.vector_store %arg6[%swap3A_521, %swap3A_522, %swap3A_523], %broadcast_in_dim3A_314 {strides = array<i32>} : memref<4x128x128xf32, #tpu.memory_space<vmem>>, vector<16xf32>,
            %swap3A_525 = arith.constant 2 : i32
            %swap3A_526 = arith.index_cast %swap3A_525 : i32 to index
            %swap3A_527 = arith.index_cast %add3A_487 : i32 to index
            %swap3A_528 = arith.constant 112 : index
            %swap3A_529 = tpu.vector_load %arg6[%swap3A_526, %swap3A_527, %swap3A_528] {strides = array<i32>} : memref<4x128x128xf32, #tpu.memory_space<vmem>>, vector<16xf32>,
            tpu.vector_store %arg6[%swap3A_526, %swap3A_527, %swap3A_528], %broadcast_in_dim3A_314 {strides = array<i32>} : memref<4x128x128xf32, #tpu.memory_space<vmem>>, vector<16xf32>,
          } else {
          }
        } else {
        }
        %scan3A_313 = arith.constant 0 : i32
        scf.yield %scan3A_313 : i32
      }
      %scan3A_225 = arith.constant 8 : i32
      %mul3A_226 = arith.constant 128 : i32
      %mul3A_227 = arith.muli %add3A_203, %mul3A_226 : i32
      %add3A_228 = arith.addi %mul3A_2, %mul3A_227 : i32
      %dma_start3A_229 = arith.constant 2 : i32
      %dma_start3A_230 = arith.constant 0 : i32
      %dma_start3A_231 = arith.constant 0 : i32
      %dma_start3A_232 = tpu.memref_slice %arg6[%dma_start3A_229, %dma_start3A_230, %dma_start3A_231] : memref<4x128x128xf32, #tpu.memory_space<vmem>> -> memref<1x128x128xf32, #tpu.memory_space<vmem>>
      %dma_start3A_233 = tpu.memref_squeeze %dma_start3A_232 : memref<1x128x128xf32, #tpu.memory_space<vmem>> -> memref<128x128xf32, #tpu.memory_space<vmem>>
      %dma_start3A_234 = arith.constant 0 : i32
      %dma_start3A_235 = tpu.memref_slice %arg4[%add3A_228, %dma_start3A_234] : memref<819200x128xf32, #tpu.memory_space<hbm>> -> memref<128x128xf32, #tpu.memory_space<hbm>>
      %dma_start3A_236 = arith.constant 0 : i32
      %dma_start3A_237 = tpu.memref_slice %arg4[%add3A_228, %dma_start3A_236] : memref<819200x128xf32, #tpu.memory_space<hbm>> -> memref<128x128xf32, #tpu.memory_space<hbm>>
      %dma_start3A_238 = arith.constant 0 : i32
      %dma_start3A_239 = arith.constant 0 : i32
      %dma_start3A_240 = tpu.memref_slice %arg6[%dma_start3A_229, %dma_start3A_238, %dma_start3A_239] : memref<4x128x128xf32, #tpu.memory_space<vmem>> -> memref<1x128x128xf32, #tpu.memory_space<vmem>>
      %dma_start3A_241 = tpu.memref_squeeze %dma_start3A_240 : memref<1x128x128xf32, #tpu.memory_space<vmem>> -> memref<128x128xf32, #tpu.memory_space<vmem>>
      tpu.enqueue_dma source(%dma_start3A_241 : memref<128x128xf32, #tpu.memory_space<vmem>>) target(%dma_start3A_237 : memref<128x128xf32, #tpu.memory_space<hbm>>) target_semaphore(%arg13 : memref<!tpu.dma_semaphore, #tpu.memory_space<semaphore_mem>>)
      %add3A_242 = arith.constant 3 : i32
      %add3A_243 = arith.addi %add3A_203, %add3A_242 : i32
      %lt3A_244 = arith.constant 200 : i32
      %lt3A_245 = arith.cmpi slt, %add3A_243, %lt3A_244 : i32
      %convert_element_type3A_246 = arith.extui %lt3A_245 : i1 to i32
      %cond3A_247 = arith.constant 0 : i32
      %cond3A_248 = arith.cmpi ne, %convert_element_type3A_246, %cond3A_247 : i32
      scf.if %cond3A_248 {
        %ge3A = arith.constant 4 : i32
        %ge3A_299 = arith.cmpi sge, %add3A_243, %ge3A : i32
        %convert_element_type3A_300 = arith.extui %ge3A_299 : i1 to i32
        %cond3A_301 = arith.constant 0 : i32
        %cond3A_302 = arith.cmpi ne, %convert_element_type3A_300, %cond3A_301 : i32
        scf.if %cond3A_302 {
          %dma_wait3A_314 = arith.constant 1 : i32
          %dma_wait3A_315 = arith.constant 0 : i32
          %dma_wait3A_316 = arith.constant 0 : i32
          %dma_wait3A_317 = tpu.memref_slice %arg6[%dma_wait3A_314, %dma_wait3A_315, %dma_wait3A_316] : memref<4x128x128xf32, #tpu.memory_space<vmem>> -> memref<1x128x128xf32, #tpu.memory_space<vmem>>
          %dma_wait3A_318 = tpu.memref_squeeze %dma_wait3A_317 : memref<1x128x128xf32, #tpu.memory_space<vmem>> -> memref<128x128xf32, #tpu.memory_space<vmem>>
          %dma_wait3A_319 = arith.constant 0 : i32
          %dma_wait3A_320 = arith.constant 0 : i32
          %dma_wait3A_321 = tpu.memref_slice %arg4[%dma_wait3A_319, %dma_wait3A_320] : memref<819200x128xf32, #tpu.memory_space<hbm>> -> memref<128x128xf32, #tpu.memory_space<hbm>>
          %dma_wait3A_322 = arith.constant 0 : i32
          %dma_wait3A_323 = arith.constant 0 : i32
          %dma_wait3A_324 = tpu.memref_slice %arg4[%dma_wait3A_322, %dma_wait3A_323] : memref<819200x128xf32, #tpu.memory_space<hbm>> -> memref<128x128xf32, #tpu.memory_space<hbm>>
          %dma_wait3A_325 = arith.constant 0 : i32
          %dma_wait3A_326 = arith.constant 0 : i32
          %dma_wait3A_327 = tpu.memref_slice %arg6[%dma_wait3A_314, %dma_wait3A_325, %dma_wait3A_326] : memref<4x128x128xf32, #tpu.memory_space<vmem>> -> memref<1x128x128xf32, #tpu.memory_space<vmem>>
          %dma_wait3A_328 = tpu.memref_squeeze %dma_wait3A_327 : memref<1x128x128xf32, #tpu.memory_space<vmem>> -> memref<128x128xf32, #tpu.memory_space<vmem>>
          tpu.wait_dma2 semaphore(%arg12 : memref<!tpu.dma_semaphore, #tpu.memory_space<semaphore_mem>>) src(%dma_wait3A_328 : memref<128x128xf32, #tpu.memory_space<vmem>>) dst(%dma_wait3A_324 : memref<128x128xf32, #tpu.memory_space<hbm>>)
        } else {
        }
        %mul3A_303 = arith.constant 128 : i32
        %mul3A_304 = arith.muli %add3A_243, %mul3A_303 : i32
        %dma_start3A_305 = arith.constant 1 : i32
        %dma_start3A_306 = arith.constant 0 : i32
        %dma_start3A_307 = arith.constant 0 : i32
        %dma_start3A_308 = tpu.memref_slice %arg6[%dma_start3A_305, %dma_start3A_306, %dma_start3A_307] : memref<4x128x128xf32, #tpu.memory_space<vmem>> -> memref<1x128x128xf32, #tpu.memory_space<vmem>>
        %dma_start3A_309 = tpu.memref_squeeze %dma_start3A_308 : memref<1x128x128xf32, #tpu.memory_space<vmem>> -> memref<128x128xf32, #tpu.memory_space<vmem>>
        %dma_start3A_310 = tpu.memref_slice %arg5[%mul3A_304] : memref<25600xi32, #tpu.memory_space<vmem>> -> memref<128xi32, #tpu.memory_space<vmem>>
        %dma_start3A_311 = arith.constant 0 : i32
        %dma_start3A_312 = arith.constant 0 : i32
        %dma_start3A_313 = tpu.memref_slice %arg2[%dma_start3A_311, %dma_start3A_312] : memref<100000x128xf32, #tpu.memory_space<hbm>> -> memref<100000x128xf32, #tpu.memory_space<hbm>>
        tpu.enqueue_indirect_dma source(%dma_start3A_313 : memref<100000x128xf32, #tpu.memory_space<hbm>>) target(%dma_start3A_309 : memref<128x128xf32, #tpu.memory_space<vmem>>) offsets(%dma_start3A_310 : memref<128xi32, #tpu.memory_space<vmem>>) semaphore(%arg8 : memref<!tpu.dma_semaphore, #tpu.memory_space<semaphore_mem>>)
      } else {
      }
      %mul3A_249 = arith.constant 4 : i32
      %mul3A_250 = arith.muli %scan3A_103, %mul3A_249 : i32
      %add3A_251 = arith.constant 3 : i32
      %add3A_252 = arith.addi %mul3A_250, %add3A_251 : i32
      %dma_wait3A_253 = arith.constant 3 : i32
      %dma_wait3A_254 = arith.constant 0 : i32
      %dma_wait3A_255 = arith.constant 0 : i32
      %dma_wait3A_256 = tpu.memref_slice %arg6[%dma_wait3A_253, %dma_wait3A_254, %dma_wait3A_255] : memref<4x128x128xf32, #tpu.memory_space<vmem>> -> memref<1x128x128xf32, #tpu.memory_space<vmem>>
      %dma_wait3A_257 = tpu.memref_squeeze %dma_wait3A_256 : memref<1x128x128xf32, #tpu.memory_space<vmem>> -> memref<128x128xf32, #tpu.memory_space<vmem>>
      %dma_wait3A_258 = arith.constant 0 : i32
      %dma_wait3A_259 = arith.constant 0 : i32
      %dma_wait3A_260 = tpu.memref_slice %arg2[%dma_wait3A_258, %dma_wait3A_259] : memref<100000x128xf32, #tpu.memory_space<hbm>> -> memref<128x128xf32, #tpu.memory_space<hbm>>
      %dma_wait3A_261 = arith.constant 0 : i32
      %dma_wait3A_262 = arith.constant 0 : i32
      %dma_wait3A_263 = tpu.memref_slice %arg6[%dma_wait3A_253, %dma_wait3A_261, %dma_wait3A_262] : memref<4x128x128xf32, #tpu.memory_space<vmem>> -> memref<1x128x128xf32, #tpu.memory_space<vmem>>
      %dma_wait3A_264 = tpu.memref_squeeze %dma_wait3A_263 : memref<1x128x128xf32, #tpu.memory_space<vmem>> -> memref<128x128xf32, #tpu.memory_space<vmem>>
      %dma_wait3A_265 = arith.constant 0 : i32
      %dma_wait3A_266 = arith.constant 0 : i32
      %dma_wait3A_267 = tpu.memref_slice %arg2[%dma_wait3A_265, %dma_wait3A_266] : memref<100000x128xf32, #tpu.memory_space<hbm>> -> memref<128x128xf32, #tpu.memory_space<hbm>>
      tpu.wait_dma2 semaphore(%arg10 : memref<!tpu.dma_semaphore, #tpu.memory_space<semaphore_mem>>) src(%dma_wait3A_267 : memref<128x128xf32, #tpu.memory_space<hbm>>) dst(%dma_wait3A_264 : memref<128x128xf32, #tpu.memory_space<vmem>>)
      %scan3A_268 = arith.constant 0 : i32
      %scan3A_269 = arith.constant 0 : i32
      %scan3A_270 = arith.constant 8 : i32
      %scan3A_271 = arith.addi %scan3A_269, %scan3A_270 : i32
      %scan3A_272 = arith.constant 1 : i32
      %scan3A_273 = scf.for %scan3A_299 = %scan3A_269 to %scan3A_271 step %scan3A_272 iter_args(%scan3A_300 = %scan3A_268) -> (i32)  : i32 {
        %mul3A_301 = arith.constant 128 : i32
        %mul3A_302 = arith.muli %add3A_252, %mul3A_301 : i32
        %mul3A_303 = arith.constant 16 : i32
        %mul3A_304 = arith.muli %scan3A_299, %mul3A_303 : i32
        %add3A_305 = arith.addi %mul3A_302, %mul3A_304 : i32
        %get3A = arith.index_cast %add3A_305 : i32 to index
        %get3A_306 = tpu.vector_load %arg5[%get3A] {strides = array<i32>} : memref<25600xi32, #tpu.memory_space<vmem>>, vector<16xi32>,
        %eq3A = arith.constant 0 : i32
        %eq3A_307 = vector.broadcast %eq3A : i32 to vector<16xi32>
        %eq3A_308 = arith.cmpi eq, %get3A_306, %eq3A_307 : vector<16xi32>
        %all_reduce_population_count3A = tpu.all_reduce %eq3A_308 {dim = 0 : i64, kind = #tpu.reduction_kind<sum>} : vector<16xi1> -> vector<16xi32>
        %slice3A = vector.extract_strided_slice %all_reduce_population_count3A {offsets = [0], sizes = [1], strides = [1]} : vector<16xi32> to vector<1xi32>
        %squeeze3A = vector.extract %slice3A[0] : i32 from vector<1xi32>
        %gt3A = arith.constant 0 : i32
        %gt3A_309 = arith.cmpi sgt, %squeeze3A, %gt3A : i32
        %convert_element_type3A_310 = arith.extui %gt3A_309 : i1 to i32
        %cond3A_311 = arith.constant 0 : i32
        %cond3A_312 = arith.cmpi ne, %convert_element_type3A_310, %cond3A_311 : i32
        scf.if %cond3A_312 {
          %broadcast_in_dim3A = arith.constant 0.000000e+00 : f32
          %broadcast_in_dim3A_314 = vector.broadcast %broadcast_in_dim3A : f32 to vector<16xf32>
          %slice3A_315 = vector.extract_strided_slice %get3A_306 {offsets = [0], sizes = [1], strides = [1]} : vector<16xi32> to vector<1xi32>
          %squeeze3A_316 = vector.extract %slice3A_315[0] : i32 from vector<1xi32>
          %eq3A_317 = arith.constant 0 : i32
          %eq3A_318 = arith.cmpi eq, %squeeze3A_316, %eq3A_317 : i32
          %mul3A_319 = arith.constant 16 : i32
          %mul3A_320 = arith.muli %scan3A_299, %mul3A_319 : i32
          %add3A_321 = arith.constant 0 : i32
          %add3A_322 = arith.addi %mul3A_320, %add3A_321 : i32
          %convert_element_type3A_323 = arith.extui %eq3A_318 : i1 to i32
          %cond3A_324 = arith.constant 0 : i32
          %cond3A_325 = arith.cmpi ne, %convert_element_type3A_323, %cond3A_324 : i32
          scf.if %cond3A_325 {
            %swap3A = arith.constant 3 : i32
            %swap3A_491 = arith.index_cast %swap3A : i32 to index
            %swap3A_492 = arith.index_cast %add3A_322 : i32 to index
            %swap3A_493 = arith.constant 0 : index
            %swap3A_494 = tpu.vector_load %arg6[%swap3A_491, %swap3A_492, %swap3A_493] {strides = array<i32>} : memref<4x128x128xf32, #tpu.memory_space<vmem>>, vector<16xf32>,
            tpu.vector_store %arg6[%swap3A_491, %swap3A_492, %swap3A_493], %broadcast_in_dim3A_314 {strides = array<i32>} : memref<4x128x128xf32, #tpu.memory_space<vmem>>, vector<16xf32>,
            %swap3A_495 = arith.constant 3 : i32
            %swap3A_496 = arith.index_cast %swap3A_495 : i32 to index
            %swap3A_497 = arith.index_cast %add3A_322 : i32 to index
            %swap3A_498 = arith.constant 16 : index
            %swap3A_499 = tpu.vector_load %arg6[%swap3A_496, %swap3A_497, %swap3A_498] {strides = array<i32>} : memref<4x128x128xf32, #tpu.memory_space<vmem>>, vector<16xf32>,
            tpu.vector_store %arg6[%swap3A_496, %swap3A_497, %swap3A_498], %broadcast_in_dim3A_314 {strides = array<i32>} : memref<4x128x128xf32, #tpu.memory_space<vmem>>, vector<16xf32>,
            %swap3A_500 = arith.constant 3 : i32
            %swap3A_501 = arith.index_cast %swap3A_500 : i32 to index
            %swap3A_502 = arith.index_cast %add3A_322 : i32 to index
            %swap3A_503 = arith.constant 32 : index
            %swap3A_504 = tpu.vector_load %arg6[%swap3A_501, %swap3A_502, %swap3A_503] {strides = array<i32>} : memref<4x128x128xf32, #tpu.memory_space<vmem>>, vector<16xf32>,
            tpu.vector_store %arg6[%swap3A_501, %swap3A_502, %swap3A_503], %broadcast_in_dim3A_314 {strides = array<i32>} : memref<4x128x128xf32, #tpu.memory_space<vmem>>, vector<16xf32>,
            %swap3A_505 = arith.constant 3 : i32
            %swap3A_506 = arith.index_cast %swap3A_505 : i32 to index
            %swap3A_507 = arith.index_cast %add3A_322 : i32 to index
            %swap3A_508 = arith.constant 48 : index
            %swap3A_509 = tpu.vector_load %arg6[%swap3A_506, %swap3A_507, %swap3A_508] {strides = array<i32>} : memref<4x128x128xf32, #tpu.memory_space<vmem>>, vector<16xf32>,
            tpu.vector_store %arg6[%swap3A_506, %swap3A_507, %swap3A_508], %broadcast_in_dim3A_314 {strides = array<i32>} : memref<4x128x128xf32, #tpu.memory_space<vmem>>, vector<16xf32>,
            %swap3A_510 = arith.constant 3 : i32
            %swap3A_511 = arith.index_cast %swap3A_510 : i32 to index
            %swap3A_512 = arith.index_cast %add3A_322 : i32 to index
            %swap3A_513 = arith.constant 64 : index
            %swap3A_514 = tpu.vector_load %arg6[%swap3A_511, %swap3A_512, %swap3A_513] {strides = array<i32>} : memref<4x128x128xf32, #tpu.memory_space<vmem>>, vector<16xf32>,
            tpu.vector_store %arg6[%swap3A_511, %swap3A_512, %swap3A_513], %broadcast_in_dim3A_314 {strides = array<i32>} : memref<4x128x128xf32, #tpu.memory_space<vmem>>, vector<16xf32>,
            %swap3A_515 = arith.constant 3 : i32
            %swap3A_516 = arith.index_cast %swap3A_515 : i32 to index
            %swap3A_517 = arith.index_cast %add3A_322 : i32 to index
            %swap3A_518 = arith.constant 80 : index
            %swap3A_519 = tpu.vector_load %arg6[%swap3A_516, %swap3A_517, %swap3A_518] {strides = array<i32>} : memref<4x128x128xf32, #tpu.memory_space<vmem>>, vector<16xf32>,
            tpu.vector_store %arg6[%swap3A_516, %swap3A_517, %swap3A_518], %broadcast_in_dim3A_314 {strides = array<i32>} : memref<4x128x128xf32, #tpu.memory_space<vmem>>, vector<16xf32>,
            %swap3A_520 = arith.constant 3 : i32
            %swap3A_521 = arith.index_cast %swap3A_520 : i32 to index
            %swap3A_522 = arith.index_cast %add3A_322 : i32 to index
            %swap3A_523 = arith.constant 96 : index
            %swap3A_524 = tpu.vector_load %arg6[%swap3A_521, %swap3A_522, %swap3A_523] {strides = array<i32>} : memref<4x128x128xf32, #tpu.memory_space<vmem>>, vector<16xf32>,
            tpu.vector_store %arg6[%swap3A_521, %swap3A_522, %swap3A_523], %broadcast_in_dim3A_314 {strides = array<i32>} : memref<4x128x128xf32, #tpu.memory_space<vmem>>, vector<16xf32>,
            %swap3A_525 = arith.constant 3 : i32
            %swap3A_526 = arith.index_cast %swap3A_525 : i32 to index
            %swap3A_527 = arith.index_cast %add3A_322 : i32 to index
            %swap3A_528 = arith.constant 112 : index
            %swap3A_529 = tpu.vector_load %arg6[%swap3A_526, %swap3A_527, %swap3A_528] {strides = array<i32>} : memref<4x128x128xf32, #tpu.memory_space<vmem>>, vector<16xf32>,
            tpu.vector_store %arg6[%swap3A_526, %swap3A_527, %swap3A_528], %broadcast_in_dim3A_314 {strides = array<i32>} : memref<4x128x128xf32, #tpu.memory_space<vmem>>, vector<16xf32>,
          } else {
          }
          %slice3A_326 = vector.extract_strided_slice %get3A_306 {offsets = [1], sizes = [1], strides = [1]} : vector<16xi32> to vector<1xi32>
          %squeeze3A_327 = vector.extract %slice3A_326[0] : i32 from vector<1xi32>
          %eq3A_328 = arith.constant 0 : i32
          %eq3A_329 = arith.cmpi eq, %squeeze3A_327, %eq3A_328 : i32
          %mul3A_330 = arith.constant 16 : i32
          %mul3A_331 = arith.muli %scan3A_299, %mul3A_330 : i32
          %add3A_332 = arith.constant 1 : i32
          %add3A_333 = arith.addi %mul3A_331, %add3A_332 : i32
          %convert_element_type3A_334 = arith.extui %eq3A_329 : i1 to i32
          %cond3A_335 = arith.constant 0 : i32
          %cond3A_336 = arith.cmpi ne, %convert_element_type3A_334, %cond3A_335 : i32
          scf.if %cond3A_336 {
            %swap3A = arith.constant 3 : i32
            %swap3A_491 = arith.index_cast %swap3A : i32 to index
            %swap3A_492 = arith.index_cast %add3A_333 : i32 to index
            %swap3A_493 = arith.constant 0 : index
            %swap3A_494 = tpu.vector_load %arg6[%swap3A_491, %swap3A_492, %swap3A_493] {strides = array<i32>} : memref<4x128x128xf32, #tpu.memory_space<vmem>>, vector<16xf32>,
            tpu.vector_store %arg6[%swap3A_491, %swap3A_492, %swap3A_493], %broadcast_in_dim3A_314 {strides = array<i32>} : memref<4x128x128xf32, #tpu.memory_space<vmem>>, vector<16xf32>,
            %swap3A_495 = arith.constant 3 : i32
            %swap3A_496 = arith.index_cast %swap3A_495 : i32 to index
            %swap3A_497 = arith.index_cast %add3A_333 : i32 to index
            %swap3A_498 = arith.constant 16 : index
            %swap3A_499 = tpu.vector_load %arg6[%swap3A_496, %swap3A_497, %swap3A_498] {strides = array<i32>} : memref<4x128x128xf32, #tpu.memory_space<vmem>>, vector<16xf32>,
            tpu.vector_store %arg6[%swap3A_496, %swap3A_497, %swap3A_498], %broadcast_in_dim3A_314 {strides = array<i32>} : memref<4x128x128xf32, #tpu.memory_space<vmem>>, vector<16xf32>,
            %swap3A_500 = arith.constant 3 : i32
            %swap3A_501 = arith.index_cast %swap3A_500 : i32 to index
            %swap3A_502 = arith.index_cast %add3A_333 : i32 to index
            %swap3A_503 = arith.constant 32 : index
            %swap3A_504 = tpu.vector_load %arg6[%swap3A_501, %swap3A_502, %swap3A_503] {strides = array<i32>} : memref<4x128x128xf32, #tpu.memory_space<vmem>>, vector<16xf32>,
            tpu.vector_store %arg6[%swap3A_501, %swap3A_502, %swap3A_503], %broadcast_in_dim3A_314 {strides = array<i32>} : memref<4x128x128xf32, #tpu.memory_space<vmem>>, vector<16xf32>,
            %swap3A_505 = arith.constant 3 : i32
            %swap3A_506 = arith.index_cast %swap3A_505 : i32 to index
            %swap3A_507 = arith.index_cast %add3A_333 : i32 to index
            %swap3A_508 = arith.constant 48 : index
            %swap3A_509 = tpu.vector_load %arg6[%swap3A_506, %swap3A_507, %swap3A_508] {strides = array<i32>} : memref<4x128x128xf32, #tpu.memory_space<vmem>>, vector<16xf32>,
            tpu.vector_store %arg6[%swap3A_506, %swap3A_507, %swap3A_508], %broadcast_in_dim3A_314 {strides = array<i32>} : memref<4x128x128xf32, #tpu.memory_space<vmem>>, vector<16xf32>,
            %swap3A_510 = arith.constant 3 : i32
            %swap3A_511 = arith.index_cast %swap3A_510 : i32 to index
            %swap3A_512 = arith.index_cast %add3A_333 : i32 to index
            %swap3A_513 = arith.constant 64 : index
            %swap3A_514 = tpu.vector_load %arg6[%swap3A_511, %swap3A_512, %swap3A_513] {strides = array<i32>} : memref<4x128x128xf32, #tpu.memory_space<vmem>>, vector<16xf32>,
            tpu.vector_store %arg6[%swap3A_511, %swap3A_512, %swap3A_513], %broadcast_in_dim3A_314 {strides = array<i32>} : memref<4x128x128xf32, #tpu.memory_space<vmem>>, vector<16xf32>,
            %swap3A_515 = arith.constant 3 : i32
            %swap3A_516 = arith.index_cast %swap3A_515 : i32 to index
            %swap3A_517 = arith.index_cast %add3A_333 : i32 to index
            %swap3A_518 = arith.constant 80 : index
            %swap3A_519 = tpu.vector_load %arg6[%swap3A_516, %swap3A_517, %swap3A_518] {strides = array<i32>} : memref<4x128x128xf32, #tpu.memory_space<vmem>>, vector<16xf32>,
            tpu.vector_store %arg6[%swap3A_516, %swap3A_517, %swap3A_518], %broadcast_in_dim3A_314 {strides = array<i32>} : memref<4x128x128xf32, #tpu.memory_space<vmem>>, vector<16xf32>,
            %swap3A_520 = arith.constant 3 : i32
            %swap3A_521 = arith.index_cast %swap3A_520 : i32 to index
            %swap3A_522 = arith.index_cast %add3A_333 : i32 to index
            %swap3A_523 = arith.constant 96 : index
            %swap3A_524 = tpu.vector_load %arg6[%swap3A_521, %swap3A_522, %swap3A_523] {strides = array<i32>} : memref<4x128x128xf32, #tpu.memory_space<vmem>>, vector<16xf32>,
            tpu.vector_store %arg6[%swap3A_521, %swap3A_522, %swap3A_523], %broadcast_in_dim3A_314 {strides = array<i32>} : memref<4x128x128xf32, #tpu.memory_space<vmem>>, vector<16xf32>,
            %swap3A_525 = arith.constant 3 : i32
            %swap3A_526 = arith.index_cast %swap3A_525 : i32 to index
            %swap3A_527 = arith.index_cast %add3A_333 : i32 to index
            %swap3A_528 = arith.constant 112 : index
            %swap3A_529 = tpu.vector_load %arg6[%swap3A_526, %swap3A_527, %swap3A_528] {strides = array<i32>} : memref<4x128x128xf32, #tpu.memory_space<vmem>>, vector<16xf32>,
            tpu.vector_store %arg6[%swap3A_526, %swap3A_527, %swap3A_528], %broadcast_in_dim3A_314 {strides = array<i32>} : memref<4x128x128xf32, #tpu.memory_space<vmem>>, vector<16xf32>,
          } else {
          }
          %slice3A_337 = vector.extract_strided_slice %get3A_306 {offsets = [2], sizes = [1], strides = [1]} : vector<16xi32> to vector<1xi32>
          %squeeze3A_338 = vector.extract %slice3A_337[0] : i32 from vector<1xi32>
          %eq3A_339 = arith.constant 0 : i32
          %eq3A_340 = arith.cmpi eq, %squeeze3A_338, %eq3A_339 : i32
          %mul3A_341 = arith.constant 16 : i32
          %mul3A_342 = arith.muli %scan3A_299, %mul3A_341 : i32
          %add3A_343 = arith.constant 2 : i32
          %add3A_344 = arith.addi %mul3A_342, %add3A_343 : i32
          %convert_element_type3A_345 = arith.extui %eq3A_340 : i1 to i32
          %cond3A_346 = arith.constant 0 : i32
          %cond3A_347 = arith.cmpi ne, %convert_element_type3A_345, %cond3A_346 : i32
          scf.if %cond3A_347 {
            %swap3A = arith.constant 3 : i32
            %swap3A_491 = arith.index_cast %swap3A : i32 to index
            %swap3A_492 = arith.index_cast %add3A_344 : i32 to index
            %swap3A_493 = arith.constant 0 : index
            %swap3A_494 = tpu.vector_load %arg6[%swap3A_491, %swap3A_492, %swap3A_493] {strides = array<i32>} : memref<4x128x128xf32, #tpu.memory_space<vmem>>, vector<16xf32>,
            tpu.vector_store %arg6[%swap3A_491, %swap3A_492, %swap3A_493], %broadcast_in_dim3A_314 {strides = array<i32>} : memref<4x128x128xf32, #tpu.memory_space<vmem>>, vector<16xf32>,
            %swap3A_495 = arith.constant 3 : i32
            %swap3A_496 = arith.index_cast %swap3A_495 : i32 to index
            %swap3A_497 = arith.index_cast %add3A_344 : i32 to index
            %swap3A_498 = arith.constant 16 : index
            %swap3A_499 = tpu.vector_load %arg6[%swap3A_496, %swap3A_497, %swap3A_498] {strides = array<i32>} : memref<4x128x128xf32, #tpu.memory_space<vmem>>, vector<16xf32>,
            tpu.vector_store %arg6[%swap3A_496, %swap3A_497, %swap3A_498], %broadcast_in_dim3A_314 {strides = array<i32>} : memref<4x128x128xf32, #tpu.memory_space<vmem>>, vector<16xf32>,
            %swap3A_500 = arith.constant 3 : i32
            %swap3A_501 = arith.index_cast %swap3A_500 : i32 to index
            %swap3A_502 = arith.index_cast %add3A_344 : i32 to index
            %swap3A_503 = arith.constant 32 : index
            %swap3A_504 = tpu.vector_load %arg6[%swap3A_501, %swap3A_502, %swap3A_503] {strides = array<i32>} : memref<4x128x128xf32, #tpu.memory_space<vmem>>, vector<16xf32>,
            tpu.vector_store %arg6[%swap3A_501, %swap3A_502, %swap3A_503], %broadcast_in_dim3A_314 {strides = array<i32>} : memref<4x128x128xf32, #tpu.memory_space<vmem>>, vector<16xf32>,
            %swap3A_505 = arith.constant 3 : i32
            %swap3A_506 = arith.index_cast %swap3A_505 : i32 to index
            %swap3A_507 = arith.index_cast %add3A_344 : i32 to index
            %swap3A_508 = arith.constant 48 : index
            %swap3A_509 = tpu.vector_load %arg6[%swap3A_506, %swap3A_507, %swap3A_508] {strides = array<i32>} : memref<4x128x128xf32, #tpu.memory_space<vmem>>, vector<16xf32>,
            tpu.vector_store %arg6[%swap3A_506, %swap3A_507, %swap3A_508], %broadcast_in_dim3A_314 {strides = array<i32>} : memref<4x128x128xf32, #tpu.memory_space<vmem>>, vector<16xf32>,
            %swap3A_510 = arith.constant 3 : i32
            %swap3A_511 = arith.index_cast %swap3A_510 : i32 to index
            %swap3A_512 = arith.index_cast %add3A_344 : i32 to index
            %swap3A_513 = arith.constant 64 : index
            %swap3A_514 = tpu.vector_load %arg6[%swap3A_511, %swap3A_512, %swap3A_513] {strides = array<i32>} : memref<4x128x128xf32, #tpu.memory_space<vmem>>, vector<16xf32>,
            tpu.vector_store %arg6[%swap3A_511, %swap3A_512, %swap3A_513], %broadcast_in_dim3A_314 {strides = array<i32>} : memref<4x128x128xf32, #tpu.memory_space<vmem>>, vector<16xf32>,
            %swap3A_515 = arith.constant 3 : i32
            %swap3A_516 = arith.index_cast %swap3A_515 : i32 to index
            %swap3A_517 = arith.index_cast %add3A_344 : i32 to index
            %swap3A_518 = arith.constant 80 : index
            %swap3A_519 = tpu.vector_load %arg6[%swap3A_516, %swap3A_517, %swap3A_518] {strides = array<i32>} : memref<4x128x128xf32, #tpu.memory_space<vmem>>, vector<16xf32>,
            tpu.vector_store %arg6[%swap3A_516, %swap3A_517, %swap3A_518], %broadcast_in_dim3A_314 {strides = array<i32>} : memref<4x128x128xf32, #tpu.memory_space<vmem>>, vector<16xf32>,
            %swap3A_520 = arith.constant 3 : i32
            %swap3A_521 = arith.index_cast %swap3A_520 : i32 to index
            %swap3A_522 = arith.index_cast %add3A_344 : i32 to index
            %swap3A_523 = arith.constant 96 : index
            %swap3A_524 = tpu.vector_load %arg6[%swap3A_521, %swap3A_522, %swap3A_523] {strides = array<i32>} : memref<4x128x128xf32, #tpu.memory_space<vmem>>, vector<16xf32>,
            tpu.vector_store %arg6[%swap3A_521, %swap3A_522, %swap3A_523], %broadcast_in_dim3A_314 {strides = array<i32>} : memref<4x128x128xf32, #tpu.memory_space<vmem>>, vector<16xf32>,
            %swap3A_525 = arith.constant 3 : i32
            %swap3A_526 = arith.index_cast %swap3A_525 : i32 to index
            %swap3A_527 = arith.index_cast %add3A_344 : i32 to index
            %swap3A_528 = arith.constant 112 : index
            %swap3A_529 = tpu.vector_load %arg6[%swap3A_526, %swap3A_527, %swap3A_528] {strides = array<i32>} : memref<4x128x128xf32, #tpu.memory_space<vmem>>, vector<16xf32>,
            tpu.vector_store %arg6[%swap3A_526, %swap3A_527, %swap3A_528], %broadcast_in_dim3A_314 {strides = array<i32>} : memref<4x128x128xf32, #tpu.memory_space<vmem>>, vector<16xf32>,
          } else {
          }
          %slice3A_348 = vector.extract_strided_slice %get3A_306 {offsets = [3], sizes = [1], strides = [1]} : vector<16xi32> to vector<1xi32>
          %squeeze3A_349 = vector.extract %slice3A_348[0] : i32 from vector<1xi32>
          %eq3A_350 = arith.constant 0 : i32
          %eq3A_351 = arith.cmpi eq, %squeeze3A_349, %eq3A_350 : i32
          %mul3A_352 = arith.constant 16 : i32
          %mul3A_353 = arith.muli %scan3A_299, %mul3A_352 : i32
          %add3A_354 = arith.constant 3 : i32
          %add3A_355 = arith.addi %mul3A_353, %add3A_354 : i32
          %convert_element_type3A_356 = arith.extui %eq3A_351 : i1 to i32
          %cond3A_357 = arith.constant 0 : i32
          %cond3A_358 = arith.cmpi ne, %convert_element_type3A_356, %cond3A_357 : i32
          scf.if %cond3A_358 {
            %swap3A = arith.constant 3 : i32
            %swap3A_491 = arith.index_cast %swap3A : i32 to index
            %swap3A_492 = arith.index_cast %add3A_355 : i32 to index
            %swap3A_493 = arith.constant 0 : index
            %swap3A_494 = tpu.vector_load %arg6[%swap3A_491, %swap3A_492, %swap3A_493] {strides = array<i32>} : memref<4x128x128xf32, #tpu.memory_space<vmem>>, vector<16xf32>,
            tpu.vector_store %arg6[%swap3A_491, %swap3A_492, %swap3A_493], %broadcast_in_dim3A_314 {strides = array<i32>} : memref<4x128x128xf32, #tpu.memory_space<vmem>>, vector<16xf32>,
            %swap3A_495 = arith.constant 3 : i32
            %swap3A_496 = arith.index_cast %swap3A_495 : i32 to index
            %swap3A_497 = arith.index_cast %add3A_355 : i32 to index
            %swap3A_498 = arith.constant 16 : index
            %swap3A_499 = tpu.vector_load %arg6[%swap3A_496, %swap3A_497, %swap3A_498] {strides = array<i32>} : memref<4x128x128xf32, #tpu.memory_space<vmem>>, vector<16xf32>,
            tpu.vector_store %arg6[%swap3A_496, %swap3A_497, %swap3A_498], %broadcast_in_dim3A_314 {strides = array<i32>} : memref<4x128x128xf32, #tpu.memory_space<vmem>>, vector<16xf32>,
            %swap3A_500 = arith.constant 3 : i32
            %swap3A_501 = arith.index_cast %swap3A_500 : i32 to index
            %swap3A_502 = arith.index_cast %add3A_355 : i32 to index
            %swap3A_503 = arith.constant 32 : index
            %swap3A_504 = tpu.vector_load %arg6[%swap3A_501, %swap3A_502, %swap3A_503] {strides = array<i32>} : memref<4x128x128xf32, #tpu.memory_space<vmem>>, vector<16xf32>,
            tpu.vector_store %arg6[%swap3A_501, %swap3A_502, %swap3A_503], %broadcast_in_dim3A_314 {strides = array<i32>} : memref<4x128x128xf32, #tpu.memory_space<vmem>>, vector<16xf32>,
            %swap3A_505 = arith.constant 3 : i32
            %swap3A_506 = arith.index_cast %swap3A_505 : i32 to index
            %swap3A_507 = arith.index_cast %add3A_355 : i32 to index
            %swap3A_508 = arith.constant 48 : index
            %swap3A_509 = tpu.vector_load %arg6[%swap3A_506, %swap3A_507, %swap3A_508] {strides = array<i32>} : memref<4x128x128xf32, #tpu.memory_space<vmem>>, vector<16xf32>,
            tpu.vector_store %arg6[%swap3A_506, %swap3A_507, %swap3A_508], %broadcast_in_dim3A_314 {strides = array<i32>} : memref<4x128x128xf32, #tpu.memory_space<vmem>>, vector<16xf32>,
            %swap3A_510 = arith.constant 3 : i32
            %swap3A_511 = arith.index_cast %swap3A_510 : i32 to index
            %swap3A_512 = arith.index_cast %add3A_355 : i32 to index
            %swap3A_513 = arith.constant 64 : index
            %swap3A_514 = tpu.vector_load %arg6[%swap3A_511, %swap3A_512, %swap3A_513] {strides = array<i32>} : memref<4x128x128xf32, #tpu.memory_space<vmem>>, vector<16xf32>,
            tpu.vector_store %arg6[%swap3A_511, %swap3A_512, %swap3A_513], %broadcast_in_dim3A_314 {strides = array<i32>} : memref<4x128x128xf32, #tpu.memory_space<vmem>>, vector<16xf32>,
            %swap3A_515 = arith.constant 3 : i32
            %swap3A_516 = arith.index_cast %swap3A_515 : i32 to index
            %swap3A_517 = arith.index_cast %add3A_355 : i32 to index
            %swap3A_518 = arith.constant 80 : index
            %swap3A_519 = tpu.vector_load %arg6[%swap3A_516, %swap3A_517, %swap3A_518] {strides = array<i32>} : memref<4x128x128xf32, #tpu.memory_space<vmem>>, vector<16xf32>,
            tpu.vector_store %arg6[%swap3A_516, %swap3A_517, %swap3A_518], %broadcast_in_dim3A_314 {strides = array<i32>} : memref<4x128x128xf32, #tpu.memory_space<vmem>>, vector<16xf32>,
            %swap3A_520 = arith.constant 3 : i32
            %swap3A_521 = arith.index_cast %swap3A_520 : i32 to index
            %swap3A_522 = arith.index_cast %add3A_355 : i32 to index
            %swap3A_523 = arith.constant 96 : index
            %swap3A_524 = tpu.vector_load %arg6[%swap3A_521, %swap3A_522, %swap3A_523] {strides = array<i32>} : memref<4x128x128xf32, #tpu.memory_space<vmem>>, vector<16xf32>,
            tpu.vector_store %arg6[%swap3A_521, %swap3A_522, %swap3A_523], %broadcast_in_dim3A_314 {strides = array<i32>} : memref<4x128x128xf32, #tpu.memory_space<vmem>>, vector<16xf32>,
            %swap3A_525 = arith.constant 3 : i32
            %swap3A_526 = arith.index_cast %swap3A_525 : i32 to index
            %swap3A_527 = arith.index_cast %add3A_355 : i32 to index
            %swap3A_528 = arith.constant 112 : index
            %swap3A_529 = tpu.vector_load %arg6[%swap3A_526, %swap3A_527, %swap3A_528] {strides = array<i32>} : memref<4x128x128xf32, #tpu.memory_space<vmem>>, vector<16xf32>,
            tpu.vector_store %arg6[%swap3A_526, %swap3A_527, %swap3A_528], %broadcast_in_dim3A_314 {strides = array<i32>} : memref<4x128x128xf32, #tpu.memory_space<vmem>>, vector<16xf32>,
          } else {
          }
          %slice3A_359 = vector.extract_strided_slice %get3A_306 {offsets = [4], sizes = [1], strides = [1]} : vector<16xi32> to vector<1xi32>
          %squeeze3A_360 = vector.extract %slice3A_359[0] : i32 from vector<1xi32>
          %eq3A_361 = arith.constant 0 : i32
          %eq3A_362 = arith.cmpi eq, %squeeze3A_360, %eq3A_361 : i32
          %mul3A_363 = arith.constant 16 : i32
          %mul3A_364 = arith.muli %scan3A_299, %mul3A_363 : i32
          %add3A_365 = arith.constant 4 : i32
          %add3A_366 = arith.addi %mul3A_364, %add3A_365 : i32
          %convert_element_type3A_367 = arith.extui %eq3A_362 : i1 to i32
          %cond3A_368 = arith.constant 0 : i32
          %cond3A_369 = arith.cmpi ne, %convert_element_type3A_367, %cond3A_368 : i32
          scf.if %cond3A_369 {
            %swap3A = arith.constant 3 : i32
            %swap3A_491 = arith.index_cast %swap3A : i32 to index
            %swap3A_492 = arith.index_cast %add3A_366 : i32 to index
            %swap3A_493 = arith.constant 0 : index
            %swap3A_494 = tpu.vector_load %arg6[%swap3A_491, %swap3A_492, %swap3A_493] {strides = array<i32>} : memref<4x128x128xf32, #tpu.memory_space<vmem>>, vector<16xf32>,
            tpu.vector_store %arg6[%swap3A_491, %swap3A_492, %swap3A_493], %broadcast_in_dim3A_314 {strides = array<i32>} : memref<4x128x128xf32, #tpu.memory_space<vmem>>, vector<16xf32>,
            %swap3A_495 = arith.constant 3 : i32
            %swap3A_496 = arith.index_cast %swap3A_495 : i32 to index
            %swap3A_497 = arith.index_cast %add3A_366 : i32 to index
            %swap3A_498 = arith.constant 16 : index
            %swap3A_499 = tpu.vector_load %arg6[%swap3A_496, %swap3A_497, %swap3A_498] {strides = array<i32>} : memref<4x128x128xf32, #tpu.memory_space<vmem>>, vector<16xf32>,
            tpu.vector_store %arg6[%swap3A_496, %swap3A_497, %swap3A_498], %broadcast_in_dim3A_314 {strides = array<i32>} : memref<4x128x128xf32, #tpu.memory_space<vmem>>, vector<16xf32>,
            %swap3A_500 = arith.constant 3 : i32
            %swap3A_501 = arith.index_cast %swap3A_500 : i32 to index
            %swap3A_502 = arith.index_cast %add3A_366 : i32 to index
            %swap3A_503 = arith.constant 32 : index
            %swap3A_504 = tpu.vector_load %arg6[%swap3A_501, %swap3A_502, %swap3A_503] {strides = array<i32>} : memref<4x128x128xf32, #tpu.memory_space<vmem>>, vector<16xf32>,
            tpu.vector_store %arg6[%swap3A_501, %swap3A_502, %swap3A_503], %broadcast_in_dim3A_314 {strides = array<i32>} : memref<4x128x128xf32, #tpu.memory_space<vmem>>, vector<16xf32>,
            %swap3A_505 = arith.constant 3 : i32
            %swap3A_506 = arith.index_cast %swap3A_505 : i32 to index
            %swap3A_507 = arith.index_cast %add3A_366 : i32 to index
            %swap3A_508 = arith.constant 48 : index
            %swap3A_509 = tpu.vector_load %arg6[%swap3A_506, %swap3A_507, %swap3A_508] {strides = array<i32>} : memref<4x128x128xf32, #tpu.memory_space<vmem>>, vector<16xf32>,
            tpu.vector_store %arg6[%swap3A_506, %swap3A_507, %swap3A_508], %broadcast_in_dim3A_314 {strides = array<i32>} : memref<4x128x128xf32, #tpu.memory_space<vmem>>, vector<16xf32>,
            %swap3A_510 = arith.constant 3 : i32
            %swap3A_511 = arith.index_cast %swap3A_510 : i32 to index
            %swap3A_512 = arith.index_cast %add3A_366 : i32 to index
            %swap3A_513 = arith.constant 64 : index
            %swap3A_514 = tpu.vector_load %arg6[%swap3A_511, %swap3A_512, %swap3A_513] {strides = array<i32>} : memref<4x128x128xf32, #tpu.memory_space<vmem>>, vector<16xf32>,
            tpu.vector_store %arg6[%swap3A_511, %swap3A_512, %swap3A_513], %broadcast_in_dim3A_314 {strides = array<i32>} : memref<4x128x128xf32, #tpu.memory_space<vmem>>, vector<16xf32>,
            %swap3A_515 = arith.constant 3 : i32
            %swap3A_516 = arith.index_cast %swap3A_515 : i32 to index
            %swap3A_517 = arith.index_cast %add3A_366 : i32 to index
            %swap3A_518 = arith.constant 80 : index
            %swap3A_519 = tpu.vector_load %arg6[%swap3A_516, %swap3A_517, %swap3A_518] {strides = array<i32>} : memref<4x128x128xf32, #tpu.memory_space<vmem>>, vector<16xf32>,
            tpu.vector_store %arg6[%swap3A_516, %swap3A_517, %swap3A_518], %broadcast_in_dim3A_314 {strides = array<i32>} : memref<4x128x128xf32, #tpu.memory_space<vmem>>, vector<16xf32>,
            %swap3A_520 = arith.constant 3 : i32
            %swap3A_521 = arith.index_cast %swap3A_520 : i32 to index
            %swap3A_522 = arith.index_cast %add3A_366 : i32 to index
            %swap3A_523 = arith.constant 96 : index
            %swap3A_524 = tpu.vector_load %arg6[%swap3A_521, %swap3A_522, %swap3A_523] {strides = array<i32>} : memref<4x128x128xf32, #tpu.memory_space<vmem>>, vector<16xf32>,
            tpu.vector_store %arg6[%swap3A_521, %swap3A_522, %swap3A_523], %broadcast_in_dim3A_314 {strides = array<i32>} : memref<4x128x128xf32, #tpu.memory_space<vmem>>, vector<16xf32>,
            %swap3A_525 = arith.constant 3 : i32
            %swap3A_526 = arith.index_cast %swap3A_525 : i32 to index
            %swap3A_527 = arith.index_cast %add3A_366 : i32 to index
            %swap3A_528 = arith.constant 112 : index
            %swap3A_529 = tpu.vector_load %arg6[%swap3A_526, %swap3A_527, %swap3A_528] {strides = array<i32>} : memref<4x128x128xf32, #tpu.memory_space<vmem>>, vector<16xf32>,
            tpu.vector_store %arg6[%swap3A_526, %swap3A_527, %swap3A_528], %broadcast_in_dim3A_314 {strides = array<i32>} : memref<4x128x128xf32, #tpu.memory_space<vmem>>, vector<16xf32>,
          } else {
          }
          %slice3A_370 = vector.extract_strided_slice %get3A_306 {offsets = [5], sizes = [1], strides = [1]} : vector<16xi32> to vector<1xi32>
          %squeeze3A_371 = vector.extract %slice3A_370[0] : i32 from vector<1xi32>
          %eq3A_372 = arith.constant 0 : i32
          %eq3A_373 = arith.cmpi eq, %squeeze3A_371, %eq3A_372 : i32
          %mul3A_374 = arith.constant 16 : i32
          %mul3A_375 = arith.muli %scan3A_299, %mul3A_374 : i32
          %add3A_376 = arith.constant 5 : i32
          %add3A_377 = arith.addi %mul3A_375, %add3A_376 : i32
          %convert_element_type3A_378 = arith.extui %eq3A_373 : i1 to i32
          %cond3A_379 = arith.constant 0 : i32
          %cond3A_380 = arith.cmpi ne, %convert_element_type3A_378, %cond3A_379 : i32
          scf.if %cond3A_380 {
            %swap3A = arith.constant 3 : i32
            %swap3A_491 = arith.index_cast %swap3A : i32 to index
            %swap3A_492 = arith.index_cast %add3A_377 : i32 to index
            %swap3A_493 = arith.constant 0 : index
            %swap3A_494 = tpu.vector_load %arg6[%swap3A_491, %swap3A_492, %swap3A_493] {strides = array<i32>} : memref<4x128x128xf32, #tpu.memory_space<vmem>>, vector<16xf32>,
            tpu.vector_store %arg6[%swap3A_491, %swap3A_492, %swap3A_493], %broadcast_in_dim3A_314 {strides = array<i32>} : memref<4x128x128xf32, #tpu.memory_space<vmem>>, vector<16xf32>,
            %swap3A_495 = arith.constant 3 : i32
            %swap3A_496 = arith.index_cast %swap3A_495 : i32 to index
            %swap3A_497 = arith.index_cast %add3A_377 : i32 to index
            %swap3A_498 = arith.constant 16 : index
            %swap3A_499 = tpu.vector_load %arg6[%swap3A_496, %swap3A_497, %swap3A_498] {strides = array<i32>} : memref<4x128x128xf32, #tpu.memory_space<vmem>>, vector<16xf32>,
            tpu.vector_store %arg6[%swap3A_496, %swap3A_497, %swap3A_498], %broadcast_in_dim3A_314 {strides = array<i32>} : memref<4x128x128xf32, #tpu.memory_space<vmem>>, vector<16xf32>,
            %swap3A_500 = arith.constant 3 : i32
            %swap3A_501 = arith.index_cast %swap3A_500 : i32 to index
            %swap3A_502 = arith.index_cast %add3A_377 : i32 to index
            %swap3A_503 = arith.constant 32 : index
            %swap3A_504 = tpu.vector_load %arg6[%swap3A_501, %swap3A_502, %swap3A_503] {strides = array<i32>} : memref<4x128x128xf32, #tpu.memory_space<vmem>>, vector<16xf32>,
            tpu.vector_store %arg6[%swap3A_501, %swap3A_502, %swap3A_503], %broadcast_in_dim3A_314 {strides = array<i32>} : memref<4x128x128xf32, #tpu.memory_space<vmem>>, vector<16xf32>,
            %swap3A_505 = arith.constant 3 : i32
            %swap3A_506 = arith.index_cast %swap3A_505 : i32 to index
            %swap3A_507 = arith.index_cast %add3A_377 : i32 to index
            %swap3A_508 = arith.constant 48 : index
            %swap3A_509 = tpu.vector_load %arg6[%swap3A_506, %swap3A_507, %swap3A_508] {strides = array<i32>} : memref<4x128x128xf32, #tpu.memory_space<vmem>>, vector<16xf32>,
            tpu.vector_store %arg6[%swap3A_506, %swap3A_507, %swap3A_508], %broadcast_in_dim3A_314 {strides = array<i32>} : memref<4x128x128xf32, #tpu.memory_space<vmem>>, vector<16xf32>,
            %swap3A_510 = arith.constant 3 : i32
            %swap3A_511 = arith.index_cast %swap3A_510 : i32 to index
            %swap3A_512 = arith.index_cast %add3A_377 : i32 to index
            %swap3A_513 = arith.constant 64 : index
            %swap3A_514 = tpu.vector_load %arg6[%swap3A_511, %swap3A_512, %swap3A_513] {strides = array<i32>} : memref<4x128x128xf32, #tpu.memory_space<vmem>>, vector<16xf32>,
            tpu.vector_store %arg6[%swap3A_511, %swap3A_512, %swap3A_513], %broadcast_in_dim3A_314 {strides = array<i32>} : memref<4x128x128xf32, #tpu.memory_space<vmem>>, vector<16xf32>,
            %swap3A_515 = arith.constant 3 : i32
            %swap3A_516 = arith.index_cast %swap3A_515 : i32 to index
            %swap3A_517 = arith.index_cast %add3A_377 : i32 to index
            %swap3A_518 = arith.constant 80 : index
            %swap3A_519 = tpu.vector_load %arg6[%swap3A_516, %swap3A_517, %swap3A_518] {strides = array<i32>} : memref<4x128x128xf32, #tpu.memory_space<vmem>>, vector<16xf32>,
            tpu.vector_store %arg6[%swap3A_516, %swap3A_517, %swap3A_518], %broadcast_in_dim3A_314 {strides = array<i32>} : memref<4x128x128xf32, #tpu.memory_space<vmem>>, vector<16xf32>,
            %swap3A_520 = arith.constant 3 : i32
            %swap3A_521 = arith.index_cast %swap3A_520 : i32 to index
            %swap3A_522 = arith.index_cast %add3A_377 : i32 to index
            %swap3A_523 = arith.constant 96 : index
            %swap3A_524 = tpu.vector_load %arg6[%swap3A_521, %swap3A_522, %swap3A_523] {strides = array<i32>} : memref<4x128x128xf32, #tpu.memory_space<vmem>>, vector<16xf32>,
            tpu.vector_store %arg6[%swap3A_521, %swap3A_522, %swap3A_523], %broadcast_in_dim3A_314 {strides = array<i32>} : memref<4x128x128xf32, #tpu.memory_space<vmem>>, vector<16xf32>,
            %swap3A_525 = arith.constant 3 : i32
            %swap3A_526 = arith.index_cast %swap3A_525 : i32 to index
            %swap3A_527 = arith.index_cast %add3A_377 : i32 to index
            %swap3A_528 = arith.constant 112 : index
            %swap3A_529 = tpu.vector_load %arg6[%swap3A_526, %swap3A_527, %swap3A_528] {strides = array<i32>} : memref<4x128x128xf32, #tpu.memory_space<vmem>>, vector<16xf32>,
            tpu.vector_store %arg6[%swap3A_526, %swap3A_527, %swap3A_528], %broadcast_in_dim3A_314 {strides = array<i32>} : memref<4x128x128xf32, #tpu.memory_space<vmem>>, vector<16xf32>,
          } else {
          }
          %slice3A_381 = vector.extract_strided_slice %get3A_306 {offsets = [6], sizes = [1], strides = [1]} : vector<16xi32> to vector<1xi32>
          %squeeze3A_382 = vector.extract %slice3A_381[0] : i32 from vector<1xi32>
          %eq3A_383 = arith.constant 0 : i32
          %eq3A_384 = arith.cmpi eq, %squeeze3A_382, %eq3A_383 : i32
          %mul3A_385 = arith.constant 16 : i32
          %mul3A_386 = arith.muli %scan3A_299, %mul3A_385 : i32
          %add3A_387 = arith.constant 6 : i32
          %add3A_388 = arith.addi %mul3A_386, %add3A_387 : i32
          %convert_element_type3A_389 = arith.extui %eq3A_384 : i1 to i32
          %cond3A_390 = arith.constant 0 : i32
          %cond3A_391 = arith.cmpi ne, %convert_element_type3A_389, %cond3A_390 : i32
          scf.if %cond3A_391 {
            %swap3A = arith.constant 3 : i32
            %swap3A_491 = arith.index_cast %swap3A : i32 to index
            %swap3A_492 = arith.index_cast %add3A_388 : i32 to index
            %swap3A_493 = arith.constant 0 : index
            %swap3A_494 = tpu.vector_load %arg6[%swap3A_491, %swap3A_492, %swap3A_493] {strides = array<i32>} : memref<4x128x128xf32, #tpu.memory_space<vmem>>, vector<16xf32>,
            tpu.vector_store %arg6[%swap3A_491, %swap3A_492, %swap3A_493], %broadcast_in_dim3A_314 {strides = array<i32>} : memref<4x128x128xf32, #tpu.memory_space<vmem>>, vector<16xf32>,
            %swap3A_495 = arith.constant 3 : i32
            %swap3A_496 = arith.index_cast %swap3A_495 : i32 to index
            %swap3A_497 = arith.index_cast %add3A_388 : i32 to index
            %swap3A_498 = arith.constant 16 : index
            %swap3A_499 = tpu.vector_load %arg6[%swap3A_496, %swap3A_497, %swap3A_498] {strides = array<i32>} : memref<4x128x128xf32, #tpu.memory_space<vmem>>, vector<16xf32>,
            tpu.vector_store %arg6[%swap3A_496, %swap3A_497, %swap3A_498], %broadcast_in_dim3A_314 {strides = array<i32>} : memref<4x128x128xf32, #tpu.memory_space<vmem>>, vector<16xf32>,
            %swap3A_500 = arith.constant 3 : i32
            %swap3A_501 = arith.index_cast %swap3A_500 : i32 to index
            %swap3A_502 = arith.index_cast %add3A_388 : i32 to index
            %swap3A_503 = arith.constant 32 : index
            %swap3A_504 = tpu.vector_load %arg6[%swap3A_501, %swap3A_502, %swap3A_503] {strides = array<i32>} : memref<4x128x128xf32, #tpu.memory_space<vmem>>, vector<16xf32>,
            tpu.vector_store %arg6[%swap3A_501, %swap3A_502, %swap3A_503], %broadcast_in_dim3A_314 {strides = array<i32>} : memref<4x128x128xf32, #tpu.memory_space<vmem>>, vector<16xf32>,
            %swap3A_505 = arith.constant 3 : i32
            %swap3A_506 = arith.index_cast %swap3A_505 : i32 to index
            %swap3A_507 = arith.index_cast %add3A_388 : i32 to index
            %swap3A_508 = arith.constant 48 : index
            %swap3A_509 = tpu.vector_load %arg6[%swap3A_506, %swap3A_507, %swap3A_508] {strides = array<i32>} : memref<4x128x128xf32, #tpu.memory_space<vmem>>, vector<16xf32>,
            tpu.vector_store %arg6[%swap3A_506, %swap3A_507, %swap3A_508], %broadcast_in_dim3A_314 {strides = array<i32>} : memref<4x128x128xf32, #tpu.memory_space<vmem>>, vector<16xf32>,
            %swap3A_510 = arith.constant 3 : i32
            %swap3A_511 = arith.index_cast %swap3A_510 : i32 to index
            %swap3A_512 = arith.index_cast %add3A_388 : i32 to index
            %swap3A_513 = arith.constant 64 : index
            %swap3A_514 = tpu.vector_load %arg6[%swap3A_511, %swap3A_512, %swap3A_513] {strides = array<i32>} : memref<4x128x128xf32, #tpu.memory_space<vmem>>, vector<16xf32>,
            tpu.vector_store %arg6[%swap3A_511, %swap3A_512, %swap3A_513], %broadcast_in_dim3A_314 {strides = array<i32>} : memref<4x128x128xf32, #tpu.memory_space<vmem>>, vector<16xf32>,
            %swap3A_515 = arith.constant 3 : i32
            %swap3A_516 = arith.index_cast %swap3A_515 : i32 to index
            %swap3A_517 = arith.index_cast %add3A_388 : i32 to index
            %swap3A_518 = arith.constant 80 : index
            %swap3A_519 = tpu.vector_load %arg6[%swap3A_516, %swap3A_517, %swap3A_518] {strides = array<i32>} : memref<4x128x128xf32, #tpu.memory_space<vmem>>, vector<16xf32>,
            tpu.vector_store %arg6[%swap3A_516, %swap3A_517, %swap3A_518], %broadcast_in_dim3A_314 {strides = array<i32>} : memref<4x128x128xf32, #tpu.memory_space<vmem>>, vector<16xf32>,
            %swap3A_520 = arith.constant 3 : i32
            %swap3A_521 = arith.index_cast %swap3A_520 : i32 to index
            %swap3A_522 = arith.index_cast %add3A_388 : i32 to index
            %swap3A_523 = arith.constant 96 : index
            %swap3A_524 = tpu.vector_load %arg6[%swap3A_521, %swap3A_522, %swap3A_523] {strides = array<i32>} : memref<4x128x128xf32, #tpu.memory_space<vmem>>, vector<16xf32>,
            tpu.vector_store %arg6[%swap3A_521, %swap3A_522, %swap3A_523], %broadcast_in_dim3A_314 {strides = array<i32>} : memref<4x128x128xf32, #tpu.memory_space<vmem>>, vector<16xf32>,
            %swap3A_525 = arith.constant 3 : i32
            %swap3A_526 = arith.index_cast %swap3A_525 : i32 to index
            %swap3A_527 = arith.index_cast %add3A_388 : i32 to index
            %swap3A_528 = arith.constant 112 : index
            %swap3A_529 = tpu.vector_load %arg6[%swap3A_526, %swap3A_527, %swap3A_528] {strides = array<i32>} : memref<4x128x128xf32, #tpu.memory_space<vmem>>, vector<16xf32>,
            tpu.vector_store %arg6[%swap3A_526, %swap3A_527, %swap3A_528], %broadcast_in_dim3A_314 {strides = array<i32>} : memref<4x128x128xf32, #tpu.memory_space<vmem>>, vector<16xf32>,
          } else {
          }
          %slice3A_392 = vector.extract_strided_slice %get3A_306 {offsets = [7], sizes = [1], strides = [1]} : vector<16xi32> to vector<1xi32>
          %squeeze3A_393 = vector.extract %slice3A_392[0] : i32 from vector<1xi32>
          %eq3A_394 = arith.constant 0 : i32
          %eq3A_395 = arith.cmpi eq, %squeeze3A_393, %eq3A_394 : i32
          %mul3A_396 = arith.constant 16 : i32
          %mul3A_397 = arith.muli %scan3A_299, %mul3A_396 : i32
          %add3A_398 = arith.constant 7 : i32
          %add3A_399 = arith.addi %mul3A_397, %add3A_398 : i32
          %convert_element_type3A_400 = arith.extui %eq3A_395 : i1 to i32
          %cond3A_401 = arith.constant 0 : i32
          %cond3A_402 = arith.cmpi ne, %convert_element_type3A_400, %cond3A_401 : i32
          scf.if %cond3A_402 {
            %swap3A = arith.constant 3 : i32
            %swap3A_491 = arith.index_cast %swap3A : i32 to index
            %swap3A_492 = arith.index_cast %add3A_399 : i32 to index
            %swap3A_493 = arith.constant 0 : index
            %swap3A_494 = tpu.vector_load %arg6[%swap3A_491, %swap3A_492, %swap3A_493] {strides = array<i32>} : memref<4x128x128xf32, #tpu.memory_space<vmem>>, vector<16xf32>,
            tpu.vector_store %arg6[%swap3A_491, %swap3A_492, %swap3A_493], %broadcast_in_dim3A_314 {strides = array<i32>} : memref<4x128x128xf32, #tpu.memory_space<vmem>>, vector<16xf32>,
            %swap3A_495 = arith.constant 3 : i32
            %swap3A_496 = arith.index_cast %swap3A_495 : i32 to index
            %swap3A_497 = arith.index_cast %add3A_399 : i32 to index
            %swap3A_498 = arith.constant 16 : index
            %swap3A_499 = tpu.vector_load %arg6[%swap3A_496, %swap3A_497, %swap3A_498] {strides = array<i32>} : memref<4x128x128xf32, #tpu.memory_space<vmem>>, vector<16xf32>,
            tpu.vector_store %arg6[%swap3A_496, %swap3A_497, %swap3A_498], %broadcast_in_dim3A_314 {strides = array<i32>} : memref<4x128x128xf32, #tpu.memory_space<vmem>>, vector<16xf32>,
            %swap3A_500 = arith.constant 3 : i32
            %swap3A_501 = arith.index_cast %swap3A_500 : i32 to index
            %swap3A_502 = arith.index_cast %add3A_399 : i32 to index
            %swap3A_503 = arith.constant 32 : index
            %swap3A_504 = tpu.vector_load %arg6[%swap3A_501, %swap3A_502, %swap3A_503] {strides = array<i32>} : memref<4x128x128xf32, #tpu.memory_space<vmem>>, vector<16xf32>,
            tpu.vector_store %arg6[%swap3A_501, %swap3A_502, %swap3A_503], %broadcast_in_dim3A_314 {strides = array<i32>} : memref<4x128x128xf32, #tpu.memory_space<vmem>>, vector<16xf32>,
            %swap3A_505 = arith.constant 3 : i32
            %swap3A_506 = arith.index_cast %swap3A_505 : i32 to index
            %swap3A_507 = arith.index_cast %add3A_399 : i32 to index
            %swap3A_508 = arith.constant 48 : index
            %swap3A_509 = tpu.vector_load %arg6[%swap3A_506, %swap3A_507, %swap3A_508] {strides = array<i32>} : memref<4x128x128xf32, #tpu.memory_space<vmem>>, vector<16xf32>,
            tpu.vector_store %arg6[%swap3A_506, %swap3A_507, %swap3A_508], %broadcast_in_dim3A_314 {strides = array<i32>} : memref<4x128x128xf32, #tpu.memory_space<vmem>>, vector<16xf32>,
            %swap3A_510 = arith.constant 3 : i32
            %swap3A_511 = arith.index_cast %swap3A_510 : i32 to index
            %swap3A_512 = arith.index_cast %add3A_399 : i32 to index
            %swap3A_513 = arith.constant 64 : index
            %swap3A_514 = tpu.vector_load %arg6[%swap3A_511, %swap3A_512, %swap3A_513] {strides = array<i32>} : memref<4x128x128xf32, #tpu.memory_space<vmem>>, vector<16xf32>,
            tpu.vector_store %arg6[%swap3A_511, %swap3A_512, %swap3A_513], %broadcast_in_dim3A_314 {strides = array<i32>} : memref<4x128x128xf32, #tpu.memory_space<vmem>>, vector<16xf32>,
            %swap3A_515 = arith.constant 3 : i32
            %swap3A_516 = arith.index_cast %swap3A_515 : i32 to index
            %swap3A_517 = arith.index_cast %add3A_399 : i32 to index
            %swap3A_518 = arith.constant 80 : index
            %swap3A_519 = tpu.vector_load %arg6[%swap3A_516, %swap3A_517, %swap3A_518] {strides = array<i32>} : memref<4x128x128xf32, #tpu.memory_space<vmem>>, vector<16xf32>,
            tpu.vector_store %arg6[%swap3A_516, %swap3A_517, %swap3A_518], %broadcast_in_dim3A_314 {strides = array<i32>} : memref<4x128x128xf32, #tpu.memory_space<vmem>>, vector<16xf32>,
            %swap3A_520 = arith.constant 3 : i32
            %swap3A_521 = arith.index_cast %swap3A_520 : i32 to index
            %swap3A_522 = arith.index_cast %add3A_399 : i32 to index
            %swap3A_523 = arith.constant 96 : index
            %swap3A_524 = tpu.vector_load %arg6[%swap3A_521, %swap3A_522, %swap3A_523] {strides = array<i32>} : memref<4x128x128xf32, #tpu.memory_space<vmem>>, vector<16xf32>,
            tpu.vector_store %arg6[%swap3A_521, %swap3A_522, %swap3A_523], %broadcast_in_dim3A_314 {strides = array<i32>} : memref<4x128x128xf32, #tpu.memory_space<vmem>>, vector<16xf32>,
            %swap3A_525 = arith.constant 3 : i32
            %swap3A_526 = arith.index_cast %swap3A_525 : i32 to index
            %swap3A_527 = arith.index_cast %add3A_399 : i32 to index
            %swap3A_528 = arith.constant 112 : index
            %swap3A_529 = tpu.vector_load %arg6[%swap3A_526, %swap3A_527, %swap3A_528] {strides = array<i32>} : memref<4x128x128xf32, #tpu.memory_space<vmem>>, vector<16xf32>,
            tpu.vector_store %arg6[%swap3A_526, %swap3A_527, %swap3A_528], %broadcast_in_dim3A_314 {strides = array<i32>} : memref<4x128x128xf32, #tpu.memory_space<vmem>>, vector<16xf32>,
          } else {
          }
          %slice3A_403 = vector.extract_strided_slice %get3A_306 {offsets = [8], sizes = [1], strides = [1]} : vector<16xi32> to vector<1xi32>
          %squeeze3A_404 = vector.extract %slice3A_403[0] : i32 from vector<1xi32>
          %eq3A_405 = arith.constant 0 : i32
          %eq3A_406 = arith.cmpi eq, %squeeze3A_404, %eq3A_405 : i32
          %mul3A_407 = arith.constant 16 : i32
          %mul3A_408 = arith.muli %scan3A_299, %mul3A_407 : i32
          %add3A_409 = arith.constant 8 : i32
          %add3A_410 = arith.addi %mul3A_408, %add3A_409 : i32
          %convert_element_type3A_411 = arith.extui %eq3A_406 : i1 to i32
          %cond3A_412 = arith.constant 0 : i32
          %cond3A_413 = arith.cmpi ne, %convert_element_type3A_411, %cond3A_412 : i32
          scf.if %cond3A_413 {
            %swap3A = arith.constant 3 : i32
            %swap3A_491 = arith.index_cast %swap3A : i32 to index
            %swap3A_492 = arith.index_cast %add3A_410 : i32 to index
            %swap3A_493 = arith.constant 0 : index
            %swap3A_494 = tpu.vector_load %arg6[%swap3A_491, %swap3A_492, %swap3A_493] {strides = array<i32>} : memref<4x128x128xf32, #tpu.memory_space<vmem>>, vector<16xf32>,
            tpu.vector_store %arg6[%swap3A_491, %swap3A_492, %swap3A_493], %broadcast_in_dim3A_314 {strides = array<i32>} : memref<4x128x128xf32, #tpu.memory_space<vmem>>, vector<16xf32>,
            %swap3A_495 = arith.constant 3 : i32
            %swap3A_496 = arith.index_cast %swap3A_495 : i32 to index
            %swap3A_497 = arith.index_cast %add3A_410 : i32 to index
            %swap3A_498 = arith.constant 16 : index
            %swap3A_499 = tpu.vector_load %arg6[%swap3A_496, %swap3A_497, %swap3A_498] {strides = array<i32>} : memref<4x128x128xf32, #tpu.memory_space<vmem>>, vector<16xf32>,
            tpu.vector_store %arg6[%swap3A_496, %swap3A_497, %swap3A_498], %broadcast_in_dim3A_314 {strides = array<i32>} : memref<4x128x128xf32, #tpu.memory_space<vmem>>, vector<16xf32>,
            %swap3A_500 = arith.constant 3 : i32
            %swap3A_501 = arith.index_cast %swap3A_500 : i32 to index
            %swap3A_502 = arith.index_cast %add3A_410 : i32 to index
            %swap3A_503 = arith.constant 32 : index
            %swap3A_504 = tpu.vector_load %arg6[%swap3A_501, %swap3A_502, %swap3A_503] {strides = array<i32>} : memref<4x128x128xf32, #tpu.memory_space<vmem>>, vector<16xf32>,
            tpu.vector_store %arg6[%swap3A_501, %swap3A_502, %swap3A_503], %broadcast_in_dim3A_314 {strides = array<i32>} : memref<4x128x128xf32, #tpu.memory_space<vmem>>, vector<16xf32>,
            %swap3A_505 = arith.constant 3 : i32
            %swap3A_506 = arith.index_cast %swap3A_505 : i32 to index
            %swap3A_507 = arith.index_cast %add3A_410 : i32 to index
            %swap3A_508 = arith.constant 48 : index
            %swap3A_509 = tpu.vector_load %arg6[%swap3A_506, %swap3A_507, %swap3A_508] {strides = array<i32>} : memref<4x128x128xf32, #tpu.memory_space<vmem>>, vector<16xf32>,
            tpu.vector_store %arg6[%swap3A_506, %swap3A_507, %swap3A_508], %broadcast_in_dim3A_314 {strides = array<i32>} : memref<4x128x128xf32, #tpu.memory_space<vmem>>, vector<16xf32>,
            %swap3A_510 = arith.constant 3 : i32
            %swap3A_511 = arith.index_cast %swap3A_510 : i32 to index
            %swap3A_512 = arith.index_cast %add3A_410 : i32 to index
            %swap3A_513 = arith.constant 64 : index
            %swap3A_514 = tpu.vector_load %arg6[%swap3A_511, %swap3A_512, %swap3A_513] {strides = array<i32>} : memref<4x128x128xf32, #tpu.memory_space<vmem>>, vector<16xf32>,
            tpu.vector_store %arg6[%swap3A_511, %swap3A_512, %swap3A_513], %broadcast_in_dim3A_314 {strides = array<i32>} : memref<4x128x128xf32, #tpu.memory_space<vmem>>, vector<16xf32>,
            %swap3A_515 = arith.constant 3 : i32
            %swap3A_516 = arith.index_cast %swap3A_515 : i32 to index
            %swap3A_517 = arith.index_cast %add3A_410 : i32 to index
            %swap3A_518 = arith.constant 80 : index
            %swap3A_519 = tpu.vector_load %arg6[%swap3A_516, %swap3A_517, %swap3A_518] {strides = array<i32>} : memref<4x128x128xf32, #tpu.memory_space<vmem>>, vector<16xf32>,
            tpu.vector_store %arg6[%swap3A_516, %swap3A_517, %swap3A_518], %broadcast_in_dim3A_314 {strides = array<i32>} : memref<4x128x128xf32, #tpu.memory_space<vmem>>, vector<16xf32>,
            %swap3A_520 = arith.constant 3 : i32
            %swap3A_521 = arith.index_cast %swap3A_520 : i32 to index
            %swap3A_522 = arith.index_cast %add3A_410 : i32 to index
            %swap3A_523 = arith.constant 96 : index
            %swap3A_524 = tpu.vector_load %arg6[%swap3A_521, %swap3A_522, %swap3A_523] {strides = array<i32>} : memref<4x128x128xf32, #tpu.memory_space<vmem>>, vector<16xf32>,
            tpu.vector_store %arg6[%swap3A_521, %swap3A_522, %swap3A_523], %broadcast_in_dim3A_314 {strides = array<i32>} : memref<4x128x128xf32, #tpu.memory_space<vmem>>, vector<16xf32>,
            %swap3A_525 = arith.constant 3 : i32
            %swap3A_526 = arith.index_cast %swap3A_525 : i32 to index
            %swap3A_527 = arith.index_cast %add3A_410 : i32 to index
            %swap3A_528 = arith.constant 112 : index
            %swap3A_529 = tpu.vector_load %arg6[%swap3A_526, %swap3A_527, %swap3A_528] {strides = array<i32>} : memref<4x128x128xf32, #tpu.memory_space<vmem>>, vector<16xf32>,
            tpu.vector_store %arg6[%swap3A_526, %swap3A_527, %swap3A_528], %broadcast_in_dim3A_314 {strides = array<i32>} : memref<4x128x128xf32, #tpu.memory_space<vmem>>, vector<16xf32>,
          } else {
          }
          %slice3A_414 = vector.extract_strided_slice %get3A_306 {offsets = [9], sizes = [1], strides = [1]} : vector<16xi32> to vector<1xi32>
          %squeeze3A_415 = vector.extract %slice3A_414[0] : i32 from vector<1xi32>
          %eq3A_416 = arith.constant 0 : i32
          %eq3A_417 = arith.cmpi eq, %squeeze3A_415, %eq3A_416 : i32
          %mul3A_418 = arith.constant 16 : i32
          %mul3A_419 = arith.muli %scan3A_299, %mul3A_418 : i32
          %add3A_420 = arith.constant 9 : i32
          %add3A_421 = arith.addi %mul3A_419, %add3A_420 : i32
          %convert_element_type3A_422 = arith.extui %eq3A_417 : i1 to i32
          %cond3A_423 = arith.constant 0 : i32
          %cond3A_424 = arith.cmpi ne, %convert_element_type3A_422, %cond3A_423 : i32
          scf.if %cond3A_424 {
            %swap3A = arith.constant 3 : i32
            %swap3A_491 = arith.index_cast %swap3A : i32 to index
            %swap3A_492 = arith.index_cast %add3A_421 : i32 to index
            %swap3A_493 = arith.constant 0 : index
            %swap3A_494 = tpu.vector_load %arg6[%swap3A_491, %swap3A_492, %swap3A_493] {strides = array<i32>} : memref<4x128x128xf32, #tpu.memory_space<vmem>>, vector<16xf32>,
            tpu.vector_store %arg6[%swap3A_491, %swap3A_492, %swap3A_493], %broadcast_in_dim3A_314 {strides = array<i32>} : memref<4x128x128xf32, #tpu.memory_space<vmem>>, vector<16xf32>,
            %swap3A_495 = arith.constant 3 : i32
            %swap3A_496 = arith.index_cast %swap3A_495 : i32 to index
            %swap3A_497 = arith.index_cast %add3A_421 : i32 to index
            %swap3A_498 = arith.constant 16 : index
            %swap3A_499 = tpu.vector_load %arg6[%swap3A_496, %swap3A_497, %swap3A_498] {strides = array<i32>} : memref<4x128x128xf32, #tpu.memory_space<vmem>>, vector<16xf32>,
            tpu.vector_store %arg6[%swap3A_496, %swap3A_497, %swap3A_498], %broadcast_in_dim3A_314 {strides = array<i32>} : memref<4x128x128xf32, #tpu.memory_space<vmem>>, vector<16xf32>,
            %swap3A_500 = arith.constant 3 : i32
            %swap3A_501 = arith.index_cast %swap3A_500 : i32 to index
            %swap3A_502 = arith.index_cast %add3A_421 : i32 to index
            %swap3A_503 = arith.constant 32 : index
            %swap3A_504 = tpu.vector_load %arg6[%swap3A_501, %swap3A_502, %swap3A_503] {strides = array<i32>} : memref<4x128x128xf32, #tpu.memory_space<vmem>>, vector<16xf32>,
            tpu.vector_store %arg6[%swap3A_501, %swap3A_502, %swap3A_503], %broadcast_in_dim3A_314 {strides = array<i32>} : memref<4x128x128xf32, #tpu.memory_space<vmem>>, vector<16xf32>,
            %swap3A_505 = arith.constant 3 : i32
            %swap3A_506 = arith.index_cast %swap3A_505 : i32 to index
            %swap3A_507 = arith.index_cast %add3A_421 : i32 to index
            %swap3A_508 = arith.constant 48 : index
            %swap3A_509 = tpu.vector_load %arg6[%swap3A_506, %swap3A_507, %swap3A_508] {strides = array<i32>} : memref<4x128x128xf32, #tpu.memory_space<vmem>>, vector<16xf32>,
            tpu.vector_store %arg6[%swap3A_506, %swap3A_507, %swap3A_508], %broadcast_in_dim3A_314 {strides = array<i32>} : memref<4x128x128xf32, #tpu.memory_space<vmem>>, vector<16xf32>,
            %swap3A_510 = arith.constant 3 : i32
            %swap3A_511 = arith.index_cast %swap3A_510 : i32 to index
            %swap3A_512 = arith.index_cast %add3A_421 : i32 to index
            %swap3A_513 = arith.constant 64 : index
            %swap3A_514 = tpu.vector_load %arg6[%swap3A_511, %swap3A_512, %swap3A_513] {strides = array<i32>} : memref<4x128x128xf32, #tpu.memory_space<vmem>>, vector<16xf32>,
            tpu.vector_store %arg6[%swap3A_511, %swap3A_512, %swap3A_513], %broadcast_in_dim3A_314 {strides = array<i32>} : memref<4x128x128xf32, #tpu.memory_space<vmem>>, vector<16xf32>,
            %swap3A_515 = arith.constant 3 : i32
            %swap3A_516 = arith.index_cast %swap3A_515 : i32 to index
            %swap3A_517 = arith.index_cast %add3A_421 : i32 to index
            %swap3A_518 = arith.constant 80 : index
            %swap3A_519 = tpu.vector_load %arg6[%swap3A_516, %swap3A_517, %swap3A_518] {strides = array<i32>} : memref<4x128x128xf32, #tpu.memory_space<vmem>>, vector<16xf32>,
            tpu.vector_store %arg6[%swap3A_516, %swap3A_517, %swap3A_518], %broadcast_in_dim3A_314 {strides = array<i32>} : memref<4x128x128xf32, #tpu.memory_space<vmem>>, vector<16xf32>,
            %swap3A_520 = arith.constant 3 : i32
            %swap3A_521 = arith.index_cast %swap3A_520 : i32 to index
            %swap3A_522 = arith.index_cast %add3A_421 : i32 to index
            %swap3A_523 = arith.constant 96 : index
            %swap3A_524 = tpu.vector_load %arg6[%swap3A_521, %swap3A_522, %swap3A_523] {strides = array<i32>} : memref<4x128x128xf32, #tpu.memory_space<vmem>>, vector<16xf32>,
            tpu.vector_store %arg6[%swap3A_521, %swap3A_522, %swap3A_523], %broadcast_in_dim3A_314 {strides = array<i32>} : memref<4x128x128xf32, #tpu.memory_space<vmem>>, vector<16xf32>,
            %swap3A_525 = arith.constant 3 : i32
            %swap3A_526 = arith.index_cast %swap3A_525 : i32 to index
            %swap3A_527 = arith.index_cast %add3A_421 : i32 to index
            %swap3A_528 = arith.constant 112 : index
            %swap3A_529 = tpu.vector_load %arg6[%swap3A_526, %swap3A_527, %swap3A_528] {strides = array<i32>} : memref<4x128x128xf32, #tpu.memory_space<vmem>>, vector<16xf32>,
            tpu.vector_store %arg6[%swap3A_526, %swap3A_527, %swap3A_528], %broadcast_in_dim3A_314 {strides = array<i32>} : memref<4x128x128xf32, #tpu.memory_space<vmem>>, vector<16xf32>,
          } else {
          }
          %slice3A_425 = vector.extract_strided_slice %get3A_306 {offsets = [10], sizes = [1], strides = [1]} : vector<16xi32> to vector<1xi32>
          %squeeze3A_426 = vector.extract %slice3A_425[0] : i32 from vector<1xi32>
          %eq3A_427 = arith.constant 0 : i32
          %eq3A_428 = arith.cmpi eq, %squeeze3A_426, %eq3A_427 : i32
          %mul3A_429 = arith.constant 16 : i32
          %mul3A_430 = arith.muli %scan3A_299, %mul3A_429 : i32
          %add3A_431 = arith.constant 10 : i32
          %add3A_432 = arith.addi %mul3A_430, %add3A_431 : i32
          %convert_element_type3A_433 = arith.extui %eq3A_428 : i1 to i32
          %cond3A_434 = arith.constant 0 : i32
          %cond3A_435 = arith.cmpi ne, %convert_element_type3A_433, %cond3A_434 : i32
          scf.if %cond3A_435 {
            %swap3A = arith.constant 3 : i32
            %swap3A_491 = arith.index_cast %swap3A : i32 to index
            %swap3A_492 = arith.index_cast %add3A_432 : i32 to index
            %swap3A_493 = arith.constant 0 : index
            %swap3A_494 = tpu.vector_load %arg6[%swap3A_491, %swap3A_492, %swap3A_493] {strides = array<i32>} : memref<4x128x128xf32, #tpu.memory_space<vmem>>, vector<16xf32>,
            tpu.vector_store %arg6[%swap3A_491, %swap3A_492, %swap3A_493], %broadcast_in_dim3A_314 {strides = array<i32>} : memref<4x128x128xf32, #tpu.memory_space<vmem>>, vector<16xf32>,
            %swap3A_495 = arith.constant 3 : i32
            %swap3A_496 = arith.index_cast %swap3A_495 : i32 to index
            %swap3A_497 = arith.index_cast %add3A_432 : i32 to index
            %swap3A_498 = arith.constant 16 : index
            %swap3A_499 = tpu.vector_load %arg6[%swap3A_496, %swap3A_497, %swap3A_498] {strides = array<i32>} : memref<4x128x128xf32, #tpu.memory_space<vmem>>, vector<16xf32>,
            tpu.vector_store %arg6[%swap3A_496, %swap3A_497, %swap3A_498], %broadcast_in_dim3A_314 {strides = array<i32>} : memref<4x128x128xf32, #tpu.memory_space<vmem>>, vector<16xf32>,
            %swap3A_500 = arith.constant 3 : i32
            %swap3A_501 = arith.index_cast %swap3A_500 : i32 to index
            %swap3A_502 = arith.index_cast %add3A_432 : i32 to index
            %swap3A_503 = arith.constant 32 : index
            %swap3A_504 = tpu.vector_load %arg6[%swap3A_501, %swap3A_502, %swap3A_503] {strides = array<i32>} : memref<4x128x128xf32, #tpu.memory_space<vmem>>, vector<16xf32>,
            tpu.vector_store %arg6[%swap3A_501, %swap3A_502, %swap3A_503], %broadcast_in_dim3A_314 {strides = array<i32>} : memref<4x128x128xf32, #tpu.memory_space<vmem>>, vector<16xf32>,
            %swap3A_505 = arith.constant 3 : i32
            %swap3A_506 = arith.index_cast %swap3A_505 : i32 to index
            %swap3A_507 = arith.index_cast %add3A_432 : i32 to index
            %swap3A_508 = arith.constant 48 : index
            %swap3A_509 = tpu.vector_load %arg6[%swap3A_506, %swap3A_507, %swap3A_508] {strides = array<i32>} : memref<4x128x128xf32, #tpu.memory_space<vmem>>, vector<16xf32>,
            tpu.vector_store %arg6[%swap3A_506, %swap3A_507, %swap3A_508], %broadcast_in_dim3A_314 {strides = array<i32>} : memref<4x128x128xf32, #tpu.memory_space<vmem>>, vector<16xf32>,
            %swap3A_510 = arith.constant 3 : i32
            %swap3A_511 = arith.index_cast %swap3A_510 : i32 to index
            %swap3A_512 = arith.index_cast %add3A_432 : i32 to index
            %swap3A_513 = arith.constant 64 : index
            %swap3A_514 = tpu.vector_load %arg6[%swap3A_511, %swap3A_512, %swap3A_513] {strides = array<i32>} : memref<4x128x128xf32, #tpu.memory_space<vmem>>, vector<16xf32>,
            tpu.vector_store %arg6[%swap3A_511, %swap3A_512, %swap3A_513], %broadcast_in_dim3A_314 {strides = array<i32>} : memref<4x128x128xf32, #tpu.memory_space<vmem>>, vector<16xf32>,
            %swap3A_515 = arith.constant 3 : i32
            %swap3A_516 = arith.index_cast %swap3A_515 : i32 to index
            %swap3A_517 = arith.index_cast %add3A_432 : i32 to index
            %swap3A_518 = arith.constant 80 : index
            %swap3A_519 = tpu.vector_load %arg6[%swap3A_516, %swap3A_517, %swap3A_518] {strides = array<i32>} : memref<4x128x128xf32, #tpu.memory_space<vmem>>, vector<16xf32>,
            tpu.vector_store %arg6[%swap3A_516, %swap3A_517, %swap3A_518], %broadcast_in_dim3A_314 {strides = array<i32>} : memref<4x128x128xf32, #tpu.memory_space<vmem>>, vector<16xf32>,
            %swap3A_520 = arith.constant 3 : i32
            %swap3A_521 = arith.index_cast %swap3A_520 : i32 to index
            %swap3A_522 = arith.index_cast %add3A_432 : i32 to index
            %swap3A_523 = arith.constant 96 : index
            %swap3A_524 = tpu.vector_load %arg6[%swap3A_521, %swap3A_522, %swap3A_523] {strides = array<i32>} : memref<4x128x128xf32, #tpu.memory_space<vmem>>, vector<16xf32>,
            tpu.vector_store %arg6[%swap3A_521, %swap3A_522, %swap3A_523], %broadcast_in_dim3A_314 {strides = array<i32>} : memref<4x128x128xf32, #tpu.memory_space<vmem>>, vector<16xf32>,
            %swap3A_525 = arith.constant 3 : i32
            %swap3A_526 = arith.index_cast %swap3A_525 : i32 to index
            %swap3A_527 = arith.index_cast %add3A_432 : i32 to index
            %swap3A_528 = arith.constant 112 : index
            %swap3A_529 = tpu.vector_load %arg6[%swap3A_526, %swap3A_527, %swap3A_528] {strides = array<i32>} : memref<4x128x128xf32, #tpu.memory_space<vmem>>, vector<16xf32>,
            tpu.vector_store %arg6[%swap3A_526, %swap3A_527, %swap3A_528], %broadcast_in_dim3A_314 {strides = array<i32>} : memref<4x128x128xf32, #tpu.memory_space<vmem>>, vector<16xf32>,
          } else {
          }
          %slice3A_436 = vector.extract_strided_slice %get3A_306 {offsets = [11], sizes = [1], strides = [1]} : vector<16xi32> to vector<1xi32>
          %squeeze3A_437 = vector.extract %slice3A_436[0] : i32 from vector<1xi32>
          %eq3A_438 = arith.constant 0 : i32
          %eq3A_439 = arith.cmpi eq, %squeeze3A_437, %eq3A_438 : i32
          %mul3A_440 = arith.constant 16 : i32
          %mul3A_441 = arith.muli %scan3A_299, %mul3A_440 : i32
          %add3A_442 = arith.constant 11 : i32
          %add3A_443 = arith.addi %mul3A_441, %add3A_442 : i32
          %convert_element_type3A_444 = arith.extui %eq3A_439 : i1 to i32
          %cond3A_445 = arith.constant 0 : i32
          %cond3A_446 = arith.cmpi ne, %convert_element_type3A_444, %cond3A_445 : i32
          scf.if %cond3A_446 {
            %swap3A = arith.constant 3 : i32
            %swap3A_491 = arith.index_cast %swap3A : i32 to index
            %swap3A_492 = arith.index_cast %add3A_443 : i32 to index
            %swap3A_493 = arith.constant 0 : index
            %swap3A_494 = tpu.vector_load %arg6[%swap3A_491, %swap3A_492, %swap3A_493] {strides = array<i32>} : memref<4x128x128xf32, #tpu.memory_space<vmem>>, vector<16xf32>,
            tpu.vector_store %arg6[%swap3A_491, %swap3A_492, %swap3A_493], %broadcast_in_dim3A_314 {strides = array<i32>} : memref<4x128x128xf32, #tpu.memory_space<vmem>>, vector<16xf32>,
            %swap3A_495 = arith.constant 3 : i32
            %swap3A_496 = arith.index_cast %swap3A_495 : i32 to index
            %swap3A_497 = arith.index_cast %add3A_443 : i32 to index
            %swap3A_498 = arith.constant 16 : index
            %swap3A_499 = tpu.vector_load %arg6[%swap3A_496, %swap3A_497, %swap3A_498] {strides = array<i32>} : memref<4x128x128xf32, #tpu.memory_space<vmem>>, vector<16xf32>,
            tpu.vector_store %arg6[%swap3A_496, %swap3A_497, %swap3A_498], %broadcast_in_dim3A_314 {strides = array<i32>} : memref<4x128x128xf32, #tpu.memory_space<vmem>>, vector<16xf32>,
            %swap3A_500 = arith.constant 3 : i32
            %swap3A_501 = arith.index_cast %swap3A_500 : i32 to index
            %swap3A_502 = arith.index_cast %add3A_443 : i32 to index
            %swap3A_503 = arith.constant 32 : index
            %swap3A_504 = tpu.vector_load %arg6[%swap3A_501, %swap3A_502, %swap3A_503] {strides = array<i32>} : memref<4x128x128xf32, #tpu.memory_space<vmem>>, vector<16xf32>,
            tpu.vector_store %arg6[%swap3A_501, %swap3A_502, %swap3A_503], %broadcast_in_dim3A_314 {strides = array<i32>} : memref<4x128x128xf32, #tpu.memory_space<vmem>>, vector<16xf32>,
            %swap3A_505 = arith.constant 3 : i32
            %swap3A_506 = arith.index_cast %swap3A_505 : i32 to index
            %swap3A_507 = arith.index_cast %add3A_443 : i32 to index
            %swap3A_508 = arith.constant 48 : index
            %swap3A_509 = tpu.vector_load %arg6[%swap3A_506, %swap3A_507, %swap3A_508] {strides = array<i32>} : memref<4x128x128xf32, #tpu.memory_space<vmem>>, vector<16xf32>,
            tpu.vector_store %arg6[%swap3A_506, %swap3A_507, %swap3A_508], %broadcast_in_dim3A_314 {strides = array<i32>} : memref<4x128x128xf32, #tpu.memory_space<vmem>>, vector<16xf32>,
            %swap3A_510 = arith.constant 3 : i32
            %swap3A_511 = arith.index_cast %swap3A_510 : i32 to index
            %swap3A_512 = arith.index_cast %add3A_443 : i32 to index
            %swap3A_513 = arith.constant 64 : index
            %swap3A_514 = tpu.vector_load %arg6[%swap3A_511, %swap3A_512, %swap3A_513] {strides = array<i32>} : memref<4x128x128xf32, #tpu.memory_space<vmem>>, vector<16xf32>,
            tpu.vector_store %arg6[%swap3A_511, %swap3A_512, %swap3A_513], %broadcast_in_dim3A_314 {strides = array<i32>} : memref<4x128x128xf32, #tpu.memory_space<vmem>>, vector<16xf32>,
            %swap3A_515 = arith.constant 3 : i32
            %swap3A_516 = arith.index_cast %swap3A_515 : i32 to index
            %swap3A_517 = arith.index_cast %add3A_443 : i32 to index
            %swap3A_518 = arith.constant 80 : index
            %swap3A_519 = tpu.vector_load %arg6[%swap3A_516, %swap3A_517, %swap3A_518] {strides = array<i32>} : memref<4x128x128xf32, #tpu.memory_space<vmem>>, vector<16xf32>,
            tpu.vector_store %arg6[%swap3A_516, %swap3A_517, %swap3A_518], %broadcast_in_dim3A_314 {strides = array<i32>} : memref<4x128x128xf32, #tpu.memory_space<vmem>>, vector<16xf32>,
            %swap3A_520 = arith.constant 3 : i32
            %swap3A_521 = arith.index_cast %swap3A_520 : i32 to index
            %swap3A_522 = arith.index_cast %add3A_443 : i32 to index
            %swap3A_523 = arith.constant 96 : index
            %swap3A_524 = tpu.vector_load %arg6[%swap3A_521, %swap3A_522, %swap3A_523] {strides = array<i32>} : memref<4x128x128xf32, #tpu.memory_space<vmem>>, vector<16xf32>,
            tpu.vector_store %arg6[%swap3A_521, %swap3A_522, %swap3A_523], %broadcast_in_dim3A_314 {strides = array<i32>} : memref<4x128x128xf32, #tpu.memory_space<vmem>>, vector<16xf32>,
            %swap3A_525 = arith.constant 3 : i32
            %swap3A_526 = arith.index_cast %swap3A_525 : i32 to index
            %swap3A_527 = arith.index_cast %add3A_443 : i32 to index
            %swap3A_528 = arith.constant 112 : index
            %swap3A_529 = tpu.vector_load %arg6[%swap3A_526, %swap3A_527, %swap3A_528] {strides = array<i32>} : memref<4x128x128xf32, #tpu.memory_space<vmem>>, vector<16xf32>,
            tpu.vector_store %arg6[%swap3A_526, %swap3A_527, %swap3A_528], %broadcast_in_dim3A_314 {strides = array<i32>} : memref<4x128x128xf32, #tpu.memory_space<vmem>>, vector<16xf32>,
          } else {
          }
          %slice3A_447 = vector.extract_strided_slice %get3A_306 {offsets = [12], sizes = [1], strides = [1]} : vector<16xi32> to vector<1xi32>
          %squeeze3A_448 = vector.extract %slice3A_447[0] : i32 from vector<1xi32>
          %eq3A_449 = arith.constant 0 : i32
          %eq3A_450 = arith.cmpi eq, %squeeze3A_448, %eq3A_449 : i32
          %mul3A_451 = arith.constant 16 : i32
          %mul3A_452 = arith.muli %scan3A_299, %mul3A_451 : i32
          %add3A_453 = arith.constant 12 : i32
          %add3A_454 = arith.addi %mul3A_452, %add3A_453 : i32
          %convert_element_type3A_455 = arith.extui %eq3A_450 : i1 to i32
          %cond3A_456 = arith.constant 0 : i32
          %cond3A_457 = arith.cmpi ne, %convert_element_type3A_455, %cond3A_456 : i32
          scf.if %cond3A_457 {
            %swap3A = arith.constant 3 : i32
            %swap3A_491 = arith.index_cast %swap3A : i32 to index
            %swap3A_492 = arith.index_cast %add3A_454 : i32 to index
            %swap3A_493 = arith.constant 0 : index
            %swap3A_494 = tpu.vector_load %arg6[%swap3A_491, %swap3A_492, %swap3A_493] {strides = array<i32>} : memref<4x128x128xf32, #tpu.memory_space<vmem>>, vector<16xf32>,
            tpu.vector_store %arg6[%swap3A_491, %swap3A_492, %swap3A_493], %broadcast_in_dim3A_314 {strides = array<i32>} : memref<4x128x128xf32, #tpu.memory_space<vmem>>, vector<16xf32>,
            %swap3A_495 = arith.constant 3 : i32
            %swap3A_496 = arith.index_cast %swap3A_495 : i32 to index
            %swap3A_497 = arith.index_cast %add3A_454 : i32 to index
            %swap3A_498 = arith.constant 16 : index
            %swap3A_499 = tpu.vector_load %arg6[%swap3A_496, %swap3A_497, %swap3A_498] {strides = array<i32>} : memref<4x128x128xf32, #tpu.memory_space<vmem>>, vector<16xf32>,
            tpu.vector_store %arg6[%swap3A_496, %swap3A_497, %swap3A_498], %broadcast_in_dim3A_314 {strides = array<i32>} : memref<4x128x128xf32, #tpu.memory_space<vmem>>, vector<16xf32>,
            %swap3A_500 = arith.constant 3 : i32
            %swap3A_501 = arith.index_cast %swap3A_500 : i32 to index
            %swap3A_502 = arith.index_cast %add3A_454 : i32 to index
            %swap3A_503 = arith.constant 32 : index
            %swap3A_504 = tpu.vector_load %arg6[%swap3A_501, %swap3A_502, %swap3A_503] {strides = array<i32>} : memref<4x128x128xf32, #tpu.memory_space<vmem>>, vector<16xf32>,
            tpu.vector_store %arg6[%swap3A_501, %swap3A_502, %swap3A_503], %broadcast_in_dim3A_314 {strides = array<i32>} : memref<4x128x128xf32, #tpu.memory_space<vmem>>, vector<16xf32>,
            %swap3A_505 = arith.constant 3 : i32
            %swap3A_506 = arith.index_cast %swap3A_505 : i32 to index
            %swap3A_507 = arith.index_cast %add3A_454 : i32 to index
            %swap3A_508 = arith.constant 48 : index
            %swap3A_509 = tpu.vector_load %arg6[%swap3A_506, %swap3A_507, %swap3A_508] {strides = array<i32>} : memref<4x128x128xf32, #tpu.memory_space<vmem>>, vector<16xf32>,
            tpu.vector_store %arg6[%swap3A_506, %swap3A_507, %swap3A_508], %broadcast_in_dim3A_314 {strides = array<i32>} : memref<4x128x128xf32, #tpu.memory_space<vmem>>, vector<16xf32>,
            %swap3A_510 = arith.constant 3 : i32
            %swap3A_511 = arith.index_cast %swap3A_510 : i32 to index
            %swap3A_512 = arith.index_cast %add3A_454 : i32 to index
            %swap3A_513 = arith.constant 64 : index
            %swap3A_514 = tpu.vector_load %arg6[%swap3A_511, %swap3A_512, %swap3A_513] {strides = array<i32>} : memref<4x128x128xf32, #tpu.memory_space<vmem>>, vector<16xf32>,
            tpu.vector_store %arg6[%swap3A_511, %swap3A_512, %swap3A_513], %broadcast_in_dim3A_314 {strides = array<i32>} : memref<4x128x128xf32, #tpu.memory_space<vmem>>, vector<16xf32>,
            %swap3A_515 = arith.constant 3 : i32
            %swap3A_516 = arith.index_cast %swap3A_515 : i32 to index
            %swap3A_517 = arith.index_cast %add3A_454 : i32 to index
            %swap3A_518 = arith.constant 80 : index
            %swap3A_519 = tpu.vector_load %arg6[%swap3A_516, %swap3A_517, %swap3A_518] {strides = array<i32>} : memref<4x128x128xf32, #tpu.memory_space<vmem>>, vector<16xf32>,
            tpu.vector_store %arg6[%swap3A_516, %swap3A_517, %swap3A_518], %broadcast_in_dim3A_314 {strides = array<i32>} : memref<4x128x128xf32, #tpu.memory_space<vmem>>, vector<16xf32>,
            %swap3A_520 = arith.constant 3 : i32
            %swap3A_521 = arith.index_cast %swap3A_520 : i32 to index
            %swap3A_522 = arith.index_cast %add3A_454 : i32 to index
            %swap3A_523 = arith.constant 96 : index
            %swap3A_524 = tpu.vector_load %arg6[%swap3A_521, %swap3A_522, %swap3A_523] {strides = array<i32>} : memref<4x128x128xf32, #tpu.memory_space<vmem>>, vector<16xf32>,
            tpu.vector_store %arg6[%swap3A_521, %swap3A_522, %swap3A_523], %broadcast_in_dim3A_314 {strides = array<i32>} : memref<4x128x128xf32, #tpu.memory_space<vmem>>, vector<16xf32>,
            %swap3A_525 = arith.constant 3 : i32
            %swap3A_526 = arith.index_cast %swap3A_525 : i32 to index
            %swap3A_527 = arith.index_cast %add3A_454 : i32 to index
            %swap3A_528 = arith.constant 112 : index
            %swap3A_529 = tpu.vector_load %arg6[%swap3A_526, %swap3A_527, %swap3A_528] {strides = array<i32>} : memref<4x128x128xf32, #tpu.memory_space<vmem>>, vector<16xf32>,
            tpu.vector_store %arg6[%swap3A_526, %swap3A_527, %swap3A_528], %broadcast_in_dim3A_314 {strides = array<i32>} : memref<4x128x128xf32, #tpu.memory_space<vmem>>, vector<16xf32>,
          } else {
          }
          %slice3A_458 = vector.extract_strided_slice %get3A_306 {offsets = [13], sizes = [1], strides = [1]} : vector<16xi32> to vector<1xi32>
          %squeeze3A_459 = vector.extract %slice3A_458[0] : i32 from vector<1xi32>
          %eq3A_460 = arith.constant 0 : i32
          %eq3A_461 = arith.cmpi eq, %squeeze3A_459, %eq3A_460 : i32
          %mul3A_462 = arith.constant 16 : i32
          %mul3A_463 = arith.muli %scan3A_299, %mul3A_462 : i32
          %add3A_464 = arith.constant 13 : i32
          %add3A_465 = arith.addi %mul3A_463, %add3A_464 : i32
          %convert_element_type3A_466 = arith.extui %eq3A_461 : i1 to i32
          %cond3A_467 = arith.constant 0 : i32
          %cond3A_468 = arith.cmpi ne, %convert_element_type3A_466, %cond3A_467 : i32
          scf.if %cond3A_468 {
            %swap3A = arith.constant 3 : i32
            %swap3A_491 = arith.index_cast %swap3A : i32 to index
            %swap3A_492 = arith.index_cast %add3A_465 : i32 to index
            %swap3A_493 = arith.constant 0 : index
            %swap3A_494 = tpu.vector_load %arg6[%swap3A_491, %swap3A_492, %swap3A_493] {strides = array<i32>} : memref<4x128x128xf32, #tpu.memory_space<vmem>>, vector<16xf32>,
            tpu.vector_store %arg6[%swap3A_491, %swap3A_492, %swap3A_493], %broadcast_in_dim3A_314 {strides = array<i32>} : memref<4x128x128xf32, #tpu.memory_space<vmem>>, vector<16xf32>,
            %swap3A_495 = arith.constant 3 : i32
            %swap3A_496 = arith.index_cast %swap3A_495 : i32 to index
            %swap3A_497 = arith.index_cast %add3A_465 : i32 to index
            %swap3A_498 = arith.constant 16 : index
            %swap3A_499 = tpu.vector_load %arg6[%swap3A_496, %swap3A_497, %swap3A_498] {strides = array<i32>} : memref<4x128x128xf32, #tpu.memory_space<vmem>>, vector<16xf32>,
            tpu.vector_store %arg6[%swap3A_496, %swap3A_497, %swap3A_498], %broadcast_in_dim3A_314 {strides = array<i32>} : memref<4x128x128xf32, #tpu.memory_space<vmem>>, vector<16xf32>,
            %swap3A_500 = arith.constant 3 : i32
            %swap3A_501 = arith.index_cast %swap3A_500 : i32 to index
            %swap3A_502 = arith.index_cast %add3A_465 : i32 to index
            %swap3A_503 = arith.constant 32 : index
            %swap3A_504 = tpu.vector_load %arg6[%swap3A_501, %swap3A_502, %swap3A_503] {strides = array<i32>} : memref<4x128x128xf32, #tpu.memory_space<vmem>>, vector<16xf32>,
            tpu.vector_store %arg6[%swap3A_501, %swap3A_502, %swap3A_503], %broadcast_in_dim3A_314 {strides = array<i32>} : memref<4x128x128xf32, #tpu.memory_space<vmem>>, vector<16xf32>,
            %swap3A_505 = arith.constant 3 : i32
            %swap3A_506 = arith.index_cast %swap3A_505 : i32 to index
            %swap3A_507 = arith.index_cast %add3A_465 : i32 to index
            %swap3A_508 = arith.constant 48 : index
            %swap3A_509 = tpu.vector_load %arg6[%swap3A_506, %swap3A_507, %swap3A_508] {strides = array<i32>} : memref<4x128x128xf32, #tpu.memory_space<vmem>>, vector<16xf32>,
            tpu.vector_store %arg6[%swap3A_506, %swap3A_507, %swap3A_508], %broadcast_in_dim3A_314 {strides = array<i32>} : memref<4x128x128xf32, #tpu.memory_space<vmem>>, vector<16xf32>,
            %swap3A_510 = arith.constant 3 : i32
            %swap3A_511 = arith.index_cast %swap3A_510 : i32 to index
            %swap3A_512 = arith.index_cast %add3A_465 : i32 to index
            %swap3A_513 = arith.constant 64 : index
            %swap3A_514 = tpu.vector_load %arg6[%swap3A_511, %swap3A_512, %swap3A_513] {strides = array<i32>} : memref<4x128x128xf32, #tpu.memory_space<vmem>>, vector<16xf32>,
            tpu.vector_store %arg6[%swap3A_511, %swap3A_512, %swap3A_513], %broadcast_in_dim3A_314 {strides = array<i32>} : memref<4x128x128xf32, #tpu.memory_space<vmem>>, vector<16xf32>,
            %swap3A_515 = arith.constant 3 : i32
            %swap3A_516 = arith.index_cast %swap3A_515 : i32 to index
            %swap3A_517 = arith.index_cast %add3A_465 : i32 to index
            %swap3A_518 = arith.constant 80 : index
            %swap3A_519 = tpu.vector_load %arg6[%swap3A_516, %swap3A_517, %swap3A_518] {strides = array<i32>} : memref<4x128x128xf32, #tpu.memory_space<vmem>>, vector<16xf32>,
            tpu.vector_store %arg6[%swap3A_516, %swap3A_517, %swap3A_518], %broadcast_in_dim3A_314 {strides = array<i32>} : memref<4x128x128xf32, #tpu.memory_space<vmem>>, vector<16xf32>,
            %swap3A_520 = arith.constant 3 : i32
            %swap3A_521 = arith.index_cast %swap3A_520 : i32 to index
            %swap3A_522 = arith.index_cast %add3A_465 : i32 to index
            %swap3A_523 = arith.constant 96 : index
            %swap3A_524 = tpu.vector_load %arg6[%swap3A_521, %swap3A_522, %swap3A_523] {strides = array<i32>} : memref<4x128x128xf32, #tpu.memory_space<vmem>>, vector<16xf32>,
            tpu.vector_store %arg6[%swap3A_521, %swap3A_522, %swap3A_523], %broadcast_in_dim3A_314 {strides = array<i32>} : memref<4x128x128xf32, #tpu.memory_space<vmem>>, vector<16xf32>,
            %swap3A_525 = arith.constant 3 : i32
            %swap3A_526 = arith.index_cast %swap3A_525 : i32 to index
            %swap3A_527 = arith.index_cast %add3A_465 : i32 to index
            %swap3A_528 = arith.constant 112 : index
            %swap3A_529 = tpu.vector_load %arg6[%swap3A_526, %swap3A_527, %swap3A_528] {strides = array<i32>} : memref<4x128x128xf32, #tpu.memory_space<vmem>>, vector<16xf32>,
            tpu.vector_store %arg6[%swap3A_526, %swap3A_527, %swap3A_528], %broadcast_in_dim3A_314 {strides = array<i32>} : memref<4x128x128xf32, #tpu.memory_space<vmem>>, vector<16xf32>,
          } else {
          }
          %slice3A_469 = vector.extract_strided_slice %get3A_306 {offsets = [14], sizes = [1], strides = [1]} : vector<16xi32> to vector<1xi32>
          %squeeze3A_470 = vector.extract %slice3A_469[0] : i32 from vector<1xi32>
          %eq3A_471 = arith.constant 0 : i32
          %eq3A_472 = arith.cmpi eq, %squeeze3A_470, %eq3A_471 : i32
          %mul3A_473 = arith.constant 16 : i32
          %mul3A_474 = arith.muli %scan3A_299, %mul3A_473 : i32
          %add3A_475 = arith.constant 14 : i32
          %add3A_476 = arith.addi %mul3A_474, %add3A_475 : i32
          %convert_element_type3A_477 = arith.extui %eq3A_472 : i1 to i32
          %cond3A_478 = arith.constant 0 : i32
          %cond3A_479 = arith.cmpi ne, %convert_element_type3A_477, %cond3A_478 : i32
          scf.if %cond3A_479 {
            %swap3A = arith.constant 3 : i32
            %swap3A_491 = arith.index_cast %swap3A : i32 to index
            %swap3A_492 = arith.index_cast %add3A_476 : i32 to index
            %swap3A_493 = arith.constant 0 : index
            %swap3A_494 = tpu.vector_load %arg6[%swap3A_491, %swap3A_492, %swap3A_493] {strides = array<i32>} : memref<4x128x128xf32, #tpu.memory_space<vmem>>, vector<16xf32>,
            tpu.vector_store %arg6[%swap3A_491, %swap3A_492, %swap3A_493], %broadcast_in_dim3A_314 {strides = array<i32>} : memref<4x128x128xf32, #tpu.memory_space<vmem>>, vector<16xf32>,
            %swap3A_495 = arith.constant 3 : i32
            %swap3A_496 = arith.index_cast %swap3A_495 : i32 to index
            %swap3A_497 = arith.index_cast %add3A_476 : i32 to index
            %swap3A_498 = arith.constant 16 : index
            %swap3A_499 = tpu.vector_load %arg6[%swap3A_496, %swap3A_497, %swap3A_498] {strides = array<i32>} : memref<4x128x128xf32, #tpu.memory_space<vmem>>, vector<16xf32>,
            tpu.vector_store %arg6[%swap3A_496, %swap3A_497, %swap3A_498], %broadcast_in_dim3A_314 {strides = array<i32>} : memref<4x128x128xf32, #tpu.memory_space<vmem>>, vector<16xf32>,
            %swap3A_500 = arith.constant 3 : i32
            %swap3A_501 = arith.index_cast %swap3A_500 : i32 to index
            %swap3A_502 = arith.index_cast %add3A_476 : i32 to index
            %swap3A_503 = arith.constant 32 : index
            %swap3A_504 = tpu.vector_load %arg6[%swap3A_501, %swap3A_502, %swap3A_503] {strides = array<i32>} : memref<4x128x128xf32, #tpu.memory_space<vmem>>, vector<16xf32>,
            tpu.vector_store %arg6[%swap3A_501, %swap3A_502, %swap3A_503], %broadcast_in_dim3A_314 {strides = array<i32>} : memref<4x128x128xf32, #tpu.memory_space<vmem>>, vector<16xf32>,
            %swap3A_505 = arith.constant 3 : i32
            %swap3A_506 = arith.index_cast %swap3A_505 : i32 to index
            %swap3A_507 = arith.index_cast %add3A_476 : i32 to index
            %swap3A_508 = arith.constant 48 : index
            %swap3A_509 = tpu.vector_load %arg6[%swap3A_506, %swap3A_507, %swap3A_508] {strides = array<i32>} : memref<4x128x128xf32, #tpu.memory_space<vmem>>, vector<16xf32>,
            tpu.vector_store %arg6[%swap3A_506, %swap3A_507, %swap3A_508], %broadcast_in_dim3A_314 {strides = array<i32>} : memref<4x128x128xf32, #tpu.memory_space<vmem>>, vector<16xf32>,
            %swap3A_510 = arith.constant 3 : i32
            %swap3A_511 = arith.index_cast %swap3A_510 : i32 to index
            %swap3A_512 = arith.index_cast %add3A_476 : i32 to index
            %swap3A_513 = arith.constant 64 : index
            %swap3A_514 = tpu.vector_load %arg6[%swap3A_511, %swap3A_512, %swap3A_513] {strides = array<i32>} : memref<4x128x128xf32, #tpu.memory_space<vmem>>, vector<16xf32>,
            tpu.vector_store %arg6[%swap3A_511, %swap3A_512, %swap3A_513], %broadcast_in_dim3A_314 {strides = array<i32>} : memref<4x128x128xf32, #tpu.memory_space<vmem>>, vector<16xf32>,
            %swap3A_515 = arith.constant 3 : i32
            %swap3A_516 = arith.index_cast %swap3A_515 : i32 to index
            %swap3A_517 = arith.index_cast %add3A_476 : i32 to index
            %swap3A_518 = arith.constant 80 : index
            %swap3A_519 = tpu.vector_load %arg6[%swap3A_516, %swap3A_517, %swap3A_518] {strides = array<i32>} : memref<4x128x128xf32, #tpu.memory_space<vmem>>, vector<16xf32>,
            tpu.vector_store %arg6[%swap3A_516, %swap3A_517, %swap3A_518], %broadcast_in_dim3A_314 {strides = array<i32>} : memref<4x128x128xf32, #tpu.memory_space<vmem>>, vector<16xf32>,
            %swap3A_520 = arith.constant 3 : i32
            %swap3A_521 = arith.index_cast %swap3A_520 : i32 to index
            %swap3A_522 = arith.index_cast %add3A_476 : i32 to index
            %swap3A_523 = arith.constant 96 : index
            %swap3A_524 = tpu.vector_load %arg6[%swap3A_521, %swap3A_522, %swap3A_523] {strides = array<i32>} : memref<4x128x128xf32, #tpu.memory_space<vmem>>, vector<16xf32>,
            tpu.vector_store %arg6[%swap3A_521, %swap3A_522, %swap3A_523], %broadcast_in_dim3A_314 {strides = array<i32>} : memref<4x128x128xf32, #tpu.memory_space<vmem>>, vector<16xf32>,
            %swap3A_525 = arith.constant 3 : i32
            %swap3A_526 = arith.index_cast %swap3A_525 : i32 to index
            %swap3A_527 = arith.index_cast %add3A_476 : i32 to index
            %swap3A_528 = arith.constant 112 : index
            %swap3A_529 = tpu.vector_load %arg6[%swap3A_526, %swap3A_527, %swap3A_528] {strides = array<i32>} : memref<4x128x128xf32, #tpu.memory_space<vmem>>, vector<16xf32>,
            tpu.vector_store %arg6[%swap3A_526, %swap3A_527, %swap3A_528], %broadcast_in_dim3A_314 {strides = array<i32>} : memref<4x128x128xf32, #tpu.memory_space<vmem>>, vector<16xf32>,
          } else {
          }
          %slice3A_480 = vector.extract_strided_slice %get3A_306 {offsets = [15], sizes = [1], strides = [1]} : vector<16xi32> to vector<1xi32>
          %squeeze3A_481 = vector.extract %slice3A_480[0] : i32 from vector<1xi32>
          %eq3A_482 = arith.constant 0 : i32
          %eq3A_483 = arith.cmpi eq, %squeeze3A_481, %eq3A_482 : i32
          %mul3A_484 = arith.constant 16 : i32
          %mul3A_485 = arith.muli %scan3A_299, %mul3A_484 : i32
          %add3A_486 = arith.constant 15 : i32
          %add3A_487 = arith.addi %mul3A_485, %add3A_486 : i32
          %convert_element_type3A_488 = arith.extui %eq3A_483 : i1 to i32
          %cond3A_489 = arith.constant 0 : i32
          %cond3A_490 = arith.cmpi ne, %convert_element_type3A_488, %cond3A_489 : i32
          scf.if %cond3A_490 {
            %swap3A = arith.constant 3 : i32
            %swap3A_491 = arith.index_cast %swap3A : i32 to index
            %swap3A_492 = arith.index_cast %add3A_487 : i32 to index
            %swap3A_493 = arith.constant 0 : index
            %swap3A_494 = tpu.vector_load %arg6[%swap3A_491, %swap3A_492, %swap3A_493] {strides = array<i32>} : memref<4x128x128xf32, #tpu.memory_space<vmem>>, vector<16xf32>,
            tpu.vector_store %arg6[%swap3A_491, %swap3A_492, %swap3A_493], %broadcast_in_dim3A_314 {strides = array<i32>} : memref<4x128x128xf32, #tpu.memory_space<vmem>>, vector<16xf32>,
            %swap3A_495 = arith.constant 3 : i32
            %swap3A_496 = arith.index_cast %swap3A_495 : i32 to index
            %swap3A_497 = arith.index_cast %add3A_487 : i32 to index
            %swap3A_498 = arith.constant 16 : index
            %swap3A_499 = tpu.vector_load %arg6[%swap3A_496, %swap3A_497, %swap3A_498] {strides = array<i32>} : memref<4x128x128xf32, #tpu.memory_space<vmem>>, vector<16xf32>,
            tpu.vector_store %arg6[%swap3A_496, %swap3A_497, %swap3A_498], %broadcast_in_dim3A_314 {strides = array<i32>} : memref<4x128x128xf32, #tpu.memory_space<vmem>>, vector<16xf32>,
            %swap3A_500 = arith.constant 3 : i32
            %swap3A_501 = arith.index_cast %swap3A_500 : i32 to index
            %swap3A_502 = arith.index_cast %add3A_487 : i32 to index
            %swap3A_503 = arith.constant 32 : index
            %swap3A_504 = tpu.vector_load %arg6[%swap3A_501, %swap3A_502, %swap3A_503] {strides = array<i32>} : memref<4x128x128xf32, #tpu.memory_space<vmem>>, vector<16xf32>,
            tpu.vector_store %arg6[%swap3A_501, %swap3A_502, %swap3A_503], %broadcast_in_dim3A_314 {strides = array<i32>} : memref<4x128x128xf32, #tpu.memory_space<vmem>>, vector<16xf32>,
            %swap3A_505 = arith.constant 3 : i32
            %swap3A_506 = arith.index_cast %swap3A_505 : i32 to index
            %swap3A_507 = arith.index_cast %add3A_487 : i32 to index
            %swap3A_508 = arith.constant 48 : index
            %swap3A_509 = tpu.vector_load %arg6[%swap3A_506, %swap3A_507, %swap3A_508] {strides = array<i32>} : memref<4x128x128xf32, #tpu.memory_space<vmem>>, vector<16xf32>,
            tpu.vector_store %arg6[%swap3A_506, %swap3A_507, %swap3A_508], %broadcast_in_dim3A_314 {strides = array<i32>} : memref<4x128x128xf32, #tpu.memory_space<vmem>>, vector<16xf32>,
            %swap3A_510 = arith.constant 3 : i32
            %swap3A_511 = arith.index_cast %swap3A_510 : i32 to index
            %swap3A_512 = arith.index_cast %add3A_487 : i32 to index
            %swap3A_513 = arith.constant 64 : index
            %swap3A_514 = tpu.vector_load %arg6[%swap3A_511, %swap3A_512, %swap3A_513] {strides = array<i32>} : memref<4x128x128xf32, #tpu.memory_space<vmem>>, vector<16xf32>,
            tpu.vector_store %arg6[%swap3A_511, %swap3A_512, %swap3A_513], %broadcast_in_dim3A_314 {strides = array<i32>} : memref<4x128x128xf32, #tpu.memory_space<vmem>>, vector<16xf32>,
            %swap3A_515 = arith.constant 3 : i32
            %swap3A_516 = arith.index_cast %swap3A_515 : i32 to index
            %swap3A_517 = arith.index_cast %add3A_487 : i32 to index
            %swap3A_518 = arith.constant 80 : index
            %swap3A_519 = tpu.vector_load %arg6[%swap3A_516, %swap3A_517, %swap3A_518] {strides = array<i32>} : memref<4x128x128xf32, #tpu.memory_space<vmem>>, vector<16xf32>,
            tpu.vector_store %arg6[%swap3A_516, %swap3A_517, %swap3A_518], %broadcast_in_dim3A_314 {strides = array<i32>} : memref<4x128x128xf32, #tpu.memory_space<vmem>>, vector<16xf32>,
            %swap3A_520 = arith.constant 3 : i32
            %swap3A_521 = arith.index_cast %swap3A_520 : i32 to index
            %swap3A_522 = arith.index_cast %add3A_487 : i32 to index
            %swap3A_523 = arith.constant 96 : index
            %swap3A_524 = tpu.vector_load %arg6[%swap3A_521, %swap3A_522, %swap3A_523] {strides = array<i32>} : memref<4x128x128xf32, #tpu.memory_space<vmem>>, vector<16xf32>,
            tpu.vector_store %arg6[%swap3A_521, %swap3A_522, %swap3A_523], %broadcast_in_dim3A_314 {strides = array<i32>} : memref<4x128x128xf32, #tpu.memory_space<vmem>>, vector<16xf32>,
            %swap3A_525 = arith.constant 3 : i32
            %swap3A_526 = arith.index_cast %swap3A_525 : i32 to index
            %swap3A_527 = arith.index_cast %add3A_487 : i32 to index
            %swap3A_528 = arith.constant 112 : index
            %swap3A_529 = tpu.vector_load %arg6[%swap3A_526, %swap3A_527, %swap3A_528] {strides = array<i32>} : memref<4x128x128xf32, #tpu.memory_space<vmem>>, vector<16xf32>,
            tpu.vector_store %arg6[%swap3A_526, %swap3A_527, %swap3A_528], %broadcast_in_dim3A_314 {strides = array<i32>} : memref<4x128x128xf32, #tpu.memory_space<vmem>>, vector<16xf32>,
          } else {
          }
        } else {
        }
        %scan3A_313 = arith.constant 0 : i32
        scf.yield %scan3A_313 : i32
      }
      %scan3A_274 = arith.constant 8 : i32
      %mul3A_275 = arith.constant 128 : i32
      %mul3A_276 = arith.muli %add3A_252, %mul3A_275 : i32
      %add3A_277 = arith.addi %mul3A_2, %mul3A_276 : i32
      %dma_start3A_278 = arith.constant 3 : i32
      %dma_start3A_279 = arith.constant 0 : i32
      %dma_start3A_280 = arith.constant 0 : i32
      %dma_start3A_281 = tpu.memref_slice %arg6[%dma_start3A_278, %dma_start3A_279, %dma_start3A_280] : memref<4x128x128xf32, #tpu.memory_space<vmem>> -> memref<1x128x128xf32, #tpu.memory_space<vmem>>
      %dma_start3A_282 = tpu.memref_squeeze %dma_start3A_281 : memref<1x128x128xf32, #tpu.memory_space<vmem>> -> memref<128x128xf32, #tpu.memory_space<vmem>>
      %dma_start3A_283 = arith.constant 0 : i32
      %dma_start3A_284 = tpu.memref_slice %arg4[%add3A_277, %dma_start3A_283] : memref<819200x128xf32, #tpu.memory_space<hbm>> -> memref<128x128xf32, #tpu.memory_space<hbm>>
      %dma_start3A_285 = arith.constant 0 : i32
      %dma_start3A_286 = tpu.memref_slice %arg4[%add3A_277, %dma_start3A_285] : memref<819200x128xf32, #tpu.memory_space<hbm>> -> memref<128x128xf32, #tpu.memory_space<hbm>>
      %dma_start3A_287 = arith.constant 0 : i32
      %dma_start3A_288 = arith.constant 0 : i32
      %dma_start3A_289 = tpu.memref_slice %arg6[%dma_start3A_278, %dma_start3A_287, %dma_start3A_288] : memref<4x128x128xf32, #tpu.memory_space<vmem>> -> memref<1x128x128xf32, #tpu.memory_space<vmem>>
      %dma_start3A_290 = tpu.memref_squeeze %dma_start3A_289 : memref<1x128x128xf32, #tpu.memory_space<vmem>> -> memref<128x128xf32, #tpu.memory_space<vmem>>
      tpu.enqueue_dma source(%dma_start3A_290 : memref<128x128xf32, #tpu.memory_space<vmem>>) target(%dma_start3A_286 : memref<128x128xf32, #tpu.memory_space<hbm>>) target_semaphore(%arg14 : memref<!tpu.dma_semaphore, #tpu.memory_space<semaphore_mem>>)
      %add3A_291 = arith.constant 3 : i32
      %add3A_292 = arith.addi %add3A_252, %add3A_291 : i32
      %lt3A_293 = arith.constant 200 : i32
      %lt3A_294 = arith.cmpi slt, %add3A_292, %lt3A_293 : i32
      %convert_element_type3A_295 = arith.extui %lt3A_294 : i1 to i32
      %cond3A_296 = arith.constant 0 : i32
      %cond3A_297 = arith.cmpi ne, %convert_element_type3A_295, %cond3A_296 : i32
      scf.if %cond3A_297 {
        %ge3A = arith.constant 4 : i32
        %ge3A_299 = arith.cmpi sge, %add3A_292, %ge3A : i32
        %convert_element_type3A_300 = arith.extui %ge3A_299 : i1 to i32
        %cond3A_301 = arith.constant 0 : i32
        %cond3A_302 = arith.cmpi ne, %convert_element_type3A_300, %cond3A_301 : i32
        scf.if %cond3A_302 {
          %dma_wait3A_314 = arith.constant 2 : i32
          %dma_wait3A_315 = arith.constant 0 : i32
          %dma_wait3A_316 = arith.constant 0 : i32
          %dma_wait3A_317 = tpu.memref_slice %arg6[%dma_wait3A_314, %dma_wait3A_315, %dma_wait3A_316] : memref<4x128x128xf32, #tpu.memory_space<vmem>> -> memref<1x128x128xf32, #tpu.memory_space<vmem>>
          %dma_wait3A_318 = tpu.memref_squeeze %dma_wait3A_317 : memref<1x128x128xf32, #tpu.memory_space<vmem>> -> memref<128x128xf32, #tpu.memory_space<vmem>>
          %dma_wait3A_319 = arith.constant 0 : i32
          %dma_wait3A_320 = arith.constant 0 : i32
          %dma_wait3A_321 = tpu.memref_slice %arg4[%dma_wait3A_319, %dma_wait3A_320] : memref<819200x128xf32, #tpu.memory_space<hbm>> -> memref<128x128xf32, #tpu.memory_space<hbm>>
          %dma_wait3A_322 = arith.constant 0 : i32
          %dma_wait3A_323 = arith.constant 0 : i32
          %dma_wait3A_324 = tpu.memref_slice %arg4[%dma_wait3A_322, %dma_wait3A_323] : memref<819200x128xf32, #tpu.memory_space<hbm>> -> memref<128x128xf32, #tpu.memory_space<hbm>>
          %dma_wait3A_325 = arith.constant 0 : i32
          %dma_wait3A_326 = arith.constant 0 : i32
          %dma_wait3A_327 = tpu.memref_slice %arg6[%dma_wait3A_314, %dma_wait3A_325, %dma_wait3A_326] : memref<4x128x128xf32, #tpu.memory_space<vmem>> -> memref<1x128x128xf32, #tpu.memory_space<vmem>>
          %dma_wait3A_328 = tpu.memref_squeeze %dma_wait3A_327 : memref<1x128x128xf32, #tpu.memory_space<vmem>> -> memref<128x128xf32, #tpu.memory_space<vmem>>
          tpu.wait_dma2 semaphore(%arg13 : memref<!tpu.dma_semaphore, #tpu.memory_space<semaphore_mem>>) src(%dma_wait3A_328 : memref<128x128xf32, #tpu.memory_space<vmem>>) dst(%dma_wait3A_324 : memref<128x128xf32, #tpu.memory_space<hbm>>)
        } else {
        }
        %mul3A_303 = arith.constant 128 : i32
        %mul3A_304 = arith.muli %add3A_292, %mul3A_303 : i32
        %dma_start3A_305 = arith.constant 2 : i32
        %dma_start3A_306 = arith.constant 0 : i32
        %dma_start3A_307 = arith.constant 0 : i32
        %dma_start3A_308 = tpu.memref_slice %arg6[%dma_start3A_305, %dma_start3A_306, %dma_start3A_307] : memref<4x128x128xf32, #tpu.memory_space<vmem>> -> memref<1x128x128xf32, #tpu.memory_space<vmem>>
        %dma_start3A_309 = tpu.memref_squeeze %dma_start3A_308 : memref<1x128x128xf32, #tpu.memory_space<vmem>> -> memref<128x128xf32, #tpu.memory_space<vmem>>
        %dma_start3A_310 = tpu.memref_slice %arg5[%mul3A_304] : memref<25600xi32, #tpu.memory_space<vmem>> -> memref<128xi32, #tpu.memory_space<vmem>>
        %dma_start3A_311 = arith.constant 0 : i32
        %dma_start3A_312 = arith.constant 0 : i32
        %dma_start3A_313 = tpu.memref_slice %arg2[%dma_start3A_311, %dma_start3A_312] : memref<100000x128xf32, #tpu.memory_space<hbm>> -> memref<100000x128xf32, #tpu.memory_space<hbm>>
        tpu.enqueue_indirect_dma source(%dma_start3A_313 : memref<100000x128xf32, #tpu.memory_space<hbm>>) target(%dma_start3A_309 : memref<128x128xf32, #tpu.memory_space<vmem>>) offsets(%dma_start3A_310 : memref<128xi32, #tpu.memory_space<vmem>>) semaphore(%arg9 : memref<!tpu.dma_semaphore, #tpu.memory_space<semaphore_mem>>)
      } else {
      }
      %scan3A_298 = arith.constant 0 : i32
      scf.yield %scan3A_298 : i32
    }
    %scan3A_43 = arith.constant 50 : i32
    %dma_wait3A = arith.constant 0 : i32
    %dma_wait3A_44 = arith.constant 0 : i32
    %dma_wait3A_45 = arith.constant 0 : i32
    %dma_wait3A_46 = tpu.memref_slice %arg6[%dma_wait3A, %dma_wait3A_44, %dma_wait3A_45] : memref<4x128x128xf32, #tpu.memory_space<vmem>> -> memref<1x128x128xf32, #tpu.memory_space<vmem>>
    %dma_wait3A_47 = tpu.memref_squeeze %dma_wait3A_46 : memref<1x128x128xf32, #tpu.memory_space<vmem>> -> memref<128x128xf32, #tpu.memory_space<vmem>>
    %dma_wait3A_48 = arith.constant 0 : i32
    %dma_wait3A_49 = arith.constant 0 : i32
    %dma_wait3A_50 = tpu.memref_slice %arg4[%dma_wait3A_48, %dma_wait3A_49] : memref<819200x128xf32, #tpu.memory_space<hbm>> -> memref<128x128xf32, #tpu.memory_space<hbm>>
    %dma_wait3A_51 = arith.constant 0 : i32
    %dma_wait3A_52 = arith.constant 0 : i32
    %dma_wait3A_53 = tpu.memref_slice %arg4[%dma_wait3A_51, %dma_wait3A_52] : memref<819200x128xf32, #tpu.memory_space<hbm>> -> memref<128x128xf32, #tpu.memory_space<hbm>>
    %dma_wait3A_54 = arith.constant 0 : i32
    %dma_wait3A_55 = arith.constant 0 : i32
    %dma_wait3A_56 = tpu.memref_slice %arg6[%dma_wait3A, %dma_wait3A_54, %dma_wait3A_55] : memref<4x128x128xf32, #tpu.memory_space<vmem>> -> memref<1x128x128xf32, #tpu.memory_space<vmem>>
    %dma_wait3A_57 = tpu.memref_squeeze %dma_wait3A_56 : memref<1x128x128xf32, #tpu.memory_space<vmem>> -> memref<128x128xf32, #tpu.memory_space<vmem>>
    tpu.wait_dma2 semaphore(%arg11 : memref<!tpu.dma_semaphore, #tpu.memory_space<semaphore_mem>>) src(%dma_wait3A_57 : memref<128x128xf32, #tpu.memory_space<vmem>>) dst(%dma_wait3A_53 : memref<128x128xf32, #tpu.memory_space<hbm>>)
    %dma_wait3A_58 = arith.constant 1 : i32
    %dma_wait3A_59 = arith.constant 0 : i32
    %dma_wait3A_60 = arith.constant 0 : i32
    %dma_wait3A_61 = tpu.memref_slice %arg6[%dma_wait3A_58, %dma_wait3A_59, %dma_wait3A_60] : memref<4x128x128xf32, #tpu.memory_space<vmem>> -> memref<1x128x128xf32, #tpu.memory_space<vmem>>
    %dma_wait3A_62 = tpu.memref_squeeze %dma_wait3A_61 : memref<1x128x128xf32, #tpu.memory_space<vmem>> -> memref<128x128xf32, #tpu.memory_space<vmem>>
    %dma_wait3A_63 = arith.constant 0 : i32
    %dma_wait3A_64 = arith.constant 0 : i32
    %dma_wait3A_65 = tpu.memref_slice %arg4[%dma_wait3A_63, %dma_wait3A_64] : memref<819200x128xf32, #tpu.memory_space<hbm>> -> memref<128x128xf32, #tpu.memory_space<hbm>>
    %dma_wait3A_66 = arith.constant 0 : i32
    %dma_wait3A_67 = arith.constant 0 : i32
    %dma_wait3A_68 = tpu.memref_slice %arg4[%dma_wait3A_66, %dma_wait3A_67] : memref<819200x128xf32, #tpu.memory_space<hbm>> -> memref<128x128xf32, #tpu.memory_space<hbm>>
    %dma_wait3A_69 = arith.constant 0 : i32
    %dma_wait3A_70 = arith.constant 0 : i32
    %dma_wait3A_71 = tpu.memref_slice %arg6[%dma_wait3A_58, %dma_wait3A_69, %dma_wait3A_70] : memref<4x128x128xf32, #tpu.memory_space<vmem>> -> memref<1x128x128xf32, #tpu.memory_space<vmem>>
    %dma_wait3A_72 = tpu.memref_squeeze %dma_wait3A_71 : memref<1x128x128xf32, #tpu.memory_space<vmem>> -> memref<128x128xf32, #tpu.memory_space<vmem>>
    tpu.wait_dma2 semaphore(%arg12 : memref<!tpu.dma_semaphore, #tpu.memory_space<semaphore_mem>>) src(%dma_wait3A_72 : memref<128x128xf32, #tpu.memory_space<vmem>>) dst(%dma_wait3A_68 : memref<128x128xf32, #tpu.memory_space<hbm>>)
    %dma_wait3A_73 = arith.constant 2 : i32
    %dma_wait3A_74 = arith.constant 0 : i32
    %dma_wait3A_75 = arith.constant 0 : i32
    %dma_wait3A_76 = tpu.memref_slice %arg6[%dma_wait3A_73, %dma_wait3A_74, %dma_wait3A_75] : memref<4x128x128xf32, #tpu.memory_space<vmem>> -> memref<1x128x128xf32, #tpu.memory_space<vmem>>
    %dma_wait3A_77 = tpu.memref_squeeze %dma_wait3A_76 : memref<1x128x128xf32, #tpu.memory_space<vmem>> -> memref<128x128xf32, #tpu.memory_space<vmem>>
    %dma_wait3A_78 = arith.constant 0 : i32
    %dma_wait3A_79 = arith.constant 0 : i32
    %dma_wait3A_80 = tpu.memref_slice %arg4[%dma_wait3A_78, %dma_wait3A_79] : memref<819200x128xf32, #tpu.memory_space<hbm>> -> memref<128x128xf32, #tpu.memory_space<hbm>>
    %dma_wait3A_81 = arith.constant 0 : i32
    %dma_wait3A_82 = arith.constant 0 : i32
    %dma_wait3A_83 = tpu.memref_slice %arg4[%dma_wait3A_81, %dma_wait3A_82] : memref<819200x128xf32, #tpu.memory_space<hbm>> -> memref<128x128xf32, #tpu.memory_space<hbm>>
    %dma_wait3A_84 = arith.constant 0 : i32
    %dma_wait3A_85 = arith.constant 0 : i32
    %dma_wait3A_86 = tpu.memref_slice %arg6[%dma_wait3A_73, %dma_wait3A_84, %dma_wait3A_85] : memref<4x128x128xf32, #tpu.memory_space<vmem>> -> memref<1x128x128xf32, #tpu.memory_space<vmem>>
    %dma_wait3A_87 = tpu.memref_squeeze %dma_wait3A_86 : memref<1x128x128xf32, #tpu.memory_space<vmem>> -> memref<128x128xf32, #tpu.memory_space<vmem>>
    tpu.wait_dma2 semaphore(%arg13 : memref<!tpu.dma_semaphore, #tpu.memory_space<semaphore_mem>>) src(%dma_wait3A_87 : memref<128x128xf32, #tpu.memory_space<vmem>>) dst(%dma_wait3A_83 : memref<128x128xf32, #tpu.memory_space<hbm>>)
    %dma_wait3A_88 = arith.constant 3 : i32
    %dma_wait3A_89 = arith.constant 0 : i32
    %dma_wait3A_90 = arith.constant 0 : i32
    %dma_wait3A_91 = tpu.memref_slice %arg6[%dma_wait3A_88, %dma_wait3A_89, %dma_wait3A_90] : memref<4x128x128xf32, #tpu.memory_space<vmem>> -> memref<1x128x128xf32, #tpu.memory_space<vmem>>
    %dma_wait3A_92 = tpu.memref_squeeze %dma_wait3A_91 : memref<1x128x128xf32, #tpu.memory_space<vmem>> -> memref<128x128xf32, #tpu.memory_space<vmem>>
    %dma_wait3A_93 = arith.constant 0 : i32
    %dma_wait3A_94 = arith.constant 0 : i32
    %dma_wait3A_95 = tpu.memref_slice %arg4[%dma_wait3A_93, %dma_wait3A_94] : memref<819200x128xf32, #tpu.memory_space<hbm>> -> memref<128x128xf32, #tpu.memory_space<hbm>>
    %dma_wait3A_96 = arith.constant 0 : i32
    %dma_wait3A_97 = arith.constant 0 : i32
    %dma_wait3A_98 = tpu.memref_slice %arg4[%dma_wait3A_96, %dma_wait3A_97] : memref<819200x128xf32, #tpu.memory_space<hbm>> -> memref<128x128xf32, #tpu.memory_space<hbm>>
    %dma_wait3A_99 = arith.constant 0 : i32
    %dma_wait3A_100 = arith.constant 0 : i32
    %dma_wait3A_101 = tpu.memref_slice %arg6[%dma_wait3A_88, %dma_wait3A_99, %dma_wait3A_100] : memref<4x128x128xf32, #tpu.memory_space<vmem>> -> memref<1x128x128xf32, #tpu.memory_space<vmem>>
    %dma_wait3A_102 = tpu.memref_squeeze %dma_wait3A_101 : memref<1x128x128xf32, #tpu.memory_space<vmem>> -> memref<128x128xf32, #tpu.memory_space<vmem>>
    tpu.wait_dma2 semaphore(%arg14 : memref<!tpu.dma_semaphore, #tpu.memory_space<semaphore_mem>>) src(%dma_wait3A_102 : memref<128x128xf32, #tpu.memory_space<vmem>>) dst(%dma_wait3A_98 : memref<128x128xf32, #tpu.memory_space<hbm>>)
    return
  }
}

</mosaic_0001>

<sc_bundles>
// kernel: kernel.3.cloned.1.call-start
scs
__scs_entry_jumppad:
0x0: {  	(pc) =	sbr.rel $0x88, $3  }
0x1: {  	(tag) =	ssettag $0x0;
	lr =	simm.s32 $0x1  }
0x2: {  	[smem:$0x3F9F] =	sst lr;
	_ =	strace $0xD0000000  }
0x3: {  	_ = 	snop  }
0x4: {  	_ = 	snop  }
0x5: {  	_ = 	snop  }
0x6: {  	_ = 	snop  }
0x7: {  	_ = 	snop  }
__scs_overlays_trampoline_lowered:
0x8: {  	[smem:$0x3FAE] =	sst s0  }
0x9: {  	[smem:$0x3FAF] =	sst s1  }
0xa: {  	[smem:$0x3FB0] =	sst s2  }
0xb: {  	[smem:$0x3FB1] =	sst s3  }
0xc: {  	[smem:$0x3FB2] =	sst s4  }
0xd: {  	[smem:$0x3FB3] =	sst s5  }
0xe: {  	[smem:$0x3FB4] =	sst s6  }
0xf: {  	[smem:$0x3FB5] =	sst s7  }
0x10: {  	[smem:$0x3FB6] =	sst s8  }
0x11: {  	[smem:$0x3FB7] =	sst s9;
	s0 =	simm.s32 @!p0 $0x0  }
0x12: {  	s1 =	sld [smem:$0x3F9D];
	s0 =	simm.s32 @p0 $0x1  }
0x13: {  	[smem:$0x3FB8] =	sst s0;
	s0 =	simm.s32 @!p1 $0x0  }
0x14: {  	s2 =	sld [smem:$0x3F9C];
	s0 =	simm.s32 @p1 $0x1  }
0x15: {  	[smem:$0x3FB9] =	sst s0;
	s0 =	simm.s32 @!p2 $0x0  }
0x16: {  	s3 =	sld [smem:$0x3FDB];
	s0 =	simm.s32 @p2 $0x1  }
0x17: {  	s4 =	simm.s32 $0x1BF5;
	[smem:$0x3FBB] =	sst s0  }
0x18: {  	s0 =	sld [smem:$0x3F9E];
	_ =	swait.ge [sflag:s4], $0x0  }
0x19: {  	s7 =	sld [smem:$0x3F9F]  }
0x1a: {  	s8 =	sadd.s32 $0xFFFFE003, lr  }
0x1b: {  	s9 =	sadd.s32 $0xFFFFFEF7, lr;
	s5 =	simm.s32 $0xFFFFFFFF;
	p2 =	slt.u32 s8, $0xFFFFF086  }
0x1c: {  	p1 =	slt.u32 s9, $0xF7A;
	s5 =	simm.s32 @!p2 $0x0  }
0x1d: {  	s5 =	simm.s32 @p1 $0x1;
	p0 =	seq.s32 s7, s2  }
0x1e: {  	s7 =	smul.u32 @!p0 $0xF7A, s2;
	p2 =	seq.s32 @!p0 s5, $0x0  }
0x1f: {  	s9 =	smul.u32 $0xF7A, s1;
	s8 =	simm.s32 @!p0 $0x1BF5;
	p2 =	por !p2, p0  }
0x20: {  	[sflag:s8] =	ssyncset.s32 @!p0 $0xFFFFF086;
	s6 =	sadd.s32 @!p0 s3, s7;
	s7 =	simm.s32 @!p0 $0x108  }
0x21: {  	s3 =	sadd.s32 s3, s9;
	s6 =	sadd.s32 @!p0 $0x88, s6;
	s7 =	simm.s32 @p2 $0x1082  }
0x22: {  	[simem:s7], [sflag:s8] =	dma.local @!p0 [hbm:s6], $0xF7A  }
0x23: {  	s9 =	sor.u32 $0xD0000000, s2;
	s6 =	simm.s32 $0x108;
	_ =	swait.ge @!p0 [sflag:s8], $0x0  }
0x24: {  	s3 =	sadd.s32 $0x88, s3;
	s6 =	simm.s32 @!p1 $0x1082;
	[sflag:s4] =	ssyncset.s32 $0xFFFFF086  }
0x25: {  	[simem:s6], [sflag:s4] =	dma.local [hbm:s3], $0xF7A  }
0x26: {  	[smem:$0x3F9F] =	sst s1;
	(tag) =	ssettag s2;
	_ =	strace s9  }
0x27: {  	s1 =	sld [smem:$0x3FAF]  }
0x28: {  	s2 =	sld [smem:$0x3FB0]  }
0x29: {  	s4 =	sld [smem:$0x3FB2]  }
0x2a: {  	p0 =	seq.s32 s5, $0x0;
	s5 =	sld [smem:$0x3FB3]  }
0x2b: {  	s6 =	sld [smem:$0x3FB4]  }
0x2c: {  	s7 =	sld [smem:$0x3FB5]  }
0x2d: {  	s3 =	simm.s32 $0x108;
	s8 =	sld [smem:$0x3FB6]  }
0x2e: {  	s3 =	simm.s32 @!p0 $0x1082;
	s9 =	sld [smem:$0x3FB7]  }
0x2f: {  	lr =	sadd.s32 s0, s3;
	s0 =	sld [smem:$0x3FAE]  }
0x30: {  	s3 =	sld [smem:$0x3FB1]  }
0x31: {  	[smem:$0x3FBA] =	sst s10  }
0x32: {  	s10 =	sld [smem:$0x3FB8];
	_ =	sdelay $0x3  }
0x33: {  	p0 =	seq.s32 s10, $0x1;
	s10 =	sld [smem:$0x3FBA];
	_ =	sdelay $0x3  }
0x34: {  	[smem:$0x3FBA] =	sst s10  }
0x35: {  	s10 =	sld [smem:$0x3FB9];
	_ =	sdelay $0x3  }
0x36: {  	p1 =	seq.s32 s10, $0x1;
	s10 =	sld [smem:$0x3FBA];
	_ =	sdelay $0x3  }
0x37: {  	[smem:$0x3FBA] =	sst s10  }
0x38: {  	s10 =	sld [smem:$0x3FBB]  }
0x39: {  	_ = 	snop;
	(pc) =	sbr.ind lr, $3  }
0x3a: {  	_ = 	snop  }
0x3b: {  	_ = 	snop  }
0x3c: {  	p2 =	seq.s32 s10, $0x1;
	s10 =	sld [smem:$0x3FBA]  }
0x3d: {  	_ =	shalt  }
0x3e: {  	_ =	shalt  }
0x3f: {  	_ =	shalt  }
0x40: {  	_ =	shalt  }
0x41: {  	_ =	shalt  }
0x42: {  	_ =	shalt  }
0x43: {  	_ =	shalt  }
0x44: {  	_ =	shalt  }
0x45: {  	_ =	shalt  }
0x46: {  	_ =	shalt  }
0x47: {  	_ =	shalt  }
0x48: {  	_ =	shalt  }
0x49: {  	_ =	shalt  }
0x4a: {  	_ =	shalt  }
0x4b: {  	_ =	shalt  }
0x4c: {  	_ =	shalt  }
0x4d: {  	_ =	shalt  }
0x4e: {  	_ =	shalt  }
0x4f: {  	_ =	shalt  }
0x50: {  	_ =	shalt  }
0x51: {  	_ =	shalt  }
0x52: {  	_ =	shalt  }
0x53: {  	_ =	shalt  }
0x54: {  	_ =	shalt  }
0x55: {  	_ =	shalt  }
0x56: {  	_ =	shalt  }
0x57: {  	_ =	shalt  }
0x58: {  	_ =	shalt  }
0x59: {  	_ =	shalt  }
0x5a: {  	_ =	shalt  }
0x5b: {  	_ =	shalt  }
0x5c: {  	_ =	shalt  }
0x5d: {  	_ =	shalt  }
0x5e: {  	_ =	shalt  }
0x5f: {  	_ =	shalt  }
0x60: {  	_ =	shalt  }
0x61: {  	_ =	shalt  }
0x62: {  	_ =	shalt  }
0x63: {  	_ =	shalt  }
0x64: {  	_ =	shalt  }
0x65: {  	_ =	shalt  }
0x66: {  	_ =	shalt  }
0x67: {  	_ =	shalt  }
0x68: {  	_ =	shalt  }
0x69: {  	_ =	shalt  }
0x6a: {  	_ =	shalt  }
0x6b: {  	_ =	shalt  }
0x6c: {  	_ =	shalt  }
0x6d: {  	_ =	shalt  }
0x6e: {  	_ =	shalt  }
0x6f: {  	_ =	shalt  }
0x70: {  	_ =	shalt  }
0x71: {  	_ =	shalt  }
0x72: {  	_ =	shalt  }
0x73: {  	_ =	shalt  }
0x74: {  	_ =	shalt  }
0x75: {  	_ =	shalt  }
0x76: {  	_ =	shalt  }
0x77: {  	_ =	shalt  }
0x78: {  	_ =	shalt  }
0x79: {  	_ =	shalt  }
0x7a: {  	_ =	shalt  }
0x7b: {  	_ =	shalt  }
0x7c: {  	_ =	shalt  }
0x7d: {  	_ =	shalt  }
0x7e: {  	_ =	shalt  }
0x7f: {  	_ =	shalt  }
0x80: {  	_ =	shalt  }
0x81: {  	_ =	shalt  }
0x82: {  	_ =	shalt  }
0x83: {  	_ =	shalt  }
0x84: {  	_ =	shalt  }
0x85: {  	_ =	shalt  }
0x86: {  	_ =	shalt  }
0x87: {  	_ =	shalt  }
.Lfunc_end0:
.L_simem_size_0:
called_computation_lowered:
.L_overlay_start_0:
0x88: {  	s2 =	sld [smem:$0x3FD9]  }
0x89: {  	s3 =	sld [smem:$0x3FFE];
	_ =	sdelay $0x1  }
0x8a: {  	s1 =	srdreg.scid  }
0x8b: {  	s0 =	sand.u32 $0x1, s1  }
0x8c: {  	s17 =	sshll.u32 s0, $0xA;
	s2 =	sadd.s32 s3, s2  }
0x8d: {  	s2 =	sadd.s32 s2, s17  }
0x8e: {  	[smem:$0x3FC6] =	sst s2  }
0x8f: {  	_ = 	snop  }
0x90: {  	s2 =	sld [smem:$0x3FC8]  }
0x91: {  	s18 =	sld [smem:$0x3FD0];
	(tm) =	ssettm $0x1  }
0x92: {  	s4 =	sld [smem:$0x3FFB];
	_ =	sdelay $0x3  }
0x93: {  	_ =	strace s4  }
0x94: {  	s4 =	sld [smem:$0x3FFC];
	_ =	sdelay $0x3  }
0x95: {  	_ =	strace s4  }
0x96: {  	s4 =	sld [smem:$0x3FFD];
	_ =	sdelay $0x3  }
0x97: {  	_ =	strace s4  }
0x98: {  	_ =	strace $0x8FFFFFFF  }
0x99: {  	s19 =	sld [smem:$0x3FDB];
	_ =	sdelay $0x1  }
0x9a: {  	s5 =	simm.s32 $_scs_section_size  }
0x9b: {  	s6 =	simm.s32 $_size__tile_overlayer_lowered;
	s7 =	simm.s32 $_tile_overlayer_lowered  }
0x9c: {  	s22 =	simm.s32 $0x1BFF;
	s21 =	sshll.u32 s7, $0x1;
	s4 =	sadd.s32 s5, s19  }
0x9d: {  	s8 =	simm.s32 $0x0;
	s20 =	sshll.u32 s6, $0x1;
	s6 =	sadd.s32 s21, s4  }
0x9e: {  	[timem:s8], [sflag:s22] =	dma.local [hbm:s6], s20  }
0x9f: {  	_ =	swait.ge [sflag:s22], s20  }
0xa0: {  	s5 =	ssub.s32 $0x0, s20;
	[sflag:s22] =	ssyncset.done $0x0  }
0xa1: {  	[sflag:s22] =	ssyncadd.s32 s5;
	_ =	sdelay $0x1  }
0xa2: {  	s23 =	simm.s32 $0x1B8B  }
0xa3: {  	_ =	swait.ge [sflag:s23], $0x1  }
0xa4: {  	[sflag:s23] =	ssyncset.done $0x0  }
0xa5: {  	s25 =	simm.s32 $0x1B8E;
	s24 =	sld [smem:$0x3FFE];
	[sflag:s23] =	ssyncadd.s32 $0xFFFFFFFF  }
0xa6: {  	s26 =	simm.s32 $execute0_lowered;
	[smem:$0x3FD2] =	sst s25  }
0xa7: {  	s6 =	sshll.u32 s26, $0x1;
	_ =	strace $0x80000046;
	[dreg:$0x1] =	wrdreg $0xFFFFFFFF  }
0xa8: {  	s28 =	simm.s32 $_size_execute0_lowered;
	s4 =	sadd.s32 s4, s6;
	[dreg:$0x0] =	wrdreg $0x0  }
0xa9: {  	s6 =	sshll.u32 s28, $0x1;
	[dreg:$0x2] =	wrdreg s4  }
0xaa: {  	[dreg:$0x3] =	wrdreg s6  }
0xab: {  	[dreg:$0x4] =	wrdreg $0xC0  }
0xac: {  	_ =	task [dreg:s8], $0x5FFFF  }
0xad: {  	[dreg:$0x1] =	wrdreg $0xFFFFFFFF  }
0xae: {  	[dreg:$0x0] =	wrdreg $0x60  }
0xaf: {  	[dreg:$0x2] =	wrdreg s2  }
0xb0: {  	[dreg:$0x3] =	wrdreg s24  }
0xb1: {  	[dreg:$0x4] =	wrdreg s18  }
0xb2: {  	[dreg:$0x5] =	wrdreg $0x9  }
0xb3: {  	_ =	task.clear_ibuf [dreg:s8], $0x6FFFF;
	_ =	strace $0x90000046  }
0xb4: {  	s29 =	simm.s32 $0x9;
	_ =	strace $0x80000048  }
0xb5: {  	_ =	swait.ge [sflag:s29], $0x1  }
0xb6: {  	[sflag:s29] =	ssyncadd.s32 $0xFFFFFFFF  }
0xb7: {  	_ =	strace $0x90000048  }
0xb8: {  	_ =	sfence  }
0xb9: {  	s30 =	sld [smem:$0x0];
	_ =	sdelay $0x2  }
0xba: {  	s31 =	sshll.u32 s1, $0xD;
	s1 =	sshrl.u32 s1, $0x2  }
0xbb: {  	s3 =	sand.u32 $0x4000, s31;
	s1 =	sadd.s32 s1, s30  }
0xbc: {  	s0 =	sor.u32 s3, s0;
	s1 =	sshll.u32 s1, $0x11  }
0xbd: {  	s0 =	sor.u32 s1, s0  }
0xbe: {  	s0 =	sadd.s32 $0x8F2B, s0  }
0xbf: {  	[sflag:s0] =	ssyncadd.remote.s32 $0x1  }
0xc0: {  	_ =	sfence.sel $0xFFFF  }
0xc1: {  	[dreg:$0x0] =	wrdreg $0xFFFFFFFF;
	(pc) =	sbr.abs _section_cstart, $3  }
0xc2: {  	[dreg:$0x1] =	wrdreg $0xFFFFFFFF  }
0xc3: {  	_ =	task.clear_ibuf [dreg:s8], $0x2FFFF;
	_ =	strace $0x9FFFFFFF  }
0xc4: {  	(tm) =	ssettm $0x7FFFFFFF  }
0xc5: {  	_ =	shalt  }
tec
execute0_lowered:
.L_overlay_start_1:
0x0: {  	(tag) =	ssettag $0x1  }
0x1: {  	s1 =	rddreg [dreg:$0x0]  }
0x2: {  	s0 =	rddreg [dreg:$0x1];
	s2 =	srdreg.scid  }
0x3: {  	s4 =	stileid.u32;
	s3 =	rddreg [dreg:$0x2];
	s9 =	simm.s32 $0x6400  }
0x4: {  	s10 =	simm.s32 $0xA400;
	s11 =	simm.s32 $0xE400;
	s12 =	simm.s32 $0x1  }
0x5: {  	s13 =	simm.s32 $0x80;
	s14 =	simm.s32 $0x12400;
	s15 =	simm.s32 $0x2  }
0x6: {  	s16 =	simm.s32 $0x3;
	s2 =	sand.u32 $0x1, s2;
	s4 =	sshll.u32 s4, $0x1  }
0x7: {  	s17 =	simm.s32 $0x4;
	s18 =	simm.s32 $0x5;
	s5 =	sor.u32 s2, s4  }
0x8: {  	s19 =	simm.s32 $0x6;
	s2 =	ssub.s32 $0x2, s2;
	s6 =	smul.u32 $0xC80, s5  }
.Ltmp0:
0x9: {  	s20 =	simm.s32 $0x7;
	s7 =	sshrl.u32 s2, $0x1;
	(pc) =	sbr.rel .LBB2_1-.Ltmp0, $4  }
0xa: {  	s21 =	simm.s32 $0x8;
	s4 =	simm.s32 $0x0;
	s2 =	ssub.s32 s2, s7  }
0xb: {  	[smem:$0x7FF] =	sst s4;
	s0 =	sadd.s32 s6, s0;
	s31 =	smax.u32 s2, $0x1  }
0xc: {  	_ =	strace $0x80000047;
	s0 =	sadd.s32 $0x400, s0;
	[dreg:$0x5] =	wrdreg s31  }
0xd: {  	s22 =	simm.s32 $0x0;
	s6 =	smul.u32 $0x320000, s5;
	[dreg:$0x4] =	wrdreg s0  }
.LBB2_20:
0xe: {  	_ =	swait.ge [sflag:s18], $0x4000  }
0xf: {  	[sflag:s18] =	ssyncset.done $0x0  }
0x10: {  	[sflag:s18] =	ssyncadd.s32 $0xFFFFC000  }
0x11: {  	_ =	swait.ge [sflag:s19], $0x4000  }
0x12: {  	[sflag:s19] =	ssyncset.done $0x0  }
0x13: {  	[sflag:s19] =	ssyncadd.s32 $0xFFFFC000  }
0x14: {  	_ =	swait.ge [sflag:s20], $0x4000  }
0x15: {  	[sflag:s20] =	ssyncset.done $0x0  }
0x16: {  	[sflag:s20] =	ssyncadd.s32 $0xFFFFC000  }
0x17: {  	_ =	swait.ge [sflag:s21], $0x4000  }
0x18: {  	s22 =	sadd.s32 $0x1, s22;
	s0 =	rddreg [dreg:$0x5]  }
0x19: {  	p0 =	sne.s32 s22, s0  }
.Ltmp1:
0x1a: {  	_ = 	snop;
	(pc) =	sbr.rel @!p0 .LBB2_21-.Ltmp1, $3  }
0x1b: {  	_ =	sdelay $0x1  }
0x1c: {  	[sflag:s21] =	ssyncset.done $0x0  }
0x1d: {  	[sflag:s21] =	ssyncadd.s32 $0xFFFFC000  }
.LBB2_1:
0x1e: {  	s0 =	rddreg [dreg:$0x4];
	s31 =	simm.s32 $0x9  }
0x1f: {  	[tilespmem:s4], [sflag:$0x9] =	stream.linear.gather [hbm4b:s0+s4], $0x6400, $0x38;
	[tilespmem:$0x16400] =	vst v63  }
0x20: {  	_ =	swait.ge [sflag:s31], $0x6400  }
0x21: {  	[sflag:s31] =	ssyncset.done $0x0  }
0x22: {  	[sflag:s31] =	ssyncadd.s32 $0xFFFF9C00  }
0x23: {  	[tilespmem:s9], [sflag:$0x1] =	stream.indirect.gather [hbm4b:s1+s13], $0x80, s4, s13, $0xb8;
	[tilespmem:$0x16400] =	vst v63  }
0x24: {  	s23 =	simm.s32 $0x100;
	s24 =	simm.s32 $0x180  }
0x25: {  	[tilespmem:s10], [sflag:$0x2] =	stream.indirect.gather [hbm4b:s1+s13], $0x80, s13, s13, $0xb8;
	[tilespmem:$0x16400] =	vst v63  }
0x26: {  	s5 =	simm.s32 $0x80;
	s26 =	simm.s32 $0x0;
	s28 =	simm.s32 $0x0  }
0x27: {  	[tilespmem:s11], [sflag:$0x3] =	stream.indirect.gather [hbm4b:s1+s13], $0x80, s23, s13, $0xb8;
	[tilespmem:$0x16400] =	vst v63  }
.LBB2_2:
.Ltmp2:
0x28: {  	(pc) =	sbr.rel .LBB2_3-.Ltmp2, $4  }
0x29: {  	_ = 	snop  }
0x2a: {  	_ =	swait.ge [sflag:s12], $0x4000  }
0x2b: {  	s0 =	sshll.u32 s28, $0x9;
	s2 =	simm.s32 $0x6800;
	[sflag:s12] =	ssyncset.done $0x0  }
0x2c: {  	v0 =	vmov s26;
	s29 =	sand.u32 $0x3FFFFE00, s0;
	s0 =	simm.s32 $0x0;
	[sflag:s12] =	ssyncadd.s32 $0xFFFFC000  }
.LBB2_5:
0x2d: {  	s0 =	sadd.s32 $0x40, s0  }
0x2e: {  	p0 =	sne.s32 s0, $0x200  }
.Ltmp3:
0x2f: {  	_ = 	snop;
	(pc) =	sbr.rel @!p0 .LBB2_6-.Ltmp3, $2  }
0x30: {  	_ =	sdelay $0x2  }
0x31: {  	s2 =	sadd.s32 $0x800, s2  }
.LBB2_3:
0x32: {  	_ =	sdelay $0x2  }
0x33: {  	s25 =	sshra.s32 s0, $0x2  }
0x34: {  	v1 =	vld.idx.msk [tilespmem:v0+s25+$0x0 ss:$0x1], $0xffff;
	_ =	sdelay $0x4  }
0x35: {  	vm0 =	veq.s32 v1, $0x0  }
0x36: {  	v2 =	vmpcnt.ones.xlane vm0;
	_ =	sdelay $0x1  }
0x37: {  	(v2sf) =	vpush v2, $0x0;
	_ =	sdelay $0xe  }
0x38: {  	s31 =	spop (v2sf)  }
0x39: {  	p0 =	slt.s32 s31, $0x1  }
.Ltmp4:
0x3a: {  	_ = 	snop;
	(pc) =	sbr.rel @p0 .LBB2_5-.Ltmp4, $1  }
0x3b: {  	_ =	sdelay $0x3  }
0x3c: {  	(v2sf) =	vpush v1, $0x0;
	_ =	sdelay $0x7  }
0x3d: {  	(v2sf) =	vpush v1, $0x1;
	_ =	sdelay $0x6  }
0x3e: {  	s25 =	spop (v2sf)  }
0x3f: {  	(v2sf) =	vpush v1, $0x2;
	p0 =	sne.s32 s25, $0x0  }
0x40: {  	v2 =	vimm.f32 @!p0 $0.0e+00  }
0x41: {  	[tilespmem:s2+$0xFFFFFC00] =	vst @!p0 v2  }
0x42: {  	[tilespmem:s2+$0xFFFFFC10] =	vst @!p0 v2  }
0x43: {  	[tilespmem:s2+$0xFFFFFC20] =	vst @!p0 v2  }
0x44: {  	[tilespmem:s2+$0xFFFFFC30] =	vst @!p0 v2  }
0x45: {  	[tilespmem:s2+$0xFFFFFC40] =	vst @!p0 v2  }
0x46: {  	s8 =	spop (v2sf);
	[tilespmem:s2+$0xFFFFFC50] =	vst @!p0 v2  }
0x47: {  	(v2sf) =	vpush v1, $0x3;
	p1 =	sne.s32 s8, $0x0;
	[tilespmem:s2+$0xFFFFFC60] =	vst @!p0 v2  }
0x48: {  	[tilespmem:s2+$0xFFFFFC70] =	vst @!p0 v2;
	v2 =	vimm.f32 @!p1 $0.0e+00  }
0x49: {  	[tilespmem:s2+$0xFFFFFC80] =	vst @!p1 v2  }
0x4a: {  	[tilespmem:s2+$0xFFFFFC90] =	vst @!p1 v2  }
0x4b: {  	[tilespmem:s2+$0xFFFFFCA0] =	vst @!p1 v2  }
0x4c: {  	[tilespmem:s2+$0xFFFFFCB0] =	vst @!p1 v2  }
0x4d: {  	[tilespmem:s2+$0xFFFFFCC0] =	vst @!p1 v2  }
0x4e: {  	[tilespmem:s2+$0xFFFFFCD0] =	vst @!p1 v2;
	s30 =	spop (v2sf)  }
0x4f: {  	[tilespmem:s2+$0xFFFFFCE0] =	vst @!p1 v2;
	(v2sf) =	vpush v1, $0x4;
	p0 =	sne.s32 s30, $0x0  }
0x50: {  	[tilespmem:s2+$0xFFFFFCF0] =	vst @!p1 v2;
	v2 =	vimm.f32 @!p0 $0.0e+00  }
0x51: {  	[tilespmem:s2+$0xFFFFFD00] =	vst @!p0 v2  }
0x52: {  	[tilespmem:s2+$0xFFFFFD10] =	vst @!p0 v2  }
0x53: {  	[tilespmem:s2+$0xFFFFFD20] =	vst @!p0 v2  }
0x54: {  	[tilespmem:s2+$0xFFFFFD30] =	vst @!p0 v2  }
0x55: {  	[tilespmem:s2+$0xFFFFFD40] =	vst @!p0 v2  }
0x56: {  	s31 =	spop (v2sf);
	[tilespmem:s2+$0xFFFFFD50] =	vst @!p0 v2  }
0x57: {  	(v2sf) =	vpush v1, $0x5;
	p1 =	sne.s32 s31, $0x0;
	[tilespmem:s2+$0xFFFFFD60] =	vst @!p0 v2  }
0x58: {  	[tilespmem:s2+$0xFFFFFD70] =	vst @!p0 v2;
	v2 =	vimm.f32 @!p1 $0.0e+00  }
0x59: {  	[tilespmem:s2+$0xFFFFFD80] =	vst @!p1 v2  }
0x5a: {  	[tilespmem:s2+$0xFFFFFD90] =	vst @!p1 v2  }
0x5b: {  	[tilespmem:s2+$0xFFFFFDA0] =	vst @!p1 v2  }
0x5c: {  	[tilespmem:s2+$0xFFFFFDB0] =	vst @!p1 v2  }
0x5d: {  	[tilespmem:s2+$0xFFFFFDC0] =	vst @!p1 v2  }
0x5e: {  	[tilespmem:s2+$0xFFFFFDD0] =	vst @!p1 v2;
	s7 =	spop (v2sf)  }
0x5f: {  	[tilespmem:s2+$0xFFFFFDE0] =	vst @!p1 v2;
	(v2sf) =	vpush v1, $0x6;
	p0 =	sne.s32 s7, $0x0  }
0x60: {  	[tilespmem:s2+$0xFFFFFDF0] =	vst @!p1 v2;
	v2 =	vimm.f32 @!p0 $0.0e+00  }
0x61: {  	[tilespmem:s2+$0xFFFFFE00] =	vst @!p0 v2  }
0x62: {  	[tilespmem:s2+$0xFFFFFE10] =	vst @!p0 v2  }
0x63: {  	[tilespmem:s2+$0xFFFFFE20] =	vst @!p0 v2  }
0x64: {  	[tilespmem:s2+$0xFFFFFE30] =	vst @!p0 v2  }
0x65: {  	[tilespmem:s2+$0xFFFFFE40] =	vst @!p0 v2  }
0x66: {  	s8 =	spop (v2sf);
	[tilespmem:s2+$0xFFFFFE50] =	vst @!p0 v2  }
0x67: {  	(v2sf) =	vpush v1, $0x7;
	p1 =	sne.s32 s8, $0x0;
	[tilespmem:s2+$0xFFFFFE60] =	vst @!p0 v2  }
0x68: {  	[tilespmem:s2+$0xFFFFFE70] =	vst @!p0 v2;
	v2 =	vimm.f32 @!p1 $0.0e+00  }
0x69: {  	[tilespmem:s2+$0xFFFFFE80] =	vst @!p1 v2  }
0x6a: {  	[tilespmem:s2+$0xFFFFFE90] =	vst @!p1 v2  }
0x6b: {  	[tilespmem:s2+$0xFFFFFEA0] =	vst @!p1 v2  }
0x6c: {  	[tilespmem:s2+$0xFFFFFEB0] =	vst @!p1 v2  }
0x6d: {  	[tilespmem:s2+$0xFFFFFEC0] =	vst @!p1 v2  }
0x6e: {  	[tilespmem:s2+$0xFFFFFED0] =	vst @!p1 v2;
	s30 =	spop (v2sf)  }
0x6f: {  	[tilespmem:s2+$0xFFFFFEE0] =	vst @!p1 v2;
	(v2sf) =	vpush v1, $0x8;
	p0 =	sne.s32 s30, $0x0  }
0x70: {  	[tilespmem:s2+$0xFFFFFEF0] =	vst @!p1 v2;
	v2 =	vimm.f32 @!p0 $0.0e+00  }
0x71: {  	[tilespmem:s2+$0xFFFFFF00] =	vst @!p0 v2  }
0x72: {  	[tilespmem:s2+$0xFFFFFF10] =	vst @!p0 v2  }
0x73: {  	[tilespmem:s2+$0xFFFFFF20] =	vst @!p0 v2  }
0x74: {  	[tilespmem:s2+$0xFFFFFF30] =	vst @!p0 v2  }
0x75: {  	[tilespmem:s2+$0xFFFFFF40] =	vst @!p0 v2  }
0x76: {  	s31 =	spop (v2sf);
	[tilespmem:s2+$0xFFFFFF50] =	vst @!p0 v2  }
0x77: {  	(v2sf) =	vpush v1, $0x9;
	p1 =	sne.s32 s31, $0x0;
	[tilespmem:s2+$0xFFFFFF60] =	vst @!p0 v2  }
0x78: {  	[tilespmem:s2+$0xFFFFFF70] =	vst @!p0 v2;
	v2 =	vimm.f32 @!p1 $0.0e+00  }
0x79: {  	[tilespmem:s2+$0xFFFFFF80] =	vst @!p1 v2  }
0x7a: {  	[tilespmem:s2+$0xFFFFFF90] =	vst @!p1 v2  }
0x7b: {  	[tilespmem:s2+$0xFFFFFFA0] =	vst @!p1 v2  }
0x7c: {  	[tilespmem:s2+$0xFFFFFFB0] =	vst @!p1 v2  }
0x7d: {  	[tilespmem:s2+$0xFFFFFFC0] =	vst @!p1 v2  }
0x7e: {  	[tilespmem:s2+$0xFFFFFFD0] =	vst @!p1 v2;
	s7 =	spop (v2sf)  }
0x7f: {  	[tilespmem:s2+$0xFFFFFFE0] =	vst @!p1 v2;
	(v2sf) =	vpush v1, $0xA;
	p0 =	sne.s32 s7, $0x0  }
0x80: {  	[tilespmem:s2+$0xFFFFFFF0] =	vst @!p1 v2;
	v2 =	vimm.f32 @!p0 $0.0e+00  }
0x81: {  	[tilespmem:s2+$0x0] =	vst @!p0 v2  }
0x82: {  	[tilespmem:s2+$0x10] =	vst @!p0 v2  }
0x83: {  	[tilespmem:s2+$0x20] =	vst @!p0 v2  }
0x84: {  	[tilespmem:s2+$0x30] =	vst @!p0 v2  }
0x85: {  	[tilespmem:s2+$0x40] =	vst @!p0 v2  }
0x86: {  	s8 =	spop (v2sf);
	[tilespmem:s2+$0x50] =	vst @!p0 v2  }
0x87: {  	(v2sf) =	vpush v1, $0xB;
	p1 =	sne.s32 s8, $0x0;
	[tilespmem:s2+$0x60] =	vst @!p0 v2  }
0x88: {  	[tilespmem:s2+$0x70] =	vst @!p0 v2;
	v2 =	vimm.f32 @!p1 $0.0e+00  }
0x89: {  	[tilespmem:s2+$0x80] =	vst @!p1 v2  }
0x8a: {  	[tilespmem:s2+$0x90] =	vst @!p1 v2  }
0x8b: {  	[tilespmem:s2+$0xA0] =	vst @!p1 v2  }
0x8c: {  	[tilespmem:s2+$0xB0] =	vst @!p1 v2  }
0x8d: {  	[tilespmem:s2+$0xC0] =	vst @!p1 v2  }
0x8e: {  	[tilespmem:s2+$0xD0] =	vst @!p1 v2;
	s30 =	spop (v2sf)  }
0x8f: {  	[tilespmem:s2+$0xE0] =	vst @!p1 v2;
	(v2sf) =	vpush v1, $0xC;
	p0 =	sne.s32 s30, $0x0  }
0x90: {  	[tilespmem:s2+$0xF0] =	vst @!p1 v2;
	v2 =	vimm.f32 @!p0 $0.0e+00  }
0x91: {  	[tilespmem:s2+$0x100] =	vst @!p0 v2  }
0x92: {  	[tilespmem:s2+$0x110] =	vst @!p0 v2  }
0x93: {  	[tilespmem:s2+$0x120] =	vst @!p0 v2  }
0x94: {  	[tilespmem:s2+$0x130] =	vst @!p0 v2  }
0x95: {  	[tilespmem:s2+$0x140] =	vst @!p0 v2  }
0x96: {  	s31 =	spop (v2sf);
	[tilespmem:s2+$0x150] =	vst @!p0 v2  }
0x97: {  	(v2sf) =	vpush v1, $0xD;
	p1 =	sne.s32 s31, $0x0;
	[tilespmem:s2+$0x160] =	vst @!p0 v2  }
0x98: {  	[tilespmem:s2+$0x170] =	vst @!p0 v2;
	v2 =	vimm.f32 @!p1 $0.0e+00  }
0x99: {  	[tilespmem:s2+$0x180] =	vst @!p1 v2  }
0x9a: {  	[tilespmem:s2+$0x190] =	vst @!p1 v2  }
0x9b: {  	[tilespmem:s2+$0x1A0] =	vst @!p1 v2  }
0x9c: {  	[tilespmem:s2+$0x1B0] =	vst @!p1 v2  }
0x9d: {  	[tilespmem:s2+$0x1C0] =	vst @!p1 v2  }
0x9e: {  	[tilespmem:s2+$0x1D0] =	vst @!p1 v2;
	s7 =	spop (v2sf)  }
0x9f: {  	[tilespmem:s2+$0x1E0] =	vst @!p1 v2;
	(v2sf) =	vpush v1, $0xE;
	p0 =	sne.s32 s7, $0x0  }
0xa0: {  	[tilespmem:s2+$0x1F0] =	vst @!p1 v2;
	v2 =	vimm.f32 @!p0 $0.0e+00  }
0xa1: {  	[tilespmem:s2+$0x200] =	vst @!p0 v2  }
0xa2: {  	[tilespmem:s2+$0x210] =	vst @!p0 v2  }
0xa3: {  	[tilespmem:s2+$0x220] =	vst @!p0 v2  }
0xa4: {  	[tilespmem:s2+$0x230] =	vst @!p0 v2  }
0xa5: {  	[tilespmem:s2+$0x240] =	vst @!p0 v2  }
0xa6: {  	s8 =	spop (v2sf);
	[tilespmem:s2+$0x250] =	vst @!p0 v2  }
0xa7: {  	(v2sf) =	vpush v1, $0xF;
	p1 =	sne.s32 s8, $0x0;
	[tilespmem:s2+$0x260] =	vst @!p0 v2  }
0xa8: {  	[tilespmem:s2+$0x270] =	vst @!p0 v2;
	v1 =	vimm.f32 @!p1 $0.0e+00  }
0xa9: {  	[tilespmem:s2+$0x280] =	vst @!p1 v1  }
0xaa: {  	[tilespmem:s2+$0x290] =	vst @!p1 v1  }
0xab: {  	[tilespmem:s2+$0x2A0] =	vst @!p1 v1  }
0xac: {  	[tilespmem:s2+$0x2B0] =	vst @!p1 v1  }
0xad: {  	[tilespmem:s2+$0x2C0] =	vst @!p1 v1  }
0xae: {  	[tilespmem:s2+$0x2D0] =	vst @!p1 v1;
	s30 =	spop (v2sf)  }
0xaf: {  	[tilespmem:s2+$0x2E0] =	vst @!p1 v1;
	p0 =	sne.s32 s30, $0x0  }
0xb0: {  	[tilespmem:s2+$0x2F0] =	vst @!p1 v1;
	v1 =	vimm.f32 @!p0 $0.0e+00  }
0xb1: {  	[tilespmem:s2+$0x300] =	vst @!p0 v1  }
0xb2: {  	[tilespmem:s2+$0x310] =	vst @!p0 v1  }
0xb3: {  	[tilespmem:s2+$0x320] =	vst @!p0 v1  }
0xb4: {  	[tilespmem:s2+$0x330] =	vst @!p0 v1  }
0xb5: {  	[tilespmem:s2+$0x340] =	vst @!p0 v1  }
0xb6: {  	s31 =	spop (v2sf);
	[tilespmem:s2+$0x350] =	vst @!p0 v1  }
0xb7: {  	p1 =	sne.s32 s31, $0x0;
	[tilespmem:s2+$0x360] =	vst @!p0 v1  }
0xb8: {  	[tilespmem:s2+$0x370] =	vst @!p0 v1;
	v1 =	vimm.f32 @!p1 $0.0e+00  }
0xb9: {  	[tilespmem:s2+$0x380] =	vst @!p1 v1  }
0xba: {  	[tilespmem:s2+$0x390] =	vst @!p1 v1  }
0xbb: {  	[tilespmem:s2+$0x3A0] =	vst @!p1 v1  }
.Ltmp5:
0xbc: {  	[tilespmem:s2+$0x3B0] =	vst @!p1 v1;
	(pc) =	sbr.rel .LBB2_5-.Ltmp5, $4  }
0xbd: {  	[tilespmem:s2+$0x3C0] =	vst @!p1 v1  }
0xbe: {  	[tilespmem:s2+$0x3D0] =	vst @!p1 v1  }
0xbf: {  	[tilespmem:s2+$0x3E0] =	vst @!p1 v1  }
0xc0: {  	[tilespmem:s2+$0x3F0] =	vst @!p1 v1  }
.LBB2_6:
0xc1: {  	s0 =	sshll.u32 s28, $0x10  }
0xc2: {  	s0 =	sadd.s32 s6, s0  }
0xc3: {  	s0 =	sshrl.u32 s0, $0x3  }
0xc4: {  	p0 =	seq.s32 s28, $0x0;
	s0 =	sadd.s32 s3, s0  }
0xc5: {  	[hbm4b:s0+s4] =	stream.linear.scatter [tilespmem:s9], [sflag:$0x5], $0x4000, $0x38;
	[tilespmem:$0x16400] =	vst v63  }
0xc6: {  	s0 =	simm.s32 @!p0 $0x8  }
0xc7: {  	s30 =	sshllo.u32 s28, $0x2;
	_ =	swait.ge @!p0 [sflag:s0], $0x4000  }
0xc8: {  	s2 =	sshll.u32 s30, $0x7;
	[sflag:s0] =	ssyncset.done @!p0 $0x0  }
.Ltmp6:
0xc9: {  	s25 =	sand.u32 $0x3FFFFF80, s2;
	[sflag:s0] =	ssyncadd.s32 @!p0 $0xFFFFC000;
	(pc) =	sbr.rel .LBB2_7-.Ltmp6, $4  }
0xca: {  	[tilespmem:s14], [sflag:$0x4] =	stream.indirect.gather [hbm4b:s1+s13], $0x80, s25, s13, $0xb8;
	[tilespmem:$0x16400] =	vst v63  }
0xcb: {  	s31 =	sshll.u32 s28, $0x2;
	_ =	swait.ge [sflag:s15], $0x4000  }
0xcc: {  	s2 =	sor.u32 $0x1, s31;
	[sflag:s15] =	ssyncset.done $0x0  }
0xcd: {  	s0 =	simm.s32 $0x0;
	s25 =	smov.u32 s5;
	[sflag:s15] =	ssyncadd.s32 $0xFFFFC000  }
.LBB2_9:
0xce: {  	s0 =	sadd.s32 $0x2000, s0  }
0xcf: {  	p0 =	sne.s32 s0, $0x10000  }
.Ltmp7:
0xd0: {  	_ = 	snop;
	(pc) =	sbr.rel @!p0 .LBB2_10-.Ltmp7, $2  }
0xd1: {  	_ =	sdelay $0x2  }
0xd2: {  	s25 =	sadd.s32 $0x10, s25  }
.LBB2_7:
0xd3: {  	v0 =	vld [tilespmem:s25+$0x0];
	_ =	sdelay $0x4  }
0xd4: {  	vm0 =	veq.s32 v0, $0x0  }
0xd5: {  	v1 =	vmpcnt.ones.xlane vm0;
	_ =	sdelay $0x1  }
0xd6: {  	(v2sf) =	vpush v1, $0x0;
	_ =	sdelay $0xe  }
0xd7: {  	s7 =	spop (v2sf)  }
0xd8: {  	p0 =	slt.s32 s7, $0x1  }
.Ltmp8:
0xd9: {  	_ = 	snop;
	(pc) =	sbr.rel @p0 .LBB2_9-.Ltmp8, $1  }
0xda: {  	_ =	sdelay $0x3  }
0xdb: {  	(v2sf) =	vpush v0, $0x0;
	_ =	sdelay $0x7  }
0xdc: {  	(v2sf) =	vpush v0, $0x1;
	_ =	sdelay $0x6  }
0xdd: {  	s7 =	spop (v2sf)  }
0xde: {  	(v2sf) =	vpush v0, $0x2;
	p1 =	sne.s32 s7, $0x0  }
0xdf: {  	s7 =	sshra.s32 @!p1 s0, $0x2;
	v1 =	vimm.f32 @!p1 $0.0e+00  }
0xe0: {  	[tilespmem:s7+$0xA400] =	vst @!p1 v1  }
0xe1: {  	[tilespmem:s7+$0xA410] =	vst @!p1 v1  }
0xe2: {  	[tilespmem:s7+$0xA420] =	vst @!p1 v1  }
0xe3: {  	[tilespmem:s7+$0xA430] =	vst @!p1 v1  }
0xe4: {  	[tilespmem:s7+$0xA440] =	vst @!p1 v1  }
0xe5: {  	s8 =	spop (v2sf);
	[tilespmem:s7+$0xA450] =	vst @!p1 v1  }
0xe6: {  	(v2sf) =	vpush v0, $0x3;
	p0 =	sne.s32 s8, $0x0;
	[tilespmem:s7+$0xA460] =	vst @!p1 v1  }
0xe7: {  	[tilespmem:s7+$0xA470] =	vst @!p1 v1;
	s7 =	sshra.s32 @!p0 s0, $0x2;
	v1 =	vimm.f32 @!p0 $0.0e+00  }
0xe8: {  	[tilespmem:s7+$0xA480] =	vst @!p0 v1  }
0xe9: {  	[tilespmem:s7+$0xA490] =	vst @!p0 v1  }
0xea: {  	[tilespmem:s7+$0xA4A0] =	vst @!p0 v1  }
0xeb: {  	[tilespmem:s7+$0xA4B0] =	vst @!p0 v1  }
0xec: {  	[tilespmem:s7+$0xA4C0] =	vst @!p0 v1  }
0xed: {  	[tilespmem:s7+$0xA4D0] =	vst @!p0 v1;
	s8 =	spop (v2sf)  }
0xee: {  	[tilespmem:s7+$0xA4E0] =	vst @!p0 v1;
	(v2sf) =	vpush v0, $0x4;
	p1 =	sne.s32 s8, $0x0  }
0xef: {  	[tilespmem:s7+$0xA4F0] =	vst @!p0 v1;
	s7 =	sshra.s32 @!p1 s0, $0x2;
	v1 =	vimm.f32 @!p1 $0.0e+00  }
0xf0: {  	[tilespmem:s7+$0xA500] =	vst @!p1 v1  }
0xf1: {  	[tilespmem:s7+$0xA510] =	vst @!p1 v1  }
0xf2: {  	[tilespmem:s7+$0xA520] =	vst @!p1 v1  }
0xf3: {  	[tilespmem:s7+$0xA530] =	vst @!p1 v1  }
0xf4: {  	[tilespmem:s7+$0xA540] =	vst @!p1 v1  }
0xf5: {  	s8 =	spop (v2sf);
	[tilespmem:s7+$0xA550] =	vst @!p1 v1  }
0xf6: {  	(v2sf) =	vpush v0, $0x5;
	p0 =	sne.s32 s8, $0x0;
	[tilespmem:s7+$0xA560] =	vst @!p1 v1  }
0xf7: {  	[tilespmem:s7+$0xA570] =	vst @!p1 v1;
	s7 =	sshra.s32 @!p0 s0, $0x2;
	v1 =	vimm.f32 @!p0 $0.0e+00  }
0xf8: {  	[tilespmem:s7+$0xA580] =	vst @!p0 v1  }
0xf9: {  	[tilespmem:s7+$0xA590] =	vst @!p0 v1  }
0xfa: {  	[tilespmem:s7+$0xA5A0] =	vst @!p0 v1  }
0xfb: {  	[tilespmem:s7+$0xA5B0] =	vst @!p0 v1  }
0xfc: {  	[tilespmem:s7+$0xA5C0] =	vst @!p0 v1  }
0xfd: {  	[tilespmem:s7+$0xA5D0] =	vst @!p0 v1;
	s8 =	spop (v2sf)  }
0xfe: {  	[tilespmem:s7+$0xA5E0] =	vst @!p0 v1;
	(v2sf) =	vpush v0, $0x6;
	p1 =	sne.s32 s8, $0x0  }
0xff: {  	[tilespmem:s7+$0xA5F0] =	vst @!p0 v1;
	s7 =	sshra.s32 @!p1 s0, $0x2;
	v1 =	vimm.f32 @!p1 $0.0e+00  }
0x100: {  	[tilespmem:s7+$0xA600] =	vst @!p1 v1  }
0x101: {  	[tilespmem:s7+$0xA610] =	vst @!p1 v1  }
0x102: {  	[tilespmem:s7+$0xA620] =	vst @!p1 v1  }
0x103: {  	[tilespmem:s7+$0xA630] =	vst @!p1 v1  }
0x104: {  	[tilespmem:s7+$0xA640] =	vst @!p1 v1  }
0x105: {  	s8 =	spop (v2sf);
	[tilespmem:s7+$0xA650] =	vst @!p1 v1  }
0x106: {  	(v2sf) =	vpush v0, $0x7;
	p0 =	sne.s32 s8, $0x0;
	[tilespmem:s7+$0xA660] =	vst @!p1 v1  }
0x107: {  	[tilespmem:s7+$0xA670] =	vst @!p1 v1;
	s7 =	sshra.s32 @!p0 s0, $0x2;
	v1 =	vimm.f32 @!p0 $0.0e+00  }
0x108: {  	[tilespmem:s7+$0xA680] =	vst @!p0 v1  }
0x109: {  	[tilespmem:s7+$0xA690] =	vst @!p0 v1  }
0x10a: {  	[tilespmem:s7+$0xA6A0] =	vst @!p0 v1  }
0x10b: {  	[tilespmem:s7+$0xA6B0] =	vst @!p0 v1  }
0x10c: {  	[tilespmem:s7+$0xA6C0] =	vst @!p0 v1  }
0x10d: {  	[tilespmem:s7+$0xA6D0] =	vst @!p0 v1;
	s8 =	spop (v2sf)  }
0x10e: {  	[tilespmem:s7+$0xA6E0] =	vst @!p0 v1;
	(v2sf) =	vpush v0, $0x8;
	p1 =	sne.s32 s8, $0x0  }
0x10f: {  	[tilespmem:s7+$0xA6F0] =	vst @!p0 v1;
	s7 =	sshra.s32 @!p1 s0, $0x2;
	v1 =	vimm.f32 @!p1 $0.0e+00  }
0x110: {  	[tilespmem:s7+$0xA700] =	vst @!p1 v1  }
0x111: {  	[tilespmem:s7+$0xA710] =	vst @!p1 v1  }
0x112: {  	[tilespmem:s7+$0xA720] =	vst @!p1 v1  }
0x113: {  	[tilespmem:s7+$0xA730] =	vst @!p1 v1  }
0x114: {  	[tilespmem:s7+$0xA740] =	vst @!p1 v1  }
0x115: {  	s8 =	spop (v2sf);
	[tilespmem:s7+$0xA750] =	vst @!p1 v1  }
0x116: {  	(v2sf) =	vpush v0, $0x9;
	p0 =	sne.s32 s8, $0x0;
	[tilespmem:s7+$0xA760] =	vst @!p1 v1  }
0x117: {  	[tilespmem:s7+$0xA770] =	vst @!p1 v1;
	s7 =	sshra.s32 @!p0 s0, $0x2;
	v1 =	vimm.f32 @!p0 $0.0e+00  }
0x118: {  	[tilespmem:s7+$0xA780] =	vst @!p0 v1  }
0x119: {  	[tilespmem:s7+$0xA790] =	vst @!p0 v1  }
0x11a: {  	[tilespmem:s7+$0xA7A0] =	vst @!p0 v1  }
0x11b: {  	[tilespmem:s7+$0xA7B0] =	vst @!p0 v1  }
0x11c: {  	[tilespmem:s7+$0xA7C0] =	vst @!p0 v1  }
0x11d: {  	[tilespmem:s7+$0xA7D0] =	vst @!p0 v1;
	s8 =	spop (v2sf)  }
0x11e: {  	[tilespmem:s7+$0xA7E0] =	vst @!p0 v1;
	(v2sf) =	vpush v0, $0xA;
	p1 =	sne.s32 s8, $0x0  }
0x11f: {  	[tilespmem:s7+$0xA7F0] =	vst @!p0 v1;
	s7 =	sshra.s32 @!p1 s0, $0x2;
	v1 =	vimm.f32 @!p1 $0.0e+00  }
0x120: {  	[tilespmem:s7+$0xA800] =	vst @!p1 v1  }
0x121: {  	[tilespmem:s7+$0xA810] =	vst @!p1 v1  }
0x122: {  	[tilespmem:s7+$0xA820] =	vst @!p1 v1  }
0x123: {  	[tilespmem:s7+$0xA830] =	vst @!p1 v1  }
0x124: {  	[tilespmem:s7+$0xA840] =	vst @!p1 v1  }
0x125: {  	s8 =	spop (v2sf);
	[tilespmem:s7+$0xA850] =	vst @!p1 v1  }
0x126: {  	(v2sf) =	vpush v0, $0xB;
	p0 =	sne.s32 s8, $0x0;
	[tilespmem:s7+$0xA860] =	vst @!p1 v1  }
0x127: {  	[tilespmem:s7+$0xA870] =	vst @!p1 v1;
	s7 =	sshra.s32 @!p0 s0, $0x2;
	v1 =	vimm.f32 @!p0 $0.0e+00  }
0x128: {  	[tilespmem:s7+$0xA880] =	vst @!p0 v1  }
0x129: {  	[tilespmem:s7+$0xA890] =	vst @!p0 v1  }
0x12a: {  	[tilespmem:s7+$0xA8A0] =	vst @!p0 v1  }
0x12b: {  	[tilespmem:s7+$0xA8B0] =	vst @!p0 v1  }
0x12c: {  	[tilespmem:s7+$0xA8C0] =	vst @!p0 v1  }
0x12d: {  	[tilespmem:s7+$0xA8D0] =	vst @!p0 v1;
	s8 =	spop (v2sf)  }
0x12e: {  	[tilespmem:s7+$0xA8E0] =	vst @!p0 v1;
	(v2sf) =	vpush v0, $0xC;
	p1 =	sne.s32 s8, $0x0  }
0x12f: {  	[tilespmem:s7+$0xA8F0] =	vst @!p0 v1;
	s7 =	sshra.s32 @!p1 s0, $0x2;
	v1 =	vimm.f32 @!p1 $0.0e+00  }
0x130: {  	[tilespmem:s7+$0xA900] =	vst @!p1 v1  }
0x131: {  	[tilespmem:s7+$0xA910] =	vst @!p1 v1  }
0x132: {  	[tilespmem:s7+$0xA920] =	vst @!p1 v1  }
0x133: {  	[tilespmem:s7+$0xA930] =	vst @!p1 v1  }
0x134: {  	[tilespmem:s7+$0xA940] =	vst @!p1 v1  }
0x135: {  	s8 =	spop (v2sf);
	[tilespmem:s7+$0xA950] =	vst @!p1 v1  }
0x136: {  	(v2sf) =	vpush v0, $0xD;
	p0 =	sne.s32 s8, $0x0;
	[tilespmem:s7+$0xA960] =	vst @!p1 v1  }
0x137: {  	[tilespmem:s7+$0xA970] =	vst @!p1 v1;
	s7 =	sshra.s32 @!p0 s0, $0x2;
	v1 =	vimm.f32 @!p0 $0.0e+00  }
0x138: {  	[tilespmem:s7+$0xA980] =	vst @!p0 v1  }
0x139: {  	[tilespmem:s7+$0xA990] =	vst @!p0 v1  }
0x13a: {  	[tilespmem:s7+$0xA9A0] =	vst @!p0 v1  }
0x13b: {  	[tilespmem:s7+$0xA9B0] =	vst @!p0 v1  }
0x13c: {  	[tilespmem:s7+$0xA9C0] =	vst @!p0 v1  }
0x13d: {  	[tilespmem:s7+$0xA9D0] =	vst @!p0 v1;
	s8 =	spop (v2sf)  }
0x13e: {  	[tilespmem:s7+$0xA9E0] =	vst @!p0 v1;
	(v2sf) =	vpush v0, $0xE;
	p1 =	sne.s32 s8, $0x0  }
0x13f: {  	[tilespmem:s7+$0xA9F0] =	vst @!p0 v1;
	s7 =	sshra.s32 @!p1 s0, $0x2;
	v1 =	vimm.f32 @!p1 $0.0e+00  }
0x140: {  	[tilespmem:s7+$0xAA00] =	vst @!p1 v1  }
0x141: {  	[tilespmem:s7+$0xAA10] =	vst @!p1 v1  }
0x142: {  	[tilespmem:s7+$0xAA20] =	vst @!p1 v1  }
0x143: {  	[tilespmem:s7+$0xAA30] =	vst @!p1 v1  }
0x144: {  	[tilespmem:s7+$0xAA40] =	vst @!p1 v1  }
0x145: {  	s8 =	spop (v2sf);
	[tilespmem:s7+$0xAA50] =	vst @!p1 v1  }
0x146: {  	(v2sf) =	vpush v0, $0xF;
	p0 =	sne.s32 s8, $0x0;
	[tilespmem:s7+$0xAA60] =	vst @!p1 v1  }
0x147: {  	[tilespmem:s7+$0xAA70] =	vst @!p1 v1;
	s7 =	sshra.s32 @!p0 s0, $0x2;
	v0 =	vimm.f32 @!p0 $0.0e+00  }
0x148: {  	[tilespmem:s7+$0xAA80] =	vst @!p0 v0  }
0x149: {  	[tilespmem:s7+$0xAA90] =	vst @!p0 v0  }
0x14a: {  	[tilespmem:s7+$0xAAA0] =	vst @!p0 v0  }
0x14b: {  	[tilespmem:s7+$0xAAB0] =	vst @!p0 v0  }
0x14c: {  	[tilespmem:s7+$0xAAC0] =	vst @!p0 v0  }
0x14d: {  	[tilespmem:s7+$0xAAD0] =	vst @!p0 v0;
	s8 =	spop (v2sf)  }
0x14e: {  	[tilespmem:s7+$0xAAE0] =	vst @!p0 v0;
	p1 =	sne.s32 s8, $0x0  }
0x14f: {  	[tilespmem:s7+$0xAAF0] =	vst @!p0 v0;
	s7 =	sshra.s32 @!p1 s0, $0x2;
	v0 =	vimm.f32 @!p1 $0.0e+00  }
0x150: {  	[tilespmem:s7+$0xAB00] =	vst @!p1 v0  }
0x151: {  	[tilespmem:s7+$0xAB10] =	vst @!p1 v0  }
0x152: {  	[tilespmem:s7+$0xAB20] =	vst @!p1 v0  }
0x153: {  	[tilespmem:s7+$0xAB30] =	vst @!p1 v0  }
0x154: {  	[tilespmem:s7+$0xAB40] =	vst @!p1 v0  }
0x155: {  	s8 =	spop (v2sf);
	[tilespmem:s7+$0xAB50] =	vst @!p1 v0  }
0x156: {  	p0 =	sne.s32 s8, $0x0;
	[tilespmem:s7+$0xAB60] =	vst @!p1 v0  }
0x157: {  	[tilespmem:s7+$0xAB70] =	vst @!p1 v0;
	s7 =	sshra.s32 @!p0 s0, $0x2;
	v0 =	vimm.f32 @!p0 $0.0e+00  }
0x158: {  	[tilespmem:s7+$0xAB80] =	vst @!p0 v0  }
0x159: {  	[tilespmem:s7+$0xAB90] =	vst @!p0 v0  }
0x15a: {  	[tilespmem:s7+$0xABA0] =	vst @!p0 v0  }
.Ltmp9:
0x15b: {  	[tilespmem:s7+$0xABB0] =	vst @!p0 v0;
	(pc) =	sbr.rel .LBB2_9-.Ltmp9, $4  }
0x15c: {  	[tilespmem:s7+$0xABC0] =	vst @!p0 v0  }
0x15d: {  	[tilespmem:s7+$0xABD0] =	vst @!p0 v0  }
0x15e: {  	[tilespmem:s7+$0xABE0] =	vst @!p0 v0  }
0x15f: {  	[tilespmem:s7+$0xABF0] =	vst @!p0 v0  }
.LBB2_10:
0x160: {  	s0 =	sshll.u32 s2, $0xE  }
0x161: {  	s0 =	sadd.s32 s6, s0  }
0x162: {  	s0 =	sshrl.u32 s0, $0x3  }
0x163: {  	p0 =	seq.s32 s28, $0x31;
	s0 =	sadd.s32 s3, s0  }
0x164: {  	[hbm4b:s0+s4] =	stream.linear.scatter [tilespmem:s10], [sflag:$0x6], $0x4000, $0x38;
	[tilespmem:$0x16400] =	vst v63  }
0x165: {  	s0 =	simm.s32 @!p0 $0x5  }
0x166: {  	_ =	swait.ge @!p0 [sflag:s0], $0x4000  }
0x167: {  	s2 =	simm.s32 @!p0 $0x80;
	s7 =	simm.s32 @!p0 $0x6400;
	[sflag:s0] =	ssyncset.done @!p0 $0x0  }
.Ltmp10:
0x168: {  	[sflag:s0] =	ssyncadd.s32 @!p0 $0xFFFFC000;
	s0 =	sadd.s32 @!p0 $0x200, s29;
	(pc) =	sbr.rel .LBB2_11-.Ltmp10, $4  }
0x169: {  	[tilespmem:s7], [sflag:$0x1] =	stream.indirect.gather @!p0 [hbm4b:s1+s2], $0x80, s0, s2, $0xb8;
	[tilespmem:$0x16400] =	vst v63  }
0x16a: {  	_ =	swait.ge [sflag:s16], $0x4000  }
0x16b: {  	s25 =	smov.u32 s23;
	[sflag:s16] =	ssyncset.done $0x0  }
0x16c: {  	s2 =	sor.u32 $0x2, s31;
	s0 =	simm.s32 $0x0;
	[sflag:s16] =	ssyncadd.s32 $0xFFFFC000  }
.LBB2_13:
0x16d: {  	s0 =	sadd.s32 $0x2000, s0  }
0x16e: {  	p1 =	sne.s32 s0, $0x10000  }
.Ltmp11:
0x16f: {  	_ = 	snop;
	(pc) =	sbr.rel @!p1 .LBB2_14-.Ltmp11, $2  }
0x170: {  	_ =	sdelay $0x2  }
0x171: {  	s25 =	sadd.s32 $0x10, s25  }
.LBB2_11:
0x172: {  	v0 =	vld [tilespmem:s25+$0x0];
	_ =	sdelay $0x4  }
0x173: {  	vm0 =	veq.s32 v0, $0x0  }
0x174: {  	v1 =	vmpcnt.ones.xlane vm0;
	_ =	sdelay $0x1  }
0x175: {  	(v2sf) =	vpush v1, $0x0;
	_ =	sdelay $0xe  }
0x176: {  	s7 =	spop (v2sf)  }
0x177: {  	p1 =	slt.s32 s7, $0x1  }
.Ltmp12:
0x178: {  	_ = 	snop;
	(pc) =	sbr.rel @p1 .LBB2_13-.Ltmp12, $1  }
0x179: {  	_ =	sdelay $0x3  }
0x17a: {  	(v2sf) =	vpush v0, $0x0;
	_ =	sdelay $0x7  }
0x17b: {  	(v2sf) =	vpush v0, $0x1;
	_ =	sdelay $0x6  }
0x17c: {  	s7 =	spop (v2sf)  }
0x17d: {  	(v2sf) =	vpush v0, $0x2;
	p2 =	sne.s32 s7, $0x0  }
0x17e: {  	s7 =	sshra.s32 @!p2 s0, $0x2;
	v1 =	vimm.f32 @!p2 $0.0e+00  }
0x17f: {  	[tilespmem:s7+$0xE400] =	vst @!p2 v1  }
0x180: {  	[tilespmem:s7+$0xE410] =	vst @!p2 v1  }
0x181: {  	[tilespmem:s7+$0xE420] =	vst @!p2 v1  }
0x182: {  	[tilespmem:s7+$0xE430] =	vst @!p2 v1  }
0x183: {  	[tilespmem:s7+$0xE440] =	vst @!p2 v1  }
0x184: {  	s8 =	spop (v2sf);
	[tilespmem:s7+$0xE450] =	vst @!p2 v1  }
0x185: {  	(v2sf) =	vpush v0, $0x3;
	p1 =	sne.s32 s8, $0x0;
	[tilespmem:s7+$0xE460] =	vst @!p2 v1  }
0x186: {  	[tilespmem:s7+$0xE470] =	vst @!p2 v1;
	s7 =	sshra.s32 @!p1 s0, $0x2;
	v1 =	vimm.f32 @!p1 $0.0e+00  }
0x187: {  	[tilespmem:s7+$0xE480] =	vst @!p1 v1  }
0x188: {  	[tilespmem:s7+$0xE490] =	vst @!p1 v1  }
0x189: {  	[tilespmem:s7+$0xE4A0] =	vst @!p1 v1  }
0x18a: {  	[tilespmem:s7+$0xE4B0] =	vst @!p1 v1  }
0x18b: {  	[tilespmem:s7+$0xE4C0] =	vst @!p1 v1  }
0x18c: {  	[tilespmem:s7+$0xE4D0] =	vst @!p1 v1;
	s31 =	spop (v2sf)  }
0x18d: {  	[tilespmem:s7+$0xE4E0] =	vst @!p1 v1;
	(v2sf) =	vpush v0, $0x4;
	p2 =	sne.s32 s31, $0x0  }
0x18e: {  	[tilespmem:s7+$0xE4F0] =	vst @!p1 v1;
	s7 =	sshra.s32 @!p2 s0, $0x2;
	v1 =	vimm.f32 @!p2 $0.0e+00  }
0x18f: {  	[tilespmem:s7+$0xE500] =	vst @!p2 v1  }
0x190: {  	[tilespmem:s7+$0xE510] =	vst @!p2 v1  }
0x191: {  	[tilespmem:s7+$0xE520] =	vst @!p2 v1  }
0x192: {  	[tilespmem:s7+$0xE530] =	vst @!p2 v1  }
0x193: {  	[tilespmem:s7+$0xE540] =	vst @!p2 v1  }
0x194: {  	s31 =	spop (v2sf);
	[tilespmem:s7+$0xE550] =	vst @!p2 v1  }
0x195: {  	(v2sf) =	vpush v0, $0x5;
	p1 =	sne.s32 s31, $0x0;
	[tilespmem:s7+$0xE560] =	vst @!p2 v1  }
0x196: {  	[tilespmem:s7+$0xE570] =	vst @!p2 v1;
	s7 =	sshra.s32 @!p1 s0, $0x2;
	v1 =	vimm.f32 @!p1 $0.0e+00  }
0x197: {  	[tilespmem:s7+$0xE580] =	vst @!p1 v1  }
0x198: {  	[tilespmem:s7+$0xE590] =	vst @!p1 v1  }
0x199: {  	[tilespmem:s7+$0xE5A0] =	vst @!p1 v1  }
0x19a: {  	[tilespmem:s7+$0xE5B0] =	vst @!p1 v1  }
0x19b: {  	[tilespmem:s7+$0xE5C0] =	vst @!p1 v1  }
0x19c: {  	[tilespmem:s7+$0xE5D0] =	vst @!p1 v1;
	s31 =	spop (v2sf)  }
0x19d: {  	[tilespmem:s7+$0xE5E0] =	vst @!p1 v1;
	(v2sf) =	vpush v0, $0x6;
	p2 =	sne.s32 s31, $0x0  }
0x19e: {  	[tilespmem:s7+$0xE5F0] =	vst @!p1 v1;
	s7 =	sshra.s32 @!p2 s0, $0x2;
	v1 =	vimm.f32 @!p2 $0.0e+00  }
0x19f: {  	[tilespmem:s7+$0xE600] =	vst @!p2 v1  }
0x1a0: {  	[tilespmem:s7+$0xE610] =	vst @!p2 v1  }
0x1a1: {  	[tilespmem:s7+$0xE620] =	vst @!p2 v1  }
0x1a2: {  	[tilespmem:s7+$0xE630] =	vst @!p2 v1  }
0x1a3: {  	[tilespmem:s7+$0xE640] =	vst @!p2 v1  }
0x1a4: {  	s31 =	spop (v2sf);
	[tilespmem:s7+$0xE650] =	vst @!p2 v1  }
0x1a5: {  	(v2sf) =	vpush v0, $0x7;
	p1 =	sne.s32 s31, $0x0;
	[tilespmem:s7+$0xE660] =	vst @!p2 v1  }
0x1a6: {  	[tilespmem:s7+$0xE670] =	vst @!p2 v1;
	s7 =	sshra.s32 @!p1 s0, $0x2;
	v1 =	vimm.f32 @!p1 $0.0e+00  }
0x1a7: {  	[tilespmem:s7+$0xE680] =	vst @!p1 v1  }
0x1a8: {  	[tilespmem:s7+$0xE690] =	vst @!p1 v1  }
0x1a9: {  	[tilespmem:s7+$0xE6A0] =	vst @!p1 v1  }
0x1aa: {  	[tilespmem:s7+$0xE6B0] =	vst @!p1 v1  }
0x1ab: {  	[tilespmem:s7+$0xE6C0] =	vst @!p1 v1  }
0x1ac: {  	[tilespmem:s7+$0xE6D0] =	vst @!p1 v1;
	s31 =	spop (v2sf)  }
0x1ad: {  	[tilespmem:s7+$0xE6E0] =	vst @!p1 v1;
	(v2sf) =	vpush v0, $0x8;
	p2 =	sne.s32 s31, $0x0  }
0x1ae: {  	[tilespmem:s7+$0xE6F0] =	vst @!p1 v1;
	s7 =	sshra.s32 @!p2 s0, $0x2;
	v1 =	vimm.f32 @!p2 $0.0e+00  }
0x1af: {  	[tilespmem:s7+$0xE700] =	vst @!p2 v1  }
0x1b0: {  	[tilespmem:s7+$0xE710] =	vst @!p2 v1  }
0x1b1: {  	[tilespmem:s7+$0xE720] =	vst @!p2 v1  }
0x1b2: {  	[tilespmem:s7+$0xE730] =	vst @!p2 v1  }
0x1b3: {  	[tilespmem:s7+$0xE740] =	vst @!p2 v1  }
0x1b4: {  	s31 =	spop (v2sf);
	[tilespmem:s7+$0xE750] =	vst @!p2 v1  }
0x1b5: {  	(v2sf) =	vpush v0, $0x9;
	p1 =	sne.s32 s31, $0x0;
	[tilespmem:s7+$0xE760] =	vst @!p2 v1  }
0x1b6: {  	[tilespmem:s7+$0xE770] =	vst @!p2 v1;
	s7 =	sshra.s32 @!p1 s0, $0x2;
	v1 =	vimm.f32 @!p1 $0.0e+00  }
0x1b7: {  	[tilespmem:s7+$0xE780] =	vst @!p1 v1  }
0x1b8: {  	[tilespmem:s7+$0xE790] =	vst @!p1 v1  }
0x1b9: {  	[tilespmem:s7+$0xE7A0] =	vst @!p1 v1  }
0x1ba: {  	[tilespmem:s7+$0xE7B0] =	vst @!p1 v1  }
0x1bb: {  	[tilespmem:s7+$0xE7C0] =	vst @!p1 v1  }
0x1bc: {  	[tilespmem:s7+$0xE7D0] =	vst @!p1 v1;
	s31 =	spop (v2sf)  }
0x1bd: {  	[tilespmem:s7+$0xE7E0] =	vst @!p1 v1;
	(v2sf) =	vpush v0, $0xA;
	p2 =	sne.s32 s31, $0x0  }
0x1be: {  	[tilespmem:s7+$0xE7F0] =	vst @!p1 v1;
	s7 =	sshra.s32 @!p2 s0, $0x2;
	v1 =	vimm.f32 @!p2 $0.0e+00  }
0x1bf: {  	[tilespmem:s7+$0xE800] =	vst @!p2 v1  }
0x1c0: {  	[tilespmem:s7+$0xE810] =	vst @!p2 v1  }
0x1c1: {  	[tilespmem:s7+$0xE820] =	vst @!p2 v1  }
0x1c2: {  	[tilespmem:s7+$0xE830] =	vst @!p2 v1  }
0x1c3: {  	[tilespmem:s7+$0xE840] =	vst @!p2 v1  }
0x1c4: {  	s31 =	spop (v2sf);
	[tilespmem:s7+$0xE850] =	vst @!p2 v1  }
0x1c5: {  	(v2sf) =	vpush v0, $0xB;
	p1 =	sne.s32 s31, $0x0;
	[tilespmem:s7+$0xE860] =	vst @!p2 v1  }
0x1c6: {  	[tilespmem:s7+$0xE870] =	vst @!p2 v1;
	s7 =	sshra.s32 @!p1 s0, $0x2;
	v1 =	vimm.f32 @!p1 $0.0e+00  }
0x1c7: {  	[tilespmem:s7+$0xE880] =	vst @!p1 v1  }
0x1c8: {  	[tilespmem:s7+$0xE890] =	vst @!p1 v1  }
0x1c9: {  	[tilespmem:s7+$0xE8A0] =	vst @!p1 v1  }
0x1ca: {  	[tilespmem:s7+$0xE8B0] =	vst @!p1 v1  }
0x1cb: {  	[tilespmem:s7+$0xE8C0] =	vst @!p1 v1  }
0x1cc: {  	[tilespmem:s7+$0xE8D0] =	vst @!p1 v1;
	s31 =	spop (v2sf)  }
0x1cd: {  	[tilespmem:s7+$0xE8E0] =	vst @!p1 v1;
	(v2sf) =	vpush v0, $0xC;
	p2 =	sne.s32 s31, $0x0  }
0x1ce: {  	[tilespmem:s7+$0xE8F0] =	vst @!p1 v1;
	s7 =	sshra.s32 @!p2 s0, $0x2;
	v1 =	vimm.f32 @!p2 $0.0e+00  }
0x1cf: {  	[tilespmem:s7+$0xE900] =	vst @!p2 v1  }
0x1d0: {  	[tilespmem:s7+$0xE910] =	vst @!p2 v1  }
0x1d1: {  	[tilespmem:s7+$0xE920] =	vst @!p2 v1  }
0x1d2: {  	[tilespmem:s7+$0xE930] =	vst @!p2 v1  }
0x1d3: {  	[tilespmem:s7+$0xE940] =	vst @!p2 v1  }
0x1d4: {  	s31 =	spop (v2sf);
	[tilespmem:s7+$0xE950] =	vst @!p2 v1  }
0x1d5: {  	(v2sf) =	vpush v0, $0xD;
	p1 =	sne.s32 s31, $0x0;
	[tilespmem:s7+$0xE960] =	vst @!p2 v1  }
0x1d6: {  	[tilespmem:s7+$0xE970] =	vst @!p2 v1;
	s7 =	sshra.s32 @!p1 s0, $0x2;
	v1 =	vimm.f32 @!p1 $0.0e+00  }
0x1d7: {  	[tilespmem:s7+$0xE980] =	vst @!p1 v1  }
0x1d8: {  	[tilespmem:s7+$0xE990] =	vst @!p1 v1  }
0x1d9: {  	[tilespmem:s7+$0xE9A0] =	vst @!p1 v1  }
0x1da: {  	[tilespmem:s7+$0xE9B0] =	vst @!p1 v1  }
0x1db: {  	[tilespmem:s7+$0xE9C0] =	vst @!p1 v1  }
0x1dc: {  	[tilespmem:s7+$0xE9D0] =	vst @!p1 v1;
	s31 =	spop (v2sf)  }
0x1dd: {  	[tilespmem:s7+$0xE9E0] =	vst @!p1 v1;
	(v2sf) =	vpush v0, $0xE;
	p2 =	sne.s32 s31, $0x0  }
0x1de: {  	[tilespmem:s7+$0xE9F0] =	vst @!p1 v1;
	s7 =	sshra.s32 @!p2 s0, $0x2;
	v1 =	vimm.f32 @!p2 $0.0e+00  }
0x1df: {  	[tilespmem:s7+$0xEA00] =	vst @!p2 v1  }
0x1e0: {  	[tilespmem:s7+$0xEA10] =	vst @!p2 v1  }
0x1e1: {  	[tilespmem:s7+$0xEA20] =	vst @!p2 v1  }
0x1e2: {  	[tilespmem:s7+$0xEA30] =	vst @!p2 v1  }
0x1e3: {  	[tilespmem:s7+$0xEA40] =	vst @!p2 v1  }
0x1e4: {  	s31 =	spop (v2sf);
	[tilespmem:s7+$0xEA50] =	vst @!p2 v1  }
0x1e5: {  	(v2sf) =	vpush v0, $0xF;
	p1 =	sne.s32 s31, $0x0;
	[tilespmem:s7+$0xEA60] =	vst @!p2 v1  }
0x1e6: {  	[tilespmem:s7+$0xEA70] =	vst @!p2 v1;
	s7 =	sshra.s32 @!p1 s0, $0x2;
	v0 =	vimm.f32 @!p1 $0.0e+00  }
0x1e7: {  	[tilespmem:s7+$0xEA80] =	vst @!p1 v0  }
0x1e8: {  	[tilespmem:s7+$0xEA90] =	vst @!p1 v0  }
0x1e9: {  	[tilespmem:s7+$0xEAA0] =	vst @!p1 v0  }
0x1ea: {  	[tilespmem:s7+$0xEAB0] =	vst @!p1 v0  }
0x1eb: {  	[tilespmem:s7+$0xEAC0] =	vst @!p1 v0  }
0x1ec: {  	[tilespmem:s7+$0xEAD0] =	vst @!p1 v0;
	s31 =	spop (v2sf)  }
0x1ed: {  	[tilespmem:s7+$0xEAE0] =	vst @!p1 v0;
	p2 =	sne.s32 s31, $0x0  }
0x1ee: {  	[tilespmem:s7+$0xEAF0] =	vst @!p1 v0;
	s7 =	sshra.s32 @!p2 s0, $0x2;
	v0 =	vimm.f32 @!p2 $0.0e+00  }
0x1ef: {  	[tilespmem:s7+$0xEB00] =	vst @!p2 v0  }
0x1f0: {  	[tilespmem:s7+$0xEB10] =	vst @!p2 v0  }
0x1f1: {  	[tilespmem:s7+$0xEB20] =	vst @!p2 v0  }
0x1f2: {  	[tilespmem:s7+$0xEB30] =	vst @!p2 v0  }
0x1f3: {  	[tilespmem:s7+$0xEB40] =	vst @!p2 v0  }
0x1f4: {  	s31 =	spop (v2sf);
	[tilespmem:s7+$0xEB50] =	vst @!p2 v0  }
0x1f5: {  	p1 =	sne.s32 s31, $0x0;
	[tilespmem:s7+$0xEB60] =	vst @!p2 v0  }
0x1f6: {  	[tilespmem:s7+$0xEB70] =	vst @!p2 v0;
	s7 =	sshra.s32 @!p1 s0, $0x2;
	v0 =	vimm.f32 @!p1 $0.0e+00  }
0x1f7: {  	[tilespmem:s7+$0xEB80] =	vst @!p1 v0  }
0x1f8: {  	[tilespmem:s7+$0xEB90] =	vst @!p1 v0  }
0x1f9: {  	[tilespmem:s7+$0xEBA0] =	vst @!p1 v0  }
.Ltmp13:
0x1fa: {  	[tilespmem:s7+$0xEBB0] =	vst @!p1 v0;
	(pc) =	sbr.rel .LBB2_13-.Ltmp13, $4  }
0x1fb: {  	[tilespmem:s7+$0xEBC0] =	vst @!p1 v0  }
0x1fc: {  	[tilespmem:s7+$0xEBD0] =	vst @!p1 v0  }
0x1fd: {  	[tilespmem:s7+$0xEBE0] =	vst @!p1 v0  }
0x1fe: {  	[tilespmem:s7+$0xEBF0] =	vst @!p1 v0  }
.LBB2_14:
0x1ff: {  	s0 =	sshll.u32 s2, $0xE  }
0x200: {  	s0 =	sadd.s32 s6, s0  }
0x201: {  	s0 =	sshrl.u32 s0, $0x3  }
0x202: {  	s0 =	sadd.s32 s3, s0  }
0x203: {  	[hbm4b:s0+s4] =	stream.linear.scatter [tilespmem:s11], [sflag:$0x7], $0x4000, $0x38;
	[tilespmem:$0x16400] =	vst v63  }
0x204: {  	s0 =	simm.s32 @!p0 $0x6  }
0x205: {  	_ =	swait.ge @!p0 [sflag:s0], $0x4000  }
0x206: {  	s2 =	simm.s32 @!p0 $0x80;
	s7 =	simm.s32 @!p0 $0xA400;
	[sflag:s0] =	ssyncset.done @!p0 $0x0  }
.Ltmp14:
0x207: {  	[sflag:s0] =	ssyncadd.s32 @!p0 $0xFFFFC000;
	s0 =	sadd.s32 @!p0 $0x280, s29;
	(pc) =	sbr.rel .LBB2_15-.Ltmp14, $4  }
0x208: {  	[tilespmem:s7], [sflag:$0x2] =	stream.indirect.gather @!p0 [hbm4b:s1+s2], $0x80, s0, s2, $0xb8;
	[tilespmem:$0x16400] =	vst v63  }
0x209: {  	_ =	swait.ge [sflag:s17], $0x4000  }
0x20a: {  	[sflag:s17] =	ssyncset.done $0x0  }
0x20b: {  	s0 =	simm.s32 $0x0;
	s2 =	smov.u32 s24;
	[sflag:s17] =	ssyncadd.s32 $0xFFFFC000  }
.LBB2_17:
0x20c: {  	s0 =	sadd.s32 $0x2000, s0  }
0x20d: {  	p1 =	sne.s32 s0, $0x10000  }
.Ltmp15:
0x20e: {  	_ = 	snop;
	(pc) =	sbr.rel @!p1 .LBB2_18-.Ltmp15, $2  }
0x20f: {  	_ =	sdelay $0x2  }
0x210: {  	s2 =	sadd.s32 $0x10, s2  }
.LBB2_15:
0x211: {  	v0 =	vld [tilespmem:s2+$0x0];
	_ =	sdelay $0x4  }
0x212: {  	vm0 =	veq.s32 v0, $0x0  }
0x213: {  	v1 =	vmpcnt.ones.xlane vm0;
	_ =	sdelay $0x1  }
0x214: {  	(v2sf) =	vpush v1, $0x0;
	_ =	sdelay $0xe  }
0x215: {  	s7 =	spop (v2sf)  }
0x216: {  	p1 =	slt.s32 s7, $0x1  }
.Ltmp16:
0x217: {  	_ = 	snop;
	(pc) =	sbr.rel @p1 .LBB2_17-.Ltmp16, $1  }
0x218: {  	_ =	sdelay $0x3  }
0x219: {  	(v2sf) =	vpush v0, $0x0;
	_ =	sdelay $0x7  }
0x21a: {  	(v2sf) =	vpush v0, $0x1;
	_ =	sdelay $0x6  }
0x21b: {  	s7 =	spop (v2sf)  }
0x21c: {  	(v2sf) =	vpush v0, $0x2;
	p2 =	sne.s32 s7, $0x0  }
0x21d: {  	s7 =	sshra.s32 @!p2 s0, $0x2;
	v1 =	vimm.f32 @!p2 $0.0e+00  }
0x21e: {  	[tilespmem:s7+$0x12400] =	vst @!p2 v1  }
0x21f: {  	[tilespmem:s7+$0x12410] =	vst @!p2 v1  }
0x220: {  	[tilespmem:s7+$0x12420] =	vst @!p2 v1  }
0x221: {  	[tilespmem:s7+$0x12430] =	vst @!p2 v1  }
0x222: {  	[tilespmem:s7+$0x12440] =	vst @!p2 v1  }
0x223: {  	s8 =	spop (v2sf);
	[tilespmem:s7+$0x12450] =	vst @!p2 v1  }
0x224: {  	(v2sf) =	vpush v0, $0x3;
	p1 =	sne.s32 s8, $0x0;
	[tilespmem:s7+$0x12460] =	vst @!p2 v1  }
0x225: {  	[tilespmem:s7+$0x12470] =	vst @!p2 v1;
	s7 =	sshra.s32 @!p1 s0, $0x2;
	v1 =	vimm.f32 @!p1 $0.0e+00  }
0x226: {  	[tilespmem:s7+$0x12480] =	vst @!p1 v1  }
0x227: {  	[tilespmem:s7+$0x12490] =	vst @!p1 v1  }
0x228: {  	[tilespmem:s7+$0x124A0] =	vst @!p1 v1  }
0x229: {  	[tilespmem:s7+$0x124B0] =	vst @!p1 v1  }
0x22a: {  	[tilespmem:s7+$0x124C0] =	vst @!p1 v1  }
0x22b: {  	[tilespmem:s7+$0x124D0] =	vst @!p1 v1;
	s25 =	spop (v2sf)  }
0x22c: {  	[tilespmem:s7+$0x124E0] =	vst @!p1 v1;
	(v2sf) =	vpush v0, $0x4;
	p2 =	sne.s32 s25, $0x0  }
0x22d: {  	[tilespmem:s7+$0x124F0] =	vst @!p1 v1;
	s7 =	sshra.s32 @!p2 s0, $0x2;
	v1 =	vimm.f32 @!p2 $0.0e+00  }
0x22e: {  	[tilespmem:s7+$0x12500] =	vst @!p2 v1  }
0x22f: {  	[tilespmem:s7+$0x12510] =	vst @!p2 v1  }
0x230: {  	[tilespmem:s7+$0x12520] =	vst @!p2 v1  }
0x231: {  	[tilespmem:s7+$0x12530] =	vst @!p2 v1  }
0x232: {  	[tilespmem:s7+$0x12540] =	vst @!p2 v1  }
0x233: {  	s31 =	spop (v2sf);
	[tilespmem:s7+$0x12550] =	vst @!p2 v1  }
0x234: {  	(v2sf) =	vpush v0, $0x5;
	p1 =	sne.s32 s31, $0x0;
	[tilespmem:s7+$0x12560] =	vst @!p2 v1  }
0x235: {  	[tilespmem:s7+$0x12570] =	vst @!p2 v1;
	s7 =	sshra.s32 @!p1 s0, $0x2;
	v1 =	vimm.f32 @!p1 $0.0e+00  }
0x236: {  	[tilespmem:s7+$0x12580] =	vst @!p1 v1  }
0x237: {  	[tilespmem:s7+$0x12590] =	vst @!p1 v1  }
0x238: {  	[tilespmem:s7+$0x125A0] =	vst @!p1 v1  }
0x239: {  	[tilespmem:s7+$0x125B0] =	vst @!p1 v1  }
0x23a: {  	[tilespmem:s7+$0x125C0] =	vst @!p1 v1  }
0x23b: {  	[tilespmem:s7+$0x125D0] =	vst @!p1 v1;
	s25 =	spop (v2sf)  }
0x23c: {  	[tilespmem:s7+$0x125E0] =	vst @!p1 v1;
	(v2sf) =	vpush v0, $0x6;
	p2 =	sne.s32 s25, $0x0  }
0x23d: {  	[tilespmem:s7+$0x125F0] =	vst @!p1 v1;
	s7 =	sshra.s32 @!p2 s0, $0x2;
	v1 =	vimm.f32 @!p2 $0.0e+00  }
0x23e: {  	[tilespmem:s7+$0x12600] =	vst @!p2 v1  }
0x23f: {  	[tilespmem:s7+$0x12610] =	vst @!p2 v1  }
0x240: {  	[tilespmem:s7+$0x12620] =	vst @!p2 v1  }
0x241: {  	[tilespmem:s7+$0x12630] =	vst @!p2 v1  }
0x242: {  	[tilespmem:s7+$0x12640] =	vst @!p2 v1  }
0x243: {  	s31 =	spop (v2sf);
	[tilespmem:s7+$0x12650] =	vst @!p2 v1  }
0x244: {  	(v2sf) =	vpush v0, $0x7;
	p1 =	sne.s32 s31, $0x0;
	[tilespmem:s7+$0x12660] =	vst @!p2 v1  }
0x245: {  	[tilespmem:s7+$0x12670] =	vst @!p2 v1;
	s7 =	sshra.s32 @!p1 s0, $0x2;
	v1 =	vimm.f32 @!p1 $0.0e+00  }
0x246: {  	[tilespmem:s7+$0x12680] =	vst @!p1 v1  }
0x247: {  	[tilespmem:s7+$0x12690] =	vst @!p1 v1  }
0x248: {  	[tilespmem:s7+$0x126A0] =	vst @!p1 v1  }
0x249: {  	[tilespmem:s7+$0x126B0] =	vst @!p1 v1  }
0x24a: {  	[tilespmem:s7+$0x126C0] =	vst @!p1 v1  }
0x24b: {  	[tilespmem:s7+$0x126D0] =	vst @!p1 v1;
	s25 =	spop (v2sf)  }
0x24c: {  	[tilespmem:s7+$0x126E0] =	vst @!p1 v1;
	(v2sf) =	vpush v0, $0x8;
	p2 =	sne.s32 s25, $0x0  }
0x24d: {  	[tilespmem:s7+$0x126F0] =	vst @!p1 v1;
	s7 =	sshra.s32 @!p2 s0, $0x2;
	v1 =	vimm.f32 @!p2 $0.0e+00  }
0x24e: {  	[tilespmem:s7+$0x12700] =	vst @!p2 v1  }
0x24f: {  	[tilespmem:s7+$0x12710] =	vst @!p2 v1  }
0x250: {  	[tilespmem:s7+$0x12720] =	vst @!p2 v1  }
0x251: {  	[tilespmem:s7+$0x12730] =	vst @!p2 v1  }
0x252: {  	[tilespmem:s7+$0x12740] =	vst @!p2 v1  }
0x253: {  	s31 =	spop (v2sf);
	[tilespmem:s7+$0x12750] =	vst @!p2 v1  }
0x254: {  	(v2sf) =	vpush v0, $0x9;
	p1 =	sne.s32 s31, $0x0;
	[tilespmem:s7+$0x12760] =	vst @!p2 v1  }
0x255: {  	[tilespmem:s7+$0x12770] =	vst @!p2 v1;
	s7 =	sshra.s32 @!p1 s0, $0x2;
	v1 =	vimm.f32 @!p1 $0.0e+00  }
0x256: {  	[tilespmem:s7+$0x12780] =	vst @!p1 v1  }
0x257: {  	[tilespmem:s7+$0x12790] =	vst @!p1 v1  }
0x258: {  	[tilespmem:s7+$0x127A0] =	vst @!p1 v1  }
0x259: {  	[tilespmem:s7+$0x127B0] =	vst @!p1 v1  }
0x25a: {  	[tilespmem:s7+$0x127C0] =	vst @!p1 v1  }
0x25b: {  	[tilespmem:s7+$0x127D0] =	vst @!p1 v1;
	s25 =	spop (v2sf)  }
0x25c: {  	[tilespmem:s7+$0x127E0] =	vst @!p1 v1;
	(v2sf) =	vpush v0, $0xA;
	p2 =	sne.s32 s25, $0x0  }
0x25d: {  	[tilespmem:s7+$0x127F0] =	vst @!p1 v1;
	s7 =	sshra.s32 @!p2 s0, $0x2;
	v1 =	vimm.f32 @!p2 $0.0e+00  }
0x25e: {  	[tilespmem:s7+$0x12800] =	vst @!p2 v1  }
0x25f: {  	[tilespmem:s7+$0x12810] =	vst @!p2 v1  }
0x260: {  	[tilespmem:s7+$0x12820] =	vst @!p2 v1  }
0x261: {  	[tilespmem:s7+$0x12830] =	vst @!p2 v1  }
0x262: {  	[tilespmem:s7+$0x12840] =	vst @!p2 v1  }
0x263: {  	s31 =	spop (v2sf);
	[tilespmem:s7+$0x12850] =	vst @!p2 v1  }
0x264: {  	(v2sf) =	vpush v0, $0xB;
	p1 =	sne.s32 s31, $0x0;
	[tilespmem:s7+$0x12860] =	vst @!p2 v1  }
0x265: {  	[tilespmem:s7+$0x12870] =	vst @!p2 v1;
	s7 =	sshra.s32 @!p1 s0, $0x2;
	v1 =	vimm.f32 @!p1 $0.0e+00  }
0x266: {  	[tilespmem:s7+$0x12880] =	vst @!p1 v1  }
0x267: {  	[tilespmem:s7+$0x12890] =	vst @!p1 v1  }
0x268: {  	[tilespmem:s7+$0x128A0] =	vst @!p1 v1  }
0x269: {  	[tilespmem:s7+$0x128B0] =	vst @!p1 v1  }
0x26a: {  	[tilespmem:s7+$0x128C0] =	vst @!p1 v1  }
0x26b: {  	[tilespmem:s7+$0x128D0] =	vst @!p1 v1;
	s25 =	spop (v2sf)  }
0x26c: {  	[tilespmem:s7+$0x128E0] =	vst @!p1 v1;
	(v2sf) =	vpush v0, $0xC;
	p2 =	sne.s32 s25, $0x0  }
0x26d: {  	[tilespmem:s7+$0x128F0] =	vst @!p1 v1;
	s7 =	sshra.s32 @!p2 s0, $0x2;
	v1 =	vimm.f32 @!p2 $0.0e+00  }
0x26e: {  	[tilespmem:s7+$0x12900] =	vst @!p2 v1  }
0x26f: {  	[tilespmem:s7+$0x12910] =	vst @!p2 v1  }
0x270: {  	[tilespmem:s7+$0x12920] =	vst @!p2 v1  }
0x271: {  	[tilespmem:s7+$0x12930] =	vst @!p2 v1  }
0x272: {  	[tilespmem:s7+$0x12940] =	vst @!p2 v1  }
0x273: {  	s31 =	spop (v2sf);
	[tilespmem:s7+$0x12950] =	vst @!p2 v1  }
0x274: {  	(v2sf) =	vpush v0, $0xD;
	p1 =	sne.s32 s31, $0x0;
	[tilespmem:s7+$0x12960] =	vst @!p2 v1  }
0x275: {  	[tilespmem:s7+$0x12970] =	vst @!p2 v1;
	s7 =	sshra.s32 @!p1 s0, $0x2;
	v1 =	vimm.f32 @!p1 $0.0e+00  }
0x276: {  	[tilespmem:s7+$0x12980] =	vst @!p1 v1  }
0x277: {  	[tilespmem:s7+$0x12990] =	vst @!p1 v1  }
0x278: {  	[tilespmem:s7+$0x129A0] =	vst @!p1 v1  }
0x279: {  	[tilespmem:s7+$0x129B0] =	vst @!p1 v1  }
0x27a: {  	[tilespmem:s7+$0x129C0] =	vst @!p1 v1  }
0x27b: {  	[tilespmem:s7+$0x129D0] =	vst @!p1 v1;
	s25 =	spop (v2sf)  }
0x27c: {  	[tilespmem:s7+$0x129E0] =	vst @!p1 v1;
	(v2sf) =	vpush v0, $0xE;
	p2 =	sne.s32 s25, $0x0  }
0x27d: {  	[tilespmem:s7+$0x129F0] =	vst @!p1 v1;
	s7 =	sshra.s32 @!p2 s0, $0x2;
	v1 =	vimm.f32 @!p2 $0.0e+00  }
0x27e: {  	[tilespmem:s7+$0x12A00] =	vst @!p2 v1  }
0x27f: {  	[tilespmem:s7+$0x12A10] =	vst @!p2 v1  }
0x280: {  	[tilespmem:s7+$0x12A20] =	vst @!p2 v1  }
0x281: {  	[tilespmem:s7+$0x12A30] =	vst @!p2 v1  }
0x282: {  	[tilespmem:s7+$0x12A40] =	vst @!p2 v1  }
0x283: {  	s31 =	spop (v2sf);
	[tilespmem:s7+$0x12A50] =	vst @!p2 v1  }
0x284: {  	(v2sf) =	vpush v0, $0xF;
	p1 =	sne.s32 s31, $0x0;
	[tilespmem:s7+$0x12A60] =	vst @!p2 v1  }
0x285: {  	[tilespmem:s7+$0x12A70] =	vst @!p2 v1;
	s7 =	sshra.s32 @!p1 s0, $0x2;
	v0 =	vimm.f32 @!p1 $0.0e+00  }
0x286: {  	[tilespmem:s7+$0x12A80] =	vst @!p1 v0  }
0x287: {  	[tilespmem:s7+$0x12A90] =	vst @!p1 v0  }
0x288: {  	[tilespmem:s7+$0x12AA0] =	vst @!p1 v0  }
0x289: {  	[tilespmem:s7+$0x12AB0] =	vst @!p1 v0  }
0x28a: {  	[tilespmem:s7+$0x12AC0] =	vst @!p1 v0  }
0x28b: {  	[tilespmem:s7+$0x12AD0] =	vst @!p1 v0;
	s25 =	spop (v2sf)  }
0x28c: {  	[tilespmem:s7+$0x12AE0] =	vst @!p1 v0;
	p2 =	sne.s32 s25, $0x0  }
0x28d: {  	[tilespmem:s7+$0x12AF0] =	vst @!p1 v0;
	s7 =	sshra.s32 @!p2 s0, $0x2;
	v0 =	vimm.f32 @!p2 $0.0e+00  }
0x28e: {  	[tilespmem:s7+$0x12B00] =	vst @!p2 v0  }
0x28f: {  	[tilespmem:s7+$0x12B10] =	vst @!p2 v0  }
0x290: {  	[tilespmem:s7+$0x12B20] =	vst @!p2 v0  }
0x291: {  	[tilespmem:s7+$0x12B30] =	vst @!p2 v0  }
0x292: {  	[tilespmem:s7+$0x12B40] =	vst @!p2 v0  }
0x293: {  	s31 =	spop (v2sf);
	[tilespmem:s7+$0x12B50] =	vst @!p2 v0  }
0x294: {  	p1 =	sne.s32 s31, $0x0;
	[tilespmem:s7+$0x12B60] =	vst @!p2 v0  }
0x295: {  	[tilespmem:s7+$0x12B70] =	vst @!p2 v0;
	s7 =	sshra.s32 @!p1 s0, $0x2;
	v0 =	vimm.f32 @!p1 $0.0e+00  }
0x296: {  	[tilespmem:s7+$0x12B80] =	vst @!p1 v0  }
0x297: {  	[tilespmem:s7+$0x12B90] =	vst @!p1 v0  }
0x298: {  	[tilespmem:s7+$0x12BA0] =	vst @!p1 v0  }
.Ltmp17:
0x299: {  	[tilespmem:s7+$0x12BB0] =	vst @!p1 v0;
	(pc) =	sbr.rel .LBB2_17-.Ltmp17, $4  }
0x29a: {  	[tilespmem:s7+$0x12BC0] =	vst @!p1 v0  }
0x29b: {  	[tilespmem:s7+$0x12BD0] =	vst @!p1 v0  }
0x29c: {  	[tilespmem:s7+$0x12BE0] =	vst @!p1 v0  }
0x29d: {  	[tilespmem:s7+$0x12BF0] =	vst @!p1 v0  }
.LBB2_18:
.Ltmp18:
0x29e: {  	s0 =	sshll.u32 s30, $0xE;
	(pc) =	sbr.rel @p0 .LBB2_20-.Ltmp18, $4  }
0x29f: {  	s0 =	sadd.s32 s6, s0  }
0x2a0: {  	s0 =	sshrl.u32 s0, $0x3  }
0x2a1: {  	s0 =	sadd.s32 s3, s0  }
0x2a2: {  	[hbm4b:s0+s4] =	stream.linear.scatter [tilespmem:s14], [sflag:$0x8], $0x4000, $0x38;
	[tilespmem:$0x16400] =	vst v63  }
.Ltmp19:
0x2a3: {  	(pc) =	sbr.rel .LBB2_2-.Ltmp19, $4  }
0x2a4: {  	_ =	swait.ge [sflag:s20], $0x4000;
	s0 =	sadd.s32 $0x300, s29;
	s28 =	sadd.s32 $0x1, s28  }
0x2a5: {  	s26 =	sadd.s32 $0x200, s26;
	s5 =	sadd.s32 $0x200, s5;
	[sflag:s20] =	ssyncset.done $0x0  }
0x2a6: {  	s23 =	sadd.s32 $0x200, s23;
	s24 =	sadd.s32 $0x200, s24;
	[sflag:s20] =	ssyncadd.s32 $0xFFFFC000  }
0x2a7: {  	[tilespmem:s11], [sflag:$0x3] =	stream.indirect.gather [hbm4b:s1+s13], $0x80, s0, s13, $0xb8;
	[tilespmem:$0x16400] =	vst v63  }
.LBB2_21:
0x2a8: {  	_ =	sfence.sel $0x180000  }
0x2a9: {  	[bflag:$0x0] =	sbarrier.arrive $0xFFFF  }
0x2aa: {  	_ =	strace $0x90000047  }
0x2ab: {  	s0 =	stileid.u32;
	[bflag:$0x2] =	sbarrier.arrive $0xFFFF  }
0x2ac: {  	p0 =	sne.s32 s0, $0x0;
	s0 =	rddreg [dreg:$0x3]  }
0x2ad: {  	s0 =	sadd.s32 @!p0 $0x100000, s0  }
0x2ae: {  	[sflag:s0] =	ssyncadd.tile.s32 @!p0 $0x1;
	_ =	shalt  }
.Lfunc_end2:
_tile_overlayer_lowered:
.L_overlay_start_2:
0x2af: {  	(tag) =	ssettag $0x2  }
0x2b0: {  	s0 =	rddreg [dreg:$0x0];
	s2 =	stileid.u32  }
0x2b1: {  	s1 =	rddreg [dreg:$0x1];
	p0 =	sne.s32 s2, $0x0  }
0x2b2: {  	s3 =	rddreg [dreg:$0x2];
	[bflag:$0x3] =	sbarrier.arrive $0xFFFF;
	s2 =	simm.s32 @!p0 $0x1C09  }
0x2b3: {  	[timem:s3], [sflag:s2] =	dma.local @!p0 [hbm:s0], s1  }
0x2b4: {  	s0 =	simm.s32 @!p0 $0x9  }
0x2b5: {  	_ =	swait.ge @!p0 [sflag:s0], s1  }
0x2b6: {  	s1 =	ssub.s32 @!p0 $0x0, s1;
	[sflag:s0] =	ssyncset.done @!p0 $0x0  }
0x2b7: {  	[sflag:s0] =	ssyncadd.s32 @!p0 s1  }
0x2b8: {  	[bflag:$0x3] =	sbarrier.arrive $0xFFFF  }
0x2b9: {  	_ =	shalt  }

</sc_bundles>
